<compile_context>
chip_gen: v7x
topology: tpu7x:2x2x1
jax: 0.10.2.dev20260603
libtpu: 0.0.44.dev20260713+nightly
codegen_flags: <defaults>
</compile_context>

<pallas_src>
import functools

import numpy as np
import jax
import jax.numpy as jnp
from jax import lax
from jax.experimental import pallas as pl
from jax.experimental.pallas import tpu as pltpu
from jax.experimental.pallas import tpu_sc as plsc

_N_RAYS = 4096
_N_POINTS = 200
_NUM_LEVELS = 4
_RES = (32, 64, 128, 256)
_TS = (35937, 274625, 524288, 524288)
_P1 = np.int32(np.uint32(2654435761).view(np.int32))
_P2 = np.int32(805459861)

_T0_PAD = 35940
_T1_PAD = 274688
_L2_WOFF = _T1_PAD
_L3_WOFF = _T1_PAD + 262144
_SPM_WORDS = 802816
_SCH = _SPM_WORDS // 16
_SB = _SCH // 8

_B = 8
_NSS = _N_POINTS // _B

_SEL = (np.arange(128)[:, None] // 8 == np.arange(16)[None, :]).astype(np.float32)



def _proj_body(t_ref, s_ref, o_ref):
    o_ref[...] = jnp.dot(t_ref[...], s_ref[...],
                         preferred_element_type=jnp.float32)


def _project_level(l, table, W):
    T = _TS[l]
    Tp = ((T + 15) // 16) * 16
    R = Tp // 16
    tf = jnp.pad(table, ((0, Tp - T), (0, 0))).reshape(R, 128)
    wl = W[8 * l:8 * l + 8, 0]
    S = jnp.asarray(_SEL) * jnp.tile(wl, 16)[:, None]
    BR = 1024
    grid = (R + BR - 1) // BR
    out = pl.pallas_call(
        _proj_body,
        grid=(grid,),
        in_specs=[pl.BlockSpec((BR, 128), lambda i: (i, 0)),
                  pl.BlockSpec((128, 16), lambda i: (0, 0))],
        out_specs=pl.BlockSpec((BR, 16), lambda i: (i, 0)),
        out_shape=jax.ShapeDtypeStruct((R, 16), jnp.float32),
    )(tf, S)
    return out.reshape(-1)[:T]



def _rays_body(x_ref, o_ref):
    xb = x_ref[...]
    th1, ph1, th2, ph2 = (xb[:, i:i + 1] for i in range(4))
    s1, c1 = jnp.sin(th1), jnp.cos(th1)
    s2, c2 = jnp.sin(th2), jnp.cos(th2)
    p1 = (s1 * jnp.cos(ph1), s1 * jnp.sin(ph1), c1)
    p2 = (s2 * jnp.cos(ph2), s2 * jnp.sin(ph2), c2)
    cols = [(p1[k] + 1.0) * 0.5 for k in range(3)]
    cols += [(p2[k] - p1[k]) * 0.5 for k in range(3)]
    z = jnp.zeros_like(th1)
    o_ref[...] = jnp.concatenate(cols + [z, z], axis=1)


def _rays_tc(x):
    return pl.pallas_call(
        _rays_body,
        out_shape=jax.ShapeDtypeStruct((_N_RAYS, 8), jnp.float32),
    )(x)



_mesh = plsc.VectorSubcoreMesh(core_axis_name="c", subcore_axis_name="s",
                               num_cores=2, num_subcores=16)


@functools.partial(
    pl.kernel,
    out_type=jax.ShapeDtypeStruct((_N_RAYS,), jnp.float32),
    mesh=_mesh,
    scratch_types=[
        pltpu.VMEM((_T0_PAD,), jnp.float32),
        pltpu.VMEM((1024,), jnp.float32),
        pltpu.VMEM((16,), jnp.float32),
        pltpu.VMEM((3072,), jnp.int32),
        pltpu.VMEM((3072,), jnp.int32),
        pltpu.VMEM((2, 1152), jnp.float32),
        pltpu.VMEM((2, 256), jnp.int32),
        pltpu.VMEM((3072,), jnp.int32),
        pltpu.VMEM((3072,), jnp.int32),
        pltpu.VMEM((2, 128), jnp.float32),
        pltpu.VMEM((128,), jnp.float32),
        pltpu.VMEM((_SB,), jnp.int32),
        pltpu.VMEM_SHARED((_SPM_WORDS,), jnp.int32),
        pltpu.SemaphoreType.DMA,
        pltpu.SemaphoreType.DMA,
    ],
    compiler_params=pltpu.CompilerParams(needs_layout_passes=False),
)
def _sc_main(tp0_hbm, spmsrc_hbm, rays_hbm, b_hbm, out_hbm,
             tp0_v, rays_v, b_v, idxA_v, idxB_v, f_v, so_v, gA_v, gB_v,
             z0_v, out_v, st_v, spm, sem0, sem1):
    sid = lax.axis_index("s")
    wid = sid * 2 + lax.axis_index("c")
    base = pl.multiple_of(wid * 128, 128)
    pltpu.sync_copy(tp0_hbm, tp0_v)
    for r in range(8):
        o = pl.multiple_of(sid * _SCH + r * _SB, 8)
        pltpu.sync_copy(spmsrc_hbm.at[pl.ds(o, _SB)], st_v)
        pltpu.sync_copy(st_v, spm.at[pl.ds(o, _SB)])
    pltpu.sync_copy(rays_hbm.at[pl.ds(pl.multiple_of(wid * 1024, 1024), 1024)],
                    rays_v)
    pltpu.sync_copy(b_hbm, b_v)
    bv = b_v[...]
    lane = jnp.arange(16, dtype=jnp.int32)
    plsc.subcore_barrier()

    sems = (sem0, sem1)
    idxs = (idxA_v, idxB_v)
    gs = (gA_v, gB_v)

    def fire(buf):
        pltpu.async_copy(spm.at[idxs[buf]], gs[buf], sems[buf])

    def drain(buf):
        pltpu.make_async_copy(spm.at[idxs[buf]], gs[buf], sems[buf]).wait()

    def grp_body(grp, _unused):
        rvec = (grp * 16 + lane) * 8
        pa = [plsc.load_gather(rays_v, [rvec + p]) for p in range(6)]
        ax, ay, az, dx, dy, dz = pa

        _PC = (0, 1, 1, 0, 1, 0, 0, 1)

        def lerp(a_, b_, f_):
            return a_ + f_ * (b_ - a_)

        def tree(v, f0, f1, f2):
            x = [lerp(v[2 * k], v[2 * k + 1], f0) for k in range(4)]
            y = [lerp(x[0], x[1], f1), lerp(x[2], x[3], f1)]
            return lerp(y[0], y[1], f2)

        def prep(ss, buf):

            def pbody(t, carry):
                it = ss * _B + t
                tf = it.astype(jnp.float32) * jnp.float32(1.0 / 199.0)
                x0 = jnp.clip(ax + dx * tf, 0.0, 1.0)
                x1 = jnp.clip(ay + dy * tf, 0.0, 1.0)
                x2 = jnp.clip(az + dz * tf, 0.0, 1.0)
                for l in range(_NUM_LEVELS):
                    r1 = jnp.float32(_RES[l] - 1)
                    p0 = x0 * r1
                    p1 = x1 * r1
                    p2 = x2 * r1
                    i0 = p0.astype(jnp.int32)
                    i1 = p1.astype(jnp.int32)
                    i2 = p2.astype(jnp.int32)
                    f0 = p0 - i0.astype(jnp.float32)
                    f1 = p1 - i1.astype(jnp.float32)
                    f2 = p2 - i2.astype(jnp.float32)
                    if l == 0:
                        bidx = i0 + i1 * 33 + i2 * 1089
                        v = [plsc.load_gather(
                            tp0_v, [bidx + (c & 1) + ((c >> 1) & 1) * 33
                                    + ((c >> 2) & 1) * 1089])
                            for c in range(8)]
                        z0_v[buf, pl.ds(t * 16, 16)] = tree(v, f0, f1, f2)
                        continue
                    fo = ((l - 1) * _B + t) * 48
                    f_v[buf, pl.ds(fo, 16)] = f0
                    f_v[buf, pl.ds(fo + 16, 16)] = f1
                    f_v[buf, pl.ds(fo + 32, 16)] = f2
                    if l == 1:
                        bidx = i0 + i1 * 65 + i2 * 4225
                        for c8 in range(8):
                            idx = bidx + ((c8 & 1) + ((c8 >> 1) & 1) * 65
                                          + ((c8 >> 2) & 1) * 4225)
                            idxs[buf][pl.ds(t * 128 + c8 * 16, 16)] = idx
                    else:
                        y0 = i1 * _P1
                        y1 = y0 + _P1
                        zz0 = i2 * _P2
                        zz1 = zz0 + _P2
                        msk = np.int32(_TS[l] - 1)
                        woff = _L2_WOFF if l == 2 else _L3_WOFF
                        so_v[buf, pl.ds(((l - 2) * _B + t) * 16, 16)] = (
                            lax.shift_left((i0 ^ i1 ^ i2) & 1, 4))
                        for c8 in range(8):
                            ox, oy, oz = c8 & 1, (c8 >> 1) & 1, (c8 >> 2) & 1
                            tx = (i0 + 1) if ox else i0
                            ty = y1 if oy else y0
                            tz = zz1 if oz else zz0
                            h = (tx ^ ty ^ tz) & msk
                            word = lax.shift_right_logical(h, 1) + woff
                            o = (_B * (l - 1) + t) * 128 + c8 * 16
                            idxs[buf][pl.ds(o, 16)] = word
                return carry
            lax.fori_loop(0, _B, pbody, jnp.int32(0))

        def consume(buf, m):
            drain(buf)

            def cbody(t, m):
                z = z0_v[buf, pl.ds(t * 16, 16)]
                fo = t * 48
                fx = f_v[buf, pl.ds(fo, 16)]
                fy = f_v[buf, pl.ds(fo + 16, 16)]
                fz = f_v[buf, pl.ds(fo + 32, 16)]
                v = [plsc.bitcast(gs[buf][pl.ds(t * 128 + c * 16, 16)],
                                  jnp.float32) for c in range(8)]
                z = z + tree(v, fx, fy, fz)
                for l2 in range(2):
                    fo = ((l2 + 1) * _B + t) * 48
                    fx = f_v[buf, pl.ds(fo, 16)]
                    fy = f_v[buf, pl.ds(fo + 16, 16)]
                    fz = f_v[buf, pl.ds(fo + 32, 16)]
                    so = so_v[buf, pl.ds((l2 * _B + t) * 16, 16)]
                    se = so ^ 16
                    v = []
                    for c8 in range(8):
                        o = (_B + _B * l2 + t) * 128 + c8 * 16
                        w32 = gs[buf][pl.ds(o, 16)]
                        sh = so if _PC[c8] else se
                        bits = lax.shift_left(w32, sh) & np.int32(-65536)
                        v.append(plsc.bitcast(bits, jnp.float32))
                    z = z + tree(v, fx, fy, fz)
                return jnp.maximum(m, z)

            return lax.fori_loop(0, _B, cbody, m)

        prep(jnp.int32(0), 0)
        fire(0)

        def body(j, m):
            ss = j * 2
            prep(ss + 1, 1)
            fire(1)
            m = consume(0, m)
            prep(ss + 2, 0)
            fire(0)
            m = consume(1, m)
            return m

        m = lax.fori_loop(0, (_NSS - 1) // 2, body,
                          jnp.full((16,), -3e38, jnp.float32))
        if _NSS % 2 == 1:
            m = consume(0, m)
        else:
            prep(jnp.int32(_NSS - 1), 1)
            fire(1)
            m = consume(0, m)
            m = consume(1, m)
        obase = pl.multiple_of(grp * 16, 16)
        out_v[pl.ds(obase, 16)] = 1.0 / (1.0 + jnp.exp(-(m + bv)))
        return _unused

    lax.fori_loop(0, 8, grp_body, jnp.int32(0))
    pltpu.sync_copy(out_v, out_hbm.at[pl.ds(base, 128)])



def kernel(x, table0, table1, table2, table3, W, b):
    tabs = (table0, table1, table2, table3)
    projs = [_project_level(l, tabs[l], W) for l in range(_NUM_LEVELS)]
    tp0 = jnp.concatenate([projs[0],
                           jnp.zeros((_T0_PAD - _TS[0],), jnp.float32)])
    tp1_i = lax.bitcast_convert_type(
        jnp.concatenate([projs[1],
                         jnp.zeros((_T1_PAD - _TS[1],), jnp.float32)]),
        jnp.int32)
    packed = [lax.bitcast_convert_type(
        projs[l].astype(jnp.bfloat16).reshape(-1, 2), jnp.int32)
        for l in (2, 3)]
    spmsrc = jnp.concatenate(
        [tp1_i] + packed
        + [jnp.zeros((_SPM_WORDS - _L3_WOFF - 262144,), jnp.int32)])
    rays = _rays_tc(x).reshape(-1)
    bvec = jnp.broadcast_to(b.astype(jnp.float32), (16,))
    out = _sc_main(tp0, spmsrc, rays, bvec)
    return out.reshape(_N_RAYS, 1)

# --- scband reference (transcript-rebuilt; emitter-appended) ---
"""Pipeline reference for scband-neural-network-4647154614899 (READ-ONLY COPY).

The authoritative reference and input builder live on the scoring server;
editing this copy changes nothing except your own understanding.
"""

import jax, jax.numpy as jnp
import numpy as np

N_RAYS = 4096
N_POINTS = 200
NUM_LEVELS = 4
LEVEL_DIM = 8
BASE_RES = 32
PER_LEVEL_SCALE = 2.0
MAX_PARAMS = 2 ** 19
PRIMES = (np.uint32(1), np.uint32(2654435761), np.uint32(805459861))
RESOLUTIONS = [int(np.ceil(BASE_RES * (PER_LEVEL_SCALE ** l))) for l in range(NUM_LEVELS)]
TABLE_SIZES = [min((r + 1) ** 3, MAX_PARAMS) for r in RESOLUTIONS]


def convert_spherical_to_cartesian(theta, phi):
    x = jnp.sin(theta) * jnp.cos(phi)
    y = jnp.sin(theta) * jnp.sin(phi)
    z = jnp.cos(theta)
    return jnp.stack((x, y, z), axis=-1)


def sample_points_along_ray(int1, int2):
    t_values = jnp.linspace(0.0, 1.0, N_POINTS).reshape(1, N_POINTS, 1)
    p1 = convert_spherical_to_cartesian(int1[:, 0], int1[:, 1])
    p2 = convert_spherical_to_cartesian(int2[:, 0], int2[:, 1])
    n = p1.shape[0]
    diff = (p2 - p1).reshape(n, 1, 3)
    p1 = p1.reshape(n, 1, 3)
    points = p1 + diff * t_values
    return points.reshape(n, N_POINTS, 3)


def grid_encode(points, tables):
    # points in [-1, 1]; torch-ngp normalizes with bound=1
    x01 = jnp.clip((points + 1.0) / 2.0, 0.0, 1.0)
    npts = points.shape[0]
    outs = []
    for l in range(NUM_LEVELS):
        res = RESOLUTIONS[l]
        T = TABLE_SIZES[l]
        dense = (res + 1) ** 3 <= MAX_PARAMS
        pos = x01 * (res - 1)
        pf = jnp.floor(pos)
        frac = pos - pf
        pi = pf.astype(jnp.uint32)
        acc = jnp.zeros((npts, LEVEL_DIM), dtype=points.dtype)
        for corner in range(8):
            offs = [(corner >> d) & 1 for d in range(3)]
            c = pi + jnp.asarray(np.array(offs, dtype=np.uint32))
            w = jnp.ones((npts,), dtype=points.dtype)
            for d in range(3):
                w = w * (frac[:, d] if offs[d] == 1 else (1.0 - frac[:, d]))
            if dense:
                stride = np.uint32(res + 1)
                idx = c[:, 0] + c[:, 1] * stride + c[:, 2] * stride * stride
            else:
                idx = (c[:, 0] * PRIMES[0]) ^ (c[:, 1] * PRIMES[1]) ^ (c[:, 2] * PRIMES[2])
                idx = idx % np.uint32(T)
            acc = acc + w[:, None] * jnp.take(tables[l], idx.astype(jnp.int32), axis=0)
        outs.append(acc)
    return jnp.concatenate(outs, axis=-1)


def setup_inputs(seed: int = 0) -> dict:
    key = jax.random.key(seed)
    kx, kw = jax.random.split(key)
    x = jax.random.uniform(kx, (N_RAYS, 4), dtype=jnp.float32)
    tables = {}
    for l in range(NUM_LEVELS):
        kl = jax.random.fold_in(key, 100 + l)
        tables[f"table{l}"] = jax.random.uniform(
            kl, (TABLE_SIZES[l], LEVEL_DIM), dtype=jnp.float32,
            minval=-1e-4, maxval=1e-4)
    W = jax.random.normal(kw, (NUM_LEVELS * LEVEL_DIM, 1), dtype=jnp.float32) / np.sqrt(NUM_LEVELS * LEVEL_DIM)
    b = jnp.zeros((1,), dtype=jnp.float32)
    return {"x": x, **tables, "W": W, "b": b}


def reference(x, table0, table1, table2, table3, W, b):
    tables = [table0, table1, table2, table3]
    n = x.shape[0]
    points = jax.lax.stop_gradient(sample_points_along_ray(x[:, :2], x[:, 2:4]))
    pts = points.reshape(n * N_POINTS, 3)
    t = grid_encode(pts, tables)
    h = jax.nn.sigmoid(t @ W + b)
    h = h.reshape(n, N_POINTS)
    h = jnp.max(h, axis=1).reshape(-1, 1)
    return h

if __name__ == "__main__":
    import jax
    _d = setup_inputs()
    print(jax.jit(kernel)(*tuple(_d.values())))

</pallas_src>

<mosaic_0001>
#map = affine_map<(d0, d1) -> (0)>
module attributes {stable_mosaic.version = 14 : i64} {
  func.func @_sc_main(%arg0: i32, %arg1: i32, %arg2: memref<35940xf32, #tpu.memory_space<hbm>>, %arg3: memref<802816xi32, #tpu.memory_space<hbm>>, %arg4: memref<32768xf32, #tpu.memory_space<hbm>>, %arg5: memref<16xf32, #tpu.memory_space<hbm>>, %arg6: memref<4096xf32, #tpu.memory_space<hbm>>, %arg7: memref<35940xf32, #tpu.memory_space<vmem>>, %arg8: memref<1024xf32, #tpu.memory_space<vmem>>, %arg9: memref<16xf32, #tpu.memory_space<vmem>>, %arg10: memref<3072xi32, #tpu.memory_space<vmem>>, %arg11: memref<3072xi32, #tpu.memory_space<vmem>>, %arg12: memref<2x1152xf32, #tpu.memory_space<vmem>>, %arg13: memref<2x256xi32, #tpu.memory_space<vmem>>, %arg14: memref<3072xi32, #tpu.memory_space<vmem>>, %arg15: memref<3072xi32, #tpu.memory_space<vmem>>, %arg16: memref<2x128xf32, #tpu.memory_space<vmem>>, %arg17: memref<128xf32, #tpu.memory_space<vmem>>, %arg18: memref<6272xi32, #tpu.memory_space<vmem>>, %arg19: memref<802816xi32, #tpu.memory_space<vmem_shared>>, %arg20: memref<!tpu.dma_semaphore, #tpu.memory_space<semaphore_mem>>, %arg21: memref<!tpu.dma_semaphore, #tpu.memory_space<semaphore_mem>>) attributes {dimension_semantics = [#tpu.dimension_semantics<core_parallel>, #tpu.dimension_semantics<subcore_parallel>], iteration_bounds = array<i64: 2, 16>, scalar_prefetch = 0 : i64, scratch_operands = 15 : i64, tpu.core_type = #tpu.core_type<sc_vector_subcore>, window_params = [{transform_indices = #map}, {transform_indices = #map}, {transform_indices = #map}, {transform_indices = #map}, {transform_indices = #map}]} {
    %mul3A = arith.constant 2 : i32
    %mul3A_0 = arith.muli %arg1, %mul3A : i32
    %add3A = arith.addi %mul3A_0, %arg0 : i32
    %mul3A_1 = arith.constant 128 : i32
    %mul3A_2 = arith.muli %add3A, %mul3A_1 : i32
    %multiple_of3A = tpu.assume_multiple %mul3A_2, 128 : i32
    "tpu.region"() ({
      %run_scoped3A = tpu.sem_alloc : memref<!tpu.dma_semaphore, #tpu.memory_space<semaphore_mem>>
      tpu.enqueue_dma source(%arg2 : memref<35940xf32, #tpu.memory_space<hbm>>) target(%arg7 : memref<35940xf32, #tpu.memory_space<vmem>>) target_semaphore(%run_scoped3A : memref<!tpu.dma_semaphore, #tpu.memory_space<semaphore_mem>>)
      tpu.wait_dma2 semaphore(%run_scoped3A : memref<!tpu.dma_semaphore, #tpu.memory_space<semaphore_mem>>) src(%arg2 : memref<35940xf32, #tpu.memory_space<hbm>>) dst(%arg7 : memref<35940xf32, #tpu.memory_space<vmem>>)
      tpu.yield
    }) : () -> ()
    %mul3A_3 = arith.constant 50176 : i32
    %mul3A_4 = arith.muli %arg1, %mul3A_3 : i32
    %add3A_5 = arith.constant 0 : i32
    %add3A_6 = arith.addi %mul3A_4, %add3A_5 : i32
    %multiple_of3A_7 = tpu.assume_multiple %add3A_6, 8 : i32
    "tpu.region"() ({
      %run_scoped3A = tpu.sem_alloc : memref<!tpu.dma_semaphore, #tpu.memory_space<semaphore_mem>>
      %dma_start3A = tpu.memref_slice %arg3[%multiple_of3A_7] : memref<802816xi32, #tpu.memory_space<hbm>> -> memref<6272xi32, #tpu.memory_space<hbm>>
      %dma_start3A_52 = tpu.memref_slice %arg3[%multiple_of3A_7] : memref<802816xi32, #tpu.memory_space<hbm>> -> memref<6272xi32, #tpu.memory_space<hbm>>
      tpu.enqueue_dma source(%dma_start3A_52 : memref<6272xi32, #tpu.memory_space<hbm>>) target(%arg18 : memref<6272xi32, #tpu.memory_space<vmem>>) target_semaphore(%run_scoped3A : memref<!tpu.dma_semaphore, #tpu.memory_space<semaphore_mem>>)
      %dma_wait3A = tpu.memref_slice %arg3[%multiple_of3A_7] : memref<802816xi32, #tpu.memory_space<hbm>> -> memref<6272xi32, #tpu.memory_space<hbm>>
      %dma_wait3A_53 = tpu.memref_slice %arg3[%multiple_of3A_7] : memref<802816xi32, #tpu.memory_space<hbm>> -> memref<6272xi32, #tpu.memory_space<hbm>>
      tpu.wait_dma2 semaphore(%run_scoped3A : memref<!tpu.dma_semaphore, #tpu.memory_space<semaphore_mem>>) src(%dma_wait3A_53 : memref<6272xi32, #tpu.memory_space<hbm>>) dst(%arg18 : memref<6272xi32, #tpu.memory_space<vmem>>)
      tpu.yield
    }) : () -> ()
    "tpu.region"() ({
      %run_scoped3A = tpu.sem_alloc : memref<!tpu.dma_semaphore, #tpu.memory_space<semaphore_mem>>
      %dma_start3A = tpu.memref_slice %arg19[%multiple_of3A_7] : memref<802816xi32, #tpu.memory_space<vmem_shared>> -> memref<6272xi32, #tpu.memory_space<vmem_shared>>
      %dma_start3A_52 = tpu.memref_slice %arg19[%multiple_of3A_7] : memref<802816xi32, #tpu.memory_space<vmem_shared>> -> memref<6272xi32, #tpu.memory_space<vmem_shared>>
      tpu.enqueue_dma source(%arg18 : memref<6272xi32, #tpu.memory_space<vmem>>) target(%dma_start3A_52 : memref<6272xi32, #tpu.memory_space<vmem_shared>>) target_semaphore(%run_scoped3A : memref<!tpu.dma_semaphore, #tpu.memory_space<semaphore_mem>>)
      %dma_wait3A = tpu.memref_slice %arg19[%multiple_of3A_7] : memref<802816xi32, #tpu.memory_space<vmem_shared>> -> memref<6272xi32, #tpu.memory_space<vmem_shared>>
      %dma_wait3A_53 = tpu.memref_slice %arg19[%multiple_of3A_7] : memref<802816xi32, #tpu.memory_space<vmem_shared>> -> memref<6272xi32, #tpu.memory_space<vmem_shared>>
      tpu.wait_dma2 semaphore(%run_scoped3A : memref<!tpu.dma_semaphore, #tpu.memory_space<semaphore_mem>>) src(%arg18 : memref<6272xi32, #tpu.memory_space<vmem>>) dst(%dma_wait3A_53 : memref<6272xi32, #tpu.memory_space<vmem_shared>>)
      tpu.yield
    }) : () -> ()
    %mul3A_8 = arith.constant 50176 : i32
    %mul3A_9 = arith.muli %arg1, %mul3A_8 : i32
    %add3A_10 = arith.constant 6272 : i32
    %add3A_11 = arith.addi %mul3A_9, %add3A_10 : i32
    %multiple_of3A_12 = tpu.assume_multiple %add3A_11, 8 : i32
    "tpu.region"() ({
      %run_scoped3A = tpu.sem_alloc : memref<!tpu.dma_semaphore, #tpu.memory_space<semaphore_mem>>
      %dma_start3A = tpu.memref_slice %arg3[%multiple_of3A_12] : memref<802816xi32, #tpu.memory_space<hbm>> -> memref<6272xi32, #tpu.memory_space<hbm>>
      %dma_start3A_52 = tpu.memref_slice %arg3[%multiple_of3A_12] : memref<802816xi32, #tpu.memory_space<hbm>> -> memref<6272xi32, #tpu.memory_space<hbm>>
      tpu.enqueue_dma source(%dma_start3A_52 : memref<6272xi32, #tpu.memory_space<hbm>>) target(%arg18 : memref<6272xi32, #tpu.memory_space<vmem>>) target_semaphore(%run_scoped3A : memref<!tpu.dma_semaphore, #tpu.memory_space<semaphore_mem>>)
      %dma_wait3A = tpu.memref_slice %arg3[%multiple_of3A_12] : memref<802816xi32, #tpu.memory_space<hbm>> -> memref<6272xi32, #tpu.memory_space<hbm>>
      %dma_wait3A_53 = tpu.memref_slice %arg3[%multiple_of3A_12] : memref<802816xi32, #tpu.memory_space<hbm>> -> memref<6272xi32, #tpu.memory_space<hbm>>
      tpu.wait_dma2 semaphore(%run_scoped3A : memref<!tpu.dma_semaphore, #tpu.memory_space<semaphore_mem>>) src(%dma_wait3A_53 : memref<6272xi32, #tpu.memory_space<hbm>>) dst(%arg18 : memref<6272xi32, #tpu.memory_space<vmem>>)
      tpu.yield
    }) : () -> ()
    "tpu.region"() ({
      %run_scoped3A = tpu.sem_alloc : memref<!tpu.dma_semaphore, #tpu.memory_space<semaphore_mem>>
      %dma_start3A = tpu.memref_slice %arg19[%multiple_of3A_12] : memref<802816xi32, #tpu.memory_space<vmem_shared>> -> memref<6272xi32, #tpu.memory_space<vmem_shared>>
      %dma_start3A_52 = tpu.memref_slice %arg19[%multiple_of3A_12] : memref<802816xi32, #tpu.memory_space<vmem_shared>> -> memref<6272xi32, #tpu.memory_space<vmem_shared>>
      tpu.enqueue_dma source(%arg18 : memref<6272xi32, #tpu.memory_space<vmem>>) target(%dma_start3A_52 : memref<6272xi32, #tpu.memory_space<vmem_shared>>) target_semaphore(%run_scoped3A : memref<!tpu.dma_semaphore, #tpu.memory_space<semaphore_mem>>)
      %dma_wait3A = tpu.memref_slice %arg19[%multiple_of3A_12] : memref<802816xi32, #tpu.memory_space<vmem_shared>> -> memref<6272xi32, #tpu.memory_space<vmem_shared>>
      %dma_wait3A_53 = tpu.memref_slice %arg19[%multiple_of3A_12] : memref<802816xi32, #tpu.memory_space<vmem_shared>> -> memref<6272xi32, #tpu.memory_space<vmem_shared>>
      tpu.wait_dma2 semaphore(%run_scoped3A : memref<!tpu.dma_semaphore, #tpu.memory_space<semaphore_mem>>) src(%arg18 : memref<6272xi32, #tpu.memory_space<vmem>>) dst(%dma_wait3A_53 : memref<6272xi32, #tpu.memory_space<vmem_shared>>)
      tpu.yield
    }) : () -> ()
    %mul3A_13 = arith.constant 50176 : i32
    %mul3A_14 = arith.muli %arg1, %mul3A_13 : i32
    %add3A_15 = arith.constant 12544 : i32
    %add3A_16 = arith.addi %mul3A_14, %add3A_15 : i32
    %multiple_of3A_17 = tpu.assume_multiple %add3A_16, 8 : i32
    "tpu.region"() ({
      %run_scoped3A = tpu.sem_alloc : memref<!tpu.dma_semaphore, #tpu.memory_space<semaphore_mem>>
      %dma_start3A = tpu.memref_slice %arg3[%multiple_of3A_17] : memref<802816xi32, #tpu.memory_space<hbm>> -> memref<6272xi32, #tpu.memory_space<hbm>>
      %dma_start3A_52 = tpu.memref_slice %arg3[%multiple_of3A_17] : memref<802816xi32, #tpu.memory_space<hbm>> -> memref<6272xi32, #tpu.memory_space<hbm>>
      tpu.enqueue_dma source(%dma_start3A_52 : memref<6272xi32, #tpu.memory_space<hbm>>) target(%arg18 : memref<6272xi32, #tpu.memory_space<vmem>>) target_semaphore(%run_scoped3A : memref<!tpu.dma_semaphore, #tpu.memory_space<semaphore_mem>>)
      %dma_wait3A = tpu.memref_slice %arg3[%multiple_of3A_17] : memref<802816xi32, #tpu.memory_space<hbm>> -> memref<6272xi32, #tpu.memory_space<hbm>>
      %dma_wait3A_53 = tpu.memref_slice %arg3[%multiple_of3A_17] : memref<802816xi32, #tpu.memory_space<hbm>> -> memref<6272xi32, #tpu.memory_space<hbm>>
      tpu.wait_dma2 semaphore(%run_scoped3A : memref<!tpu.dma_semaphore, #tpu.memory_space<semaphore_mem>>) src(%dma_wait3A_53 : memref<6272xi32, #tpu.memory_space<hbm>>) dst(%arg18 : memref<6272xi32, #tpu.memory_space<vmem>>)
      tpu.yield
    }) : () -> ()
    "tpu.region"() ({
      %run_scoped3A = tpu.sem_alloc : memref<!tpu.dma_semaphore, #tpu.memory_space<semaphore_mem>>
      %dma_start3A = tpu.memref_slice %arg19[%multiple_of3A_17] : memref<802816xi32, #tpu.memory_space<vmem_shared>> -> memref<6272xi32, #tpu.memory_space<vmem_shared>>
      %dma_start3A_52 = tpu.memref_slice %arg19[%multiple_of3A_17] : memref<802816xi32, #tpu.memory_space<vmem_shared>> -> memref<6272xi32, #tpu.memory_space<vmem_shared>>
      tpu.enqueue_dma source(%arg18 : memref<6272xi32, #tpu.memory_space<vmem>>) target(%dma_start3A_52 : memref<6272xi32, #tpu.memory_space<vmem_shared>>) target_semaphore(%run_scoped3A : memref<!tpu.dma_semaphore, #tpu.memory_space<semaphore_mem>>)
      %dma_wait3A = tpu.memref_slice %arg19[%multiple_of3A_17] : memref<802816xi32, #tpu.memory_space<vmem_shared>> -> memref<6272xi32, #tpu.memory_space<vmem_shared>>
      %dma_wait3A_53 = tpu.memref_slice %arg19[%multiple_of3A_17] : memref<802816xi32, #tpu.memory_space<vmem_shared>> -> memref<6272xi32, #tpu.memory_space<vmem_shared>>
      tpu.wait_dma2 semaphore(%run_scoped3A : memref<!tpu.dma_semaphore, #tpu.memory_space<semaphore_mem>>) src(%arg18 : memref<6272xi32, #tpu.memory_space<vmem>>) dst(%dma_wait3A_53 : memref<6272xi32, #tpu.memory_space<vmem_shared>>)
      tpu.yield
    }) : () -> ()
    %mul3A_18 = arith.constant 50176 : i32
    %mul3A_19 = arith.muli %arg1, %mul3A_18 : i32
    %add3A_20 = arith.constant 18816 : i32
    %add3A_21 = arith.addi %mul3A_19, %add3A_20 : i32
    %multiple_of3A_22 = tpu.assume_multiple %add3A_21, 8 : i32
    "tpu.region"() ({
      %run_scoped3A = tpu.sem_alloc : memref<!tpu.dma_semaphore, #tpu.memory_space<semaphore_mem>>
      %dma_start3A = tpu.memref_slice %arg3[%multiple_of3A_22] : memref<802816xi32, #tpu.memory_space<hbm>> -> memref<6272xi32, #tpu.memory_space<hbm>>
      %dma_start3A_52 = tpu.memref_slice %arg3[%multiple_of3A_22] : memref<802816xi32, #tpu.memory_space<hbm>> -> memref<6272xi32, #tpu.memory_space<hbm>>
      tpu.enqueue_dma source(%dma_start3A_52 : memref<6272xi32, #tpu.memory_space<hbm>>) target(%arg18 : memref<6272xi32, #tpu.memory_space<vmem>>) target_semaphore(%run_scoped3A : memref<!tpu.dma_semaphore, #tpu.memory_space<semaphore_mem>>)
      %dma_wait3A = tpu.memref_slice %arg3[%multiple_of3A_22] : memref<802816xi32, #tpu.memory_space<hbm>> -> memref<6272xi32, #tpu.memory_space<hbm>>
      %dma_wait3A_53 = tpu.memref_slice %arg3[%multiple_of3A_22] : memref<802816xi32, #tpu.memory_space<hbm>> -> memref<6272xi32, #tpu.memory_space<hbm>>
      tpu.wait_dma2 semaphore(%run_scoped3A : memref<!tpu.dma_semaphore, #tpu.memory_space<semaphore_mem>>) src(%dma_wait3A_53 : memref<6272xi32, #tpu.memory_space<hbm>>) dst(%arg18 : memref<6272xi32, #tpu.memory_space<vmem>>)
      tpu.yield
    }) : () -> ()
    "tpu.region"() ({
      %run_scoped3A = tpu.sem_alloc : memref<!tpu.dma_semaphore, #tpu.memory_space<semaphore_mem>>
      %dma_start3A = tpu.memref_slice %arg19[%multiple_of3A_22] : memref<802816xi32, #tpu.memory_space<vmem_shared>> -> memref<6272xi32, #tpu.memory_space<vmem_shared>>
      %dma_start3A_52 = tpu.memref_slice %arg19[%multiple_of3A_22] : memref<802816xi32, #tpu.memory_space<vmem_shared>> -> memref<6272xi32, #tpu.memory_space<vmem_shared>>
      tpu.enqueue_dma source(%arg18 : memref<6272xi32, #tpu.memory_space<vmem>>) target(%dma_start3A_52 : memref<6272xi32, #tpu.memory_space<vmem_shared>>) target_semaphore(%run_scoped3A : memref<!tpu.dma_semaphore, #tpu.memory_space<semaphore_mem>>)
      %dma_wait3A = tpu.memref_slice %arg19[%multiple_of3A_22] : memref<802816xi32, #tpu.memory_space<vmem_shared>> -> memref<6272xi32, #tpu.memory_space<vmem_shared>>
      %dma_wait3A_53 = tpu.memref_slice %arg19[%multiple_of3A_22] : memref<802816xi32, #tpu.memory_space<vmem_shared>> -> memref<6272xi32, #tpu.memory_space<vmem_shared>>
      tpu.wait_dma2 semaphore(%run_scoped3A : memref<!tpu.dma_semaphore, #tpu.memory_space<semaphore_mem>>) src(%arg18 : memref<6272xi32, #tpu.memory_space<vmem>>) dst(%dma_wait3A_53 : memref<6272xi32, #tpu.memory_space<vmem_shared>>)
      tpu.yield
    }) : () -> ()
    %mul3A_23 = arith.constant 50176 : i32
    %mul3A_24 = arith.muli %arg1, %mul3A_23 : i32
    %add3A_25 = arith.constant 25088 : i32
    %add3A_26 = arith.addi %mul3A_24, %add3A_25 : i32
    %multiple_of3A_27 = tpu.assume_multiple %add3A_26, 8 : i32
    "tpu.region"() ({
      %run_scoped3A = tpu.sem_alloc : memref<!tpu.dma_semaphore, #tpu.memory_space<semaphore_mem>>
      %dma_start3A = tpu.memref_slice %arg3[%multiple_of3A_27] : memref<802816xi32, #tpu.memory_space<hbm>> -> memref<6272xi32, #tpu.memory_space<hbm>>
      %dma_start3A_52 = tpu.memref_slice %arg3[%multiple_of3A_27] : memref<802816xi32, #tpu.memory_space<hbm>> -> memref<6272xi32, #tpu.memory_space<hbm>>
      tpu.enqueue_dma source(%dma_start3A_52 : memref<6272xi32, #tpu.memory_space<hbm>>) target(%arg18 : memref<6272xi32, #tpu.memory_space<vmem>>) target_semaphore(%run_scoped3A : memref<!tpu.dma_semaphore, #tpu.memory_space<semaphore_mem>>)
      %dma_wait3A = tpu.memref_slice %arg3[%multiple_of3A_27] : memref<802816xi32, #tpu.memory_space<hbm>> -> memref<6272xi32, #tpu.memory_space<hbm>>
      %dma_wait3A_53 = tpu.memref_slice %arg3[%multiple_of3A_27] : memref<802816xi32, #tpu.memory_space<hbm>> -> memref<6272xi32, #tpu.memory_space<hbm>>
      tpu.wait_dma2 semaphore(%run_scoped3A : memref<!tpu.dma_semaphore, #tpu.memory_space<semaphore_mem>>) src(%dma_wait3A_53 : memref<6272xi32, #tpu.memory_space<hbm>>) dst(%arg18 : memref<6272xi32, #tpu.memory_space<vmem>>)
      tpu.yield
    }) : () -> ()
    "tpu.region"() ({
      %run_scoped3A = tpu.sem_alloc : memref<!tpu.dma_semaphore, #tpu.memory_space<semaphore_mem>>
      %dma_start3A = tpu.memref_slice %arg19[%multiple_of3A_27] : memref<802816xi32, #tpu.memory_space<vmem_shared>> -> memref<6272xi32, #tpu.memory_space<vmem_shared>>
      %dma_start3A_52 = tpu.memref_slice %arg19[%multiple_of3A_27] : memref<802816xi32, #tpu.memory_space<vmem_shared>> -> memref<6272xi32, #tpu.memory_space<vmem_shared>>
      tpu.enqueue_dma source(%arg18 : memref<6272xi32, #tpu.memory_space<vmem>>) target(%dma_start3A_52 : memref<6272xi32, #tpu.memory_space<vmem_shared>>) target_semaphore(%run_scoped3A : memref<!tpu.dma_semaphore, #tpu.memory_space<semaphore_mem>>)
      %dma_wait3A = tpu.memref_slice %arg19[%multiple_of3A_27] : memref<802816xi32, #tpu.memory_space<vmem_shared>> -> memref<6272xi32, #tpu.memory_space<vmem_shared>>
      %dma_wait3A_53 = tpu.memref_slice %arg19[%multiple_of3A_27] : memref<802816xi32, #tpu.memory_space<vmem_shared>> -> memref<6272xi32, #tpu.memory_space<vmem_shared>>
      tpu.wait_dma2 semaphore(%run_scoped3A : memref<!tpu.dma_semaphore, #tpu.memory_space<semaphore_mem>>) src(%arg18 : memref<6272xi32, #tpu.memory_space<vmem>>) dst(%dma_wait3A_53 : memref<6272xi32, #tpu.memory_space<vmem_shared>>)
      tpu.yield
    }) : () -> ()
    %mul3A_28 = arith.constant 50176 : i32
    %mul3A_29 = arith.muli %arg1, %mul3A_28 : i32
    %add3A_30 = arith.constant 31360 : i32
    %add3A_31 = arith.addi %mul3A_29, %add3A_30 : i32
    %multiple_of3A_32 = tpu.assume_multiple %add3A_31, 8 : i32
    "tpu.region"() ({
      %run_scoped3A = tpu.sem_alloc : memref<!tpu.dma_semaphore, #tpu.memory_space<semaphore_mem>>
      %dma_start3A = tpu.memref_slice %arg3[%multiple_of3A_32] : memref<802816xi32, #tpu.memory_space<hbm>> -> memref<6272xi32, #tpu.memory_space<hbm>>
      %dma_start3A_52 = tpu.memref_slice %arg3[%multiple_of3A_32] : memref<802816xi32, #tpu.memory_space<hbm>> -> memref<6272xi32, #tpu.memory_space<hbm>>
      tpu.enqueue_dma source(%dma_start3A_52 : memref<6272xi32, #tpu.memory_space<hbm>>) target(%arg18 : memref<6272xi32, #tpu.memory_space<vmem>>) target_semaphore(%run_scoped3A : memref<!tpu.dma_semaphore, #tpu.memory_space<semaphore_mem>>)
      %dma_wait3A = tpu.memref_slice %arg3[%multiple_of3A_32] : memref<802816xi32, #tpu.memory_space<hbm>> -> memref<6272xi32, #tpu.memory_space<hbm>>
      %dma_wait3A_53 = tpu.memref_slice %arg3[%multiple_of3A_32] : memref<802816xi32, #tpu.memory_space<hbm>> -> memref<6272xi32, #tpu.memory_space<hbm>>
      tpu.wait_dma2 semaphore(%run_scoped3A : memref<!tpu.dma_semaphore, #tpu.memory_space<semaphore_mem>>) src(%dma_wait3A_53 : memref<6272xi32, #tpu.memory_space<hbm>>) dst(%arg18 : memref<6272xi32, #tpu.memory_space<vmem>>)
      tpu.yield
    }) : () -> ()
    "tpu.region"() ({
      %run_scoped3A = tpu.sem_alloc : memref<!tpu.dma_semaphore, #tpu.memory_space<semaphore_mem>>
      %dma_start3A = tpu.memref_slice %arg19[%multiple_of3A_32] : memref<802816xi32, #tpu.memory_space<vmem_shared>> -> memref<6272xi32, #tpu.memory_space<vmem_shared>>
      %dma_start3A_52 = tpu.memref_slice %arg19[%multiple_of3A_32] : memref<802816xi32, #tpu.memory_space<vmem_shared>> -> memref<6272xi32, #tpu.memory_space<vmem_shared>>
      tpu.enqueue_dma source(%arg18 : memref<6272xi32, #tpu.memory_space<vmem>>) target(%dma_start3A_52 : memref<6272xi32, #tpu.memory_space<vmem_shared>>) target_semaphore(%run_scoped3A : memref<!tpu.dma_semaphore, #tpu.memory_space<semaphore_mem>>)
      %dma_wait3A = tpu.memref_slice %arg19[%multiple_of3A_32] : memref<802816xi32, #tpu.memory_space<vmem_shared>> -> memref<6272xi32, #tpu.memory_space<vmem_shared>>
      %dma_wait3A_53 = tpu.memref_slice %arg19[%multiple_of3A_32] : memref<802816xi32, #tpu.memory_space<vmem_shared>> -> memref<6272xi32, #tpu.memory_space<vmem_shared>>
      tpu.wait_dma2 semaphore(%run_scoped3A : memref<!tpu.dma_semaphore, #tpu.memory_space<semaphore_mem>>) src(%arg18 : memref<6272xi32, #tpu.memory_space<vmem>>) dst(%dma_wait3A_53 : memref<6272xi32, #tpu.memory_space<vmem_shared>>)
      tpu.yield
    }) : () -> ()
    %mul3A_33 = arith.constant 50176 : i32
    %mul3A_34 = arith.muli %arg1, %mul3A_33 : i32
    %add3A_35 = arith.constant 37632 : i32
    %add3A_36 = arith.addi %mul3A_34, %add3A_35 : i32
    %multiple_of3A_37 = tpu.assume_multiple %add3A_36, 8 : i32
    "tpu.region"() ({
      %run_scoped3A = tpu.sem_alloc : memref<!tpu.dma_semaphore, #tpu.memory_space<semaphore_mem>>
      %dma_start3A = tpu.memref_slice %arg3[%multiple_of3A_37] : memref<802816xi32, #tpu.memory_space<hbm>> -> memref<6272xi32, #tpu.memory_space<hbm>>
      %dma_start3A_52 = tpu.memref_slice %arg3[%multiple_of3A_37] : memref<802816xi32, #tpu.memory_space<hbm>> -> memref<6272xi32, #tpu.memory_space<hbm>>
      tpu.enqueue_dma source(%dma_start3A_52 : memref<6272xi32, #tpu.memory_space<hbm>>) target(%arg18 : memref<6272xi32, #tpu.memory_space<vmem>>) target_semaphore(%run_scoped3A : memref<!tpu.dma_semaphore, #tpu.memory_space<semaphore_mem>>)
      %dma_wait3A = tpu.memref_slice %arg3[%multiple_of3A_37] : memref<802816xi32, #tpu.memory_space<hbm>> -> memref<6272xi32, #tpu.memory_space<hbm>>
      %dma_wait3A_53 = tpu.memref_slice %arg3[%multiple_of3A_37] : memref<802816xi32, #tpu.memory_space<hbm>> -> memref<6272xi32, #tpu.memory_space<hbm>>
      tpu.wait_dma2 semaphore(%run_scoped3A : memref<!tpu.dma_semaphore, #tpu.memory_space<semaphore_mem>>) src(%dma_wait3A_53 : memref<6272xi32, #tpu.memory_space<hbm>>) dst(%arg18 : memref<6272xi32, #tpu.memory_space<vmem>>)
      tpu.yield
    }) : () -> ()
    "tpu.region"() ({
      %run_scoped3A = tpu.sem_alloc : memref<!tpu.dma_semaphore, #tpu.memory_space<semaphore_mem>>
      %dma_start3A = tpu.memref_slice %arg19[%multiple_of3A_37] : memref<802816xi32, #tpu.memory_space<vmem_shared>> -> memref<6272xi32, #tpu.memory_space<vmem_shared>>
      %dma_start3A_52 = tpu.memref_slice %arg19[%multiple_of3A_37] : memref<802816xi32, #tpu.memory_space<vmem_shared>> -> memref<6272xi32, #tpu.memory_space<vmem_shared>>
      tpu.enqueue_dma source(%arg18 : memref<6272xi32, #tpu.memory_space<vmem>>) target(%dma_start3A_52 : memref<6272xi32, #tpu.memory_space<vmem_shared>>) target_semaphore(%run_scoped3A : memref<!tpu.dma_semaphore, #tpu.memory_space<semaphore_mem>>)
      %dma_wait3A = tpu.memref_slice %arg19[%multiple_of3A_37] : memref<802816xi32, #tpu.memory_space<vmem_shared>> -> memref<6272xi32, #tpu.memory_space<vmem_shared>>
      %dma_wait3A_53 = tpu.memref_slice %arg19[%multiple_of3A_37] : memref<802816xi32, #tpu.memory_space<vmem_shared>> -> memref<6272xi32, #tpu.memory_space<vmem_shared>>
      tpu.wait_dma2 semaphore(%run_scoped3A : memref<!tpu.dma_semaphore, #tpu.memory_space<semaphore_mem>>) src(%arg18 : memref<6272xi32, #tpu.memory_space<vmem>>) dst(%dma_wait3A_53 : memref<6272xi32, #tpu.memory_space<vmem_shared>>)
      tpu.yield
    }) : () -> ()
    %mul3A_38 = arith.constant 50176 : i32
    %mul3A_39 = arith.muli %arg1, %mul3A_38 : i32
    %add3A_40 = arith.constant 43904 : i32
    %add3A_41 = arith.addi %mul3A_39, %add3A_40 : i32
    %multiple_of3A_42 = tpu.assume_multiple %add3A_41, 8 : i32
    "tpu.region"() ({
      %run_scoped3A = tpu.sem_alloc : memref<!tpu.dma_semaphore, #tpu.memory_space<semaphore_mem>>
      %dma_start3A = tpu.memref_slice %arg3[%multiple_of3A_42] : memref<802816xi32, #tpu.memory_space<hbm>> -> memref<6272xi32, #tpu.memory_space<hbm>>
      %dma_start3A_52 = tpu.memref_slice %arg3[%multiple_of3A_42] : memref<802816xi32, #tpu.memory_space<hbm>> -> memref<6272xi32, #tpu.memory_space<hbm>>
      tpu.enqueue_dma source(%dma_start3A_52 : memref<6272xi32, #tpu.memory_space<hbm>>) target(%arg18 : memref<6272xi32, #tpu.memory_space<vmem>>) target_semaphore(%run_scoped3A : memref<!tpu.dma_semaphore, #tpu.memory_space<semaphore_mem>>)
      %dma_wait3A = tpu.memref_slice %arg3[%multiple_of3A_42] : memref<802816xi32, #tpu.memory_space<hbm>> -> memref<6272xi32, #tpu.memory_space<hbm>>
      %dma_wait3A_53 = tpu.memref_slice %arg3[%multiple_of3A_42] : memref<802816xi32, #tpu.memory_space<hbm>> -> memref<6272xi32, #tpu.memory_space<hbm>>
      tpu.wait_dma2 semaphore(%run_scoped3A : memref<!tpu.dma_semaphore, #tpu.memory_space<semaphore_mem>>) src(%dma_wait3A_53 : memref<6272xi32, #tpu.memory_space<hbm>>) dst(%arg18 : memref<6272xi32, #tpu.memory_space<vmem>>)
      tpu.yield
    }) : () -> ()
    "tpu.region"() ({
      %run_scoped3A = tpu.sem_alloc : memref<!tpu.dma_semaphore, #tpu.memory_space<semaphore_mem>>
      %dma_start3A = tpu.memref_slice %arg19[%multiple_of3A_42] : memref<802816xi32, #tpu.memory_space<vmem_shared>> -> memref<6272xi32, #tpu.memory_space<vmem_shared>>
      %dma_start3A_52 = tpu.memref_slice %arg19[%multiple_of3A_42] : memref<802816xi32, #tpu.memory_space<vmem_shared>> -> memref<6272xi32, #tpu.memory_space<vmem_shared>>
      tpu.enqueue_dma source(%arg18 : memref<6272xi32, #tpu.memory_space<vmem>>) target(%dma_start3A_52 : memref<6272xi32, #tpu.memory_space<vmem_shared>>) target_semaphore(%run_scoped3A : memref<!tpu.dma_semaphore, #tpu.memory_space<semaphore_mem>>)
      %dma_wait3A = tpu.memref_slice %arg19[%multiple_of3A_42] : memref<802816xi32, #tpu.memory_space<vmem_shared>> -> memref<6272xi32, #tpu.memory_space<vmem_shared>>
      %dma_wait3A_53 = tpu.memref_slice %arg19[%multiple_of3A_42] : memref<802816xi32, #tpu.memory_space<vmem_shared>> -> memref<6272xi32, #tpu.memory_space<vmem_shared>>
      tpu.wait_dma2 semaphore(%run_scoped3A : memref<!tpu.dma_semaphore, #tpu.memory_space<semaphore_mem>>) src(%arg18 : memref<6272xi32, #tpu.memory_space<vmem>>) dst(%dma_wait3A_53 : memref<6272xi32, #tpu.memory_space<vmem_shared>>)
      tpu.yield
    }) : () -> ()
    %mul3A_43 = arith.constant 1024 : i32
    %mul3A_44 = arith.muli %add3A, %mul3A_43 : i32
    %multiple_of3A_45 = tpu.assume_multiple %mul3A_44, 1024 : i32
    "tpu.region"() ({
      %run_scoped3A = tpu.sem_alloc : memref<!tpu.dma_semaphore, #tpu.memory_space<semaphore_mem>>
      %dma_start3A = tpu.memref_slice %arg4[%multiple_of3A_45] : memref<32768xf32, #tpu.memory_space<hbm>> -> memref<1024xf32, #tpu.memory_space<hbm>>
      %dma_start3A_52 = tpu.memref_slice %arg4[%multiple_of3A_45] : memref<32768xf32, #tpu.memory_space<hbm>> -> memref<1024xf32, #tpu.memory_space<hbm>>
      tpu.enqueue_dma source(%dma_start3A_52 : memref<1024xf32, #tpu.memory_space<hbm>>) target(%arg8 : memref<1024xf32, #tpu.memory_space<vmem>>) target_semaphore(%run_scoped3A : memref<!tpu.dma_semaphore, #tpu.memory_space<semaphore_mem>>)
      %dma_wait3A = tpu.memref_slice %arg4[%multiple_of3A_45] : memref<32768xf32, #tpu.memory_space<hbm>> -> memref<1024xf32, #tpu.memory_space<hbm>>
      %dma_wait3A_53 = tpu.memref_slice %arg4[%multiple_of3A_45] : memref<32768xf32, #tpu.memory_space<hbm>> -> memref<1024xf32, #tpu.memory_space<hbm>>
      tpu.wait_dma2 semaphore(%run_scoped3A : memref<!tpu.dma_semaphore, #tpu.memory_space<semaphore_mem>>) src(%dma_wait3A_53 : memref<1024xf32, #tpu.memory_space<hbm>>) dst(%arg8 : memref<1024xf32, #tpu.memory_space<vmem>>)
      tpu.yield
    }) : () -> ()
    "tpu.region"() ({
      %run_scoped3A = tpu.sem_alloc : memref<!tpu.dma_semaphore, #tpu.memory_space<semaphore_mem>>
      tpu.enqueue_dma source(%arg5 : memref<16xf32, #tpu.memory_space<hbm>>) target(%arg9 : memref<16xf32, #tpu.memory_space<vmem>>) target_semaphore(%run_scoped3A : memref<!tpu.dma_semaphore, #tpu.memory_space<semaphore_mem>>)
      tpu.wait_dma2 semaphore(%run_scoped3A : memref<!tpu.dma_semaphore, #tpu.memory_space<semaphore_mem>>) src(%arg5 : memref<16xf32, #tpu.memory_space<hbm>>) dst(%arg9 : memref<16xf32, #tpu.memory_space<vmem>>)
      tpu.yield
    }) : () -> ()
    %get3A = arith.constant 0 : index
    %get3A_46 = tpu.vector_load %arg9[%get3A] {strides = array<i32>} : memref<16xf32, #tpu.memory_space<vmem>>, vector<16xf32>,
    %iota3A = tpu.iota {dimensions = array<i32: 0>} : vector<16xi32>
    %barrier3A = arith.constant 0 : index
    tpu.barrier barrier_id(%barrier3A)
    %scan3A = arith.constant 0 : i32
    %scan3A_47 = arith.constant 0 : i32
    %scan3A_48 = arith.constant 8 : i32
    %scan3A_49 = arith.addi %scan3A_47, %scan3A_48 : i32
    %scan3A_50 = arith.constant 1 : i32
    scf.for %scan3A_52 = %scan3A_47 to %scan3A_49 step %scan3A_50  : i32 {
      %mul3A_53 = arith.constant 16 : i32
      %mul3A_54 = arith.muli %scan3A_52, %mul3A_53 : i32
      %add3A_55 = vector.broadcast %mul3A_54 : i32 to vector<16xi32>
      %add3A_56 = arith.addi %add3A_55, %iota3A : vector<16xi32>
      %mul3A_57 = arith.constant 8 : i32
      %mul3A_58 = vector.broadcast %mul3A_57 : i32 to vector<16xi32>
      %mul3A_59 = arith.muli %add3A_56, %mul3A_58 : vector<16xi32>
      %add3A_60 = arith.constant 0 : i32
      %add3A_61 = vector.broadcast %add3A_60 : i32 to vector<16xi32>
      %add3A_62 = arith.addi %mul3A_59, %add3A_61 : vector<16xi32>
      %gather3A = tpu.vector_load_idx %arg8[%add3A_62] : memref<1024xf32, #tpu.memory_space<vmem>>[vector<16xi32>], vector<16xf32>,
      %add3A_63 = arith.constant 1 : i32
      %add3A_64 = vector.broadcast %add3A_63 : i32 to vector<16xi32>
      %add3A_65 = arith.addi %mul3A_59, %add3A_64 : vector<16xi32>
      %gather3A_66 = tpu.vector_load_idx %arg8[%add3A_65] : memref<1024xf32, #tpu.memory_space<vmem>>[vector<16xi32>], vector<16xf32>,
      %add3A_67 = arith.constant 2 : i32
      %add3A_68 = vector.broadcast %add3A_67 : i32 to vector<16xi32>
      %add3A_69 = arith.addi %mul3A_59, %add3A_68 : vector<16xi32>
      %gather3A_70 = tpu.vector_load_idx %arg8[%add3A_69] : memref<1024xf32, #tpu.memory_space<vmem>>[vector<16xi32>], vector<16xf32>,
      %add3A_71 = arith.constant 3 : i32
      %add3A_72 = vector.broadcast %add3A_71 : i32 to vector<16xi32>
      %add3A_73 = arith.addi %mul3A_59, %add3A_72 : vector<16xi32>
      %gather3A_74 = tpu.vector_load_idx %arg8[%add3A_73] : memref<1024xf32, #tpu.memory_space<vmem>>[vector<16xi32>], vector<16xf32>,
      %add3A_75 = arith.constant 4 : i32
      %add3A_76 = vector.broadcast %add3A_75 : i32 to vector<16xi32>
      %add3A_77 = arith.addi %mul3A_59, %add3A_76 : vector<16xi32>
      %gather3A_78 = tpu.vector_load_idx %arg8[%add3A_77] : memref<1024xf32, #tpu.memory_space<vmem>>[vector<16xi32>], vector<16xf32>,
      %add3A_79 = arith.constant 5 : i32
      %add3A_80 = vector.broadcast %add3A_79 : i32 to vector<16xi32>
      %add3A_81 = arith.addi %mul3A_59, %add3A_80 : vector<16xi32>
      %gather3A_82 = tpu.vector_load_idx %arg8[%add3A_81] : memref<1024xf32, #tpu.memory_space<vmem>>[vector<16xi32>], vector<16xf32>,
      %scan3A_83 = arith.constant 0 : i32
      %scan3A_84 = arith.constant 0 : i32
      %scan3A_85 = arith.constant 0 : i32
      %scan3A_86 = arith.constant 8 : i32
      %scan3A_87 = arith.addi %scan3A_85, %scan3A_86 : i32
      %scan3A_88 = arith.constant 1 : i32
      scf.for %scan3A_117 = %scan3A_85 to %scan3A_87 step %scan3A_88  : i32 {
        %mul3A_118 = arith.constant 8 : i32
        %mul3A_119 = arith.muli %scan3A_84, %mul3A_118 : i32
        %add3A_120 = arith.addi %mul3A_119, %scan3A_117 : i32
        %convert_element_type3A = arith.sitofp %add3A_120 : i32 to f32
        %mul3A_121 = arith.constant 0.00502512557 : f32
        %mul3A_122 = arith.mulf %convert_element_type3A, %mul3A_121 : f32
        %mul3A_123 = vector.broadcast %mul3A_122 : f32 to vector<16xf32>
        %mul3A_124 = arith.mulf %gather3A_74, %mul3A_123 : vector<16xf32>
        %add3A_125 = arith.addf %gather3A, %mul3A_124 : vector<16xf32>
        %jit3A = arith.constant 0.000000e+00 : f32
        %jit3A_126 = arith.constant 1.000000e+00 : f32
        %max3A = vector.broadcast %jit3A : f32 to vector<16xf32>
        %max3A_127 = arith.maximumf %max3A, %add3A_125 : vector<16xf32>
        %min3A = vector.broadcast %jit3A_126 : f32 to vector<16xf32>
        %min3A_128 = arith.minimumf %min3A, %max3A_127 : vector<16xf32>
        %mul3A_129 = vector.broadcast %mul3A_122 : f32 to vector<16xf32>
        %mul3A_130 = arith.mulf %gather3A_78, %mul3A_129 : vector<16xf32>
        %add3A_131 = arith.addf %gather3A_66, %mul3A_130 : vector<16xf32>
        %jit3A_132 = arith.constant 0.000000e+00 : f32
        %jit3A_133 = arith.constant 1.000000e+00 : f32
        %max3A_134 = vector.broadcast %jit3A_132 : f32 to vector<16xf32>
        %max3A_135 = arith.maximumf %max3A_134, %add3A_131 : vector<16xf32>
        %min3A_136 = vector.broadcast %jit3A_133 : f32 to vector<16xf32>
        %min3A_137 = arith.minimumf %min3A_136, %max3A_135 : vector<16xf32>
        %mul3A_138 = vector.broadcast %mul3A_122 : f32 to vector<16xf32>
        %mul3A_139 = arith.mulf %gather3A_82, %mul3A_138 : vector<16xf32>
        %add3A_140 = arith.addf %gather3A_70, %mul3A_139 : vector<16xf32>
        %jit3A_141 = arith.constant 0.000000e+00 : f32
        %jit3A_142 = arith.constant 1.000000e+00 : f32
        %max3A_143 = vector.broadcast %jit3A_141 : f32 to vector<16xf32>
        %max3A_144 = arith.maximumf %max3A_143, %add3A_140 : vector<16xf32>
        %min3A_145 = vector.broadcast %jit3A_142 : f32 to vector<16xf32>
        %min3A_146 = arith.minimumf %min3A_145, %max3A_144 : vector<16xf32>
        %mul3A_147 = arith.constant 3.100000e+01 : f32
        %mul3A_148 = vector.broadcast %mul3A_147 : f32 to vector<16xf32>
        %mul3A_149 = arith.mulf %min3A_128, %mul3A_148 : vector<16xf32>
        %mul3A_150 = arith.constant 3.100000e+01 : f32
        %mul3A_151 = vector.broadcast %mul3A_150 : f32 to vector<16xf32>
        %mul3A_152 = arith.mulf %min3A_137, %mul3A_151 : vector<16xf32>
        %mul3A_153 = arith.constant 3.100000e+01 : f32
        %mul3A_154 = vector.broadcast %mul3A_153 : f32 to vector<16xf32>
        %mul3A_155 = arith.mulf %min3A_146, %mul3A_154 : vector<16xf32>
        %convert_element_type3A_156 = arith.fptosi %mul3A_149 : vector<16xf32> to vector<16xi32>
        %convert_element_type3A_157 = arith.fptosi %mul3A_152 : vector<16xf32> to vector<16xi32>
        %convert_element_type3A_158 = arith.fptosi %mul3A_155 : vector<16xf32> to vector<16xi32>
        %convert_element_type3A_159 = arith.sitofp %convert_element_type3A_156 : vector<16xi32> to vector<16xf32>
        %sub3A = arith.subf %mul3A_149, %convert_element_type3A_159 : vector<16xf32>
        %convert_element_type3A_160 = arith.sitofp %convert_element_type3A_157 : vector<16xi32> to vector<16xf32>
        %sub3A_161 = arith.subf %mul3A_152, %convert_element_type3A_160 : vector<16xf32>
        %convert_element_type3A_162 = arith.sitofp %convert_element_type3A_158 : vector<16xi32> to vector<16xf32>
        %sub3A_163 = arith.subf %mul3A_155, %convert_element_type3A_162 : vector<16xf32>
        %mul3A_164 = arith.constant 33 : i32
        %mul3A_165 = vector.broadcast %mul3A_164 : i32 to vector<16xi32>
        %mul3A_166 = arith.muli %convert_element_type3A_157, %mul3A_165 : vector<16xi32>
        %add3A_167 = arith.addi %convert_element_type3A_156, %mul3A_166 : vector<16xi32>
        %mul3A_168 = arith.constant 1089 : i32
        %mul3A_169 = vector.broadcast %mul3A_168 : i32 to vector<16xi32>
        %mul3A_170 = arith.muli %convert_element_type3A_158, %mul3A_169 : vector<16xi32>
        %add3A_171 = arith.addi %add3A_167, %mul3A_170 : vector<16xi32>
        %add3A_172 = arith.constant 0 : i32
        %add3A_173 = vector.broadcast %add3A_172 : i32 to vector<16xi32>
        %add3A_174 = arith.addi %add3A_171, %add3A_173 : vector<16xi32>
        %add3A_175 = arith.constant 0 : i32
        %add3A_176 = vector.broadcast %add3A_175 : i32 to vector<16xi32>
        %add3A_177 = arith.addi %add3A_174, %add3A_176 : vector<16xi32>
        %add3A_178 = arith.constant 0 : i32
        %add3A_179 = vector.broadcast %add3A_178 : i32 to vector<16xi32>
        %add3A_180 = arith.addi %add3A_177, %add3A_179 : vector<16xi32>
        %gather3A_181 = tpu.vector_load_idx %arg7[%add3A_180] : memref<35940xf32, #tpu.memory_space<vmem>>[vector<16xi32>], vector<16xf32>,
        %add3A_182 = arith.constant 1 : i32
        %add3A_183 = vector.broadcast %add3A_182 : i32 to vector<16xi32>
        %add3A_184 = arith.addi %add3A_171, %add3A_183 : vector<16xi32>
        %add3A_185 = arith.constant 0 : i32
        %add3A_186 = vector.broadcast %add3A_185 : i32 to vector<16xi32>
        %add3A_187 = arith.addi %add3A_184, %add3A_186 : vector<16xi32>
        %add3A_188 = arith.constant 0 : i32
        %add3A_189 = vector.broadcast %add3A_188 : i32 to vector<16xi32>
        %add3A_190 = arith.addi %add3A_187, %add3A_189 : vector<16xi32>
        %gather3A_191 = tpu.vector_load_idx %arg7[%add3A_190] : memref<35940xf32, #tpu.memory_space<vmem>>[vector<16xi32>], vector<16xf32>,
        %add3A_192 = arith.constant 0 : i32
        %add3A_193 = vector.broadcast %add3A_192 : i32 to vector<16xi32>
        %add3A_194 = arith.addi %add3A_171, %add3A_193 : vector<16xi32>
        %add3A_195 = arith.constant 33 : i32
        %add3A_196 = vector.broadcast %add3A_195 : i32 to vector<16xi32>
        %add3A_197 = arith.addi %add3A_194, %add3A_196 : vector<16xi32>
        %add3A_198 = arith.constant 0 : i32
        %add3A_199 = vector.broadcast %add3A_198 : i32 to vector<16xi32>
        %add3A_200 = arith.addi %add3A_197, %add3A_199 : vector<16xi32>
        %gather3A_201 = tpu.vector_load_idx %arg7[%add3A_200] : memref<35940xf32, #tpu.memory_space<vmem>>[vector<16xi32>], vector<16xf32>,
        %add3A_202 = arith.constant 1 : i32
        %add3A_203 = vector.broadcast %add3A_202 : i32 to vector<16xi32>
        %add3A_204 = arith.addi %add3A_171, %add3A_203 : vector<16xi32>
        %add3A_205 = arith.constant 33 : i32
        %add3A_206 = vector.broadcast %add3A_205 : i32 to vector<16xi32>
        %add3A_207 = arith.addi %add3A_204, %add3A_206 : vector<16xi32>
        %add3A_208 = arith.constant 0 : i32
        %add3A_209 = vector.broadcast %add3A_208 : i32 to vector<16xi32>
        %add3A_210 = arith.addi %add3A_207, %add3A_209 : vector<16xi32>
        %gather3A_211 = tpu.vector_load_idx %arg7[%add3A_210] : memref<35940xf32, #tpu.memory_space<vmem>>[vector<16xi32>], vector<16xf32>,
        %add3A_212 = arith.constant 0 : i32
        %add3A_213 = vector.broadcast %add3A_212 : i32 to vector<16xi32>
        %add3A_214 = arith.addi %add3A_171, %add3A_213 : vector<16xi32>
        %add3A_215 = arith.constant 0 : i32
        %add3A_216 = vector.broadcast %add3A_215 : i32 to vector<16xi32>
        %add3A_217 = arith.addi %add3A_214, %add3A_216 : vector<16xi32>
        %add3A_218 = arith.constant 1089 : i32
        %add3A_219 = vector.broadcast %add3A_218 : i32 to vector<16xi32>
        %add3A_220 = arith.addi %add3A_217, %add3A_219 : vector<16xi32>
        %gather3A_221 = tpu.vector_load_idx %arg7[%add3A_220] : memref<35940xf32, #tpu.memory_space<vmem>>[vector<16xi32>], vector<16xf32>,
        %add3A_222 = arith.constant 1 : i32
        %add3A_223 = vector.broadcast %add3A_222 : i32 to vector<16xi32>
        %add3A_224 = arith.addi %add3A_171, %add3A_223 : vector<16xi32>
        %add3A_225 = arith.constant 0 : i32
        %add3A_226 = vector.broadcast %add3A_225 : i32 to vector<16xi32>
        %add3A_227 = arith.addi %add3A_224, %add3A_226 : vector<16xi32>
        %add3A_228 = arith.constant 1089 : i32
        %add3A_229 = vector.broadcast %add3A_228 : i32 to vector<16xi32>
        %add3A_230 = arith.addi %add3A_227, %add3A_229 : vector<16xi32>
        %gather3A_231 = tpu.vector_load_idx %arg7[%add3A_230] : memref<35940xf32, #tpu.memory_space<vmem>>[vector<16xi32>], vector<16xf32>,
        %add3A_232 = arith.constant 0 : i32
        %add3A_233 = vector.broadcast %add3A_232 : i32 to vector<16xi32>
        %add3A_234 = arith.addi %add3A_171, %add3A_233 : vector<16xi32>
        %add3A_235 = arith.constant 33 : i32
        %add3A_236 = vector.broadcast %add3A_235 : i32 to vector<16xi32>
        %add3A_237 = arith.addi %add3A_234, %add3A_236 : vector<16xi32>
        %add3A_238 = arith.constant 1089 : i32
        %add3A_239 = vector.broadcast %add3A_238 : i32 to vector<16xi32>
        %add3A_240 = arith.addi %add3A_237, %add3A_239 : vector<16xi32>
        %gather3A_241 = tpu.vector_load_idx %arg7[%add3A_240] : memref<35940xf32, #tpu.memory_space<vmem>>[vector<16xi32>], vector<16xf32>,
        %add3A_242 = arith.constant 1 : i32
        %add3A_243 = vector.broadcast %add3A_242 : i32 to vector<16xi32>
        %add3A_244 = arith.addi %add3A_171, %add3A_243 : vector<16xi32>
        %add3A_245 = arith.constant 33 : i32
        %add3A_246 = vector.broadcast %add3A_245 : i32 to vector<16xi32>
        %add3A_247 = arith.addi %add3A_244, %add3A_246 : vector<16xi32>
        %add3A_248 = arith.constant 1089 : i32
        %add3A_249 = vector.broadcast %add3A_248 : i32 to vector<16xi32>
        %add3A_250 = arith.addi %add3A_247, %add3A_249 : vector<16xi32>
        %gather3A_251 = tpu.vector_load_idx %arg7[%add3A_250] : memref<35940xf32, #tpu.memory_space<vmem>>[vector<16xi32>], vector<16xf32>,
        %sub3A_252 = arith.subf %gather3A_191, %gather3A_181 : vector<16xf32>
        %mul3A_253 = arith.mulf %sub3A, %sub3A_252 : vector<16xf32>
        %add3A_254 = arith.addf %gather3A_181, %mul3A_253 : vector<16xf32>
        %sub3A_255 = arith.subf %gather3A_211, %gather3A_201 : vector<16xf32>
        %mul3A_256 = arith.mulf %sub3A, %sub3A_255 : vector<16xf32>
        %add3A_257 = arith.addf %gather3A_201, %mul3A_256 : vector<16xf32>
        %sub3A_258 = arith.subf %gather3A_231, %gather3A_221 : vector<16xf32>
        %mul3A_259 = arith.mulf %sub3A, %sub3A_258 : vector<16xf32>
        %add3A_260 = arith.addf %gather3A_221, %mul3A_259 : vector<16xf32>
        %sub3A_261 = arith.subf %gather3A_251, %gather3A_241 : vector<16xf32>
        %mul3A_262 = arith.mulf %sub3A, %sub3A_261 : vector<16xf32>
        %add3A_263 = arith.addf %gather3A_241, %mul3A_262 : vector<16xf32>
        %sub3A_264 = arith.subf %add3A_257, %add3A_254 : vector<16xf32>
        %mul3A_265 = arith.mulf %sub3A_161, %sub3A_264 : vector<16xf32>
        %add3A_266 = arith.addf %add3A_254, %mul3A_265 : vector<16xf32>
        %sub3A_267 = arith.subf %add3A_263, %add3A_260 : vector<16xf32>
        %mul3A_268 = arith.mulf %sub3A_161, %sub3A_267 : vector<16xf32>
        %add3A_269 = arith.addf %add3A_260, %mul3A_268 : vector<16xf32>
        %sub3A_270 = arith.subf %add3A_269, %add3A_266 : vector<16xf32>
        %mul3A_271 = arith.mulf %sub3A_163, %sub3A_270 : vector<16xf32>
        %add3A_272 = arith.addf %add3A_266, %mul3A_271 : vector<16xf32>
        %mul3A_273 = arith.constant 16 : i32
        %mul3A_274 = arith.muli %scan3A_117, %mul3A_273 : i32
        %swap3A_275 = arith.constant 0 : i32
        %swap3A_276 = arith.index_cast %swap3A_275 : i32 to index
        %swap3A_277 = arith.index_cast %mul3A_274 : i32 to index
        %swap3A_278 = tpu.vector_load %arg16[%swap3A_276, %swap3A_277] {strides = array<i32>} : memref<2x128xf32, #tpu.memory_space<vmem>>, vector<16xf32>,
        tpu.vector_store %arg16[%swap3A_276, %swap3A_277], %add3A_272 {strides = array<i32>} : memref<2x128xf32, #tpu.memory_space<vmem>>, vector<16xf32>,
        %mul3A_279 = arith.constant 6.300000e+01 : f32
        %mul3A_280 = vector.broadcast %mul3A_279 : f32 to vector<16xf32>
        %mul3A_281 = arith.mulf %min3A_128, %mul3A_280 : vector<16xf32>
        %mul3A_282 = arith.constant 6.300000e+01 : f32
        %mul3A_283 = vector.broadcast %mul3A_282 : f32 to vector<16xf32>
        %mul3A_284 = arith.mulf %min3A_137, %mul3A_283 : vector<16xf32>
        %mul3A_285 = arith.constant 6.300000e+01 : f32
        %mul3A_286 = vector.broadcast %mul3A_285 : f32 to vector<16xf32>
        %mul3A_287 = arith.mulf %min3A_146, %mul3A_286 : vector<16xf32>
        %convert_element_type3A_288 = arith.fptosi %mul3A_281 : vector<16xf32> to vector<16xi32>
        %convert_element_type3A_289 = arith.fptosi %mul3A_284 : vector<16xf32> to vector<16xi32>
        %convert_element_type3A_290 = arith.fptosi %mul3A_287 : vector<16xf32> to vector<16xi32>
        %convert_element_type3A_291 = arith.sitofp %convert_element_type3A_288 : vector<16xi32> to vector<16xf32>
        %sub3A_292 = arith.subf %mul3A_281, %convert_element_type3A_291 : vector<16xf32>
        %convert_element_type3A_293 = arith.sitofp %convert_element_type3A_289 : vector<16xi32> to vector<16xf32>
        %sub3A_294 = arith.subf %mul3A_284, %convert_element_type3A_293 : vector<16xf32>
        %convert_element_type3A_295 = arith.sitofp %convert_element_type3A_290 : vector<16xi32> to vector<16xf32>
        %sub3A_296 = arith.subf %mul3A_287, %convert_element_type3A_295 : vector<16xf32>
        %add3A_297 = arith.constant 0 : i32
        %add3A_298 = arith.addi %add3A_297, %scan3A_117 : i32
        %mul3A_299 = arith.constant 48 : i32
        %mul3A_300 = arith.muli %add3A_298, %mul3A_299 : i32
        %swap3A_301 = arith.constant 0 : i32
        %swap3A_302 = arith.index_cast %swap3A_301 : i32 to index
        %swap3A_303 = arith.index_cast %mul3A_300 : i32 to index
        %swap3A_304 = tpu.vector_load %arg12[%swap3A_302, %swap3A_303] {strides = array<i32>} : memref<2x1152xf32, #tpu.memory_space<vmem>>, vector<16xf32>,
        tpu.vector_store %arg12[%swap3A_302, %swap3A_303], %sub3A_292 {strides = array<i32>} : memref<2x1152xf32, #tpu.memory_space<vmem>>, vector<16xf32>,
        %add3A_305 = arith.constant 16 : i32
        %add3A_306 = arith.addi %mul3A_300, %add3A_305 : i32
        %swap3A_307 = arith.constant 0 : i32
        %swap3A_308 = arith.index_cast %swap3A_307 : i32 to index
        %swap3A_309 = arith.index_cast %add3A_306 : i32 to index
        %swap3A_310 = tpu.vector_load %arg12[%swap3A_308, %swap3A_309] {strides = array<i32>} : memref<2x1152xf32, #tpu.memory_space<vmem>>, vector<16xf32>,
        tpu.vector_store %arg12[%swap3A_308, %swap3A_309], %sub3A_294 {strides = array<i32>} : memref<2x1152xf32, #tpu.memory_space<vmem>>, vector<16xf32>,
        %add3A_311 = arith.constant 32 : i32
        %add3A_312 = arith.addi %mul3A_300, %add3A_311 : i32
        %swap3A_313 = arith.constant 0 : i32
        %swap3A_314 = arith.index_cast %swap3A_313 : i32 to index
        %swap3A_315 = arith.index_cast %add3A_312 : i32 to index
        %swap3A_316 = tpu.vector_load %arg12[%swap3A_314, %swap3A_315] {strides = array<i32>} : memref<2x1152xf32, #tpu.memory_space<vmem>>, vector<16xf32>,
        tpu.vector_store %arg12[%swap3A_314, %swap3A_315], %sub3A_296 {strides = array<i32>} : memref<2x1152xf32, #tpu.memory_space<vmem>>, vector<16xf32>,
        %mul3A_317 = arith.constant 65 : i32
        %mul3A_318 = vector.broadcast %mul3A_317 : i32 to vector<16xi32>
        %mul3A_319 = arith.muli %convert_element_type3A_289, %mul3A_318 : vector<16xi32>
        %add3A_320 = arith.addi %convert_element_type3A_288, %mul3A_319 : vector<16xi32>
        %mul3A_321 = arith.constant 4225 : i32
        %mul3A_322 = vector.broadcast %mul3A_321 : i32 to vector<16xi32>
        %mul3A_323 = arith.muli %convert_element_type3A_290, %mul3A_322 : vector<16xi32>
        %add3A_324 = arith.addi %add3A_320, %mul3A_323 : vector<16xi32>
        %add3A_325 = arith.constant 0 : i32
        %add3A_326 = vector.broadcast %add3A_325 : i32 to vector<16xi32>
        %add3A_327 = arith.addi %add3A_324, %add3A_326 : vector<16xi32>
        %mul3A_328 = arith.constant 128 : i32
        %mul3A_329 = arith.muli %scan3A_117, %mul3A_328 : i32
        %add3A_330 = arith.constant 0 : i32
        %add3A_331 = arith.addi %mul3A_329, %add3A_330 : i32
        %swap3A_332 = arith.index_cast %add3A_331 : i32 to index
        %swap3A_333 = tpu.vector_load %arg10[%swap3A_332] {strides = array<i32>} : memref<3072xi32, #tpu.memory_space<vmem>>, vector<16xi32>,
        tpu.vector_store %arg10[%swap3A_332], %add3A_327 {strides = array<i32>} : memref<3072xi32, #tpu.memory_space<vmem>>, vector<16xi32>,
        %add3A_334 = arith.constant 1 : i32
        %add3A_335 = vector.broadcast %add3A_334 : i32 to vector<16xi32>
        %add3A_336 = arith.addi %add3A_324, %add3A_335 : vector<16xi32>
        %mul3A_337 = arith.constant 128 : i32
        %mul3A_338 = arith.muli %scan3A_117, %mul3A_337 : i32
        %add3A_339 = arith.constant 16 : i32
        %add3A_340 = arith.addi %mul3A_338, %add3A_339 : i32
        %swap3A_341 = arith.index_cast %add3A_340 : i32 to index
        %swap3A_342 = tpu.vector_load %arg10[%swap3A_341] {strides = array<i32>} : memref<3072xi32, #tpu.memory_space<vmem>>, vector<16xi32>,
        tpu.vector_store %arg10[%swap3A_341], %add3A_336 {strides = array<i32>} : memref<3072xi32, #tpu.memory_space<vmem>>, vector<16xi32>,
        %add3A_343 = arith.constant 65 : i32
        %add3A_344 = vector.broadcast %add3A_343 : i32 to vector<16xi32>
        %add3A_345 = arith.addi %add3A_324, %add3A_344 : vector<16xi32>
        %mul3A_346 = arith.constant 128 : i32
        %mul3A_347 = arith.muli %scan3A_117, %mul3A_346 : i32
        %add3A_348 = arith.constant 32 : i32
        %add3A_349 = arith.addi %mul3A_347, %add3A_348 : i32
        %swap3A_350 = arith.index_cast %add3A_349 : i32 to index
        %swap3A_351 = tpu.vector_load %arg10[%swap3A_350] {strides = array<i32>} : memref<3072xi32, #tpu.memory_space<vmem>>, vector<16xi32>,
        tpu.vector_store %arg10[%swap3A_350], %add3A_345 {strides = array<i32>} : memref<3072xi32, #tpu.memory_space<vmem>>, vector<16xi32>,
        %add3A_352 = arith.constant 66 : i32
        %add3A_353 = vector.broadcast %add3A_352 : i32 to vector<16xi32>
        %add3A_354 = arith.addi %add3A_324, %add3A_353 : vector<16xi32>
        %mul3A_355 = arith.constant 128 : i32
        %mul3A_356 = arith.muli %scan3A_117, %mul3A_355 : i32
        %add3A_357 = arith.constant 48 : i32
        %add3A_358 = arith.addi %mul3A_356, %add3A_357 : i32
        %swap3A_359 = arith.index_cast %add3A_358 : i32 to index
        %swap3A_360 = tpu.vector_load %arg10[%swap3A_359] {strides = array<i32>} : memref<3072xi32, #tpu.memory_space<vmem>>, vector<16xi32>,
        tpu.vector_store %arg10[%swap3A_359], %add3A_354 {strides = array<i32>} : memref<3072xi32, #tpu.memory_space<vmem>>, vector<16xi32>,
        %add3A_361 = arith.constant 4225 : i32
        %add3A_362 = vector.broadcast %add3A_361 : i32 to vector<16xi32>
        %add3A_363 = arith.addi %add3A_324, %add3A_362 : vector<16xi32>
        %mul3A_364 = arith.constant 128 : i32
        %mul3A_365 = arith.muli %scan3A_117, %mul3A_364 : i32
        %add3A_366 = arith.constant 64 : i32
        %add3A_367 = arith.addi %mul3A_365, %add3A_366 : i32
        %swap3A_368 = arith.index_cast %add3A_367 : i32 to index
        %swap3A_369 = tpu.vector_load %arg10[%swap3A_368] {strides = array<i32>} : memref<3072xi32, #tpu.memory_space<vmem>>, vector<16xi32>,
        tpu.vector_store %arg10[%swap3A_368], %add3A_363 {strides = array<i32>} : memref<3072xi32, #tpu.memory_space<vmem>>, vector<16xi32>,
        %add3A_370 = arith.constant 4226 : i32
        %add3A_371 = vector.broadcast %add3A_370 : i32 to vector<16xi32>
        %add3A_372 = arith.addi %add3A_324, %add3A_371 : vector<16xi32>
        %mul3A_373 = arith.constant 128 : i32
        %mul3A_374 = arith.muli %scan3A_117, %mul3A_373 : i32
        %add3A_375 = arith.constant 80 : i32
        %add3A_376 = arith.addi %mul3A_374, %add3A_375 : i32
        %swap3A_377 = arith.index_cast %add3A_376 : i32 to index
        %swap3A_378 = tpu.vector_load %arg10[%swap3A_377] {strides = array<i32>} : memref<3072xi32, #tpu.memory_space<vmem>>, vector<16xi32>,
        tpu.vector_store %arg10[%swap3A_377], %add3A_372 {strides = array<i32>} : memref<3072xi32, #tpu.memory_space<vmem>>, vector<16xi32>,
        %add3A_379 = arith.constant 4290 : i32
        %add3A_380 = vector.broadcast %add3A_379 : i32 to vector<16xi32>
        %add3A_381 = arith.addi %add3A_324, %add3A_380 : vector<16xi32>
        %mul3A_382 = arith.constant 128 : i32
        %mul3A_383 = arith.muli %scan3A_117, %mul3A_382 : i32
        %add3A_384 = arith.constant 96 : i32
        %add3A_385 = arith.addi %mul3A_383, %add3A_384 : i32
        %swap3A_386 = arith.index_cast %add3A_385 : i32 to index
        %swap3A_387 = tpu.vector_load %arg10[%swap3A_386] {strides = array<i32>} : memref<3072xi32, #tpu.memory_space<vmem>>, vector<16xi32>,
        tpu.vector_store %arg10[%swap3A_386], %add3A_381 {strides = array<i32>} : memref<3072xi32, #tpu.memory_space<vmem>>, vector<16xi32>,
        %add3A_388 = arith.constant 4291 : i32
        %add3A_389 = vector.broadcast %add3A_388 : i32 to vector<16xi32>
        %add3A_390 = arith.addi %add3A_324, %add3A_389 : vector<16xi32>
        %mul3A_391 = arith.constant 128 : i32
        %mul3A_392 = arith.muli %scan3A_117, %mul3A_391 : i32
        %add3A_393 = arith.constant 112 : i32
        %add3A_394 = arith.addi %mul3A_392, %add3A_393 : i32
        %swap3A_395 = arith.index_cast %add3A_394 : i32 to index
        %swap3A_396 = tpu.vector_load %arg10[%swap3A_395] {strides = array<i32>} : memref<3072xi32, #tpu.memory_space<vmem>>, vector<16xi32>,
        tpu.vector_store %arg10[%swap3A_395], %add3A_390 {strides = array<i32>} : memref<3072xi32, #tpu.memory_space<vmem>>, vector<16xi32>,
        %mul3A_397 = arith.constant 1.270000e+02 : f32
        %mul3A_398 = vector.broadcast %mul3A_397 : f32 to vector<16xf32>
        %mul3A_399 = arith.mulf %min3A_128, %mul3A_398 : vector<16xf32>
        %mul3A_400 = arith.constant 1.270000e+02 : f32
        %mul3A_401 = vector.broadcast %mul3A_400 : f32 to vector<16xf32>
        %mul3A_402 = arith.mulf %min3A_137, %mul3A_401 : vector<16xf32>
        %mul3A_403 = arith.constant 1.270000e+02 : f32
        %mul3A_404 = vector.broadcast %mul3A_403 : f32 to vector<16xf32>
        %mul3A_405 = arith.mulf %min3A_146, %mul3A_404 : vector<16xf32>
        %convert_element_type3A_406 = arith.fptosi %mul3A_399 : vector<16xf32> to vector<16xi32>
        %convert_element_type3A_407 = arith.fptosi %mul3A_402 : vector<16xf32> to vector<16xi32>
        %convert_element_type3A_408 = arith.fptosi %mul3A_405 : vector<16xf32> to vector<16xi32>
        %convert_element_type3A_409 = arith.sitofp %convert_element_type3A_406 : vector<16xi32> to vector<16xf32>
        %sub3A_410 = arith.subf %mul3A_399, %convert_element_type3A_409 : vector<16xf32>
        %convert_element_type3A_411 = arith.sitofp %convert_element_type3A_407 : vector<16xi32> to vector<16xf32>
        %sub3A_412 = arith.subf %mul3A_402, %convert_element_type3A_411 : vector<16xf32>
        %convert_element_type3A_413 = arith.sitofp %convert_element_type3A_408 : vector<16xi32> to vector<16xf32>
        %sub3A_414 = arith.subf %mul3A_405, %convert_element_type3A_413 : vector<16xf32>
        %add3A_415 = arith.constant 8 : i32
        %add3A_416 = arith.addi %add3A_415, %scan3A_117 : i32
        %mul3A_417 = arith.constant 48 : i32
        %mul3A_418 = arith.muli %add3A_416, %mul3A_417 : i32
        %swap3A_419 = arith.constant 0 : i32
        %swap3A_420 = arith.index_cast %swap3A_419 : i32 to index
        %swap3A_421 = arith.index_cast %mul3A_418 : i32 to index
        %swap3A_422 = tpu.vector_load %arg12[%swap3A_420, %swap3A_421] {strides = array<i32>} : memref<2x1152xf32, #tpu.memory_space<vmem>>, vector<16xf32>,
        tpu.vector_store %arg12[%swap3A_420, %swap3A_421], %sub3A_410 {strides = array<i32>} : memref<2x1152xf32, #tpu.memory_space<vmem>>, vector<16xf32>,
        %add3A_423 = arith.constant 16 : i32
        %add3A_424 = arith.addi %mul3A_418, %add3A_423 : i32
        %swap3A_425 = arith.constant 0 : i32
        %swap3A_426 = arith.index_cast %swap3A_425 : i32 to index
        %swap3A_427 = arith.index_cast %add3A_424 : i32 to index
        %swap3A_428 = tpu.vector_load %arg12[%swap3A_426, %swap3A_427] {strides = array<i32>} : memref<2x1152xf32, #tpu.memory_space<vmem>>, vector<16xf32>,
        tpu.vector_store %arg12[%swap3A_426, %swap3A_427], %sub3A_412 {strides = array<i32>} : memref<2x1152xf32, #tpu.memory_space<vmem>>, vector<16xf32>,
        %add3A_429 = arith.constant 32 : i32
        %add3A_430 = arith.addi %mul3A_418, %add3A_429 : i32
        %swap3A_431 = arith.constant 0 : i32
        %swap3A_432 = arith.index_cast %swap3A_431 : i32 to index
        %swap3A_433 = arith.index_cast %add3A_430 : i32 to index
        %swap3A_434 = tpu.vector_load %arg12[%swap3A_432, %swap3A_433] {strides = array<i32>} : memref<2x1152xf32, #tpu.memory_space<vmem>>, vector<16xf32>,
        tpu.vector_store %arg12[%swap3A_432, %swap3A_433], %sub3A_414 {strides = array<i32>} : memref<2x1152xf32, #tpu.memory_space<vmem>>, vector<16xf32>,
        %mul3A_435 = arith.constant -1640531535 : i32
        %mul3A_436 = vector.broadcast %mul3A_435 : i32 to vector<16xi32>
        %mul3A_437 = arith.muli %convert_element_type3A_407, %mul3A_436 : vector<16xi32>
        %add3A_438 = arith.constant -1640531535 : i32
        %add3A_439 = vector.broadcast %add3A_438 : i32 to vector<16xi32>
        %add3A_440 = arith.addi %mul3A_437, %add3A_439 : vector<16xi32>
        %mul3A_441 = arith.constant 805459861 : i32
        %mul3A_442 = vector.broadcast %mul3A_441 : i32 to vector<16xi32>
        %mul3A_443 = arith.muli %convert_element_type3A_408, %mul3A_442 : vector<16xi32>
        %add3A_444 = arith.constant 805459861 : i32
        %add3A_445 = vector.broadcast %add3A_444 : i32 to vector<16xi32>
        %add3A_446 = arith.addi %mul3A_443, %add3A_445 : vector<16xi32>
        %xor3A = arith.xori %convert_element_type3A_406, %convert_element_type3A_407 : vector<16xi32>
        %xor3A_447 = arith.xori %xor3A, %convert_element_type3A_408 : vector<16xi32>
        %and3A = arith.constant 1 : i32
        %and3A_448 = vector.broadcast %and3A : i32 to vector<16xi32>
        %and3A_449 = arith.andi %xor3A_447, %and3A_448 : vector<16xi32>
        %shift_left3A = arith.constant 4 : i32
        %shift_left3A_450 = vector.broadcast %shift_left3A : i32 to vector<16xi32>
        %shift_left3A_451 = arith.shli %and3A_449, %shift_left3A_450 : vector<16xi32>
        %add3A_452 = arith.constant 0 : i32
        %add3A_453 = arith.addi %add3A_452, %scan3A_117 : i32
        %mul3A_454 = arith.constant 16 : i32
        %mul3A_455 = arith.muli %add3A_453, %mul3A_454 : i32
        %swap3A_456 = arith.constant 0 : i32
        %swap3A_457 = arith.index_cast %swap3A_456 : i32 to index
        %swap3A_458 = arith.index_cast %mul3A_455 : i32 to index
        %swap3A_459 = tpu.vector_load %arg13[%swap3A_457, %swap3A_458] {strides = array<i32>} : memref<2x256xi32, #tpu.memory_space<vmem>>, vector<16xi32>,
        tpu.vector_store %arg13[%swap3A_457, %swap3A_458], %shift_left3A_451 {strides = array<i32>} : memref<2x256xi32, #tpu.memory_space<vmem>>, vector<16xi32>,
        %xor3A_460 = arith.xori %convert_element_type3A_406, %mul3A_437 : vector<16xi32>
        %xor3A_461 = arith.xori %xor3A_460, %mul3A_443 : vector<16xi32>
        %and3A_462 = arith.constant 524287 : i32
        %and3A_463 = vector.broadcast %and3A_462 : i32 to vector<16xi32>
        %and3A_464 = arith.andi %xor3A_461, %and3A_463 : vector<16xi32>
        %shift_right_logical3A = arith.constant 1 : i32
        %shift_right_logical3A_465 = vector.broadcast %shift_right_logical3A : i32 to vector<16xi32>
        %shift_right_logical3A_466 = arith.shrui %and3A_464, %shift_right_logical3A_465 : vector<16xi32>
        %add3A_467 = arith.constant 274688 : i32
        %add3A_468 = vector.broadcast %add3A_467 : i32 to vector<16xi32>
        %add3A_469 = arith.addi %shift_right_logical3A_466, %add3A_468 : vector<16xi32>
        %add3A_470 = arith.constant 8 : i32
        %add3A_471 = arith.addi %add3A_470, %scan3A_117 : i32
        %mul3A_472 = arith.constant 128 : i32
        %mul3A_473 = arith.muli %add3A_471, %mul3A_472 : i32
        %add3A_474 = arith.constant 0 : i32
        %add3A_475 = arith.addi %mul3A_473, %add3A_474 : i32
        %swap3A_476 = arith.index_cast %add3A_475 : i32 to index
        %swap3A_477 = tpu.vector_load %arg10[%swap3A_476] {strides = array<i32>} : memref<3072xi32, #tpu.memory_space<vmem>>, vector<16xi32>,
        tpu.vector_store %arg10[%swap3A_476], %add3A_469 {strides = array<i32>} : memref<3072xi32, #tpu.memory_space<vmem>>, vector<16xi32>,
        %add3A_478 = arith.constant 1 : i32
        %add3A_479 = vector.broadcast %add3A_478 : i32 to vector<16xi32>
        %add3A_480 = arith.addi %convert_element_type3A_406, %add3A_479 : vector<16xi32>
        %xor3A_481 = arith.xori %add3A_480, %mul3A_437 : vector<16xi32>
        %xor3A_482 = arith.xori %xor3A_481, %mul3A_443 : vector<16xi32>
        %and3A_483 = arith.constant 524287 : i32
        %and3A_484 = vector.broadcast %and3A_483 : i32 to vector<16xi32>
        %and3A_485 = arith.andi %xor3A_482, %and3A_484 : vector<16xi32>
        %shift_right_logical3A_486 = arith.constant 1 : i32
        %shift_right_logical3A_487 = vector.broadcast %shift_right_logical3A_486 : i32 to vector<16xi32>
        %shift_right_logical3A_488 = arith.shrui %and3A_485, %shift_right_logical3A_487 : vector<16xi32>
        %add3A_489 = arith.constant 274688 : i32
        %add3A_490 = vector.broadcast %add3A_489 : i32 to vector<16xi32>
        %add3A_491 = arith.addi %shift_right_logical3A_488, %add3A_490 : vector<16xi32>
        %add3A_492 = arith.constant 8 : i32
        %add3A_493 = arith.addi %add3A_492, %scan3A_117 : i32
        %mul3A_494 = arith.constant 128 : i32
        %mul3A_495 = arith.muli %add3A_493, %mul3A_494 : i32
        %add3A_496 = arith.constant 16 : i32
        %add3A_497 = arith.addi %mul3A_495, %add3A_496 : i32
        %swap3A_498 = arith.index_cast %add3A_497 : i32 to index
        %swap3A_499 = tpu.vector_load %arg10[%swap3A_498] {strides = array<i32>} : memref<3072xi32, #tpu.memory_space<vmem>>, vector<16xi32>,
        tpu.vector_store %arg10[%swap3A_498], %add3A_491 {strides = array<i32>} : memref<3072xi32, #tpu.memory_space<vmem>>, vector<16xi32>,
        %xor3A_500 = arith.xori %convert_element_type3A_406, %add3A_440 : vector<16xi32>
        %xor3A_501 = arith.xori %xor3A_500, %mul3A_443 : vector<16xi32>
        %and3A_502 = arith.constant 524287 : i32
        %and3A_503 = vector.broadcast %and3A_502 : i32 to vector<16xi32>
        %and3A_504 = arith.andi %xor3A_501, %and3A_503 : vector<16xi32>
        %shift_right_logical3A_505 = arith.constant 1 : i32
        %shift_right_logical3A_506 = vector.broadcast %shift_right_logical3A_505 : i32 to vector<16xi32>
        %shift_right_logical3A_507 = arith.shrui %and3A_504, %shift_right_logical3A_506 : vector<16xi32>
        %add3A_508 = arith.constant 274688 : i32
        %add3A_509 = vector.broadcast %add3A_508 : i32 to vector<16xi32>
        %add3A_510 = arith.addi %shift_right_logical3A_507, %add3A_509 : vector<16xi32>
        %add3A_511 = arith.constant 8 : i32
        %add3A_512 = arith.addi %add3A_511, %scan3A_117 : i32
        %mul3A_513 = arith.constant 128 : i32
        %mul3A_514 = arith.muli %add3A_512, %mul3A_513 : i32
        %add3A_515 = arith.constant 32 : i32
        %add3A_516 = arith.addi %mul3A_514, %add3A_515 : i32
        %swap3A_517 = arith.index_cast %add3A_516 : i32 to index
        %swap3A_518 = tpu.vector_load %arg10[%swap3A_517] {strides = array<i32>} : memref<3072xi32, #tpu.memory_space<vmem>>, vector<16xi32>,
        tpu.vector_store %arg10[%swap3A_517], %add3A_510 {strides = array<i32>} : memref<3072xi32, #tpu.memory_space<vmem>>, vector<16xi32>,
        %add3A_519 = arith.constant 1 : i32
        %add3A_520 = vector.broadcast %add3A_519 : i32 to vector<16xi32>
        %add3A_521 = arith.addi %convert_element_type3A_406, %add3A_520 : vector<16xi32>
        %xor3A_522 = arith.xori %add3A_521, %add3A_440 : vector<16xi32>
        %xor3A_523 = arith.xori %xor3A_522, %mul3A_443 : vector<16xi32>
        %and3A_524 = arith.constant 524287 : i32
        %and3A_525 = vector.broadcast %and3A_524 : i32 to vector<16xi32>
        %and3A_526 = arith.andi %xor3A_523, %and3A_525 : vector<16xi32>
        %shift_right_logical3A_527 = arith.constant 1 : i32
        %shift_right_logical3A_528 = vector.broadcast %shift_right_logical3A_527 : i32 to vector<16xi32>
        %shift_right_logical3A_529 = arith.shrui %and3A_526, %shift_right_logical3A_528 : vector<16xi32>
        %add3A_530 = arith.constant 274688 : i32
        %add3A_531 = vector.broadcast %add3A_530 : i32 to vector<16xi32>
        %add3A_532 = arith.addi %shift_right_logical3A_529, %add3A_531 : vector<16xi32>
        %add3A_533 = arith.constant 8 : i32
        %add3A_534 = arith.addi %add3A_533, %scan3A_117 : i32
        %mul3A_535 = arith.constant 128 : i32
        %mul3A_536 = arith.muli %add3A_534, %mul3A_535 : i32
        %add3A_537 = arith.constant 48 : i32
        %add3A_538 = arith.addi %mul3A_536, %add3A_537 : i32
        %swap3A_539 = arith.index_cast %add3A_538 : i32 to index
        %swap3A_540 = tpu.vector_load %arg10[%swap3A_539] {strides = array<i32>} : memref<3072xi32, #tpu.memory_space<vmem>>, vector<16xi32>,
        tpu.vector_store %arg10[%swap3A_539], %add3A_532 {strides = array<i32>} : memref<3072xi32, #tpu.memory_space<vmem>>, vector<16xi32>,
        %xor3A_541 = arith.xori %convert_element_type3A_406, %mul3A_437 : vector<16xi32>
        %xor3A_542 = arith.xori %xor3A_541, %add3A_446 : vector<16xi32>
        %and3A_543 = arith.constant 524287 : i32
        %and3A_544 = vector.broadcast %and3A_543 : i32 to vector<16xi32>
        %and3A_545 = arith.andi %xor3A_542, %and3A_544 : vector<16xi32>
        %shift_right_logical3A_546 = arith.constant 1 : i32
        %shift_right_logical3A_547 = vector.broadcast %shift_right_logical3A_546 : i32 to vector<16xi32>
        %shift_right_logical3A_548 = arith.shrui %and3A_545, %shift_right_logical3A_547 : vector<16xi32>
        %add3A_549 = arith.constant 274688 : i32
        %add3A_550 = vector.broadcast %add3A_549 : i32 to vector<16xi32>
        %add3A_551 = arith.addi %shift_right_logical3A_548, %add3A_550 : vector<16xi32>
        %add3A_552 = arith.constant 8 : i32
        %add3A_553 = arith.addi %add3A_552, %scan3A_117 : i32
        %mul3A_554 = arith.constant 128 : i32
        %mul3A_555 = arith.muli %add3A_553, %mul3A_554 : i32
        %add3A_556 = arith.constant 64 : i32
        %add3A_557 = arith.addi %mul3A_555, %add3A_556 : i32
        %swap3A_558 = arith.index_cast %add3A_557 : i32 to index
        %swap3A_559 = tpu.vector_load %arg10[%swap3A_558] {strides = array<i32>} : memref<3072xi32, #tpu.memory_space<vmem>>, vector<16xi32>,
        tpu.vector_store %arg10[%swap3A_558], %add3A_551 {strides = array<i32>} : memref<3072xi32, #tpu.memory_space<vmem>>, vector<16xi32>,
        %add3A_560 = arith.constant 1 : i32
        %add3A_561 = vector.broadcast %add3A_560 : i32 to vector<16xi32>
        %add3A_562 = arith.addi %convert_element_type3A_406, %add3A_561 : vector<16xi32>
        %xor3A_563 = arith.xori %add3A_562, %mul3A_437 : vector<16xi32>
        %xor3A_564 = arith.xori %xor3A_563, %add3A_446 : vector<16xi32>
        %and3A_565 = arith.constant 524287 : i32
        %and3A_566 = vector.broadcast %and3A_565 : i32 to vector<16xi32>
        %and3A_567 = arith.andi %xor3A_564, %and3A_566 : vector<16xi32>
        %shift_right_logical3A_568 = arith.constant 1 : i32
        %shift_right_logical3A_569 = vector.broadcast %shift_right_logical3A_568 : i32 to vector<16xi32>
        %shift_right_logical3A_570 = arith.shrui %and3A_567, %shift_right_logical3A_569 : vector<16xi32>
        %add3A_571 = arith.constant 274688 : i32
        %add3A_572 = vector.broadcast %add3A_571 : i32 to vector<16xi32>
        %add3A_573 = arith.addi %shift_right_logical3A_570, %add3A_572 : vector<16xi32>
        %add3A_574 = arith.constant 8 : i32
        %add3A_575 = arith.addi %add3A_574, %scan3A_117 : i32
        %mul3A_576 = arith.constant 128 : i32
        %mul3A_577 = arith.muli %add3A_575, %mul3A_576 : i32
        %add3A_578 = arith.constant 80 : i32
        %add3A_579 = arith.addi %mul3A_577, %add3A_578 : i32
        %swap3A_580 = arith.index_cast %add3A_579 : i32 to index
        %swap3A_581 = tpu.vector_load %arg10[%swap3A_580] {strides = array<i32>} : memref<3072xi32, #tpu.memory_space<vmem>>, vector<16xi32>,
        tpu.vector_store %arg10[%swap3A_580], %add3A_573 {strides = array<i32>} : memref<3072xi32, #tpu.memory_space<vmem>>, vector<16xi32>,
        %xor3A_582 = arith.xori %convert_element_type3A_406, %add3A_440 : vector<16xi32>
        %xor3A_583 = arith.xori %xor3A_582, %add3A_446 : vector<16xi32>
        %and3A_584 = arith.constant 524287 : i32
        %and3A_585 = vector.broadcast %and3A_584 : i32 to vector<16xi32>
        %and3A_586 = arith.andi %xor3A_583, %and3A_585 : vector<16xi32>
        %shift_right_logical3A_587 = arith.constant 1 : i32
        %shift_right_logical3A_588 = vector.broadcast %shift_right_logical3A_587 : i32 to vector<16xi32>
        %shift_right_logical3A_589 = arith.shrui %and3A_586, %shift_right_logical3A_588 : vector<16xi32>
        %add3A_590 = arith.constant 274688 : i32
        %add3A_591 = vector.broadcast %add3A_590 : i32 to vector<16xi32>
        %add3A_592 = arith.addi %shift_right_logical3A_589, %add3A_591 : vector<16xi32>
        %add3A_593 = arith.constant 8 : i32
        %add3A_594 = arith.addi %add3A_593, %scan3A_117 : i32
        %mul3A_595 = arith.constant 128 : i32
        %mul3A_596 = arith.muli %add3A_594, %mul3A_595 : i32
        %add3A_597 = arith.constant 96 : i32
        %add3A_598 = arith.addi %mul3A_596, %add3A_597 : i32
        %swap3A_599 = arith.index_cast %add3A_598 : i32 to index
        %swap3A_600 = tpu.vector_load %arg10[%swap3A_599] {strides = array<i32>} : memref<3072xi32, #tpu.memory_space<vmem>>, vector<16xi32>,
        tpu.vector_store %arg10[%swap3A_599], %add3A_592 {strides = array<i32>} : memref<3072xi32, #tpu.memory_space<vmem>>, vector<16xi32>,
        %add3A_601 = arith.constant 1 : i32
        %add3A_602 = vector.broadcast %add3A_601 : i32 to vector<16xi32>
        %add3A_603 = arith.addi %convert_element_type3A_406, %add3A_602 : vector<16xi32>
        %xor3A_604 = arith.xori %add3A_603, %add3A_440 : vector<16xi32>
        %xor3A_605 = arith.xori %xor3A_604, %add3A_446 : vector<16xi32>
        %and3A_606 = arith.constant 524287 : i32
        %and3A_607 = vector.broadcast %and3A_606 : i32 to vector<16xi32>
        %and3A_608 = arith.andi %xor3A_605, %and3A_607 : vector<16xi32>
        %shift_right_logical3A_609 = arith.constant 1 : i32
        %shift_right_logical3A_610 = vector.broadcast %shift_right_logical3A_609 : i32 to vector<16xi32>
        %shift_right_logical3A_611 = arith.shrui %and3A_608, %shift_right_logical3A_610 : vector<16xi32>
        %add3A_612 = arith.constant 274688 : i32
        %add3A_613 = vector.broadcast %add3A_612 : i32 to vector<16xi32>
        %add3A_614 = arith.addi %shift_right_logical3A_611, %add3A_613 : vector<16xi32>
        %add3A_615 = arith.constant 8 : i32
        %add3A_616 = arith.addi %add3A_615, %scan3A_117 : i32
        %mul3A_617 = arith.constant 128 : i32
        %mul3A_618 = arith.muli %add3A_616, %mul3A_617 : i32
        %add3A_619 = arith.constant 112 : i32
        %add3A_620 = arith.addi %mul3A_618, %add3A_619 : i32
        %swap3A_621 = arith.index_cast %add3A_620 : i32 to index
        %swap3A_622 = tpu.vector_load %arg10[%swap3A_621] {strides = array<i32>} : memref<3072xi32, #tpu.memory_space<vmem>>, vector<16xi32>,
        tpu.vector_store %arg10[%swap3A_621], %add3A_614 {strides = array<i32>} : memref<3072xi32, #tpu.memory_space<vmem>>, vector<16xi32>,
        %mul3A_623 = arith.constant 2.550000e+02 : f32
        %mul3A_624 = vector.broadcast %mul3A_623 : f32 to vector<16xf32>
        %mul3A_625 = arith.mulf %min3A_128, %mul3A_624 : vector<16xf32>
        %mul3A_626 = arith.constant 2.550000e+02 : f32
        %mul3A_627 = vector.broadcast %mul3A_626 : f32 to vector<16xf32>
        %mul3A_628 = arith.mulf %min3A_137, %mul3A_627 : vector<16xf32>
        %mul3A_629 = arith.constant 2.550000e+02 : f32
        %mul3A_630 = vector.broadcast %mul3A_629 : f32 to vector<16xf32>
        %mul3A_631 = arith.mulf %min3A_146, %mul3A_630 : vector<16xf32>
        %convert_element_type3A_632 = arith.fptosi %mul3A_625 : vector<16xf32> to vector<16xi32>
        %convert_element_type3A_633 = arith.fptosi %mul3A_628 : vector<16xf32> to vector<16xi32>
        %convert_element_type3A_634 = arith.fptosi %mul3A_631 : vector<16xf32> to vector<16xi32>
        %convert_element_type3A_635 = arith.sitofp %convert_element_type3A_632 : vector<16xi32> to vector<16xf32>
        %sub3A_636 = arith.subf %mul3A_625, %convert_element_type3A_635 : vector<16xf32>
        %convert_element_type3A_637 = arith.sitofp %convert_element_type3A_633 : vector<16xi32> to vector<16xf32>
        %sub3A_638 = arith.subf %mul3A_628, %convert_element_type3A_637 : vector<16xf32>
        %convert_element_type3A_639 = arith.sitofp %convert_element_type3A_634 : vector<16xi32> to vector<16xf32>
        %sub3A_640 = arith.subf %mul3A_631, %convert_element_type3A_639 : vector<16xf32>
        %add3A_641 = arith.constant 16 : i32
        %add3A_642 = arith.addi %add3A_641, %scan3A_117 : i32
        %mul3A_643 = arith.constant 48 : i32
        %mul3A_644 = arith.muli %add3A_642, %mul3A_643 : i32
        %swap3A_645 = arith.constant 0 : i32
        %swap3A_646 = arith.index_cast %swap3A_645 : i32 to index
        %swap3A_647 = arith.index_cast %mul3A_644 : i32 to index
        %swap3A_648 = tpu.vector_load %arg12[%swap3A_646, %swap3A_647] {strides = array<i32>} : memref<2x1152xf32, #tpu.memory_space<vmem>>, vector<16xf32>,
        tpu.vector_store %arg12[%swap3A_646, %swap3A_647], %sub3A_636 {strides = array<i32>} : memref<2x1152xf32, #tpu.memory_space<vmem>>, vector<16xf32>,
        %add3A_649 = arith.constant 16 : i32
        %add3A_650 = arith.addi %mul3A_644, %add3A_649 : i32
        %swap3A_651 = arith.constant 0 : i32
        %swap3A_652 = arith.index_cast %swap3A_651 : i32 to index
        %swap3A_653 = arith.index_cast %add3A_650 : i32 to index
        %swap3A_654 = tpu.vector_load %arg12[%swap3A_652, %swap3A_653] {strides = array<i32>} : memref<2x1152xf32, #tpu.memory_space<vmem>>, vector<16xf32>,
        tpu.vector_store %arg12[%swap3A_652, %swap3A_653], %sub3A_638 {strides = array<i32>} : memref<2x1152xf32, #tpu.memory_space<vmem>>, vector<16xf32>,
        %add3A_655 = arith.constant 32 : i32
        %add3A_656 = arith.addi %mul3A_644, %add3A_655 : i32
        %swap3A_657 = arith.constant 0 : i32
        %swap3A_658 = arith.index_cast %swap3A_657 : i32 to index
        %swap3A_659 = arith.index_cast %add3A_656 : i32 to index
        %swap3A_660 = tpu.vector_load %arg12[%swap3A_658, %swap3A_659] {strides = array<i32>} : memref<2x1152xf32, #tpu.memory_space<vmem>>, vector<16xf32>,
        tpu.vector_store %arg12[%swap3A_658, %swap3A_659], %sub3A_640 {strides = array<i32>} : memref<2x1152xf32, #tpu.memory_space<vmem>>, vector<16xf32>,
        %mul3A_661 = arith.constant -1640531535 : i32
        %mul3A_662 = vector.broadcast %mul3A_661 : i32 to vector<16xi32>
        %mul3A_663 = arith.muli %convert_element_type3A_633, %mul3A_662 : vector<16xi32>
        %add3A_664 = arith.constant -1640531535 : i32
        %add3A_665 = vector.broadcast %add3A_664 : i32 to vector<16xi32>
        %add3A_666 = arith.addi %mul3A_663, %add3A_665 : vector<16xi32>
        %mul3A_667 = arith.constant 805459861 : i32
        %mul3A_668 = vector.broadcast %mul3A_667 : i32 to vector<16xi32>
        %mul3A_669 = arith.muli %convert_element_type3A_634, %mul3A_668 : vector<16xi32>
        %add3A_670 = arith.constant 805459861 : i32
        %add3A_671 = vector.broadcast %add3A_670 : i32 to vector<16xi32>
        %add3A_672 = arith.addi %mul3A_669, %add3A_671 : vector<16xi32>
        %xor3A_673 = arith.xori %convert_element_type3A_632, %convert_element_type3A_633 : vector<16xi32>
        %xor3A_674 = arith.xori %xor3A_673, %convert_element_type3A_634 : vector<16xi32>
        %and3A_675 = arith.constant 1 : i32
        %and3A_676 = vector.broadcast %and3A_675 : i32 to vector<16xi32>
        %and3A_677 = arith.andi %xor3A_674, %and3A_676 : vector<16xi32>
        %shift_left3A_678 = arith.constant 4 : i32
        %shift_left3A_679 = vector.broadcast %shift_left3A_678 : i32 to vector<16xi32>
        %shift_left3A_680 = arith.shli %and3A_677, %shift_left3A_679 : vector<16xi32>
        %add3A_681 = arith.constant 8 : i32
        %add3A_682 = arith.addi %add3A_681, %scan3A_117 : i32
        %mul3A_683 = arith.constant 16 : i32
        %mul3A_684 = arith.muli %add3A_682, %mul3A_683 : i32
        %swap3A_685 = arith.constant 0 : i32
        %swap3A_686 = arith.index_cast %swap3A_685 : i32 to index
        %swap3A_687 = arith.index_cast %mul3A_684 : i32 to index
        %swap3A_688 = tpu.vector_load %arg13[%swap3A_686, %swap3A_687] {strides = array<i32>} : memref<2x256xi32, #tpu.memory_space<vmem>>, vector<16xi32>,
        tpu.vector_store %arg13[%swap3A_686, %swap3A_687], %shift_left3A_680 {strides = array<i32>} : memref<2x256xi32, #tpu.memory_space<vmem>>, vector<16xi32>,
        %xor3A_689 = arith.xori %convert_element_type3A_632, %mul3A_663 : vector<16xi32>
        %xor3A_690 = arith.xori %xor3A_689, %mul3A_669 : vector<16xi32>
        %and3A_691 = arith.constant 524287 : i32
        %and3A_692 = vector.broadcast %and3A_691 : i32 to vector<16xi32>
        %and3A_693 = arith.andi %xor3A_690, %and3A_692 : vector<16xi32>
        %shift_right_logical3A_694 = arith.constant 1 : i32
        %shift_right_logical3A_695 = vector.broadcast %shift_right_logical3A_694 : i32 to vector<16xi32>
        %shift_right_logical3A_696 = arith.shrui %and3A_693, %shift_right_logical3A_695 : vector<16xi32>
        %add3A_697 = arith.constant 536832 : i32
        %add3A_698 = vector.broadcast %add3A_697 : i32 to vector<16xi32>
        %add3A_699 = arith.addi %shift_right_logical3A_696, %add3A_698 : vector<16xi32>
        %add3A_700 = arith.constant 16 : i32
        %add3A_701 = arith.addi %add3A_700, %scan3A_117 : i32
        %mul3A_702 = arith.constant 128 : i32
        %mul3A_703 = arith.muli %add3A_701, %mul3A_702 : i32
        %add3A_704 = arith.constant 0 : i32
        %add3A_705 = arith.addi %mul3A_703, %add3A_704 : i32
        %swap3A_706 = arith.index_cast %add3A_705 : i32 to index
        %swap3A_707 = tpu.vector_load %arg10[%swap3A_706] {strides = array<i32>} : memref<3072xi32, #tpu.memory_space<vmem>>, vector<16xi32>,
        tpu.vector_store %arg10[%swap3A_706], %add3A_699 {strides = array<i32>} : memref<3072xi32, #tpu.memory_space<vmem>>, vector<16xi32>,
        %add3A_708 = arith.constant 1 : i32
        %add3A_709 = vector.broadcast %add3A_708 : i32 to vector<16xi32>
        %add3A_710 = arith.addi %convert_element_type3A_632, %add3A_709 : vector<16xi32>
        %xor3A_711 = arith.xori %add3A_710, %mul3A_663 : vector<16xi32>
        %xor3A_712 = arith.xori %xor3A_711, %mul3A_669 : vector<16xi32>
        %and3A_713 = arith.constant 524287 : i32
        %and3A_714 = vector.broadcast %and3A_713 : i32 to vector<16xi32>
        %and3A_715 = arith.andi %xor3A_712, %and3A_714 : vector<16xi32>
        %shift_right_logical3A_716 = arith.constant 1 : i32
        %shift_right_logical3A_717 = vector.broadcast %shift_right_logical3A_716 : i32 to vector<16xi32>
        %shift_right_logical3A_718 = arith.shrui %and3A_715, %shift_right_logical3A_717 : vector<16xi32>
        %add3A_719 = arith.constant 536832 : i32
        %add3A_720 = vector.broadcast %add3A_719 : i32 to vector<16xi32>
        %add3A_721 = arith.addi %shift_right_logical3A_718, %add3A_720 : vector<16xi32>
        %add3A_722 = arith.constant 16 : i32
        %add3A_723 = arith.addi %add3A_722, %scan3A_117 : i32
        %mul3A_724 = arith.constant 128 : i32
        %mul3A_725 = arith.muli %add3A_723, %mul3A_724 : i32
        %add3A_726 = arith.constant 16 : i32
        %add3A_727 = arith.addi %mul3A_725, %add3A_726 : i32
        %swap3A_728 = arith.index_cast %add3A_727 : i32 to index
        %swap3A_729 = tpu.vector_load %arg10[%swap3A_728] {strides = array<i32>} : memref<3072xi32, #tpu.memory_space<vmem>>, vector<16xi32>,
        tpu.vector_store %arg10[%swap3A_728], %add3A_721 {strides = array<i32>} : memref<3072xi32, #tpu.memory_space<vmem>>, vector<16xi32>,
        %xor3A_730 = arith.xori %convert_element_type3A_632, %add3A_666 : vector<16xi32>
        %xor3A_731 = arith.xori %xor3A_730, %mul3A_669 : vector<16xi32>
        %and3A_732 = arith.constant 524287 : i32
        %and3A_733 = vector.broadcast %and3A_732 : i32 to vector<16xi32>
        %and3A_734 = arith.andi %xor3A_731, %and3A_733 : vector<16xi32>
        %shift_right_logical3A_735 = arith.constant 1 : i32
        %shift_right_logical3A_736 = vector.broadcast %shift_right_logical3A_735 : i32 to vector<16xi32>
        %shift_right_logical3A_737 = arith.shrui %and3A_734, %shift_right_logical3A_736 : vector<16xi32>
        %add3A_738 = arith.constant 536832 : i32
        %add3A_739 = vector.broadcast %add3A_738 : i32 to vector<16xi32>
        %add3A_740 = arith.addi %shift_right_logical3A_737, %add3A_739 : vector<16xi32>
        %add3A_741 = arith.constant 16 : i32
        %add3A_742 = arith.addi %add3A_741, %scan3A_117 : i32
        %mul3A_743 = arith.constant 128 : i32
        %mul3A_744 = arith.muli %add3A_742, %mul3A_743 : i32
        %add3A_745 = arith.constant 32 : i32
        %add3A_746 = arith.addi %mul3A_744, %add3A_745 : i32
        %swap3A_747 = arith.index_cast %add3A_746 : i32 to index
        %swap3A_748 = tpu.vector_load %arg10[%swap3A_747] {strides = array<i32>} : memref<3072xi32, #tpu.memory_space<vmem>>, vector<16xi32>,
        tpu.vector_store %arg10[%swap3A_747], %add3A_740 {strides = array<i32>} : memref<3072xi32, #tpu.memory_space<vmem>>, vector<16xi32>,
        %add3A_749 = arith.constant 1 : i32
        %add3A_750 = vector.broadcast %add3A_749 : i32 to vector<16xi32>
        %add3A_751 = arith.addi %convert_element_type3A_632, %add3A_750 : vector<16xi32>
        %xor3A_752 = arith.xori %add3A_751, %add3A_666 : vector<16xi32>
        %xor3A_753 = arith.xori %xor3A_752, %mul3A_669 : vector<16xi32>
        %and3A_754 = arith.constant 524287 : i32
        %and3A_755 = vector.broadcast %and3A_754 : i32 to vector<16xi32>
        %and3A_756 = arith.andi %xor3A_753, %and3A_755 : vector<16xi32>
        %shift_right_logical3A_757 = arith.constant 1 : i32
        %shift_right_logical3A_758 = vector.broadcast %shift_right_logical3A_757 : i32 to vector<16xi32>
        %shift_right_logical3A_759 = arith.shrui %and3A_756, %shift_right_logical3A_758 : vector<16xi32>
        %add3A_760 = arith.constant 536832 : i32
        %add3A_761 = vector.broadcast %add3A_760 : i32 to vector<16xi32>
        %add3A_762 = arith.addi %shift_right_logical3A_759, %add3A_761 : vector<16xi32>
        %add3A_763 = arith.constant 16 : i32
        %add3A_764 = arith.addi %add3A_763, %scan3A_117 : i32
        %mul3A_765 = arith.constant 128 : i32
        %mul3A_766 = arith.muli %add3A_764, %mul3A_765 : i32
        %add3A_767 = arith.constant 48 : i32
        %add3A_768 = arith.addi %mul3A_766, %add3A_767 : i32
        %swap3A_769 = arith.index_cast %add3A_768 : i32 to index
        %swap3A_770 = tpu.vector_load %arg10[%swap3A_769] {strides = array<i32>} : memref<3072xi32, #tpu.memory_space<vmem>>, vector<16xi32>,
        tpu.vector_store %arg10[%swap3A_769], %add3A_762 {strides = array<i32>} : memref<3072xi32, #tpu.memory_space<vmem>>, vector<16xi32>,
        %xor3A_771 = arith.xori %convert_element_type3A_632, %mul3A_663 : vector<16xi32>
        %xor3A_772 = arith.xori %xor3A_771, %add3A_672 : vector<16xi32>
        %and3A_773 = arith.constant 524287 : i32
        %and3A_774 = vector.broadcast %and3A_773 : i32 to vector<16xi32>
        %and3A_775 = arith.andi %xor3A_772, %and3A_774 : vector<16xi32>
        %shift_right_logical3A_776 = arith.constant 1 : i32
        %shift_right_logical3A_777 = vector.broadcast %shift_right_logical3A_776 : i32 to vector<16xi32>
        %shift_right_logical3A_778 = arith.shrui %and3A_775, %shift_right_logical3A_777 : vector<16xi32>
        %add3A_779 = arith.constant 536832 : i32
        %add3A_780 = vector.broadcast %add3A_779 : i32 to vector<16xi32>
        %add3A_781 = arith.addi %shift_right_logical3A_778, %add3A_780 : vector<16xi32>
        %add3A_782 = arith.constant 16 : i32
        %add3A_783 = arith.addi %add3A_782, %scan3A_117 : i32
        %mul3A_784 = arith.constant 128 : i32
        %mul3A_785 = arith.muli %add3A_783, %mul3A_784 : i32
        %add3A_786 = arith.constant 64 : i32
        %add3A_787 = arith.addi %mul3A_785, %add3A_786 : i32
        %swap3A_788 = arith.index_cast %add3A_787 : i32 to index
        %swap3A_789 = tpu.vector_load %arg10[%swap3A_788] {strides = array<i32>} : memref<3072xi32, #tpu.memory_space<vmem>>, vector<16xi32>,
        tpu.vector_store %arg10[%swap3A_788], %add3A_781 {strides = array<i32>} : memref<3072xi32, #tpu.memory_space<vmem>>, vector<16xi32>,
        %add3A_790 = arith.constant 1 : i32
        %add3A_791 = vector.broadcast %add3A_790 : i32 to vector<16xi32>
        %add3A_792 = arith.addi %convert_element_type3A_632, %add3A_791 : vector<16xi32>
        %xor3A_793 = arith.xori %add3A_792, %mul3A_663 : vector<16xi32>
        %xor3A_794 = arith.xori %xor3A_793, %add3A_672 : vector<16xi32>
        %and3A_795 = arith.constant 524287 : i32
        %and3A_796 = vector.broadcast %and3A_795 : i32 to vector<16xi32>
        %and3A_797 = arith.andi %xor3A_794, %and3A_796 : vector<16xi32>
        %shift_right_logical3A_798 = arith.constant 1 : i32
        %shift_right_logical3A_799 = vector.broadcast %shift_right_logical3A_798 : i32 to vector<16xi32>
        %shift_right_logical3A_800 = arith.shrui %and3A_797, %shift_right_logical3A_799 : vector<16xi32>
        %add3A_801 = arith.constant 536832 : i32
        %add3A_802 = vector.broadcast %add3A_801 : i32 to vector<16xi32>
        %add3A_803 = arith.addi %shift_right_logical3A_800, %add3A_802 : vector<16xi32>
        %add3A_804 = arith.constant 16 : i32
        %add3A_805 = arith.addi %add3A_804, %scan3A_117 : i32
        %mul3A_806 = arith.constant 128 : i32
        %mul3A_807 = arith.muli %add3A_805, %mul3A_806 : i32
        %add3A_808 = arith.constant 80 : i32
        %add3A_809 = arith.addi %mul3A_807, %add3A_808 : i32
        %swap3A_810 = arith.index_cast %add3A_809 : i32 to index
        %swap3A_811 = tpu.vector_load %arg10[%swap3A_810] {strides = array<i32>} : memref<3072xi32, #tpu.memory_space<vmem>>, vector<16xi32>,
        tpu.vector_store %arg10[%swap3A_810], %add3A_803 {strides = array<i32>} : memref<3072xi32, #tpu.memory_space<vmem>>, vector<16xi32>,
        %xor3A_812 = arith.xori %convert_element_type3A_632, %add3A_666 : vector<16xi32>
        %xor3A_813 = arith.xori %xor3A_812, %add3A_672 : vector<16xi32>
        %and3A_814 = arith.constant 524287 : i32
        %and3A_815 = vector.broadcast %and3A_814 : i32 to vector<16xi32>
        %and3A_816 = arith.andi %xor3A_813, %and3A_815 : vector<16xi32>
        %shift_right_logical3A_817 = arith.constant 1 : i32
        %shift_right_logical3A_818 = vector.broadcast %shift_right_logical3A_817 : i32 to vector<16xi32>
        %shift_right_logical3A_819 = arith.shrui %and3A_816, %shift_right_logical3A_818 : vector<16xi32>
        %add3A_820 = arith.constant 536832 : i32
        %add3A_821 = vector.broadcast %add3A_820 : i32 to vector<16xi32>
        %add3A_822 = arith.addi %shift_right_logical3A_819, %add3A_821 : vector<16xi32>
        %add3A_823 = arith.constant 16 : i32
        %add3A_824 = arith.addi %add3A_823, %scan3A_117 : i32
        %mul3A_825 = arith.constant 128 : i32
        %mul3A_826 = arith.muli %add3A_824, %mul3A_825 : i32
        %add3A_827 = arith.constant 96 : i32
        %add3A_828 = arith.addi %mul3A_826, %add3A_827 : i32
        %swap3A_829 = arith.index_cast %add3A_828 : i32 to index
        %swap3A_830 = tpu.vector_load %arg10[%swap3A_829] {strides = array<i32>} : memref<3072xi32, #tpu.memory_space<vmem>>, vector<16xi32>,
        tpu.vector_store %arg10[%swap3A_829], %add3A_822 {strides = array<i32>} : memref<3072xi32, #tpu.memory_space<vmem>>, vector<16xi32>,
        %add3A_831 = arith.constant 1 : i32
        %add3A_832 = vector.broadcast %add3A_831 : i32 to vector<16xi32>
        %add3A_833 = arith.addi %convert_element_type3A_632, %add3A_832 : vector<16xi32>
        %xor3A_834 = arith.xori %add3A_833, %add3A_666 : vector<16xi32>
        %xor3A_835 = arith.xori %xor3A_834, %add3A_672 : vector<16xi32>
        %and3A_836 = arith.constant 524287 : i32
        %and3A_837 = vector.broadcast %and3A_836 : i32 to vector<16xi32>
        %and3A_838 = arith.andi %xor3A_835, %and3A_837 : vector<16xi32>
        %shift_right_logical3A_839 = arith.constant 1 : i32
        %shift_right_logical3A_840 = vector.broadcast %shift_right_logical3A_839 : i32 to vector<16xi32>
        %shift_right_logical3A_841 = arith.shrui %and3A_838, %shift_right_logical3A_840 : vector<16xi32>
        %add3A_842 = arith.constant 536832 : i32
        %add3A_843 = vector.broadcast %add3A_842 : i32 to vector<16xi32>
        %add3A_844 = arith.addi %shift_right_logical3A_841, %add3A_843 : vector<16xi32>
        %add3A_845 = arith.constant 16 : i32
        %add3A_846 = arith.addi %add3A_845, %scan3A_117 : i32
        %mul3A_847 = arith.constant 128 : i32
        %mul3A_848 = arith.muli %add3A_846, %mul3A_847 : i32
        %add3A_849 = arith.constant 112 : i32
        %add3A_850 = arith.addi %mul3A_848, %add3A_849 : i32
        %swap3A_851 = arith.index_cast %add3A_850 : i32 to index
        %swap3A_852 = tpu.vector_load %arg10[%swap3A_851] {strides = array<i32>} : memref<3072xi32, #tpu.memory_space<vmem>>, vector<16xi32>,
        tpu.vector_store %arg10[%swap3A_851], %add3A_844 {strides = array<i32>} : memref<3072xi32, #tpu.memory_space<vmem>>, vector<16xi32>,
      }
      %scan3A_89 = arith.constant 8 : i32
      %dma_start3A = arith.constant 0 : i32
      %dma_start3A_90 = tpu.memref_slice %arg19[%dma_start3A] : memref<802816xi32, #tpu.memory_space<vmem_shared>> -> memref<802816xi32, #tpu.memory_space<vmem_shared>>
      tpu.enqueue_indirect_dma source(%dma_start3A_90 : memref<802816xi32, #tpu.memory_space<vmem_shared>>) target(%arg14 : memref<3072xi32, #tpu.memory_space<vmem>>) offsets(%arg10 : memref<3072xi32, #tpu.memory_space<vmem>>) semaphore(%arg20 : memref<!tpu.dma_semaphore, #tpu.memory_space<semaphore_mem>>)
      %broadcast_in_dim3A = arith.constant -3.000000e+38 : f32
      %broadcast_in_dim3A_91 = vector.broadcast %broadcast_in_dim3A : f32 to vector<16xf32>
      %scan3A_92 = arith.constant 0 : i32
      %scan3A_93 = arith.constant 12 : i32
      %scan3A_94 = arith.addi %scan3A_92, %scan3A_93 : i32
      %scan3A_95 = arith.constant 1 : i32
      %scan3A_96 = scf.for %scan3A_117 = %scan3A_92 to %scan3A_94 step %scan3A_95 iter_args(%scan3A_118 = %broadcast_in_dim3A_91) -> (vector<16xf32>)  : i32 {
        %mul3A_119 = arith.constant 2 : i32
        %mul3A_120 = arith.muli %scan3A_117, %mul3A_119 : i32
        %add3A_121 = arith.constant 1 : i32
        %add3A_122 = arith.addi %mul3A_120, %add3A_121 : i32
        %scan3A_123 = arith.constant 0 : i32
        %scan3A_124 = arith.constant 0 : i32
        %scan3A_125 = arith.constant 8 : i32
        %scan3A_126 = arith.addi %scan3A_124, %scan3A_125 : i32
        %scan3A_127 = arith.constant 1 : i32
        scf.for %scan3A_157 = %scan3A_124 to %scan3A_126 step %scan3A_127  : i32 {
          %mul3A_158 = arith.constant 8 : i32
          %mul3A_159 = arith.muli %add3A_122, %mul3A_158 : i32
          %add3A_160 = arith.addi %mul3A_159, %scan3A_157 : i32
          %convert_element_type3A = arith.sitofp %add3A_160 : i32 to f32
          %mul3A_161 = arith.constant 0.00502512557 : f32
          %mul3A_162 = arith.mulf %convert_element_type3A, %mul3A_161 : f32
          %mul3A_163 = vector.broadcast %mul3A_162 : f32 to vector<16xf32>
          %mul3A_164 = arith.mulf %gather3A_74, %mul3A_163 : vector<16xf32>
          %add3A_165 = arith.addf %gather3A, %mul3A_164 : vector<16xf32>
          %jit3A = arith.constant 0.000000e+00 : f32
          %jit3A_166 = arith.constant 1.000000e+00 : f32
          %max3A = vector.broadcast %jit3A : f32 to vector<16xf32>
          %max3A_167 = arith.maximumf %max3A, %add3A_165 : vector<16xf32>
          %min3A = vector.broadcast %jit3A_166 : f32 to vector<16xf32>
          %min3A_168 = arith.minimumf %min3A, %max3A_167 : vector<16xf32>
          %mul3A_169 = vector.broadcast %mul3A_162 : f32 to vector<16xf32>
          %mul3A_170 = arith.mulf %gather3A_78, %mul3A_169 : vector<16xf32>
          %add3A_171 = arith.addf %gather3A_66, %mul3A_170 : vector<16xf32>
          %jit3A_172 = arith.constant 0.000000e+00 : f32
          %jit3A_173 = arith.constant 1.000000e+00 : f32
          %max3A_174 = vector.broadcast %jit3A_172 : f32 to vector<16xf32>
          %max3A_175 = arith.maximumf %max3A_174, %add3A_171 : vector<16xf32>
          %min3A_176 = vector.broadcast %jit3A_173 : f32 to vector<16xf32>
          %min3A_177 = arith.minimumf %min3A_176, %max3A_175 : vector<16xf32>
          %mul3A_178 = vector.broadcast %mul3A_162 : f32 to vector<16xf32>
          %mul3A_179 = arith.mulf %gather3A_82, %mul3A_178 : vector<16xf32>
          %add3A_180 = arith.addf %gather3A_70, %mul3A_179 : vector<16xf32>
          %jit3A_181 = arith.constant 0.000000e+00 : f32
          %jit3A_182 = arith.constant 1.000000e+00 : f32
          %max3A_183 = vector.broadcast %jit3A_181 : f32 to vector<16xf32>
          %max3A_184 = arith.maximumf %max3A_183, %add3A_180 : vector<16xf32>
          %min3A_185 = vector.broadcast %jit3A_182 : f32 to vector<16xf32>
          %min3A_186 = arith.minimumf %min3A_185, %max3A_184 : vector<16xf32>
          %mul3A_187 = arith.constant 3.100000e+01 : f32
          %mul3A_188 = vector.broadcast %mul3A_187 : f32 to vector<16xf32>
          %mul3A_189 = arith.mulf %min3A_168, %mul3A_188 : vector<16xf32>
          %mul3A_190 = arith.constant 3.100000e+01 : f32
          %mul3A_191 = vector.broadcast %mul3A_190 : f32 to vector<16xf32>
          %mul3A_192 = arith.mulf %min3A_177, %mul3A_191 : vector<16xf32>
          %mul3A_193 = arith.constant 3.100000e+01 : f32
          %mul3A_194 = vector.broadcast %mul3A_193 : f32 to vector<16xf32>
          %mul3A_195 = arith.mulf %min3A_186, %mul3A_194 : vector<16xf32>
          %convert_element_type3A_196 = arith.fptosi %mul3A_189 : vector<16xf32> to vector<16xi32>
          %convert_element_type3A_197 = arith.fptosi %mul3A_192 : vector<16xf32> to vector<16xi32>
          %convert_element_type3A_198 = arith.fptosi %mul3A_195 : vector<16xf32> to vector<16xi32>
          %convert_element_type3A_199 = arith.sitofp %convert_element_type3A_196 : vector<16xi32> to vector<16xf32>
          %sub3A = arith.subf %mul3A_189, %convert_element_type3A_199 : vector<16xf32>
          %convert_element_type3A_200 = arith.sitofp %convert_element_type3A_197 : vector<16xi32> to vector<16xf32>
          %sub3A_201 = arith.subf %mul3A_192, %convert_element_type3A_200 : vector<16xf32>
          %convert_element_type3A_202 = arith.sitofp %convert_element_type3A_198 : vector<16xi32> to vector<16xf32>
          %sub3A_203 = arith.subf %mul3A_195, %convert_element_type3A_202 : vector<16xf32>
          %mul3A_204 = arith.constant 33 : i32
          %mul3A_205 = vector.broadcast %mul3A_204 : i32 to vector<16xi32>
          %mul3A_206 = arith.muli %convert_element_type3A_197, %mul3A_205 : vector<16xi32>
          %add3A_207 = arith.addi %convert_element_type3A_196, %mul3A_206 : vector<16xi32>
          %mul3A_208 = arith.constant 1089 : i32
          %mul3A_209 = vector.broadcast %mul3A_208 : i32 to vector<16xi32>
          %mul3A_210 = arith.muli %convert_element_type3A_198, %mul3A_209 : vector<16xi32>
          %add3A_211 = arith.addi %add3A_207, %mul3A_210 : vector<16xi32>
          %add3A_212 = arith.constant 0 : i32
          %add3A_213 = vector.broadcast %add3A_212 : i32 to vector<16xi32>
          %add3A_214 = arith.addi %add3A_211, %add3A_213 : vector<16xi32>
          %add3A_215 = arith.constant 0 : i32
          %add3A_216 = vector.broadcast %add3A_215 : i32 to vector<16xi32>
          %add3A_217 = arith.addi %add3A_214, %add3A_216 : vector<16xi32>
          %add3A_218 = arith.constant 0 : i32
          %add3A_219 = vector.broadcast %add3A_218 : i32 to vector<16xi32>
          %add3A_220 = arith.addi %add3A_217, %add3A_219 : vector<16xi32>
          %gather3A_221 = tpu.vector_load_idx %arg7[%add3A_220] : memref<35940xf32, #tpu.memory_space<vmem>>[vector<16xi32>], vector<16xf32>,
          %add3A_222 = arith.constant 1 : i32
          %add3A_223 = vector.broadcast %add3A_222 : i32 to vector<16xi32>
          %add3A_224 = arith.addi %add3A_211, %add3A_223 : vector<16xi32>
          %add3A_225 = arith.constant 0 : i32
          %add3A_226 = vector.broadcast %add3A_225 : i32 to vector<16xi32>
          %add3A_227 = arith.addi %add3A_224, %add3A_226 : vector<16xi32>
          %add3A_228 = arith.constant 0 : i32
          %add3A_229 = vector.broadcast %add3A_228 : i32 to vector<16xi32>
          %add3A_230 = arith.addi %add3A_227, %add3A_229 : vector<16xi32>
          %gather3A_231 = tpu.vector_load_idx %arg7[%add3A_230] : memref<35940xf32, #tpu.memory_space<vmem>>[vector<16xi32>], vector<16xf32>,
          %add3A_232 = arith.constant 0 : i32
          %add3A_233 = vector.broadcast %add3A_232 : i32 to vector<16xi32>
          %add3A_234 = arith.addi %add3A_211, %add3A_233 : vector<16xi32>
          %add3A_235 = arith.constant 33 : i32
          %add3A_236 = vector.broadcast %add3A_235 : i32 to vector<16xi32>
          %add3A_237 = arith.addi %add3A_234, %add3A_236 : vector<16xi32>
          %add3A_238 = arith.constant 0 : i32
          %add3A_239 = vector.broadcast %add3A_238 : i32 to vector<16xi32>
          %add3A_240 = arith.addi %add3A_237, %add3A_239 : vector<16xi32>
          %gather3A_241 = tpu.vector_load_idx %arg7[%add3A_240] : memref<35940xf32, #tpu.memory_space<vmem>>[vector<16xi32>], vector<16xf32>,
          %add3A_242 = arith.constant 1 : i32
          %add3A_243 = vector.broadcast %add3A_242 : i32 to vector<16xi32>
          %add3A_244 = arith.addi %add3A_211, %add3A_243 : vector<16xi32>
          %add3A_245 = arith.constant 33 : i32
          %add3A_246 = vector.broadcast %add3A_245 : i32 to vector<16xi32>
          %add3A_247 = arith.addi %add3A_244, %add3A_246 : vector<16xi32>
          %add3A_248 = arith.constant 0 : i32
          %add3A_249 = vector.broadcast %add3A_248 : i32 to vector<16xi32>
          %add3A_250 = arith.addi %add3A_247, %add3A_249 : vector<16xi32>
          %gather3A_251 = tpu.vector_load_idx %arg7[%add3A_250] : memref<35940xf32, #tpu.memory_space<vmem>>[vector<16xi32>], vector<16xf32>,
          %add3A_252 = arith.constant 0 : i32
          %add3A_253 = vector.broadcast %add3A_252 : i32 to vector<16xi32>
          %add3A_254 = arith.addi %add3A_211, %add3A_253 : vector<16xi32>
          %add3A_255 = arith.constant 0 : i32
          %add3A_256 = vector.broadcast %add3A_255 : i32 to vector<16xi32>
          %add3A_257 = arith.addi %add3A_254, %add3A_256 : vector<16xi32>
          %add3A_258 = arith.constant 1089 : i32
          %add3A_259 = vector.broadcast %add3A_258 : i32 to vector<16xi32>
          %add3A_260 = arith.addi %add3A_257, %add3A_259 : vector<16xi32>
          %gather3A_261 = tpu.vector_load_idx %arg7[%add3A_260] : memref<35940xf32, #tpu.memory_space<vmem>>[vector<16xi32>], vector<16xf32>,
          %add3A_262 = arith.constant 1 : i32
          %add3A_263 = vector.broadcast %add3A_262 : i32 to vector<16xi32>
          %add3A_264 = arith.addi %add3A_211, %add3A_263 : vector<16xi32>
          %add3A_265 = arith.constant 0 : i32
          %add3A_266 = vector.broadcast %add3A_265 : i32 to vector<16xi32>
          %add3A_267 = arith.addi %add3A_264, %add3A_266 : vector<16xi32>
          %add3A_268 = arith.constant 1089 : i32
          %add3A_269 = vector.broadcast %add3A_268 : i32 to vector<16xi32>
          %add3A_270 = arith.addi %add3A_267, %add3A_269 : vector<16xi32>
          %gather3A_271 = tpu.vector_load_idx %arg7[%add3A_270] : memref<35940xf32, #tpu.memory_space<vmem>>[vector<16xi32>], vector<16xf32>,
          %add3A_272 = arith.constant 0 : i32
          %add3A_273 = vector.broadcast %add3A_272 : i32 to vector<16xi32>
          %add3A_274 = arith.addi %add3A_211, %add3A_273 : vector<16xi32>
          %add3A_275 = arith.constant 33 : i32
          %add3A_276 = vector.broadcast %add3A_275 : i32 to vector<16xi32>
          %add3A_277 = arith.addi %add3A_274, %add3A_276 : vector<16xi32>
          %add3A_278 = arith.constant 1089 : i32
          %add3A_279 = vector.broadcast %add3A_278 : i32 to vector<16xi32>
          %add3A_280 = arith.addi %add3A_277, %add3A_279 : vector<16xi32>
          %gather3A_281 = tpu.vector_load_idx %arg7[%add3A_280] : memref<35940xf32, #tpu.memory_space<vmem>>[vector<16xi32>], vector<16xf32>,
          %add3A_282 = arith.constant 1 : i32
          %add3A_283 = vector.broadcast %add3A_282 : i32 to vector<16xi32>
          %add3A_284 = arith.addi %add3A_211, %add3A_283 : vector<16xi32>
          %add3A_285 = arith.constant 33 : i32
          %add3A_286 = vector.broadcast %add3A_285 : i32 to vector<16xi32>
          %add3A_287 = arith.addi %add3A_284, %add3A_286 : vector<16xi32>
          %add3A_288 = arith.constant 1089 : i32
          %add3A_289 = vector.broadcast %add3A_288 : i32 to vector<16xi32>
          %add3A_290 = arith.addi %add3A_287, %add3A_289 : vector<16xi32>
          %gather3A_291 = tpu.vector_load_idx %arg7[%add3A_290] : memref<35940xf32, #tpu.memory_space<vmem>>[vector<16xi32>], vector<16xf32>,
          %sub3A_292 = arith.subf %gather3A_231, %gather3A_221 : vector<16xf32>
          %mul3A_293 = arith.mulf %sub3A, %sub3A_292 : vector<16xf32>
          %add3A_294 = arith.addf %gather3A_221, %mul3A_293 : vector<16xf32>
          %sub3A_295 = arith.subf %gather3A_251, %gather3A_241 : vector<16xf32>
          %mul3A_296 = arith.mulf %sub3A, %sub3A_295 : vector<16xf32>
          %add3A_297 = arith.addf %gather3A_241, %mul3A_296 : vector<16xf32>
          %sub3A_298 = arith.subf %gather3A_271, %gather3A_261 : vector<16xf32>
          %mul3A_299 = arith.mulf %sub3A, %sub3A_298 : vector<16xf32>
          %add3A_300 = arith.addf %gather3A_261, %mul3A_299 : vector<16xf32>
          %sub3A_301 = arith.subf %gather3A_291, %gather3A_281 : vector<16xf32>
          %mul3A_302 = arith.mulf %sub3A, %sub3A_301 : vector<16xf32>
          %add3A_303 = arith.addf %gather3A_281, %mul3A_302 : vector<16xf32>
          %sub3A_304 = arith.subf %add3A_297, %add3A_294 : vector<16xf32>
          %mul3A_305 = arith.mulf %sub3A_201, %sub3A_304 : vector<16xf32>
          %add3A_306 = arith.addf %add3A_294, %mul3A_305 : vector<16xf32>
          %sub3A_307 = arith.subf %add3A_303, %add3A_300 : vector<16xf32>
          %mul3A_308 = arith.mulf %sub3A_201, %sub3A_307 : vector<16xf32>
          %add3A_309 = arith.addf %add3A_300, %mul3A_308 : vector<16xf32>
          %sub3A_310 = arith.subf %add3A_309, %add3A_306 : vector<16xf32>
          %mul3A_311 = arith.mulf %sub3A_203, %sub3A_310 : vector<16xf32>
          %add3A_312 = arith.addf %add3A_306, %mul3A_311 : vector<16xf32>
          %mul3A_313 = arith.constant 16 : i32
          %mul3A_314 = arith.muli %scan3A_157, %mul3A_313 : i32
          %swap3A_315 = arith.constant 1 : i32
          %swap3A_316 = arith.index_cast %swap3A_315 : i32 to index
          %swap3A_317 = arith.index_cast %mul3A_314 : i32 to index
          %swap3A_318 = tpu.vector_load %arg16[%swap3A_316, %swap3A_317] {strides = array<i32>} : memref<2x128xf32, #tpu.memory_space<vmem>>, vector<16xf32>,
          tpu.vector_store %arg16[%swap3A_316, %swap3A_317], %add3A_312 {strides = array<i32>} : memref<2x128xf32, #tpu.memory_space<vmem>>, vector<16xf32>,
          %mul3A_319 = arith.constant 6.300000e+01 : f32
          %mul3A_320 = vector.broadcast %mul3A_319 : f32 to vector<16xf32>
          %mul3A_321 = arith.mulf %min3A_168, %mul3A_320 : vector<16xf32>
          %mul3A_322 = arith.constant 6.300000e+01 : f32
          %mul3A_323 = vector.broadcast %mul3A_322 : f32 to vector<16xf32>
          %mul3A_324 = arith.mulf %min3A_177, %mul3A_323 : vector<16xf32>
          %mul3A_325 = arith.constant 6.300000e+01 : f32
          %mul3A_326 = vector.broadcast %mul3A_325 : f32 to vector<16xf32>
          %mul3A_327 = arith.mulf %min3A_186, %mul3A_326 : vector<16xf32>
          %convert_element_type3A_328 = arith.fptosi %mul3A_321 : vector<16xf32> to vector<16xi32>
          %convert_element_type3A_329 = arith.fptosi %mul3A_324 : vector<16xf32> to vector<16xi32>
          %convert_element_type3A_330 = arith.fptosi %mul3A_327 : vector<16xf32> to vector<16xi32>
          %convert_element_type3A_331 = arith.sitofp %convert_element_type3A_328 : vector<16xi32> to vector<16xf32>
          %sub3A_332 = arith.subf %mul3A_321, %convert_element_type3A_331 : vector<16xf32>
          %convert_element_type3A_333 = arith.sitofp %convert_element_type3A_329 : vector<16xi32> to vector<16xf32>
          %sub3A_334 = arith.subf %mul3A_324, %convert_element_type3A_333 : vector<16xf32>
          %convert_element_type3A_335 = arith.sitofp %convert_element_type3A_330 : vector<16xi32> to vector<16xf32>
          %sub3A_336 = arith.subf %mul3A_327, %convert_element_type3A_335 : vector<16xf32>
          %add3A_337 = arith.constant 0 : i32
          %add3A_338 = arith.addi %add3A_337, %scan3A_157 : i32
          %mul3A_339 = arith.constant 48 : i32
          %mul3A_340 = arith.muli %add3A_338, %mul3A_339 : i32
          %swap3A_341 = arith.constant 1 : i32
          %swap3A_342 = arith.index_cast %swap3A_341 : i32 to index
          %swap3A_343 = arith.index_cast %mul3A_340 : i32 to index
          %swap3A_344 = tpu.vector_load %arg12[%swap3A_342, %swap3A_343] {strides = array<i32>} : memref<2x1152xf32, #tpu.memory_space<vmem>>, vector<16xf32>,
          tpu.vector_store %arg12[%swap3A_342, %swap3A_343], %sub3A_332 {strides = array<i32>} : memref<2x1152xf32, #tpu.memory_space<vmem>>, vector<16xf32>,
          %add3A_345 = arith.constant 16 : i32
          %add3A_346 = arith.addi %mul3A_340, %add3A_345 : i32
          %swap3A_347 = arith.constant 1 : i32
          %swap3A_348 = arith.index_cast %swap3A_347 : i32 to index
          %swap3A_349 = arith.index_cast %add3A_346 : i32 to index
          %swap3A_350 = tpu.vector_load %arg12[%swap3A_348, %swap3A_349] {strides = array<i32>} : memref<2x1152xf32, #tpu.memory_space<vmem>>, vector<16xf32>,
          tpu.vector_store %arg12[%swap3A_348, %swap3A_349], %sub3A_334 {strides = array<i32>} : memref<2x1152xf32, #tpu.memory_space<vmem>>, vector<16xf32>,
          %add3A_351 = arith.constant 32 : i32
          %add3A_352 = arith.addi %mul3A_340, %add3A_351 : i32
          %swap3A_353 = arith.constant 1 : i32
          %swap3A_354 = arith.index_cast %swap3A_353 : i32 to index
          %swap3A_355 = arith.index_cast %add3A_352 : i32 to index
          %swap3A_356 = tpu.vector_load %arg12[%swap3A_354, %swap3A_355] {strides = array<i32>} : memref<2x1152xf32, #tpu.memory_space<vmem>>, vector<16xf32>,
          tpu.vector_store %arg12[%swap3A_354, %swap3A_355], %sub3A_336 {strides = array<i32>} : memref<2x1152xf32, #tpu.memory_space<vmem>>, vector<16xf32>,
          %mul3A_357 = arith.constant 65 : i32
          %mul3A_358 = vector.broadcast %mul3A_357 : i32 to vector<16xi32>
          %mul3A_359 = arith.muli %convert_element_type3A_329, %mul3A_358 : vector<16xi32>
          %add3A_360 = arith.addi %convert_element_type3A_328, %mul3A_359 : vector<16xi32>
          %mul3A_361 = arith.constant 4225 : i32
          %mul3A_362 = vector.broadcast %mul3A_361 : i32 to vector<16xi32>
          %mul3A_363 = arith.muli %convert_element_type3A_330, %mul3A_362 : vector<16xi32>
          %add3A_364 = arith.addi %add3A_360, %mul3A_363 : vector<16xi32>
          %add3A_365 = arith.constant 0 : i32
          %add3A_366 = vector.broadcast %add3A_365 : i32 to vector<16xi32>
          %add3A_367 = arith.addi %add3A_364, %add3A_366 : vector<16xi32>
          %mul3A_368 = arith.constant 128 : i32
          %mul3A_369 = arith.muli %scan3A_157, %mul3A_368 : i32
          %add3A_370 = arith.constant 0 : i32
          %add3A_371 = arith.addi %mul3A_369, %add3A_370 : i32
          %swap3A_372 = arith.index_cast %add3A_371 : i32 to index
          %swap3A_373 = tpu.vector_load %arg11[%swap3A_372] {strides = array<i32>} : memref<3072xi32, #tpu.memory_space<vmem>>, vector<16xi32>,
          tpu.vector_store %arg11[%swap3A_372], %add3A_367 {strides = array<i32>} : memref<3072xi32, #tpu.memory_space<vmem>>, vector<16xi32>,
          %add3A_374 = arith.constant 1 : i32
          %add3A_375 = vector.broadcast %add3A_374 : i32 to vector<16xi32>
          %add3A_376 = arith.addi %add3A_364, %add3A_375 : vector<16xi32>
          %mul3A_377 = arith.constant 128 : i32
          %mul3A_378 = arith.muli %scan3A_157, %mul3A_377 : i32
          %add3A_379 = arith.constant 16 : i32
          %add3A_380 = arith.addi %mul3A_378, %add3A_379 : i32
          %swap3A_381 = arith.index_cast %add3A_380 : i32 to index
          %swap3A_382 = tpu.vector_load %arg11[%swap3A_381] {strides = array<i32>} : memref<3072xi32, #tpu.memory_space<vmem>>, vector<16xi32>,
          tpu.vector_store %arg11[%swap3A_381], %add3A_376 {strides = array<i32>} : memref<3072xi32, #tpu.memory_space<vmem>>, vector<16xi32>,
          %add3A_383 = arith.constant 65 : i32
          %add3A_384 = vector.broadcast %add3A_383 : i32 to vector<16xi32>
          %add3A_385 = arith.addi %add3A_364, %add3A_384 : vector<16xi32>
          %mul3A_386 = arith.constant 128 : i32
          %mul3A_387 = arith.muli %scan3A_157, %mul3A_386 : i32
          %add3A_388 = arith.constant 32 : i32
          %add3A_389 = arith.addi %mul3A_387, %add3A_388 : i32
          %swap3A_390 = arith.index_cast %add3A_389 : i32 to index
          %swap3A_391 = tpu.vector_load %arg11[%swap3A_390] {strides = array<i32>} : memref<3072xi32, #tpu.memory_space<vmem>>, vector<16xi32>,
          tpu.vector_store %arg11[%swap3A_390], %add3A_385 {strides = array<i32>} : memref<3072xi32, #tpu.memory_space<vmem>>, vector<16xi32>,
          %add3A_392 = arith.constant 66 : i32
          %add3A_393 = vector.broadcast %add3A_392 : i32 to vector<16xi32>
          %add3A_394 = arith.addi %add3A_364, %add3A_393 : vector<16xi32>
          %mul3A_395 = arith.constant 128 : i32
          %mul3A_396 = arith.muli %scan3A_157, %mul3A_395 : i32
          %add3A_397 = arith.constant 48 : i32
          %add3A_398 = arith.addi %mul3A_396, %add3A_397 : i32
          %swap3A_399 = arith.index_cast %add3A_398 : i32 to index
          %swap3A_400 = tpu.vector_load %arg11[%swap3A_399] {strides = array<i32>} : memref<3072xi32, #tpu.memory_space<vmem>>, vector<16xi32>,
          tpu.vector_store %arg11[%swap3A_399], %add3A_394 {strides = array<i32>} : memref<3072xi32, #tpu.memory_space<vmem>>, vector<16xi32>,
          %add3A_401 = arith.constant 4225 : i32
          %add3A_402 = vector.broadcast %add3A_401 : i32 to vector<16xi32>
          %add3A_403 = arith.addi %add3A_364, %add3A_402 : vector<16xi32>
          %mul3A_404 = arith.constant 128 : i32
          %mul3A_405 = arith.muli %scan3A_157, %mul3A_404 : i32
          %add3A_406 = arith.constant 64 : i32
          %add3A_407 = arith.addi %mul3A_405, %add3A_406 : i32
          %swap3A_408 = arith.index_cast %add3A_407 : i32 to index
          %swap3A_409 = tpu.vector_load %arg11[%swap3A_408] {strides = array<i32>} : memref<3072xi32, #tpu.memory_space<vmem>>, vector<16xi32>,
          tpu.vector_store %arg11[%swap3A_408], %add3A_403 {strides = array<i32>} : memref<3072xi32, #tpu.memory_space<vmem>>, vector<16xi32>,
          %add3A_410 = arith.constant 4226 : i32
          %add3A_411 = vector.broadcast %add3A_410 : i32 to vector<16xi32>
          %add3A_412 = arith.addi %add3A_364, %add3A_411 : vector<16xi32>
          %mul3A_413 = arith.constant 128 : i32
          %mul3A_414 = arith.muli %scan3A_157, %mul3A_413 : i32
          %add3A_415 = arith.constant 80 : i32
          %add3A_416 = arith.addi %mul3A_414, %add3A_415 : i32
          %swap3A_417 = arith.index_cast %add3A_416 : i32 to index
          %swap3A_418 = tpu.vector_load %arg11[%swap3A_417] {strides = array<i32>} : memref<3072xi32, #tpu.memory_space<vmem>>, vector<16xi32>,
          tpu.vector_store %arg11[%swap3A_417], %add3A_412 {strides = array<i32>} : memref<3072xi32, #tpu.memory_space<vmem>>, vector<16xi32>,
          %add3A_419 = arith.constant 4290 : i32
          %add3A_420 = vector.broadcast %add3A_419 : i32 to vector<16xi32>
          %add3A_421 = arith.addi %add3A_364, %add3A_420 : vector<16xi32>
          %mul3A_422 = arith.constant 128 : i32
          %mul3A_423 = arith.muli %scan3A_157, %mul3A_422 : i32
          %add3A_424 = arith.constant 96 : i32
          %add3A_425 = arith.addi %mul3A_423, %add3A_424 : i32
          %swap3A_426 = arith.index_cast %add3A_425 : i32 to index
          %swap3A_427 = tpu.vector_load %arg11[%swap3A_426] {strides = array<i32>} : memref<3072xi32, #tpu.memory_space<vmem>>, vector<16xi32>,
          tpu.vector_store %arg11[%swap3A_426], %add3A_421 {strides = array<i32>} : memref<3072xi32, #tpu.memory_space<vmem>>, vector<16xi32>,
          %add3A_428 = arith.constant 4291 : i32
          %add3A_429 = vector.broadcast %add3A_428 : i32 to vector<16xi32>
          %add3A_430 = arith.addi %add3A_364, %add3A_429 : vector<16xi32>
          %mul3A_431 = arith.constant 128 : i32
          %mul3A_432 = arith.muli %scan3A_157, %mul3A_431 : i32
          %add3A_433 = arith.constant 112 : i32
          %add3A_434 = arith.addi %mul3A_432, %add3A_433 : i32
          %swap3A_435 = arith.index_cast %add3A_434 : i32 to index
          %swap3A_436 = tpu.vector_load %arg11[%swap3A_435] {strides = array<i32>} : memref<3072xi32, #tpu.memory_space<vmem>>, vector<16xi32>,
          tpu.vector_store %arg11[%swap3A_435], %add3A_430 {strides = array<i32>} : memref<3072xi32, #tpu.memory_space<vmem>>, vector<16xi32>,
          %mul3A_437 = arith.constant 1.270000e+02 : f32
          %mul3A_438 = vector.broadcast %mul3A_437 : f32 to vector<16xf32>
          %mul3A_439 = arith.mulf %min3A_168, %mul3A_438 : vector<16xf32>
          %mul3A_440 = arith.constant 1.270000e+02 : f32
          %mul3A_441 = vector.broadcast %mul3A_440 : f32 to vector<16xf32>
          %mul3A_442 = arith.mulf %min3A_177, %mul3A_441 : vector<16xf32>
          %mul3A_443 = arith.constant 1.270000e+02 : f32
          %mul3A_444 = vector.broadcast %mul3A_443 : f32 to vector<16xf32>
          %mul3A_445 = arith.mulf %min3A_186, %mul3A_444 : vector<16xf32>
          %convert_element_type3A_446 = arith.fptosi %mul3A_439 : vector<16xf32> to vector<16xi32>
          %convert_element_type3A_447 = arith.fptosi %mul3A_442 : vector<16xf32> to vector<16xi32>
          %convert_element_type3A_448 = arith.fptosi %mul3A_445 : vector<16xf32> to vector<16xi32>
          %convert_element_type3A_449 = arith.sitofp %convert_element_type3A_446 : vector<16xi32> to vector<16xf32>
          %sub3A_450 = arith.subf %mul3A_439, %convert_element_type3A_449 : vector<16xf32>
          %convert_element_type3A_451 = arith.sitofp %convert_element_type3A_447 : vector<16xi32> to vector<16xf32>
          %sub3A_452 = arith.subf %mul3A_442, %convert_element_type3A_451 : vector<16xf32>
          %convert_element_type3A_453 = arith.sitofp %convert_element_type3A_448 : vector<16xi32> to vector<16xf32>
          %sub3A_454 = arith.subf %mul3A_445, %convert_element_type3A_453 : vector<16xf32>
          %add3A_455 = arith.constant 8 : i32
          %add3A_456 = arith.addi %add3A_455, %scan3A_157 : i32
          %mul3A_457 = arith.constant 48 : i32
          %mul3A_458 = arith.muli %add3A_456, %mul3A_457 : i32
          %swap3A_459 = arith.constant 1 : i32
          %swap3A_460 = arith.index_cast %swap3A_459 : i32 to index
          %swap3A_461 = arith.index_cast %mul3A_458 : i32 to index
          %swap3A_462 = tpu.vector_load %arg12[%swap3A_460, %swap3A_461] {strides = array<i32>} : memref<2x1152xf32, #tpu.memory_space<vmem>>, vector<16xf32>,
          tpu.vector_store %arg12[%swap3A_460, %swap3A_461], %sub3A_450 {strides = array<i32>} : memref<2x1152xf32, #tpu.memory_space<vmem>>, vector<16xf32>,
          %add3A_463 = arith.constant 16 : i32
          %add3A_464 = arith.addi %mul3A_458, %add3A_463 : i32
          %swap3A_465 = arith.constant 1 : i32
          %swap3A_466 = arith.index_cast %swap3A_465 : i32 to index
          %swap3A_467 = arith.index_cast %add3A_464 : i32 to index
          %swap3A_468 = tpu.vector_load %arg12[%swap3A_466, %swap3A_467] {strides = array<i32>} : memref<2x1152xf32, #tpu.memory_space<vmem>>, vector<16xf32>,
          tpu.vector_store %arg12[%swap3A_466, %swap3A_467], %sub3A_452 {strides = array<i32>} : memref<2x1152xf32, #tpu.memory_space<vmem>>, vector<16xf32>,
          %add3A_469 = arith.constant 32 : i32
          %add3A_470 = arith.addi %mul3A_458, %add3A_469 : i32
          %swap3A_471 = arith.constant 1 : i32
          %swap3A_472 = arith.index_cast %swap3A_471 : i32 to index
          %swap3A_473 = arith.index_cast %add3A_470 : i32 to index
          %swap3A_474 = tpu.vector_load %arg12[%swap3A_472, %swap3A_473] {strides = array<i32>} : memref<2x1152xf32, #tpu.memory_space<vmem>>, vector<16xf32>,
          tpu.vector_store %arg12[%swap3A_472, %swap3A_473], %sub3A_454 {strides = array<i32>} : memref<2x1152xf32, #tpu.memory_space<vmem>>, vector<16xf32>,
          %mul3A_475 = arith.constant -1640531535 : i32
          %mul3A_476 = vector.broadcast %mul3A_475 : i32 to vector<16xi32>
          %mul3A_477 = arith.muli %convert_element_type3A_447, %mul3A_476 : vector<16xi32>
          %add3A_478 = arith.constant -1640531535 : i32
          %add3A_479 = vector.broadcast %add3A_478 : i32 to vector<16xi32>
          %add3A_480 = arith.addi %mul3A_477, %add3A_479 : vector<16xi32>
          %mul3A_481 = arith.constant 805459861 : i32
          %mul3A_482 = vector.broadcast %mul3A_481 : i32 to vector<16xi32>
          %mul3A_483 = arith.muli %convert_element_type3A_448, %mul3A_482 : vector<16xi32>
          %add3A_484 = arith.constant 805459861 : i32
          %add3A_485 = vector.broadcast %add3A_484 : i32 to vector<16xi32>
          %add3A_486 = arith.addi %mul3A_483, %add3A_485 : vector<16xi32>
          %xor3A = arith.xori %convert_element_type3A_446, %convert_element_type3A_447 : vector<16xi32>
          %xor3A_487 = arith.xori %xor3A, %convert_element_type3A_448 : vector<16xi32>
          %and3A = arith.constant 1 : i32
          %and3A_488 = vector.broadcast %and3A : i32 to vector<16xi32>
          %and3A_489 = arith.andi %xor3A_487, %and3A_488 : vector<16xi32>
          %shift_left3A = arith.constant 4 : i32
          %shift_left3A_490 = vector.broadcast %shift_left3A : i32 to vector<16xi32>
          %shift_left3A_491 = arith.shli %and3A_489, %shift_left3A_490 : vector<16xi32>
          %add3A_492 = arith.constant 0 : i32
          %add3A_493 = arith.addi %add3A_492, %scan3A_157 : i32
          %mul3A_494 = arith.constant 16 : i32
          %mul3A_495 = arith.muli %add3A_493, %mul3A_494 : i32
          %swap3A_496 = arith.constant 1 : i32
          %swap3A_497 = arith.index_cast %swap3A_496 : i32 to index
          %swap3A_498 = arith.index_cast %mul3A_495 : i32 to index
          %swap3A_499 = tpu.vector_load %arg13[%swap3A_497, %swap3A_498] {strides = array<i32>} : memref<2x256xi32, #tpu.memory_space<vmem>>, vector<16xi32>,
          tpu.vector_store %arg13[%swap3A_497, %swap3A_498], %shift_left3A_491 {strides = array<i32>} : memref<2x256xi32, #tpu.memory_space<vmem>>, vector<16xi32>,
          %xor3A_500 = arith.xori %convert_element_type3A_446, %mul3A_477 : vector<16xi32>
          %xor3A_501 = arith.xori %xor3A_500, %mul3A_483 : vector<16xi32>
          %and3A_502 = arith.constant 524287 : i32
          %and3A_503 = vector.broadcast %and3A_502 : i32 to vector<16xi32>
          %and3A_504 = arith.andi %xor3A_501, %and3A_503 : vector<16xi32>
          %shift_right_logical3A = arith.constant 1 : i32
          %shift_right_logical3A_505 = vector.broadcast %shift_right_logical3A : i32 to vector<16xi32>
          %shift_right_logical3A_506 = arith.shrui %and3A_504, %shift_right_logical3A_505 : vector<16xi32>
          %add3A_507 = arith.constant 274688 : i32
          %add3A_508 = vector.broadcast %add3A_507 : i32 to vector<16xi32>
          %add3A_509 = arith.addi %shift_right_logical3A_506, %add3A_508 : vector<16xi32>
          %add3A_510 = arith.constant 8 : i32
          %add3A_511 = arith.addi %add3A_510, %scan3A_157 : i32
          %mul3A_512 = arith.constant 128 : i32
          %mul3A_513 = arith.muli %add3A_511, %mul3A_512 : i32
          %add3A_514 = arith.constant 0 : i32
          %add3A_515 = arith.addi %mul3A_513, %add3A_514 : i32
          %swap3A_516 = arith.index_cast %add3A_515 : i32 to index
          %swap3A_517 = tpu.vector_load %arg11[%swap3A_516] {strides = array<i32>} : memref<3072xi32, #tpu.memory_space<vmem>>, vector<16xi32>,
          tpu.vector_store %arg11[%swap3A_516], %add3A_509 {strides = array<i32>} : memref<3072xi32, #tpu.memory_space<vmem>>, vector<16xi32>,
          %add3A_518 = arith.constant 1 : i32
          %add3A_519 = vector.broadcast %add3A_518 : i32 to vector<16xi32>
          %add3A_520 = arith.addi %convert_element_type3A_446, %add3A_519 : vector<16xi32>
          %xor3A_521 = arith.xori %add3A_520, %mul3A_477 : vector<16xi32>
          %xor3A_522 = arith.xori %xor3A_521, %mul3A_483 : vector<16xi32>
          %and3A_523 = arith.constant 524287 : i32
          %and3A_524 = vector.broadcast %and3A_523 : i32 to vector<16xi32>
          %and3A_525 = arith.andi %xor3A_522, %and3A_524 : vector<16xi32>
          %shift_right_logical3A_526 = arith.constant 1 : i32
          %shift_right_logical3A_527 = vector.broadcast %shift_right_logical3A_526 : i32 to vector<16xi32>
          %shift_right_logical3A_528 = arith.shrui %and3A_525, %shift_right_logical3A_527 : vector<16xi32>
          %add3A_529 = arith.constant 274688 : i32
          %add3A_530 = vector.broadcast %add3A_529 : i32 to vector<16xi32>
          %add3A_531 = arith.addi %shift_right_logical3A_528, %add3A_530 : vector<16xi32>
          %add3A_532 = arith.constant 8 : i32
          %add3A_533 = arith.addi %add3A_532, %scan3A_157 : i32
          %mul3A_534 = arith.constant 128 : i32
          %mul3A_535 = arith.muli %add3A_533, %mul3A_534 : i32
          %add3A_536 = arith.constant 16 : i32
          %add3A_537 = arith.addi %mul3A_535, %add3A_536 : i32
          %swap3A_538 = arith.index_cast %add3A_537 : i32 to index
          %swap3A_539 = tpu.vector_load %arg11[%swap3A_538] {strides = array<i32>} : memref<3072xi32, #tpu.memory_space<vmem>>, vector<16xi32>,
          tpu.vector_store %arg11[%swap3A_538], %add3A_531 {strides = array<i32>} : memref<3072xi32, #tpu.memory_space<vmem>>, vector<16xi32>,
          %xor3A_540 = arith.xori %convert_element_type3A_446, %add3A_480 : vector<16xi32>
          %xor3A_541 = arith.xori %xor3A_540, %mul3A_483 : vector<16xi32>
          %and3A_542 = arith.constant 524287 : i32
          %and3A_543 = vector.broadcast %and3A_542 : i32 to vector<16xi32>
          %and3A_544 = arith.andi %xor3A_541, %and3A_543 : vector<16xi32>
          %shift_right_logical3A_545 = arith.constant 1 : i32
          %shift_right_logical3A_546 = vector.broadcast %shift_right_logical3A_545 : i32 to vector<16xi32>
          %shift_right_logical3A_547 = arith.shrui %and3A_544, %shift_right_logical3A_546 : vector<16xi32>
          %add3A_548 = arith.constant 274688 : i32
          %add3A_549 = vector.broadcast %add3A_548 : i32 to vector<16xi32>
          %add3A_550 = arith.addi %shift_right_logical3A_547, %add3A_549 : vector<16xi32>
          %add3A_551 = arith.constant 8 : i32
          %add3A_552 = arith.addi %add3A_551, %scan3A_157 : i32
          %mul3A_553 = arith.constant 128 : i32
          %mul3A_554 = arith.muli %add3A_552, %mul3A_553 : i32
          %add3A_555 = arith.constant 32 : i32
          %add3A_556 = arith.addi %mul3A_554, %add3A_555 : i32
          %swap3A_557 = arith.index_cast %add3A_556 : i32 to index
          %swap3A_558 = tpu.vector_load %arg11[%swap3A_557] {strides = array<i32>} : memref<3072xi32, #tpu.memory_space<vmem>>, vector<16xi32>,
          tpu.vector_store %arg11[%swap3A_557], %add3A_550 {strides = array<i32>} : memref<3072xi32, #tpu.memory_space<vmem>>, vector<16xi32>,
          %add3A_559 = arith.constant 1 : i32
          %add3A_560 = vector.broadcast %add3A_559 : i32 to vector<16xi32>
          %add3A_561 = arith.addi %convert_element_type3A_446, %add3A_560 : vector<16xi32>
          %xor3A_562 = arith.xori %add3A_561, %add3A_480 : vector<16xi32>
          %xor3A_563 = arith.xori %xor3A_562, %mul3A_483 : vector<16xi32>
          %and3A_564 = arith.constant 524287 : i32
          %and3A_565 = vector.broadcast %and3A_564 : i32 to vector<16xi32>
          %and3A_566 = arith.andi %xor3A_563, %and3A_565 : vector<16xi32>
          %shift_right_logical3A_567 = arith.constant 1 : i32
          %shift_right_logical3A_568 = vector.broadcast %shift_right_logical3A_567 : i32 to vector<16xi32>
          %shift_right_logical3A_569 = arith.shrui %and3A_566, %shift_right_logical3A_568 : vector<16xi32>
          %add3A_570 = arith.constant 274688 : i32
          %add3A_571 = vector.broadcast %add3A_570 : i32 to vector<16xi32>
          %add3A_572 = arith.addi %shift_right_logical3A_569, %add3A_571 : vector<16xi32>
          %add3A_573 = arith.constant 8 : i32
          %add3A_574 = arith.addi %add3A_573, %scan3A_157 : i32
          %mul3A_575 = arith.constant 128 : i32
          %mul3A_576 = arith.muli %add3A_574, %mul3A_575 : i32
          %add3A_577 = arith.constant 48 : i32
          %add3A_578 = arith.addi %mul3A_576, %add3A_577 : i32
          %swap3A_579 = arith.index_cast %add3A_578 : i32 to index
          %swap3A_580 = tpu.vector_load %arg11[%swap3A_579] {strides = array<i32>} : memref<3072xi32, #tpu.memory_space<vmem>>, vector<16xi32>,
          tpu.vector_store %arg11[%swap3A_579], %add3A_572 {strides = array<i32>} : memref<3072xi32, #tpu.memory_space<vmem>>, vector<16xi32>,
          %xor3A_581 = arith.xori %convert_element_type3A_446, %mul3A_477 : vector<16xi32>
          %xor3A_582 = arith.xori %xor3A_581, %add3A_486 : vector<16xi32>
          %and3A_583 = arith.constant 524287 : i32
          %and3A_584 = vector.broadcast %and3A_583 : i32 to vector<16xi32>
          %and3A_585 = arith.andi %xor3A_582, %and3A_584 : vector<16xi32>
          %shift_right_logical3A_586 = arith.constant 1 : i32
          %shift_right_logical3A_587 = vector.broadcast %shift_right_logical3A_586 : i32 to vector<16xi32>
          %shift_right_logical3A_588 = arith.shrui %and3A_585, %shift_right_logical3A_587 : vector<16xi32>
          %add3A_589 = arith.constant 274688 : i32
          %add3A_590 = vector.broadcast %add3A_589 : i32 to vector<16xi32>
          %add3A_591 = arith.addi %shift_right_logical3A_588, %add3A_590 : vector<16xi32>
          %add3A_592 = arith.constant 8 : i32
          %add3A_593 = arith.addi %add3A_592, %scan3A_157 : i32
          %mul3A_594 = arith.constant 128 : i32
          %mul3A_595 = arith.muli %add3A_593, %mul3A_594 : i32
          %add3A_596 = arith.constant 64 : i32
          %add3A_597 = arith.addi %mul3A_595, %add3A_596 : i32
          %swap3A_598 = arith.index_cast %add3A_597 : i32 to index
          %swap3A_599 = tpu.vector_load %arg11[%swap3A_598] {strides = array<i32>} : memref<3072xi32, #tpu.memory_space<vmem>>, vector<16xi32>,
          tpu.vector_store %arg11[%swap3A_598], %add3A_591 {strides = array<i32>} : memref<3072xi32, #tpu.memory_space<vmem>>, vector<16xi32>,
          %add3A_600 = arith.constant 1 : i32
          %add3A_601 = vector.broadcast %add3A_600 : i32 to vector<16xi32>
          %add3A_602 = arith.addi %convert_element_type3A_446, %add3A_601 : vector<16xi32>
          %xor3A_603 = arith.xori %add3A_602, %mul3A_477 : vector<16xi32>
          %xor3A_604 = arith.xori %xor3A_603, %add3A_486 : vector<16xi32>
          %and3A_605 = arith.constant 524287 : i32
          %and3A_606 = vector.broadcast %and3A_605 : i32 to vector<16xi32>
          %and3A_607 = arith.andi %xor3A_604, %and3A_606 : vector<16xi32>
          %shift_right_logical3A_608 = arith.constant 1 : i32
          %shift_right_logical3A_609 = vector.broadcast %shift_right_logical3A_608 : i32 to vector<16xi32>
          %shift_right_logical3A_610 = arith.shrui %and3A_607, %shift_right_logical3A_609 : vector<16xi32>
          %add3A_611 = arith.constant 274688 : i32
          %add3A_612 = vector.broadcast %add3A_611 : i32 to vector<16xi32>
          %add3A_613 = arith.addi %shift_right_logical3A_610, %add3A_612 : vector<16xi32>
          %add3A_614 = arith.constant 8 : i32
          %add3A_615 = arith.addi %add3A_614, %scan3A_157 : i32
          %mul3A_616 = arith.constant 128 : i32
          %mul3A_617 = arith.muli %add3A_615, %mul3A_616 : i32
          %add3A_618 = arith.constant 80 : i32
          %add3A_619 = arith.addi %mul3A_617, %add3A_618 : i32
          %swap3A_620 = arith.index_cast %add3A_619 : i32 to index
          %swap3A_621 = tpu.vector_load %arg11[%swap3A_620] {strides = array<i32>} : memref<3072xi32, #tpu.memory_space<vmem>>, vector<16xi32>,
          tpu.vector_store %arg11[%swap3A_620], %add3A_613 {strides = array<i32>} : memref<3072xi32, #tpu.memory_space<vmem>>, vector<16xi32>,
          %xor3A_622 = arith.xori %convert_element_type3A_446, %add3A_480 : vector<16xi32>
          %xor3A_623 = arith.xori %xor3A_622, %add3A_486 : vector<16xi32>
          %and3A_624 = arith.constant 524287 : i32
          %and3A_625 = vector.broadcast %and3A_624 : i32 to vector<16xi32>
          %and3A_626 = arith.andi %xor3A_623, %and3A_625 : vector<16xi32>
          %shift_right_logical3A_627 = arith.constant 1 : i32
          %shift_right_logical3A_628 = vector.broadcast %shift_right_logical3A_627 : i32 to vector<16xi32>
          %shift_right_logical3A_629 = arith.shrui %and3A_626, %shift_right_logical3A_628 : vector<16xi32>
          %add3A_630 = arith.constant 274688 : i32
          %add3A_631 = vector.broadcast %add3A_630 : i32 to vector<16xi32>
          %add3A_632 = arith.addi %shift_right_logical3A_629, %add3A_631 : vector<16xi32>
          %add3A_633 = arith.constant 8 : i32
          %add3A_634 = arith.addi %add3A_633, %scan3A_157 : i32
          %mul3A_635 = arith.constant 128 : i32
          %mul3A_636 = arith.muli %add3A_634, %mul3A_635 : i32
          %add3A_637 = arith.constant 96 : i32
          %add3A_638 = arith.addi %mul3A_636, %add3A_637 : i32
          %swap3A_639 = arith.index_cast %add3A_638 : i32 to index
          %swap3A_640 = tpu.vector_load %arg11[%swap3A_639] {strides = array<i32>} : memref<3072xi32, #tpu.memory_space<vmem>>, vector<16xi32>,
          tpu.vector_store %arg11[%swap3A_639], %add3A_632 {strides = array<i32>} : memref<3072xi32, #tpu.memory_space<vmem>>, vector<16xi32>,
          %add3A_641 = arith.constant 1 : i32
          %add3A_642 = vector.broadcast %add3A_641 : i32 to vector<16xi32>
          %add3A_643 = arith.addi %convert_element_type3A_446, %add3A_642 : vector<16xi32>
          %xor3A_644 = arith.xori %add3A_643, %add3A_480 : vector<16xi32>
          %xor3A_645 = arith.xori %xor3A_644, %add3A_486 : vector<16xi32>
          %and3A_646 = arith.constant 524287 : i32
          %and3A_647 = vector.broadcast %and3A_646 : i32 to vector<16xi32>
          %and3A_648 = arith.andi %xor3A_645, %and3A_647 : vector<16xi32>
          %shift_right_logical3A_649 = arith.constant 1 : i32
          %shift_right_logical3A_650 = vector.broadcast %shift_right_logical3A_649 : i32 to vector<16xi32>
          %shift_right_logical3A_651 = arith.shrui %and3A_648, %shift_right_logical3A_650 : vector<16xi32>
          %add3A_652 = arith.constant 274688 : i32
          %add3A_653 = vector.broadcast %add3A_652 : i32 to vector<16xi32>
          %add3A_654 = arith.addi %shift_right_logical3A_651, %add3A_653 : vector<16xi32>
          %add3A_655 = arith.constant 8 : i32
          %add3A_656 = arith.addi %add3A_655, %scan3A_157 : i32
          %mul3A_657 = arith.constant 128 : i32
          %mul3A_658 = arith.muli %add3A_656, %mul3A_657 : i32
          %add3A_659 = arith.constant 112 : i32
          %add3A_660 = arith.addi %mul3A_658, %add3A_659 : i32
          %swap3A_661 = arith.index_cast %add3A_660 : i32 to index
          %swap3A_662 = tpu.vector_load %arg11[%swap3A_661] {strides = array<i32>} : memref<3072xi32, #tpu.memory_space<vmem>>, vector<16xi32>,
          tpu.vector_store %arg11[%swap3A_661], %add3A_654 {strides = array<i32>} : memref<3072xi32, #tpu.memory_space<vmem>>, vector<16xi32>,
          %mul3A_663 = arith.constant 2.550000e+02 : f32
          %mul3A_664 = vector.broadcast %mul3A_663 : f32 to vector<16xf32>
          %mul3A_665 = arith.mulf %min3A_168, %mul3A_664 : vector<16xf32>
          %mul3A_666 = arith.constant 2.550000e+02 : f32
          %mul3A_667 = vector.broadcast %mul3A_666 : f32 to vector<16xf32>
          %mul3A_668 = arith.mulf %min3A_177, %mul3A_667 : vector<16xf32>
          %mul3A_669 = arith.constant 2.550000e+02 : f32
          %mul3A_670 = vector.broadcast %mul3A_669 : f32 to vector<16xf32>
          %mul3A_671 = arith.mulf %min3A_186, %mul3A_670 : vector<16xf32>
          %convert_element_type3A_672 = arith.fptosi %mul3A_665 : vector<16xf32> to vector<16xi32>
          %convert_element_type3A_673 = arith.fptosi %mul3A_668 : vector<16xf32> to vector<16xi32>
          %convert_element_type3A_674 = arith.fptosi %mul3A_671 : vector<16xf32> to vector<16xi32>
          %convert_element_type3A_675 = arith.sitofp %convert_element_type3A_672 : vector<16xi32> to vector<16xf32>
          %sub3A_676 = arith.subf %mul3A_665, %convert_element_type3A_675 : vector<16xf32>
          %convert_element_type3A_677 = arith.sitofp %convert_element_type3A_673 : vector<16xi32> to vector<16xf32>
          %sub3A_678 = arith.subf %mul3A_668, %convert_element_type3A_677 : vector<16xf32>
          %convert_element_type3A_679 = arith.sitofp %convert_element_type3A_674 : vector<16xi32> to vector<16xf32>
          %sub3A_680 = arith.subf %mul3A_671, %convert_element_type3A_679 : vector<16xf32>
          %add3A_681 = arith.constant 16 : i32
          %add3A_682 = arith.addi %add3A_681, %scan3A_157 : i32
          %mul3A_683 = arith.constant 48 : i32
          %mul3A_684 = arith.muli %add3A_682, %mul3A_683 : i32
          %swap3A_685 = arith.constant 1 : i32
          %swap3A_686 = arith.index_cast %swap3A_685 : i32 to index
          %swap3A_687 = arith.index_cast %mul3A_684 : i32 to index
          %swap3A_688 = tpu.vector_load %arg12[%swap3A_686, %swap3A_687] {strides = array<i32>} : memref<2x1152xf32, #tpu.memory_space<vmem>>, vector<16xf32>,
          tpu.vector_store %arg12[%swap3A_686, %swap3A_687], %sub3A_676 {strides = array<i32>} : memref<2x1152xf32, #tpu.memory_space<vmem>>, vector<16xf32>,
          %add3A_689 = arith.constant 16 : i32
          %add3A_690 = arith.addi %mul3A_684, %add3A_689 : i32
          %swap3A_691 = arith.constant 1 : i32
          %swap3A_692 = arith.index_cast %swap3A_691 : i32 to index
          %swap3A_693 = arith.index_cast %add3A_690 : i32 to index
          %swap3A_694 = tpu.vector_load %arg12[%swap3A_692, %swap3A_693] {strides = array<i32>} : memref<2x1152xf32, #tpu.memory_space<vmem>>, vector<16xf32>,
          tpu.vector_store %arg12[%swap3A_692, %swap3A_693], %sub3A_678 {strides = array<i32>} : memref<2x1152xf32, #tpu.memory_space<vmem>>, vector<16xf32>,
          %add3A_695 = arith.constant 32 : i32
          %add3A_696 = arith.addi %mul3A_684, %add3A_695 : i32
          %swap3A_697 = arith.constant 1 : i32
          %swap3A_698 = arith.index_cast %swap3A_697 : i32 to index
          %swap3A_699 = arith.index_cast %add3A_696 : i32 to index
          %swap3A_700 = tpu.vector_load %arg12[%swap3A_698, %swap3A_699] {strides = array<i32>} : memref<2x1152xf32, #tpu.memory_space<vmem>>, vector<16xf32>,
          tpu.vector_store %arg12[%swap3A_698, %swap3A_699], %sub3A_680 {strides = array<i32>} : memref<2x1152xf32, #tpu.memory_space<vmem>>, vector<16xf32>,
          %mul3A_701 = arith.constant -1640531535 : i32
          %mul3A_702 = vector.broadcast %mul3A_701 : i32 to vector<16xi32>
          %mul3A_703 = arith.muli %convert_element_type3A_673, %mul3A_702 : vector<16xi32>
          %add3A_704 = arith.constant -1640531535 : i32
          %add3A_705 = vector.broadcast %add3A_704 : i32 to vector<16xi32>
          %add3A_706 = arith.addi %mul3A_703, %add3A_705 : vector<16xi32>
          %mul3A_707 = arith.constant 805459861 : i32
          %mul3A_708 = vector.broadcast %mul3A_707 : i32 to vector<16xi32>
          %mul3A_709 = arith.muli %convert_element_type3A_674, %mul3A_708 : vector<16xi32>
          %add3A_710 = arith.constant 805459861 : i32
          %add3A_711 = vector.broadcast %add3A_710 : i32 to vector<16xi32>
          %add3A_712 = arith.addi %mul3A_709, %add3A_711 : vector<16xi32>
          %xor3A_713 = arith.xori %convert_element_type3A_672, %convert_element_type3A_673 : vector<16xi32>
          %xor3A_714 = arith.xori %xor3A_713, %convert_element_type3A_674 : vector<16xi32>
          %and3A_715 = arith.constant 1 : i32
          %and3A_716 = vector.broadcast %and3A_715 : i32 to vector<16xi32>
          %and3A_717 = arith.andi %xor3A_714, %and3A_716 : vector<16xi32>
          %shift_left3A_718 = arith.constant 4 : i32
          %shift_left3A_719 = vector.broadcast %shift_left3A_718 : i32 to vector<16xi32>
          %shift_left3A_720 = arith.shli %and3A_717, %shift_left3A_719 : vector<16xi32>
          %add3A_721 = arith.constant 8 : i32
          %add3A_722 = arith.addi %add3A_721, %scan3A_157 : i32
          %mul3A_723 = arith.constant 16 : i32
          %mul3A_724 = arith.muli %add3A_722, %mul3A_723 : i32
          %swap3A_725 = arith.constant 1 : i32
          %swap3A_726 = arith.index_cast %swap3A_725 : i32 to index
          %swap3A_727 = arith.index_cast %mul3A_724 : i32 to index
          %swap3A_728 = tpu.vector_load %arg13[%swap3A_726, %swap3A_727] {strides = array<i32>} : memref<2x256xi32, #tpu.memory_space<vmem>>, vector<16xi32>,
          tpu.vector_store %arg13[%swap3A_726, %swap3A_727], %shift_left3A_720 {strides = array<i32>} : memref<2x256xi32, #tpu.memory_space<vmem>>, vector<16xi32>,
          %xor3A_729 = arith.xori %convert_element_type3A_672, %mul3A_703 : vector<16xi32>
          %xor3A_730 = arith.xori %xor3A_729, %mul3A_709 : vector<16xi32>
          %and3A_731 = arith.constant 524287 : i32
          %and3A_732 = vector.broadcast %and3A_731 : i32 to vector<16xi32>
          %and3A_733 = arith.andi %xor3A_730, %and3A_732 : vector<16xi32>
          %shift_right_logical3A_734 = arith.constant 1 : i32
          %shift_right_logical3A_735 = vector.broadcast %shift_right_logical3A_734 : i32 to vector<16xi32>
          %shift_right_logical3A_736 = arith.shrui %and3A_733, %shift_right_logical3A_735 : vector<16xi32>
          %add3A_737 = arith.constant 536832 : i32
          %add3A_738 = vector.broadcast %add3A_737 : i32 to vector<16xi32>
          %add3A_739 = arith.addi %shift_right_logical3A_736, %add3A_738 : vector<16xi32>
          %add3A_740 = arith.constant 16 : i32
          %add3A_741 = arith.addi %add3A_740, %scan3A_157 : i32
          %mul3A_742 = arith.constant 128 : i32
          %mul3A_743 = arith.muli %add3A_741, %mul3A_742 : i32
          %add3A_744 = arith.constant 0 : i32
          %add3A_745 = arith.addi %mul3A_743, %add3A_744 : i32
          %swap3A_746 = arith.index_cast %add3A_745 : i32 to index
          %swap3A_747 = tpu.vector_load %arg11[%swap3A_746] {strides = array<i32>} : memref<3072xi32, #tpu.memory_space<vmem>>, vector<16xi32>,
          tpu.vector_store %arg11[%swap3A_746], %add3A_739 {strides = array<i32>} : memref<3072xi32, #tpu.memory_space<vmem>>, vector<16xi32>,
          %add3A_748 = arith.constant 1 : i32
          %add3A_749 = vector.broadcast %add3A_748 : i32 to vector<16xi32>
          %add3A_750 = arith.addi %convert_element_type3A_672, %add3A_749 : vector<16xi32>
          %xor3A_751 = arith.xori %add3A_750, %mul3A_703 : vector<16xi32>
          %xor3A_752 = arith.xori %xor3A_751, %mul3A_709 : vector<16xi32>
          %and3A_753 = arith.constant 524287 : i32
          %and3A_754 = vector.broadcast %and3A_753 : i32 to vector<16xi32>
          %and3A_755 = arith.andi %xor3A_752, %and3A_754 : vector<16xi32>
          %shift_right_logical3A_756 = arith.constant 1 : i32
          %shift_right_logical3A_757 = vector.broadcast %shift_right_logical3A_756 : i32 to vector<16xi32>
          %shift_right_logical3A_758 = arith.shrui %and3A_755, %shift_right_logical3A_757 : vector<16xi32>
          %add3A_759 = arith.constant 536832 : i32
          %add3A_760 = vector.broadcast %add3A_759 : i32 to vector<16xi32>
          %add3A_761 = arith.addi %shift_right_logical3A_758, %add3A_760 : vector<16xi32>
          %add3A_762 = arith.constant 16 : i32
          %add3A_763 = arith.addi %add3A_762, %scan3A_157 : i32
          %mul3A_764 = arith.constant 128 : i32
          %mul3A_765 = arith.muli %add3A_763, %mul3A_764 : i32
          %add3A_766 = arith.constant 16 : i32
          %add3A_767 = arith.addi %mul3A_765, %add3A_766 : i32
          %swap3A_768 = arith.index_cast %add3A_767 : i32 to index
          %swap3A_769 = tpu.vector_load %arg11[%swap3A_768] {strides = array<i32>} : memref<3072xi32, #tpu.memory_space<vmem>>, vector<16xi32>,
          tpu.vector_store %arg11[%swap3A_768], %add3A_761 {strides = array<i32>} : memref<3072xi32, #tpu.memory_space<vmem>>, vector<16xi32>,
          %xor3A_770 = arith.xori %convert_element_type3A_672, %add3A_706 : vector<16xi32>
          %xor3A_771 = arith.xori %xor3A_770, %mul3A_709 : vector<16xi32>
          %and3A_772 = arith.constant 524287 : i32
          %and3A_773 = vector.broadcast %and3A_772 : i32 to vector<16xi32>
          %and3A_774 = arith.andi %xor3A_771, %and3A_773 : vector<16xi32>
          %shift_right_logical3A_775 = arith.constant 1 : i32
          %shift_right_logical3A_776 = vector.broadcast %shift_right_logical3A_775 : i32 to vector<16xi32>
          %shift_right_logical3A_777 = arith.shrui %and3A_774, %shift_right_logical3A_776 : vector<16xi32>
          %add3A_778 = arith.constant 536832 : i32
          %add3A_779 = vector.broadcast %add3A_778 : i32 to vector<16xi32>
          %add3A_780 = arith.addi %shift_right_logical3A_777, %add3A_779 : vector<16xi32>
          %add3A_781 = arith.constant 16 : i32
          %add3A_782 = arith.addi %add3A_781, %scan3A_157 : i32
          %mul3A_783 = arith.constant 128 : i32
          %mul3A_784 = arith.muli %add3A_782, %mul3A_783 : i32
          %add3A_785 = arith.constant 32 : i32
          %add3A_786 = arith.addi %mul3A_784, %add3A_785 : i32
          %swap3A_787 = arith.index_cast %add3A_786 : i32 to index
          %swap3A_788 = tpu.vector_load %arg11[%swap3A_787] {strides = array<i32>} : memref<3072xi32, #tpu.memory_space<vmem>>, vector<16xi32>,
          tpu.vector_store %arg11[%swap3A_787], %add3A_780 {strides = array<i32>} : memref<3072xi32, #tpu.memory_space<vmem>>, vector<16xi32>,
          %add3A_789 = arith.constant 1 : i32
          %add3A_790 = vector.broadcast %add3A_789 : i32 to vector<16xi32>
          %add3A_791 = arith.addi %convert_element_type3A_672, %add3A_790 : vector<16xi32>
          %xor3A_792 = arith.xori %add3A_791, %add3A_706 : vector<16xi32>
          %xor3A_793 = arith.xori %xor3A_792, %mul3A_709 : vector<16xi32>
          %and3A_794 = arith.constant 524287 : i32
          %and3A_795 = vector.broadcast %and3A_794 : i32 to vector<16xi32>
          %and3A_796 = arith.andi %xor3A_793, %and3A_795 : vector<16xi32>
          %shift_right_logical3A_797 = arith.constant 1 : i32
          %shift_right_logical3A_798 = vector.broadcast %shift_right_logical3A_797 : i32 to vector<16xi32>
          %shift_right_logical3A_799 = arith.shrui %and3A_796, %shift_right_logical3A_798 : vector<16xi32>
          %add3A_800 = arith.constant 536832 : i32
          %add3A_801 = vector.broadcast %add3A_800 : i32 to vector<16xi32>
          %add3A_802 = arith.addi %shift_right_logical3A_799, %add3A_801 : vector<16xi32>
          %add3A_803 = arith.constant 16 : i32
          %add3A_804 = arith.addi %add3A_803, %scan3A_157 : i32
          %mul3A_805 = arith.constant 128 : i32
          %mul3A_806 = arith.muli %add3A_804, %mul3A_805 : i32
          %add3A_807 = arith.constant 48 : i32
          %add3A_808 = arith.addi %mul3A_806, %add3A_807 : i32
          %swap3A_809 = arith.index_cast %add3A_808 : i32 to index
          %swap3A_810 = tpu.vector_load %arg11[%swap3A_809] {strides = array<i32>} : memref<3072xi32, #tpu.memory_space<vmem>>, vector<16xi32>,
          tpu.vector_store %arg11[%swap3A_809], %add3A_802 {strides = array<i32>} : memref<3072xi32, #tpu.memory_space<vmem>>, vector<16xi32>,
          %xor3A_811 = arith.xori %convert_element_type3A_672, %mul3A_703 : vector<16xi32>
          %xor3A_812 = arith.xori %xor3A_811, %add3A_712 : vector<16xi32>
          %and3A_813 = arith.constant 524287 : i32
          %and3A_814 = vector.broadcast %and3A_813 : i32 to vector<16xi32>
          %and3A_815 = arith.andi %xor3A_812, %and3A_814 : vector<16xi32>
          %shift_right_logical3A_816 = arith.constant 1 : i32
          %shift_right_logical3A_817 = vector.broadcast %shift_right_logical3A_816 : i32 to vector<16xi32>
          %shift_right_logical3A_818 = arith.shrui %and3A_815, %shift_right_logical3A_817 : vector<16xi32>
          %add3A_819 = arith.constant 536832 : i32
          %add3A_820 = vector.broadcast %add3A_819 : i32 to vector<16xi32>
          %add3A_821 = arith.addi %shift_right_logical3A_818, %add3A_820 : vector<16xi32>
          %add3A_822 = arith.constant 16 : i32
          %add3A_823 = arith.addi %add3A_822, %scan3A_157 : i32
          %mul3A_824 = arith.constant 128 : i32
          %mul3A_825 = arith.muli %add3A_823, %mul3A_824 : i32
          %add3A_826 = arith.constant 64 : i32
          %add3A_827 = arith.addi %mul3A_825, %add3A_826 : i32
          %swap3A_828 = arith.index_cast %add3A_827 : i32 to index
          %swap3A_829 = tpu.vector_load %arg11[%swap3A_828] {strides = array<i32>} : memref<3072xi32, #tpu.memory_space<vmem>>, vector<16xi32>,
          tpu.vector_store %arg11[%swap3A_828], %add3A_821 {strides = array<i32>} : memref<3072xi32, #tpu.memory_space<vmem>>, vector<16xi32>,
          %add3A_830 = arith.constant 1 : i32
          %add3A_831 = vector.broadcast %add3A_830 : i32 to vector<16xi32>
          %add3A_832 = arith.addi %convert_element_type3A_672, %add3A_831 : vector<16xi32>
          %xor3A_833 = arith.xori %add3A_832, %mul3A_703 : vector<16xi32>
          %xor3A_834 = arith.xori %xor3A_833, %add3A_712 : vector<16xi32>
          %and3A_835 = arith.constant 524287 : i32
          %and3A_836 = vector.broadcast %and3A_835 : i32 to vector<16xi32>
          %and3A_837 = arith.andi %xor3A_834, %and3A_836 : vector<16xi32>
          %shift_right_logical3A_838 = arith.constant 1 : i32
          %shift_right_logical3A_839 = vector.broadcast %shift_right_logical3A_838 : i32 to vector<16xi32>
          %shift_right_logical3A_840 = arith.shrui %and3A_837, %shift_right_logical3A_839 : vector<16xi32>
          %add3A_841 = arith.constant 536832 : i32
          %add3A_842 = vector.broadcast %add3A_841 : i32 to vector<16xi32>
          %add3A_843 = arith.addi %shift_right_logical3A_840, %add3A_842 : vector<16xi32>
          %add3A_844 = arith.constant 16 : i32
          %add3A_845 = arith.addi %add3A_844, %scan3A_157 : i32
          %mul3A_846 = arith.constant 128 : i32
          %mul3A_847 = arith.muli %add3A_845, %mul3A_846 : i32
          %add3A_848 = arith.constant 80 : i32
          %add3A_849 = arith.addi %mul3A_847, %add3A_848 : i32
          %swap3A_850 = arith.index_cast %add3A_849 : i32 to index
          %swap3A_851 = tpu.vector_load %arg11[%swap3A_850] {strides = array<i32>} : memref<3072xi32, #tpu.memory_space<vmem>>, vector<16xi32>,
          tpu.vector_store %arg11[%swap3A_850], %add3A_843 {strides = array<i32>} : memref<3072xi32, #tpu.memory_space<vmem>>, vector<16xi32>,
          %xor3A_852 = arith.xori %convert_element_type3A_672, %add3A_706 : vector<16xi32>
          %xor3A_853 = arith.xori %xor3A_852, %add3A_712 : vector<16xi32>
          %and3A_854 = arith.constant 524287 : i32
          %and3A_855 = vector.broadcast %and3A_854 : i32 to vector<16xi32>
          %and3A_856 = arith.andi %xor3A_853, %and3A_855 : vector<16xi32>
          %shift_right_logical3A_857 = arith.constant 1 : i32
          %shift_right_logical3A_858 = vector.broadcast %shift_right_logical3A_857 : i32 to vector<16xi32>
          %shift_right_logical3A_859 = arith.shrui %and3A_856, %shift_right_logical3A_858 : vector<16xi32>
          %add3A_860 = arith.constant 536832 : i32
          %add3A_861 = vector.broadcast %add3A_860 : i32 to vector<16xi32>
          %add3A_862 = arith.addi %shift_right_logical3A_859, %add3A_861 : vector<16xi32>
          %add3A_863 = arith.constant 16 : i32
          %add3A_864 = arith.addi %add3A_863, %scan3A_157 : i32
          %mul3A_865 = arith.constant 128 : i32
          %mul3A_866 = arith.muli %add3A_864, %mul3A_865 : i32
          %add3A_867 = arith.constant 96 : i32
          %add3A_868 = arith.addi %mul3A_866, %add3A_867 : i32
          %swap3A_869 = arith.index_cast %add3A_868 : i32 to index
          %swap3A_870 = tpu.vector_load %arg11[%swap3A_869] {strides = array<i32>} : memref<3072xi32, #tpu.memory_space<vmem>>, vector<16xi32>,
          tpu.vector_store %arg11[%swap3A_869], %add3A_862 {strides = array<i32>} : memref<3072xi32, #tpu.memory_space<vmem>>, vector<16xi32>,
          %add3A_871 = arith.constant 1 : i32
          %add3A_872 = vector.broadcast %add3A_871 : i32 to vector<16xi32>
          %add3A_873 = arith.addi %convert_element_type3A_672, %add3A_872 : vector<16xi32>
          %xor3A_874 = arith.xori %add3A_873, %add3A_706 : vector<16xi32>
          %xor3A_875 = arith.xori %xor3A_874, %add3A_712 : vector<16xi32>
          %and3A_876 = arith.constant 524287 : i32
          %and3A_877 = vector.broadcast %and3A_876 : i32 to vector<16xi32>
          %and3A_878 = arith.andi %xor3A_875, %and3A_877 : vector<16xi32>
          %shift_right_logical3A_879 = arith.constant 1 : i32
          %shift_right_logical3A_880 = vector.broadcast %shift_right_logical3A_879 : i32 to vector<16xi32>
          %shift_right_logical3A_881 = arith.shrui %and3A_878, %shift_right_logical3A_880 : vector<16xi32>
          %add3A_882 = arith.constant 536832 : i32
          %add3A_883 = vector.broadcast %add3A_882 : i32 to vector<16xi32>
          %add3A_884 = arith.addi %shift_right_logical3A_881, %add3A_883 : vector<16xi32>
          %add3A_885 = arith.constant 16 : i32
          %add3A_886 = arith.addi %add3A_885, %scan3A_157 : i32
          %mul3A_887 = arith.constant 128 : i32
          %mul3A_888 = arith.muli %add3A_886, %mul3A_887 : i32
          %add3A_889 = arith.constant 112 : i32
          %add3A_890 = arith.addi %mul3A_888, %add3A_889 : i32
          %swap3A_891 = arith.index_cast %add3A_890 : i32 to index
          %swap3A_892 = tpu.vector_load %arg11[%swap3A_891] {strides = array<i32>} : memref<3072xi32, #tpu.memory_space<vmem>>, vector<16xi32>,
          tpu.vector_store %arg11[%swap3A_891], %add3A_884 {strides = array<i32>} : memref<3072xi32, #tpu.memory_space<vmem>>, vector<16xi32>,
        }
        %scan3A_128 = arith.constant 8 : i32
        %dma_start3A_129 = arith.constant 0 : i32
        %dma_start3A_130 = tpu.memref_slice %arg19[%dma_start3A_129] : memref<802816xi32, #tpu.memory_space<vmem_shared>> -> memref<802816xi32, #tpu.memory_space<vmem_shared>>
        tpu.enqueue_indirect_dma source(%dma_start3A_130 : memref<802816xi32, #tpu.memory_space<vmem_shared>>) target(%arg15 : memref<3072xi32, #tpu.memory_space<vmem>>) offsets(%arg11 : memref<3072xi32, #tpu.memory_space<vmem>>) semaphore(%arg21 : memref<!tpu.dma_semaphore, #tpu.memory_space<semaphore_mem>>)
        %dma_wait3A_131 = arith.constant 0 : i32
        %dma_wait3A_132 = tpu.memref_slice %arg19[%dma_wait3A_131] : memref<802816xi32, #tpu.memory_space<vmem_shared>> -> memref<802816xi32, #tpu.memory_space<vmem_shared>>
        tpu.wait_indirect_dma semaphore(%arg20 : memref<!tpu.dma_semaphore, #tpu.memory_space<semaphore_mem>>) src(%dma_wait3A_132 : memref<802816xi32, #tpu.memory_space<vmem_shared>>) dst(%arg14 : memref<3072xi32, #tpu.memory_space<vmem>>)
        %scan3A_133 = arith.constant 0 : i32
        %scan3A_134 = arith.constant 8 : i32
        %scan3A_135 = arith.addi %scan3A_133, %scan3A_134 : i32
        %scan3A_136 = arith.constant 1 : i32
        %scan3A_137 = scf.for %scan3A_157 = %scan3A_133 to %scan3A_135 step %scan3A_136 iter_args(%scan3A_158 = %scan3A_118) -> (vector<16xf32>)  : i32 {
          %mul3A_159 = arith.constant 16 : i32
          %mul3A_160 = arith.muli %scan3A_157, %mul3A_159 : i32
          %get3A_161 = arith.constant 0 : i32
          %get3A_162 = arith.index_cast %get3A_161 : i32 to index
          %get3A_163 = arith.index_cast %mul3A_160 : i32 to index
          %get3A_164 = tpu.vector_load %arg16[%get3A_162, %get3A_163] {strides = array<i32>} : memref<2x128xf32, #tpu.memory_space<vmem>>, vector<16xf32>,
          %mul3A_165 = arith.constant 48 : i32
          %mul3A_166 = arith.muli %scan3A_157, %mul3A_165 : i32
          %get3A_167 = arith.constant 0 : i32
          %get3A_168 = arith.index_cast %get3A_167 : i32 to index
          %get3A_169 = arith.index_cast %mul3A_166 : i32 to index
          %get3A_170 = tpu.vector_load %arg12[%get3A_168, %get3A_169] {strides = array<i32>} : memref<2x1152xf32, #tpu.memory_space<vmem>>, vector<16xf32>,
          %add3A_171 = arith.constant 16 : i32
          %add3A_172 = arith.addi %mul3A_166, %add3A_171 : i32
          %get3A_173 = arith.constant 0 : i32
          %get3A_174 = arith.index_cast %get3A_173 : i32 to index
          %get3A_175 = arith.index_cast %add3A_172 : i32 to index
          %get3A_176 = tpu.vector_load %arg12[%get3A_174, %get3A_175] {strides = array<i32>} : memref<2x1152xf32, #tpu.memory_space<vmem>>, vector<16xf32>,
          %add3A_177 = arith.constant 32 : i32
          %add3A_178 = arith.addi %mul3A_166, %add3A_177 : i32
          %get3A_179 = arith.constant 0 : i32
          %get3A_180 = arith.index_cast %get3A_179 : i32 to index
          %get3A_181 = arith.index_cast %add3A_178 : i32 to index
          %get3A_182 = tpu.vector_load %arg12[%get3A_180, %get3A_181] {strides = array<i32>} : memref<2x1152xf32, #tpu.memory_space<vmem>>, vector<16xf32>,
          %mul3A_183 = arith.constant 128 : i32
          %mul3A_184 = arith.muli %scan3A_157, %mul3A_183 : i32
          %add3A_185 = arith.constant 0 : i32
          %add3A_186 = arith.addi %mul3A_184, %add3A_185 : i32
          %get3A_187 = arith.index_cast %add3A_186 : i32 to index
          %get3A_188 = tpu.vector_load %arg14[%get3A_187] {strides = array<i32>} : memref<3072xi32, #tpu.memory_space<vmem>>, vector<16xi32>,
          %bitcast3A = vector.bitcast %get3A_188 : vector<16xi32> to vector<16xf32>
          %mul3A_189 = arith.constant 128 : i32
          %mul3A_190 = arith.muli %scan3A_157, %mul3A_189 : i32
          %add3A_191 = arith.constant 16 : i32
          %add3A_192 = arith.addi %mul3A_190, %add3A_191 : i32
          %get3A_193 = arith.index_cast %add3A_192 : i32 to index
          %get3A_194 = tpu.vector_load %arg14[%get3A_193] {strides = array<i32>} : memref<3072xi32, #tpu.memory_space<vmem>>, vector<16xi32>,
          %bitcast3A_195 = vector.bitcast %get3A_194 : vector<16xi32> to vector<16xf32>
          %mul3A_196 = arith.constant 128 : i32
          %mul3A_197 = arith.muli %scan3A_157, %mul3A_196 : i32
          %add3A_198 = arith.constant 32 : i32
          %add3A_199 = arith.addi %mul3A_197, %add3A_198 : i32
          %get3A_200 = arith.index_cast %add3A_199 : i32 to index
          %get3A_201 = tpu.vector_load %arg14[%get3A_200] {strides = array<i32>} : memref<3072xi32, #tpu.memory_space<vmem>>, vector<16xi32>,
          %bitcast3A_202 = vector.bitcast %get3A_201 : vector<16xi32> to vector<16xf32>
          %mul3A_203 = arith.constant 128 : i32
          %mul3A_204 = arith.muli %scan3A_157, %mul3A_203 : i32
          %add3A_205 = arith.constant 48 : i32
          %add3A_206 = arith.addi %mul3A_204, %add3A_205 : i32
          %get3A_207 = arith.index_cast %add3A_206 : i32 to index
          %get3A_208 = tpu.vector_load %arg14[%get3A_207] {strides = array<i32>} : memref<3072xi32, #tpu.memory_space<vmem>>, vector<16xi32>,
          %bitcast3A_209 = vector.bitcast %get3A_208 : vector<16xi32> to vector<16xf32>
          %mul3A_210 = arith.constant 128 : i32
          %mul3A_211 = arith.muli %scan3A_157, %mul3A_210 : i32
          %add3A_212 = arith.constant 64 : i32
          %add3A_213 = arith.addi %mul3A_211, %add3A_212 : i32
          %get3A_214 = arith.index_cast %add3A_213 : i32 to index
          %get3A_215 = tpu.vector_load %arg14[%get3A_214] {strides = array<i32>} : memref<3072xi32, #tpu.memory_space<vmem>>, vector<16xi32>,
          %bitcast3A_216 = vector.bitcast %get3A_215 : vector<16xi32> to vector<16xf32>
          %mul3A_217 = arith.constant 128 : i32
          %mul3A_218 = arith.muli %scan3A_157, %mul3A_217 : i32
          %add3A_219 = arith.constant 80 : i32
          %add3A_220 = arith.addi %mul3A_218, %add3A_219 : i32
          %get3A_221 = arith.index_cast %add3A_220 : i32 to index
          %get3A_222 = tpu.vector_load %arg14[%get3A_221] {strides = array<i32>} : memref<3072xi32, #tpu.memory_space<vmem>>, vector<16xi32>,
          %bitcast3A_223 = vector.bitcast %get3A_222 : vector<16xi32> to vector<16xf32>
          %mul3A_224 = arith.constant 128 : i32
          %mul3A_225 = arith.muli %scan3A_157, %mul3A_224 : i32
          %add3A_226 = arith.constant 96 : i32
          %add3A_227 = arith.addi %mul3A_225, %add3A_226 : i32
          %get3A_228 = arith.index_cast %add3A_227 : i32 to index
          %get3A_229 = tpu.vector_load %arg14[%get3A_228] {strides = array<i32>} : memref<3072xi32, #tpu.memory_space<vmem>>, vector<16xi32>,
          %bitcast3A_230 = vector.bitcast %get3A_229 : vector<16xi32> to vector<16xf32>
          %mul3A_231 = arith.constant 128 : i32
          %mul3A_232 = arith.muli %scan3A_157, %mul3A_231 : i32
          %add3A_233 = arith.constant 112 : i32
          %add3A_234 = arith.addi %mul3A_232, %add3A_233 : i32
          %get3A_235 = arith.index_cast %add3A_234 : i32 to index
          %get3A_236 = tpu.vector_load %arg14[%get3A_235] {strides = array<i32>} : memref<3072xi32, #tpu.memory_space<vmem>>, vector<16xi32>,
          %bitcast3A_237 = vector.bitcast %get3A_236 : vector<16xi32> to vector<16xf32>
          %sub3A = arith.subf %bitcast3A_195, %bitcast3A : vector<16xf32>
          %mul3A_238 = arith.mulf %get3A_170, %sub3A : vector<16xf32>
          %add3A_239 = arith.addf %bitcast3A, %mul3A_238 : vector<16xf32>
          %sub3A_240 = arith.subf %bitcast3A_209, %bitcast3A_202 : vector<16xf32>
          %mul3A_241 = arith.mulf %get3A_170, %sub3A_240 : vector<16xf32>
          %add3A_242 = arith.addf %bitcast3A_202, %mul3A_241 : vector<16xf32>
          %sub3A_243 = arith.subf %bitcast3A_223, %bitcast3A_216 : vector<16xf32>
          %mul3A_244 = arith.mulf %get3A_170, %sub3A_243 : vector<16xf32>
          %add3A_245 = arith.addf %bitcast3A_216, %mul3A_244 : vector<16xf32>
          %sub3A_246 = arith.subf %bitcast3A_237, %bitcast3A_230 : vector<16xf32>
          %mul3A_247 = arith.mulf %get3A_170, %sub3A_246 : vector<16xf32>
          %add3A_248 = arith.addf %bitcast3A_230, %mul3A_247 : vector<16xf32>
          %sub3A_249 = arith.subf %add3A_242, %add3A_239 : vector<16xf32>
          %mul3A_250 = arith.mulf %get3A_176, %sub3A_249 : vector<16xf32>
          %add3A_251 = arith.addf %add3A_239, %mul3A_250 : vector<16xf32>
          %sub3A_252 = arith.subf %add3A_248, %add3A_245 : vector<16xf32>
          %mul3A_253 = arith.mulf %get3A_176, %sub3A_252 : vector<16xf32>
          %add3A_254 = arith.addf %add3A_245, %mul3A_253 : vector<16xf32>
          %sub3A_255 = arith.subf %add3A_254, %add3A_251 : vector<16xf32>
          %mul3A_256 = arith.mulf %get3A_182, %sub3A_255 : vector<16xf32>
          %add3A_257 = arith.addf %add3A_251, %mul3A_256 : vector<16xf32>
          %add3A_258 = arith.addf %get3A_164, %add3A_257 : vector<16xf32>
          %add3A_259 = arith.constant 8 : i32
          %add3A_260 = arith.addi %add3A_259, %scan3A_157 : i32
          %mul3A_261 = arith.constant 48 : i32
          %mul3A_262 = arith.muli %add3A_260, %mul3A_261 : i32
          %get3A_263 = arith.constant 0 : i32
          %get3A_264 = arith.index_cast %get3A_263 : i32 to index
          %get3A_265 = arith.index_cast %mul3A_262 : i32 to index
          %get3A_266 = tpu.vector_load %arg12[%get3A_264, %get3A_265] {strides = array<i32>} : memref<2x1152xf32, #tpu.memory_space<vmem>>, vector<16xf32>,
          %add3A_267 = arith.constant 16 : i32
          %add3A_268 = arith.addi %mul3A_262, %add3A_267 : i32
          %get3A_269 = arith.constant 0 : i32
          %get3A_270 = arith.index_cast %get3A_269 : i32 to index
          %get3A_271 = arith.index_cast %add3A_268 : i32 to index
          %get3A_272 = tpu.vector_load %arg12[%get3A_270, %get3A_271] {strides = array<i32>} : memref<2x1152xf32, #tpu.memory_space<vmem>>, vector<16xf32>,
          %add3A_273 = arith.constant 32 : i32
          %add3A_274 = arith.addi %mul3A_262, %add3A_273 : i32
          %get3A_275 = arith.constant 0 : i32
          %get3A_276 = arith.index_cast %get3A_275 : i32 to index
          %get3A_277 = arith.index_cast %add3A_274 : i32 to index
          %get3A_278 = tpu.vector_load %arg12[%get3A_276, %get3A_277] {strides = array<i32>} : memref<2x1152xf32, #tpu.memory_space<vmem>>, vector<16xf32>,
          %add3A_279 = arith.constant 0 : i32
          %add3A_280 = arith.addi %add3A_279, %scan3A_157 : i32
          %mul3A_281 = arith.constant 16 : i32
          %mul3A_282 = arith.muli %add3A_280, %mul3A_281 : i32
          %get3A_283 = arith.constant 0 : i32
          %get3A_284 = arith.index_cast %get3A_283 : i32 to index
          %get3A_285 = arith.index_cast %mul3A_282 : i32 to index
          %get3A_286 = tpu.vector_load %arg13[%get3A_284, %get3A_285] {strides = array<i32>} : memref<2x256xi32, #tpu.memory_space<vmem>>, vector<16xi32>,
          %xor3A = arith.constant 16 : i32
          %xor3A_287 = vector.broadcast %xor3A : i32 to vector<16xi32>
          %xor3A_288 = arith.xori %get3A_286, %xor3A_287 : vector<16xi32>
          %add3A_289 = arith.constant 8 : i32
          %add3A_290 = arith.addi %add3A_289, %scan3A_157 : i32
          %mul3A_291 = arith.constant 128 : i32
          %mul3A_292 = arith.muli %add3A_290, %mul3A_291 : i32
          %add3A_293 = arith.constant 0 : i32
          %add3A_294 = arith.addi %mul3A_292, %add3A_293 : i32
          %get3A_295 = arith.index_cast %add3A_294 : i32 to index
          %get3A_296 = tpu.vector_load %arg14[%get3A_295] {strides = array<i32>} : memref<3072xi32, #tpu.memory_space<vmem>>, vector<16xi32>,
          %shift_left3A = arith.shli %get3A_296, %xor3A_288 : vector<16xi32>
          %and3A = arith.constant -65536 : i32
          %and3A_297 = vector.broadcast %and3A : i32 to vector<16xi32>
          %and3A_298 = arith.andi %shift_left3A, %and3A_297 : vector<16xi32>
          %bitcast3A_299 = vector.bitcast %and3A_298 : vector<16xi32> to vector<16xf32>
          %add3A_300 = arith.constant 8 : i32
          %add3A_301 = arith.addi %add3A_300, %scan3A_157 : i32
          %mul3A_302 = arith.constant 128 : i32
          %mul3A_303 = arith.muli %add3A_301, %mul3A_302 : i32
          %add3A_304 = arith.constant 16 : i32
          %add3A_305 = arith.addi %mul3A_303, %add3A_304 : i32
          %get3A_306 = arith.index_cast %add3A_305 : i32 to index
          %get3A_307 = tpu.vector_load %arg14[%get3A_306] {strides = array<i32>} : memref<3072xi32, #tpu.memory_space<vmem>>, vector<16xi32>,
          %shift_left3A_308 = arith.shli %get3A_307, %get3A_286 : vector<16xi32>
          %and3A_309 = arith.constant -65536 : i32
          %and3A_310 = vector.broadcast %and3A_309 : i32 to vector<16xi32>
          %and3A_311 = arith.andi %shift_left3A_308, %and3A_310 : vector<16xi32>
          %bitcast3A_312 = vector.bitcast %and3A_311 : vector<16xi32> to vector<16xf32>
          %add3A_313 = arith.constant 8 : i32
          %add3A_314 = arith.addi %add3A_313, %scan3A_157 : i32
          %mul3A_315 = arith.constant 128 : i32
          %mul3A_316 = arith.muli %add3A_314, %mul3A_315 : i32
          %add3A_317 = arith.constant 32 : i32
          %add3A_318 = arith.addi %mul3A_316, %add3A_317 : i32
          %get3A_319 = arith.index_cast %add3A_318 : i32 to index
          %get3A_320 = tpu.vector_load %arg14[%get3A_319] {strides = array<i32>} : memref<3072xi32, #tpu.memory_space<vmem>>, vector<16xi32>,
          %shift_left3A_321 = arith.shli %get3A_320, %get3A_286 : vector<16xi32>
          %and3A_322 = arith.constant -65536 : i32
          %and3A_323 = vector.broadcast %and3A_322 : i32 to vector<16xi32>
          %and3A_324 = arith.andi %shift_left3A_321, %and3A_323 : vector<16xi32>
          %bitcast3A_325 = vector.bitcast %and3A_324 : vector<16xi32> to vector<16xf32>
          %add3A_326 = arith.constant 8 : i32
          %add3A_327 = arith.addi %add3A_326, %scan3A_157 : i32
          %mul3A_328 = arith.constant 128 : i32
          %mul3A_329 = arith.muli %add3A_327, %mul3A_328 : i32
          %add3A_330 = arith.constant 48 : i32
          %add3A_331 = arith.addi %mul3A_329, %add3A_330 : i32
          %get3A_332 = arith.index_cast %add3A_331 : i32 to index
          %get3A_333 = tpu.vector_load %arg14[%get3A_332] {strides = array<i32>} : memref<3072xi32, #tpu.memory_space<vmem>>, vector<16xi32>,
          %shift_left3A_334 = arith.shli %get3A_333, %xor3A_288 : vector<16xi32>
          %and3A_335 = arith.constant -65536 : i32
          %and3A_336 = vector.broadcast %and3A_335 : i32 to vector<16xi32>
          %and3A_337 = arith.andi %shift_left3A_334, %and3A_336 : vector<16xi32>
          %bitcast3A_338 = vector.bitcast %and3A_337 : vector<16xi32> to vector<16xf32>
          %add3A_339 = arith.constant 8 : i32
          %add3A_340 = arith.addi %add3A_339, %scan3A_157 : i32
          %mul3A_341 = arith.constant 128 : i32
          %mul3A_342 = arith.muli %add3A_340, %mul3A_341 : i32
          %add3A_343 = arith.constant 64 : i32
          %add3A_344 = arith.addi %mul3A_342, %add3A_343 : i32
          %get3A_345 = arith.index_cast %add3A_344 : i32 to index
          %get3A_346 = tpu.vector_load %arg14[%get3A_345] {strides = array<i32>} : memref<3072xi32, #tpu.memory_space<vmem>>, vector<16xi32>,
          %shift_left3A_347 = arith.shli %get3A_346, %get3A_286 : vector<16xi32>
          %and3A_348 = arith.constant -65536 : i32
          %and3A_349 = vector.broadcast %and3A_348 : i32 to vector<16xi32>
          %and3A_350 = arith.andi %shift_left3A_347, %and3A_349 : vector<16xi32>
          %bitcast3A_351 = vector.bitcast %and3A_350 : vector<16xi32> to vector<16xf32>
          %add3A_352 = arith.constant 8 : i32
          %add3A_353 = arith.addi %add3A_352, %scan3A_157 : i32
          %mul3A_354 = arith.constant 128 : i32
          %mul3A_355 = arith.muli %add3A_353, %mul3A_354 : i32
          %add3A_356 = arith.constant 80 : i32
          %add3A_357 = arith.addi %mul3A_355, %add3A_356 : i32
          %get3A_358 = arith.index_cast %add3A_357 : i32 to index
          %get3A_359 = tpu.vector_load %arg14[%get3A_358] {strides = array<i32>} : memref<3072xi32, #tpu.memory_space<vmem>>, vector<16xi32>,
          %shift_left3A_360 = arith.shli %get3A_359, %xor3A_288 : vector<16xi32>
          %and3A_361 = arith.constant -65536 : i32
          %and3A_362 = vector.broadcast %and3A_361 : i32 to vector<16xi32>
          %and3A_363 = arith.andi %shift_left3A_360, %and3A_362 : vector<16xi32>
          %bitcast3A_364 = vector.bitcast %and3A_363 : vector<16xi32> to vector<16xf32>
          %add3A_365 = arith.constant 8 : i32
          %add3A_366 = arith.addi %add3A_365, %scan3A_157 : i32
          %mul3A_367 = arith.constant 128 : i32
          %mul3A_368 = arith.muli %add3A_366, %mul3A_367 : i32
          %add3A_369 = arith.constant 96 : i32
          %add3A_370 = arith.addi %mul3A_368, %add3A_369 : i32
          %get3A_371 = arith.index_cast %add3A_370 : i32 to index
          %get3A_372 = tpu.vector_load %arg14[%get3A_371] {strides = array<i32>} : memref<3072xi32, #tpu.memory_space<vmem>>, vector<16xi32>,
          %shift_left3A_373 = arith.shli %get3A_372, %xor3A_288 : vector<16xi32>
          %and3A_374 = arith.constant -65536 : i32
          %and3A_375 = vector.broadcast %and3A_374 : i32 to vector<16xi32>
          %and3A_376 = arith.andi %shift_left3A_373, %and3A_375 : vector<16xi32>
          %bitcast3A_377 = vector.bitcast %and3A_376 : vector<16xi32> to vector<16xf32>
          %add3A_378 = arith.constant 8 : i32
          %add3A_379 = arith.addi %add3A_378, %scan3A_157 : i32
          %mul3A_380 = arith.constant 128 : i32
          %mul3A_381 = arith.muli %add3A_379, %mul3A_380 : i32
          %add3A_382 = arith.constant 112 : i32
          %add3A_383 = arith.addi %mul3A_381, %add3A_382 : i32
          %get3A_384 = arith.index_cast %add3A_383 : i32 to index
          %get3A_385 = tpu.vector_load %arg14[%get3A_384] {strides = array<i32>} : memref<3072xi32, #tpu.memory_space<vmem>>, vector<16xi32>,
          %shift_left3A_386 = arith.shli %get3A_385, %get3A_286 : vector<16xi32>
          %and3A_387 = arith.constant -65536 : i32
          %and3A_388 = vector.broadcast %and3A_387 : i32 to vector<16xi32>
          %and3A_389 = arith.andi %shift_left3A_386, %and3A_388 : vector<16xi32>
          %bitcast3A_390 = vector.bitcast %and3A_389 : vector<16xi32> to vector<16xf32>
          %sub3A_391 = arith.subf %bitcast3A_312, %bitcast3A_299 : vector<16xf32>
          %mul3A_392 = arith.mulf %get3A_266, %sub3A_391 : vector<16xf32>
          %add3A_393 = arith.addf %bitcast3A_299, %mul3A_392 : vector<16xf32>
          %sub3A_394 = arith.subf %bitcast3A_338, %bitcast3A_325 : vector<16xf32>
          %mul3A_395 = arith.mulf %get3A_266, %sub3A_394 : vector<16xf32>
          %add3A_396 = arith.addf %bitcast3A_325, %mul3A_395 : vector<16xf32>
          %sub3A_397 = arith.subf %bitcast3A_364, %bitcast3A_351 : vector<16xf32>
          %mul3A_398 = arith.mulf %get3A_266, %sub3A_397 : vector<16xf32>
          %add3A_399 = arith.addf %bitcast3A_351, %mul3A_398 : vector<16xf32>
          %sub3A_400 = arith.subf %bitcast3A_390, %bitcast3A_377 : vector<16xf32>
          %mul3A_401 = arith.mulf %get3A_266, %sub3A_400 : vector<16xf32>
          %add3A_402 = arith.addf %bitcast3A_377, %mul3A_401 : vector<16xf32>
          %sub3A_403 = arith.subf %add3A_396, %add3A_393 : vector<16xf32>
          %mul3A_404 = arith.mulf %get3A_272, %sub3A_403 : vector<16xf32>
          %add3A_405 = arith.addf %add3A_393, %mul3A_404 : vector<16xf32>
          %sub3A_406 = arith.subf %add3A_402, %add3A_399 : vector<16xf32>
          %mul3A_407 = arith.mulf %get3A_272, %sub3A_406 : vector<16xf32>
          %add3A_408 = arith.addf %add3A_399, %mul3A_407 : vector<16xf32>
          %sub3A_409 = arith.subf %add3A_408, %add3A_405 : vector<16xf32>
          %mul3A_410 = arith.mulf %get3A_278, %sub3A_409 : vector<16xf32>
          %add3A_411 = arith.addf %add3A_405, %mul3A_410 : vector<16xf32>
          %add3A_412 = arith.addf %add3A_258, %add3A_411 : vector<16xf32>
          %add3A_413 = arith.constant 16 : i32
          %add3A_414 = arith.addi %add3A_413, %scan3A_157 : i32
          %mul3A_415 = arith.constant 48 : i32
          %mul3A_416 = arith.muli %add3A_414, %mul3A_415 : i32
          %get3A_417 = arith.constant 0 : i32
          %get3A_418 = arith.index_cast %get3A_417 : i32 to index
          %get3A_419 = arith.index_cast %mul3A_416 : i32 to index
          %get3A_420 = tpu.vector_load %arg12[%get3A_418, %get3A_419] {strides = array<i32>} : memref<2x1152xf32, #tpu.memory_space<vmem>>, vector<16xf32>,
          %add3A_421 = arith.constant 16 : i32
          %add3A_422 = arith.addi %mul3A_416, %add3A_421 : i32
          %get3A_423 = arith.constant 0 : i32
          %get3A_424 = arith.index_cast %get3A_423 : i32 to index
          %get3A_425 = arith.index_cast %add3A_422 : i32 to index
          %get3A_426 = tpu.vector_load %arg12[%get3A_424, %get3A_425] {strides = array<i32>} : memref<2x1152xf32, #tpu.memory_space<vmem>>, vector<16xf32>,
          %add3A_427 = arith.constant 32 : i32
          %add3A_428 = arith.addi %mul3A_416, %add3A_427 : i32
          %get3A_429 = arith.constant 0 : i32
          %get3A_430 = arith.index_cast %get3A_429 : i32 to index
          %get3A_431 = arith.index_cast %add3A_428 : i32 to index
          %get3A_432 = tpu.vector_load %arg12[%get3A_430, %get3A_431] {strides = array<i32>} : memref<2x1152xf32, #tpu.memory_space<vmem>>, vector<16xf32>,
          %add3A_433 = arith.constant 8 : i32
          %add3A_434 = arith.addi %add3A_433, %scan3A_157 : i32
          %mul3A_435 = arith.constant 16 : i32
          %mul3A_436 = arith.muli %add3A_434, %mul3A_435 : i32
          %get3A_437 = arith.constant 0 : i32
          %get3A_438 = arith.index_cast %get3A_437 : i32 to index
          %get3A_439 = arith.index_cast %mul3A_436 : i32 to index
          %get3A_440 = tpu.vector_load %arg13[%get3A_438, %get3A_439] {strides = array<i32>} : memref<2x256xi32, #tpu.memory_space<vmem>>, vector<16xi32>,
          %xor3A_441 = arith.constant 16 : i32
          %xor3A_442 = vector.broadcast %xor3A_441 : i32 to vector<16xi32>
          %xor3A_443 = arith.xori %get3A_440, %xor3A_442 : vector<16xi32>
          %add3A_444 = arith.constant 16 : i32
          %add3A_445 = arith.addi %add3A_444, %scan3A_157 : i32
          %mul3A_446 = arith.constant 128 : i32
          %mul3A_447 = arith.muli %add3A_445, %mul3A_446 : i32
          %add3A_448 = arith.constant 0 : i32
          %add3A_449 = arith.addi %mul3A_447, %add3A_448 : i32
          %get3A_450 = arith.index_cast %add3A_449 : i32 to index
          %get3A_451 = tpu.vector_load %arg14[%get3A_450] {strides = array<i32>} : memref<3072xi32, #tpu.memory_space<vmem>>, vector<16xi32>,
          %shift_left3A_452 = arith.shli %get3A_451, %xor3A_443 : vector<16xi32>
          %and3A_453 = arith.constant -65536 : i32
          %and3A_454 = vector.broadcast %and3A_453 : i32 to vector<16xi32>
          %and3A_455 = arith.andi %shift_left3A_452, %and3A_454 : vector<16xi32>
          %bitcast3A_456 = vector.bitcast %and3A_455 : vector<16xi32> to vector<16xf32>
          %add3A_457 = arith.constant 16 : i32
          %add3A_458 = arith.addi %add3A_457, %scan3A_157 : i32
          %mul3A_459 = arith.constant 128 : i32
          %mul3A_460 = arith.muli %add3A_458, %mul3A_459 : i32
          %add3A_461 = arith.constant 16 : i32
          %add3A_462 = arith.addi %mul3A_460, %add3A_461 : i32
          %get3A_463 = arith.index_cast %add3A_462 : i32 to index
          %get3A_464 = tpu.vector_load %arg14[%get3A_463] {strides = array<i32>} : memref<3072xi32, #tpu.memory_space<vmem>>, vector<16xi32>,
          %shift_left3A_465 = arith.shli %get3A_464, %get3A_440 : vector<16xi32>
          %and3A_466 = arith.constant -65536 : i32
          %and3A_467 = vector.broadcast %and3A_466 : i32 to vector<16xi32>
          %and3A_468 = arith.andi %shift_left3A_465, %and3A_467 : vector<16xi32>
          %bitcast3A_469 = vector.bitcast %and3A_468 : vector<16xi32> to vector<16xf32>
          %add3A_470 = arith.constant 16 : i32
          %add3A_471 = arith.addi %add3A_470, %scan3A_157 : i32
          %mul3A_472 = arith.constant 128 : i32
          %mul3A_473 = arith.muli %add3A_471, %mul3A_472 : i32
          %add3A_474 = arith.constant 32 : i32
          %add3A_475 = arith.addi %mul3A_473, %add3A_474 : i32
          %get3A_476 = arith.index_cast %add3A_475 : i32 to index
          %get3A_477 = tpu.vector_load %arg14[%get3A_476] {strides = array<i32>} : memref<3072xi32, #tpu.memory_space<vmem>>, vector<16xi32>,
          %shift_left3A_478 = arith.shli %get3A_477, %get3A_440 : vector<16xi32>
          %and3A_479 = arith.constant -65536 : i32
          %and3A_480 = vector.broadcast %and3A_479 : i32 to vector<16xi32>
          %and3A_481 = arith.andi %shift_left3A_478, %and3A_480 : vector<16xi32>
          %bitcast3A_482 = vector.bitcast %and3A_481 : vector<16xi32> to vector<16xf32>
          %add3A_483 = arith.constant 16 : i32
          %add3A_484 = arith.addi %add3A_483, %scan3A_157 : i32
          %mul3A_485 = arith.constant 128 : i32
          %mul3A_486 = arith.muli %add3A_484, %mul3A_485 : i32
          %add3A_487 = arith.constant 48 : i32
          %add3A_488 = arith.addi %mul3A_486, %add3A_487 : i32
          %get3A_489 = arith.index_cast %add3A_488 : i32 to index
          %get3A_490 = tpu.vector_load %arg14[%get3A_489] {strides = array<i32>} : memref<3072xi32, #tpu.memory_space<vmem>>, vector<16xi32>,
          %shift_left3A_491 = arith.shli %get3A_490, %xor3A_443 : vector<16xi32>
          %and3A_492 = arith.constant -65536 : i32
          %and3A_493 = vector.broadcast %and3A_492 : i32 to vector<16xi32>
          %and3A_494 = arith.andi %shift_left3A_491, %and3A_493 : vector<16xi32>
          %bitcast3A_495 = vector.bitcast %and3A_494 : vector<16xi32> to vector<16xf32>
          %add3A_496 = arith.constant 16 : i32
          %add3A_497 = arith.addi %add3A_496, %scan3A_157 : i32
          %mul3A_498 = arith.constant 128 : i32
          %mul3A_499 = arith.muli %add3A_497, %mul3A_498 : i32
          %add3A_500 = arith.constant 64 : i32
          %add3A_501 = arith.addi %mul3A_499, %add3A_500 : i32
          %get3A_502 = arith.index_cast %add3A_501 : i32 to index
          %get3A_503 = tpu.vector_load %arg14[%get3A_502] {strides = array<i32>} : memref<3072xi32, #tpu.memory_space<vmem>>, vector<16xi32>,
          %shift_left3A_504 = arith.shli %get3A_503, %get3A_440 : vector<16xi32>
          %and3A_505 = arith.constant -65536 : i32
          %and3A_506 = vector.broadcast %and3A_505 : i32 to vector<16xi32>
          %and3A_507 = arith.andi %shift_left3A_504, %and3A_506 : vector<16xi32>
          %bitcast3A_508 = vector.bitcast %and3A_507 : vector<16xi32> to vector<16xf32>
          %add3A_509 = arith.constant 16 : i32
          %add3A_510 = arith.addi %add3A_509, %scan3A_157 : i32
          %mul3A_511 = arith.constant 128 : i32
          %mul3A_512 = arith.muli %add3A_510, %mul3A_511 : i32
          %add3A_513 = arith.constant 80 : i32
          %add3A_514 = arith.addi %mul3A_512, %add3A_513 : i32
          %get3A_515 = arith.index_cast %add3A_514 : i32 to index
          %get3A_516 = tpu.vector_load %arg14[%get3A_515] {strides = array<i32>} : memref<3072xi32, #tpu.memory_space<vmem>>, vector<16xi32>,
          %shift_left3A_517 = arith.shli %get3A_516, %xor3A_443 : vector<16xi32>
          %and3A_518 = arith.constant -65536 : i32
          %and3A_519 = vector.broadcast %and3A_518 : i32 to vector<16xi32>
          %and3A_520 = arith.andi %shift_left3A_517, %and3A_519 : vector<16xi32>
          %bitcast3A_521 = vector.bitcast %and3A_520 : vector<16xi32> to vector<16xf32>
          %add3A_522 = arith.constant 16 : i32
          %add3A_523 = arith.addi %add3A_522, %scan3A_157 : i32
          %mul3A_524 = arith.constant 128 : i32
          %mul3A_525 = arith.muli %add3A_523, %mul3A_524 : i32
          %add3A_526 = arith.constant 96 : i32
          %add3A_527 = arith.addi %mul3A_525, %add3A_526 : i32
          %get3A_528 = arith.index_cast %add3A_527 : i32 to index
          %get3A_529 = tpu.vector_load %arg14[%get3A_528] {strides = array<i32>} : memref<3072xi32, #tpu.memory_space<vmem>>, vector<16xi32>,
          %shift_left3A_530 = arith.shli %get3A_529, %xor3A_443 : vector<16xi32>
          %and3A_531 = arith.constant -65536 : i32
          %and3A_532 = vector.broadcast %and3A_531 : i32 to vector<16xi32>
          %and3A_533 = arith.andi %shift_left3A_530, %and3A_532 : vector<16xi32>
          %bitcast3A_534 = vector.bitcast %and3A_533 : vector<16xi32> to vector<16xf32>
          %add3A_535 = arith.constant 16 : i32
          %add3A_536 = arith.addi %add3A_535, %scan3A_157 : i32
          %mul3A_537 = arith.constant 128 : i32
          %mul3A_538 = arith.muli %add3A_536, %mul3A_537 : i32
          %add3A_539 = arith.constant 112 : i32
          %add3A_540 = arith.addi %mul3A_538, %add3A_539 : i32
          %get3A_541 = arith.index_cast %add3A_540 : i32 to index
          %get3A_542 = tpu.vector_load %arg14[%get3A_541] {strides = array<i32>} : memref<3072xi32, #tpu.memory_space<vmem>>, vector<16xi32>,
          %shift_left3A_543 = arith.shli %get3A_542, %get3A_440 : vector<16xi32>
          %and3A_544 = arith.constant -65536 : i32
          %and3A_545 = vector.broadcast %and3A_544 : i32 to vector<16xi32>
          %and3A_546 = arith.andi %shift_left3A_543, %and3A_545 : vector<16xi32>
          %bitcast3A_547 = vector.bitcast %and3A_546 : vector<16xi32> to vector<16xf32>
          %sub3A_548 = arith.subf %bitcast3A_469, %bitcast3A_456 : vector<16xf32>
          %mul3A_549 = arith.mulf %get3A_420, %sub3A_548 : vector<16xf32>
          %add3A_550 = arith.addf %bitcast3A_456, %mul3A_549 : vector<16xf32>
          %sub3A_551 = arith.subf %bitcast3A_495, %bitcast3A_482 : vector<16xf32>
          %mul3A_552 = arith.mulf %get3A_420, %sub3A_551 : vector<16xf32>
          %add3A_553 = arith.addf %bitcast3A_482, %mul3A_552 : vector<16xf32>
          %sub3A_554 = arith.subf %bitcast3A_521, %bitcast3A_508 : vector<16xf32>
          %mul3A_555 = arith.mulf %get3A_420, %sub3A_554 : vector<16xf32>
          %add3A_556 = arith.addf %bitcast3A_508, %mul3A_555 : vector<16xf32>
          %sub3A_557 = arith.subf %bitcast3A_547, %bitcast3A_534 : vector<16xf32>
          %mul3A_558 = arith.mulf %get3A_420, %sub3A_557 : vector<16xf32>
          %add3A_559 = arith.addf %bitcast3A_534, %mul3A_558 : vector<16xf32>
          %sub3A_560 = arith.subf %add3A_553, %add3A_550 : vector<16xf32>
          %mul3A_561 = arith.mulf %get3A_426, %sub3A_560 : vector<16xf32>
          %add3A_562 = arith.addf %add3A_550, %mul3A_561 : vector<16xf32>
          %sub3A_563 = arith.subf %add3A_559, %add3A_556 : vector<16xf32>
          %mul3A_564 = arith.mulf %get3A_426, %sub3A_563 : vector<16xf32>
          %add3A_565 = arith.addf %add3A_556, %mul3A_564 : vector<16xf32>
          %sub3A_566 = arith.subf %add3A_565, %add3A_562 : vector<16xf32>
          %mul3A_567 = arith.mulf %get3A_432, %sub3A_566 : vector<16xf32>
          %add3A_568 = arith.addf %add3A_562, %mul3A_567 : vector<16xf32>
          %add3A_569 = arith.addf %add3A_412, %add3A_568 : vector<16xf32>
          %max3A = arith.maximumf %scan3A_158, %add3A_569 : vector<16xf32>
          scf.yield %max3A : vector<16xf32>
        }
        %scan3A_138 = arith.constant 8 : i32
        %add3A_139 = arith.constant 2 : i32
        %add3A_140 = arith.addi %mul3A_120, %add3A_139 : i32
        %scan3A_141 = arith.constant 0 : i32
        %scan3A_142 = arith.constant 0 : i32
        %scan3A_143 = arith.constant 8 : i32
        %scan3A_144 = arith.addi %scan3A_142, %scan3A_143 : i32
        %scan3A_145 = arith.constant 1 : i32
        scf.for %scan3A_157 = %scan3A_142 to %scan3A_144 step %scan3A_145  : i32 {
          %mul3A_158 = arith.constant 8 : i32
          %mul3A_159 = arith.muli %add3A_140, %mul3A_158 : i32
          %add3A_160 = arith.addi %mul3A_159, %scan3A_157 : i32
          %convert_element_type3A = arith.sitofp %add3A_160 : i32 to f32
          %mul3A_161 = arith.constant 0.00502512557 : f32
          %mul3A_162 = arith.mulf %convert_element_type3A, %mul3A_161 : f32
          %mul3A_163 = vector.broadcast %mul3A_162 : f32 to vector<16xf32>
          %mul3A_164 = arith.mulf %gather3A_74, %mul3A_163 : vector<16xf32>
          %add3A_165 = arith.addf %gather3A, %mul3A_164 : vector<16xf32>
          %jit3A = arith.constant 0.000000e+00 : f32
          %jit3A_166 = arith.constant 1.000000e+00 : f32
          %max3A = vector.broadcast %jit3A : f32 to vector<16xf32>
          %max3A_167 = arith.maximumf %max3A, %add3A_165 : vector<16xf32>
          %min3A = vector.broadcast %jit3A_166 : f32 to vector<16xf32>
          %min3A_168 = arith.minimumf %min3A, %max3A_167 : vector<16xf32>
          %mul3A_169 = vector.broadcast %mul3A_162 : f32 to vector<16xf32>
          %mul3A_170 = arith.mulf %gather3A_78, %mul3A_169 : vector<16xf32>
          %add3A_171 = arith.addf %gather3A_66, %mul3A_170 : vector<16xf32>
          %jit3A_172 = arith.constant 0.000000e+00 : f32
          %jit3A_173 = arith.constant 1.000000e+00 : f32
          %max3A_174 = vector.broadcast %jit3A_172 : f32 to vector<16xf32>
          %max3A_175 = arith.maximumf %max3A_174, %add3A_171 : vector<16xf32>
          %min3A_176 = vector.broadcast %jit3A_173 : f32 to vector<16xf32>
          %min3A_177 = arith.minimumf %min3A_176, %max3A_175 : vector<16xf32>
          %mul3A_178 = vector.broadcast %mul3A_162 : f32 to vector<16xf32>
          %mul3A_179 = arith.mulf %gather3A_82, %mul3A_178 : vector<16xf32>
          %add3A_180 = arith.addf %gather3A_70, %mul3A_179 : vector<16xf32>
          %jit3A_181 = arith.constant 0.000000e+00 : f32
          %jit3A_182 = arith.constant 1.000000e+00 : f32
          %max3A_183 = vector.broadcast %jit3A_181 : f32 to vector<16xf32>
          %max3A_184 = arith.maximumf %max3A_183, %add3A_180 : vector<16xf32>
          %min3A_185 = vector.broadcast %jit3A_182 : f32 to vector<16xf32>
          %min3A_186 = arith.minimumf %min3A_185, %max3A_184 : vector<16xf32>
          %mul3A_187 = arith.constant 3.100000e+01 : f32
          %mul3A_188 = vector.broadcast %mul3A_187 : f32 to vector<16xf32>
          %mul3A_189 = arith.mulf %min3A_168, %mul3A_188 : vector<16xf32>
          %mul3A_190 = arith.constant 3.100000e+01 : f32
          %mul3A_191 = vector.broadcast %mul3A_190 : f32 to vector<16xf32>
          %mul3A_192 = arith.mulf %min3A_177, %mul3A_191 : vector<16xf32>
          %mul3A_193 = arith.constant 3.100000e+01 : f32
          %mul3A_194 = vector.broadcast %mul3A_193 : f32 to vector<16xf32>
          %mul3A_195 = arith.mulf %min3A_186, %mul3A_194 : vector<16xf32>
          %convert_element_type3A_196 = arith.fptosi %mul3A_189 : vector<16xf32> to vector<16xi32>
          %convert_element_type3A_197 = arith.fptosi %mul3A_192 : vector<16xf32> to vector<16xi32>
          %convert_element_type3A_198 = arith.fptosi %mul3A_195 : vector<16xf32> to vector<16xi32>
          %convert_element_type3A_199 = arith.sitofp %convert_element_type3A_196 : vector<16xi32> to vector<16xf32>
          %sub3A = arith.subf %mul3A_189, %convert_element_type3A_199 : vector<16xf32>
          %convert_element_type3A_200 = arith.sitofp %convert_element_type3A_197 : vector<16xi32> to vector<16xf32>
          %sub3A_201 = arith.subf %mul3A_192, %convert_element_type3A_200 : vector<16xf32>
          %convert_element_type3A_202 = arith.sitofp %convert_element_type3A_198 : vector<16xi32> to vector<16xf32>
          %sub3A_203 = arith.subf %mul3A_195, %convert_element_type3A_202 : vector<16xf32>
          %mul3A_204 = arith.constant 33 : i32
          %mul3A_205 = vector.broadcast %mul3A_204 : i32 to vector<16xi32>
          %mul3A_206 = arith.muli %convert_element_type3A_197, %mul3A_205 : vector<16xi32>
          %add3A_207 = arith.addi %convert_element_type3A_196, %mul3A_206 : vector<16xi32>
          %mul3A_208 = arith.constant 1089 : i32
          %mul3A_209 = vector.broadcast %mul3A_208 : i32 to vector<16xi32>
          %mul3A_210 = arith.muli %convert_element_type3A_198, %mul3A_209 : vector<16xi32>
          %add3A_211 = arith.addi %add3A_207, %mul3A_210 : vector<16xi32>
          %add3A_212 = arith.constant 0 : i32
          %add3A_213 = vector.broadcast %add3A_212 : i32 to vector<16xi32>
          %add3A_214 = arith.addi %add3A_211, %add3A_213 : vector<16xi32>
          %add3A_215 = arith.constant 0 : i32
          %add3A_216 = vector.broadcast %add3A_215 : i32 to vector<16xi32>
          %add3A_217 = arith.addi %add3A_214, %add3A_216 : vector<16xi32>
          %add3A_218 = arith.constant 0 : i32
          %add3A_219 = vector.broadcast %add3A_218 : i32 to vector<16xi32>
          %add3A_220 = arith.addi %add3A_217, %add3A_219 : vector<16xi32>
          %gather3A_221 = tpu.vector_load_idx %arg7[%add3A_220] : memref<35940xf32, #tpu.memory_space<vmem>>[vector<16xi32>], vector<16xf32>,
          %add3A_222 = arith.constant 1 : i32
          %add3A_223 = vector.broadcast %add3A_222 : i32 to vector<16xi32>
          %add3A_224 = arith.addi %add3A_211, %add3A_223 : vector<16xi32>
          %add3A_225 = arith.constant 0 : i32
          %add3A_226 = vector.broadcast %add3A_225 : i32 to vector<16xi32>
          %add3A_227 = arith.addi %add3A_224, %add3A_226 : vector<16xi32>
          %add3A_228 = arith.constant 0 : i32
          %add3A_229 = vector.broadcast %add3A_228 : i32 to vector<16xi32>
          %add3A_230 = arith.addi %add3A_227, %add3A_229 : vector<16xi32>
          %gather3A_231 = tpu.vector_load_idx %arg7[%add3A_230] : memref<35940xf32, #tpu.memory_space<vmem>>[vector<16xi32>], vector<16xf32>,
          %add3A_232 = arith.constant 0 : i32
          %add3A_233 = vector.broadcast %add3A_232 : i32 to vector<16xi32>
          %add3A_234 = arith.addi %add3A_211, %add3A_233 : vector<16xi32>
          %add3A_235 = arith.constant 33 : i32
          %add3A_236 = vector.broadcast %add3A_235 : i32 to vector<16xi32>
          %add3A_237 = arith.addi %add3A_234, %add3A_236 : vector<16xi32>
          %add3A_238 = arith.constant 0 : i32
          %add3A_239 = vector.broadcast %add3A_238 : i32 to vector<16xi32>
          %add3A_240 = arith.addi %add3A_237, %add3A_239 : vector<16xi32>
          %gather3A_241 = tpu.vector_load_idx %arg7[%add3A_240] : memref<35940xf32, #tpu.memory_space<vmem>>[vector<16xi32>], vector<16xf32>,
          %add3A_242 = arith.constant 1 : i32
          %add3A_243 = vector.broadcast %add3A_242 : i32 to vector<16xi32>
          %add3A_244 = arith.addi %add3A_211, %add3A_243 : vector<16xi32>
          %add3A_245 = arith.constant 33 : i32
          %add3A_246 = vector.broadcast %add3A_245 : i32 to vector<16xi32>
          %add3A_247 = arith.addi %add3A_244, %add3A_246 : vector<16xi32>
          %add3A_248 = arith.constant 0 : i32
          %add3A_249 = vector.broadcast %add3A_248 : i32 to vector<16xi32>
          %add3A_250 = arith.addi %add3A_247, %add3A_249 : vector<16xi32>
          %gather3A_251 = tpu.vector_load_idx %arg7[%add3A_250] : memref<35940xf32, #tpu.memory_space<vmem>>[vector<16xi32>], vector<16xf32>,
          %add3A_252 = arith.constant 0 : i32
          %add3A_253 = vector.broadcast %add3A_252 : i32 to vector<16xi32>
          %add3A_254 = arith.addi %add3A_211, %add3A_253 : vector<16xi32>
          %add3A_255 = arith.constant 0 : i32
          %add3A_256 = vector.broadcast %add3A_255 : i32 to vector<16xi32>
          %add3A_257 = arith.addi %add3A_254, %add3A_256 : vector<16xi32>
          %add3A_258 = arith.constant 1089 : i32
          %add3A_259 = vector.broadcast %add3A_258 : i32 to vector<16xi32>
          %add3A_260 = arith.addi %add3A_257, %add3A_259 : vector<16xi32>
          %gather3A_261 = tpu.vector_load_idx %arg7[%add3A_260] : memref<35940xf32, #tpu.memory_space<vmem>>[vector<16xi32>], vector<16xf32>,
          %add3A_262 = arith.constant 1 : i32
          %add3A_263 = vector.broadcast %add3A_262 : i32 to vector<16xi32>
          %add3A_264 = arith.addi %add3A_211, %add3A_263 : vector<16xi32>
          %add3A_265 = arith.constant 0 : i32
          %add3A_266 = vector.broadcast %add3A_265 : i32 to vector<16xi32>
          %add3A_267 = arith.addi %add3A_264, %add3A_266 : vector<16xi32>
          %add3A_268 = arith.constant 1089 : i32
          %add3A_269 = vector.broadcast %add3A_268 : i32 to vector<16xi32>
          %add3A_270 = arith.addi %add3A_267, %add3A_269 : vector<16xi32>
          %gather3A_271 = tpu.vector_load_idx %arg7[%add3A_270] : memref<35940xf32, #tpu.memory_space<vmem>>[vector<16xi32>], vector<16xf32>,
          %add3A_272 = arith.constant 0 : i32
          %add3A_273 = vector.broadcast %add3A_272 : i32 to vector<16xi32>
          %add3A_274 = arith.addi %add3A_211, %add3A_273 : vector<16xi32>
          %add3A_275 = arith.constant 33 : i32
          %add3A_276 = vector.broadcast %add3A_275 : i32 to vector<16xi32>
          %add3A_277 = arith.addi %add3A_274, %add3A_276 : vector<16xi32>
          %add3A_278 = arith.constant 1089 : i32
          %add3A_279 = vector.broadcast %add3A_278 : i32 to vector<16xi32>
          %add3A_280 = arith.addi %add3A_277, %add3A_279 : vector<16xi32>
          %gather3A_281 = tpu.vector_load_idx %arg7[%add3A_280] : memref<35940xf32, #tpu.memory_space<vmem>>[vector<16xi32>], vector<16xf32>,
          %add3A_282 = arith.constant 1 : i32
          %add3A_283 = vector.broadcast %add3A_282 : i32 to vector<16xi32>
          %add3A_284 = arith.addi %add3A_211, %add3A_283 : vector<16xi32>
          %add3A_285 = arith.constant 33 : i32
          %add3A_286 = vector.broadcast %add3A_285 : i32 to vector<16xi32>
          %add3A_287 = arith.addi %add3A_284, %add3A_286 : vector<16xi32>
          %add3A_288 = arith.constant 1089 : i32
          %add3A_289 = vector.broadcast %add3A_288 : i32 to vector<16xi32>
          %add3A_290 = arith.addi %add3A_287, %add3A_289 : vector<16xi32>
          %gather3A_291 = tpu.vector_load_idx %arg7[%add3A_290] : memref<35940xf32, #tpu.memory_space<vmem>>[vector<16xi32>], vector<16xf32>,
          %sub3A_292 = arith.subf %gather3A_231, %gather3A_221 : vector<16xf32>
          %mul3A_293 = arith.mulf %sub3A, %sub3A_292 : vector<16xf32>
          %add3A_294 = arith.addf %gather3A_221, %mul3A_293 : vector<16xf32>
          %sub3A_295 = arith.subf %gather3A_251, %gather3A_241 : vector<16xf32>
          %mul3A_296 = arith.mulf %sub3A, %sub3A_295 : vector<16xf32>
          %add3A_297 = arith.addf %gather3A_241, %mul3A_296 : vector<16xf32>
          %sub3A_298 = arith.subf %gather3A_271, %gather3A_261 : vector<16xf32>
          %mul3A_299 = arith.mulf %sub3A, %sub3A_298 : vector<16xf32>
          %add3A_300 = arith.addf %gather3A_261, %mul3A_299 : vector<16xf32>
          %sub3A_301 = arith.subf %gather3A_291, %gather3A_281 : vector<16xf32>
          %mul3A_302 = arith.mulf %sub3A, %sub3A_301 : vector<16xf32>
          %add3A_303 = arith.addf %gather3A_281, %mul3A_302 : vector<16xf32>
          %sub3A_304 = arith.subf %add3A_297, %add3A_294 : vector<16xf32>
          %mul3A_305 = arith.mulf %sub3A_201, %sub3A_304 : vector<16xf32>
          %add3A_306 = arith.addf %add3A_294, %mul3A_305 : vector<16xf32>
          %sub3A_307 = arith.subf %add3A_303, %add3A_300 : vector<16xf32>
          %mul3A_308 = arith.mulf %sub3A_201, %sub3A_307 : vector<16xf32>
          %add3A_309 = arith.addf %add3A_300, %mul3A_308 : vector<16xf32>
          %sub3A_310 = arith.subf %add3A_309, %add3A_306 : vector<16xf32>
          %mul3A_311 = arith.mulf %sub3A_203, %sub3A_310 : vector<16xf32>
          %add3A_312 = arith.addf %add3A_306, %mul3A_311 : vector<16xf32>
          %mul3A_313 = arith.constant 16 : i32
          %mul3A_314 = arith.muli %scan3A_157, %mul3A_313 : i32
          %swap3A_315 = arith.constant 0 : i32
          %swap3A_316 = arith.index_cast %swap3A_315 : i32 to index
          %swap3A_317 = arith.index_cast %mul3A_314 : i32 to index
          %swap3A_318 = tpu.vector_load %arg16[%swap3A_316, %swap3A_317] {strides = array<i32>} : memref<2x128xf32, #tpu.memory_space<vmem>>, vector<16xf32>,
          tpu.vector_store %arg16[%swap3A_316, %swap3A_317], %add3A_312 {strides = array<i32>} : memref<2x128xf32, #tpu.memory_space<vmem>>, vector<16xf32>,
          %mul3A_319 = arith.constant 6.300000e+01 : f32
          %mul3A_320 = vector.broadcast %mul3A_319 : f32 to vector<16xf32>
          %mul3A_321 = arith.mulf %min3A_168, %mul3A_320 : vector<16xf32>
          %mul3A_322 = arith.constant 6.300000e+01 : f32
          %mul3A_323 = vector.broadcast %mul3A_322 : f32 to vector<16xf32>
          %mul3A_324 = arith.mulf %min3A_177, %mul3A_323 : vector<16xf32>
          %mul3A_325 = arith.constant 6.300000e+01 : f32
          %mul3A_326 = vector.broadcast %mul3A_325 : f32 to vector<16xf32>
          %mul3A_327 = arith.mulf %min3A_186, %mul3A_326 : vector<16xf32>
          %convert_element_type3A_328 = arith.fptosi %mul3A_321 : vector<16xf32> to vector<16xi32>
          %convert_element_type3A_329 = arith.fptosi %mul3A_324 : vector<16xf32> to vector<16xi32>
          %convert_element_type3A_330 = arith.fptosi %mul3A_327 : vector<16xf32> to vector<16xi32>
          %convert_element_type3A_331 = arith.sitofp %convert_element_type3A_328 : vector<16xi32> to vector<16xf32>
          %sub3A_332 = arith.subf %mul3A_321, %convert_element_type3A_331 : vector<16xf32>
          %convert_element_type3A_333 = arith.sitofp %convert_element_type3A_329 : vector<16xi32> to vector<16xf32>
          %sub3A_334 = arith.subf %mul3A_324, %convert_element_type3A_333 : vector<16xf32>
          %convert_element_type3A_335 = arith.sitofp %convert_element_type3A_330 : vector<16xi32> to vector<16xf32>
          %sub3A_336 = arith.subf %mul3A_327, %convert_element_type3A_335 : vector<16xf32>
          %add3A_337 = arith.constant 0 : i32
          %add3A_338 = arith.addi %add3A_337, %scan3A_157 : i32
          %mul3A_339 = arith.constant 48 : i32
          %mul3A_340 = arith.muli %add3A_338, %mul3A_339 : i32
          %swap3A_341 = arith.constant 0 : i32
          %swap3A_342 = arith.index_cast %swap3A_341 : i32 to index
          %swap3A_343 = arith.index_cast %mul3A_340 : i32 to index
          %swap3A_344 = tpu.vector_load %arg12[%swap3A_342, %swap3A_343] {strides = array<i32>} : memref<2x1152xf32, #tpu.memory_space<vmem>>, vector<16xf32>,
          tpu.vector_store %arg12[%swap3A_342, %swap3A_343], %sub3A_332 {strides = array<i32>} : memref<2x1152xf32, #tpu.memory_space<vmem>>, vector<16xf32>,
          %add3A_345 = arith.constant 16 : i32
          %add3A_346 = arith.addi %mul3A_340, %add3A_345 : i32
          %swap3A_347 = arith.constant 0 : i32
          %swap3A_348 = arith.index_cast %swap3A_347 : i32 to index
          %swap3A_349 = arith.index_cast %add3A_346 : i32 to index
          %swap3A_350 = tpu.vector_load %arg12[%swap3A_348, %swap3A_349] {strides = array<i32>} : memref<2x1152xf32, #tpu.memory_space<vmem>>, vector<16xf32>,
          tpu.vector_store %arg12[%swap3A_348, %swap3A_349], %sub3A_334 {strides = array<i32>} : memref<2x1152xf32, #tpu.memory_space<vmem>>, vector<16xf32>,
          %add3A_351 = arith.constant 32 : i32
          %add3A_352 = arith.addi %mul3A_340, %add3A_351 : i32
          %swap3A_353 = arith.constant 0 : i32
          %swap3A_354 = arith.index_cast %swap3A_353 : i32 to index
          %swap3A_355 = arith.index_cast %add3A_352 : i32 to index
          %swap3A_356 = tpu.vector_load %arg12[%swap3A_354, %swap3A_355] {strides = array<i32>} : memref<2x1152xf32, #tpu.memory_space<vmem>>, vector<16xf32>,
          tpu.vector_store %arg12[%swap3A_354, %swap3A_355], %sub3A_336 {strides = array<i32>} : memref<2x1152xf32, #tpu.memory_space<vmem>>, vector<16xf32>,
          %mul3A_357 = arith.constant 65 : i32
          %mul3A_358 = vector.broadcast %mul3A_357 : i32 to vector<16xi32>
          %mul3A_359 = arith.muli %convert_element_type3A_329, %mul3A_358 : vector<16xi32>
          %add3A_360 = arith.addi %convert_element_type3A_328, %mul3A_359 : vector<16xi32>
          %mul3A_361 = arith.constant 4225 : i32
          %mul3A_362 = vector.broadcast %mul3A_361 : i32 to vector<16xi32>
          %mul3A_363 = arith.muli %convert_element_type3A_330, %mul3A_362 : vector<16xi32>
          %add3A_364 = arith.addi %add3A_360, %mul3A_363 : vector<16xi32>
          %add3A_365 = arith.constant 0 : i32
          %add3A_366 = vector.broadcast %add3A_365 : i32 to vector<16xi32>
          %add3A_367 = arith.addi %add3A_364, %add3A_366 : vector<16xi32>
          %mul3A_368 = arith.constant 128 : i32
          %mul3A_369 = arith.muli %scan3A_157, %mul3A_368 : i32
          %add3A_370 = arith.constant 0 : i32
          %add3A_371 = arith.addi %mul3A_369, %add3A_370 : i32
          %swap3A_372 = arith.index_cast %add3A_371 : i32 to index
          %swap3A_373 = tpu.vector_load %arg10[%swap3A_372] {strides = array<i32>} : memref<3072xi32, #tpu.memory_space<vmem>>, vector<16xi32>,
          tpu.vector_store %arg10[%swap3A_372], %add3A_367 {strides = array<i32>} : memref<3072xi32, #tpu.memory_space<vmem>>, vector<16xi32>,
          %add3A_374 = arith.constant 1 : i32
          %add3A_375 = vector.broadcast %add3A_374 : i32 to vector<16xi32>
          %add3A_376 = arith.addi %add3A_364, %add3A_375 : vector<16xi32>
          %mul3A_377 = arith.constant 128 : i32
          %mul3A_378 = arith.muli %scan3A_157, %mul3A_377 : i32
          %add3A_379 = arith.constant 16 : i32
          %add3A_380 = arith.addi %mul3A_378, %add3A_379 : i32
          %swap3A_381 = arith.index_cast %add3A_380 : i32 to index
          %swap3A_382 = tpu.vector_load %arg10[%swap3A_381] {strides = array<i32>} : memref<3072xi32, #tpu.memory_space<vmem>>, vector<16xi32>,
          tpu.vector_store %arg10[%swap3A_381], %add3A_376 {strides = array<i32>} : memref<3072xi32, #tpu.memory_space<vmem>>, vector<16xi32>,
          %add3A_383 = arith.constant 65 : i32
          %add3A_384 = vector.broadcast %add3A_383 : i32 to vector<16xi32>
          %add3A_385 = arith.addi %add3A_364, %add3A_384 : vector<16xi32>
          %mul3A_386 = arith.constant 128 : i32
          %mul3A_387 = arith.muli %scan3A_157, %mul3A_386 : i32
          %add3A_388 = arith.constant 32 : i32
          %add3A_389 = arith.addi %mul3A_387, %add3A_388 : i32
          %swap3A_390 = arith.index_cast %add3A_389 : i32 to index
          %swap3A_391 = tpu.vector_load %arg10[%swap3A_390] {strides = array<i32>} : memref<3072xi32, #tpu.memory_space<vmem>>, vector<16xi32>,
          tpu.vector_store %arg10[%swap3A_390], %add3A_385 {strides = array<i32>} : memref<3072xi32, #tpu.memory_space<vmem>>, vector<16xi32>,
          %add3A_392 = arith.constant 66 : i32
          %add3A_393 = vector.broadcast %add3A_392 : i32 to vector<16xi32>
          %add3A_394 = arith.addi %add3A_364, %add3A_393 : vector<16xi32>
          %mul3A_395 = arith.constant 128 : i32
          %mul3A_396 = arith.muli %scan3A_157, %mul3A_395 : i32
          %add3A_397 = arith.constant 48 : i32
          %add3A_398 = arith.addi %mul3A_396, %add3A_397 : i32
          %swap3A_399 = arith.index_cast %add3A_398 : i32 to index
          %swap3A_400 = tpu.vector_load %arg10[%swap3A_399] {strides = array<i32>} : memref<3072xi32, #tpu.memory_space<vmem>>, vector<16xi32>,
          tpu.vector_store %arg10[%swap3A_399], %add3A_394 {strides = array<i32>} : memref<3072xi32, #tpu.memory_space<vmem>>, vector<16xi32>,
          %add3A_401 = arith.constant 4225 : i32
          %add3A_402 = vector.broadcast %add3A_401 : i32 to vector<16xi32>
          %add3A_403 = arith.addi %add3A_364, %add3A_402 : vector<16xi32>
          %mul3A_404 = arith.constant 128 : i32
          %mul3A_405 = arith.muli %scan3A_157, %mul3A_404 : i32
          %add3A_406 = arith.constant 64 : i32
          %add3A_407 = arith.addi %mul3A_405, %add3A_406 : i32
          %swap3A_408 = arith.index_cast %add3A_407 : i32 to index
          %swap3A_409 = tpu.vector_load %arg10[%swap3A_408] {strides = array<i32>} : memref<3072xi32, #tpu.memory_space<vmem>>, vector<16xi32>,
          tpu.vector_store %arg10[%swap3A_408], %add3A_403 {strides = array<i32>} : memref<3072xi32, #tpu.memory_space<vmem>>, vector<16xi32>,
          %add3A_410 = arith.constant 4226 : i32
          %add3A_411 = vector.broadcast %add3A_410 : i32 to vector<16xi32>
          %add3A_412 = arith.addi %add3A_364, %add3A_411 : vector<16xi32>
          %mul3A_413 = arith.constant 128 : i32
          %mul3A_414 = arith.muli %scan3A_157, %mul3A_413 : i32
          %add3A_415 = arith.constant 80 : i32
          %add3A_416 = arith.addi %mul3A_414, %add3A_415 : i32
          %swap3A_417 = arith.index_cast %add3A_416 : i32 to index
          %swap3A_418 = tpu.vector_load %arg10[%swap3A_417] {strides = array<i32>} : memref<3072xi32, #tpu.memory_space<vmem>>, vector<16xi32>,
          tpu.vector_store %arg10[%swap3A_417], %add3A_412 {strides = array<i32>} : memref<3072xi32, #tpu.memory_space<vmem>>, vector<16xi32>,
          %add3A_419 = arith.constant 4290 : i32
          %add3A_420 = vector.broadcast %add3A_419 : i32 to vector<16xi32>
          %add3A_421 = arith.addi %add3A_364, %add3A_420 : vector<16xi32>
          %mul3A_422 = arith.constant 128 : i32
          %mul3A_423 = arith.muli %scan3A_157, %mul3A_422 : i32
          %add3A_424 = arith.constant 96 : i32
          %add3A_425 = arith.addi %mul3A_423, %add3A_424 : i32
          %swap3A_426 = arith.index_cast %add3A_425 : i32 to index
          %swap3A_427 = tpu.vector_load %arg10[%swap3A_426] {strides = array<i32>} : memref<3072xi32, #tpu.memory_space<vmem>>, vector<16xi32>,
          tpu.vector_store %arg10[%swap3A_426], %add3A_421 {strides = array<i32>} : memref<3072xi32, #tpu.memory_space<vmem>>, vector<16xi32>,
          %add3A_428 = arith.constant 4291 : i32
          %add3A_429 = vector.broadcast %add3A_428 : i32 to vector<16xi32>
          %add3A_430 = arith.addi %add3A_364, %add3A_429 : vector<16xi32>
          %mul3A_431 = arith.constant 128 : i32
          %mul3A_432 = arith.muli %scan3A_157, %mul3A_431 : i32
          %add3A_433 = arith.constant 112 : i32
          %add3A_434 = arith.addi %mul3A_432, %add3A_433 : i32
          %swap3A_435 = arith.index_cast %add3A_434 : i32 to index
          %swap3A_436 = tpu.vector_load %arg10[%swap3A_435] {strides = array<i32>} : memref<3072xi32, #tpu.memory_space<vmem>>, vector<16xi32>,
          tpu.vector_store %arg10[%swap3A_435], %add3A_430 {strides = array<i32>} : memref<3072xi32, #tpu.memory_space<vmem>>, vector<16xi32>,
          %mul3A_437 = arith.constant 1.270000e+02 : f32
          %mul3A_438 = vector.broadcast %mul3A_437 : f32 to vector<16xf32>
          %mul3A_439 = arith.mulf %min3A_168, %mul3A_438 : vector<16xf32>
          %mul3A_440 = arith.constant 1.270000e+02 : f32
          %mul3A_441 = vector.broadcast %mul3A_440 : f32 to vector<16xf32>
          %mul3A_442 = arith.mulf %min3A_177, %mul3A_441 : vector<16xf32>
          %mul3A_443 = arith.constant 1.270000e+02 : f32
          %mul3A_444 = vector.broadcast %mul3A_443 : f32 to vector<16xf32>
          %mul3A_445 = arith.mulf %min3A_186, %mul3A_444 : vector<16xf32>
          %convert_element_type3A_446 = arith.fptosi %mul3A_439 : vector<16xf32> to vector<16xi32>
          %convert_element_type3A_447 = arith.fptosi %mul3A_442 : vector<16xf32> to vector<16xi32>
          %convert_element_type3A_448 = arith.fptosi %mul3A_445 : vector<16xf32> to vector<16xi32>
          %convert_element_type3A_449 = arith.sitofp %convert_element_type3A_446 : vector<16xi32> to vector<16xf32>
          %sub3A_450 = arith.subf %mul3A_439, %convert_element_type3A_449 : vector<16xf32>
          %convert_element_type3A_451 = arith.sitofp %convert_element_type3A_447 : vector<16xi32> to vector<16xf32>
          %sub3A_452 = arith.subf %mul3A_442, %convert_element_type3A_451 : vector<16xf32>
          %convert_element_type3A_453 = arith.sitofp %convert_element_type3A_448 : vector<16xi32> to vector<16xf32>
          %sub3A_454 = arith.subf %mul3A_445, %convert_element_type3A_453 : vector<16xf32>
          %add3A_455 = arith.constant 8 : i32
          %add3A_456 = arith.addi %add3A_455, %scan3A_157 : i32
          %mul3A_457 = arith.constant 48 : i32
          %mul3A_458 = arith.muli %add3A_456, %mul3A_457 : i32
          %swap3A_459 = arith.constant 0 : i32
          %swap3A_460 = arith.index_cast %swap3A_459 : i32 to index
          %swap3A_461 = arith.index_cast %mul3A_458 : i32 to index
          %swap3A_462 = tpu.vector_load %arg12[%swap3A_460, %swap3A_461] {strides = array<i32>} : memref<2x1152xf32, #tpu.memory_space<vmem>>, vector<16xf32>,
          tpu.vector_store %arg12[%swap3A_460, %swap3A_461], %sub3A_450 {strides = array<i32>} : memref<2x1152xf32, #tpu.memory_space<vmem>>, vector<16xf32>,
          %add3A_463 = arith.constant 16 : i32
          %add3A_464 = arith.addi %mul3A_458, %add3A_463 : i32
          %swap3A_465 = arith.constant 0 : i32
          %swap3A_466 = arith.index_cast %swap3A_465 : i32 to index
          %swap3A_467 = arith.index_cast %add3A_464 : i32 to index
          %swap3A_468 = tpu.vector_load %arg12[%swap3A_466, %swap3A_467] {strides = array<i32>} : memref<2x1152xf32, #tpu.memory_space<vmem>>, vector<16xf32>,
          tpu.vector_store %arg12[%swap3A_466, %swap3A_467], %sub3A_452 {strides = array<i32>} : memref<2x1152xf32, #tpu.memory_space<vmem>>, vector<16xf32>,
          %add3A_469 = arith.constant 32 : i32
          %add3A_470 = arith.addi %mul3A_458, %add3A_469 : i32
          %swap3A_471 = arith.constant 0 : i32
          %swap3A_472 = arith.index_cast %swap3A_471 : i32 to index
          %swap3A_473 = arith.index_cast %add3A_470 : i32 to index
          %swap3A_474 = tpu.vector_load %arg12[%swap3A_472, %swap3A_473] {strides = array<i32>} : memref<2x1152xf32, #tpu.memory_space<vmem>>, vector<16xf32>,
          tpu.vector_store %arg12[%swap3A_472, %swap3A_473], %sub3A_454 {strides = array<i32>} : memref<2x1152xf32, #tpu.memory_space<vmem>>, vector<16xf32>,
          %mul3A_475 = arith.constant -1640531535 : i32
          %mul3A_476 = vector.broadcast %mul3A_475 : i32 to vector<16xi32>
          %mul3A_477 = arith.muli %convert_element_type3A_447, %mul3A_476 : vector<16xi32>
          %add3A_478 = arith.constant -1640531535 : i32
          %add3A_479 = vector.broadcast %add3A_478 : i32 to vector<16xi32>
          %add3A_480 = arith.addi %mul3A_477, %add3A_479 : vector<16xi32>
          %mul3A_481 = arith.constant 805459861 : i32
          %mul3A_482 = vector.broadcast %mul3A_481 : i32 to vector<16xi32>
          %mul3A_483 = arith.muli %convert_element_type3A_448, %mul3A_482 : vector<16xi32>
          %add3A_484 = arith.constant 805459861 : i32
          %add3A_485 = vector.broadcast %add3A_484 : i32 to vector<16xi32>
          %add3A_486 = arith.addi %mul3A_483, %add3A_485 : vector<16xi32>
          %xor3A = arith.xori %convert_element_type3A_446, %convert_element_type3A_447 : vector<16xi32>
          %xor3A_487 = arith.xori %xor3A, %convert_element_type3A_448 : vector<16xi32>
          %and3A = arith.constant 1 : i32
          %and3A_488 = vector.broadcast %and3A : i32 to vector<16xi32>
          %and3A_489 = arith.andi %xor3A_487, %and3A_488 : vector<16xi32>
          %shift_left3A = arith.constant 4 : i32
          %shift_left3A_490 = vector.broadcast %shift_left3A : i32 to vector<16xi32>
          %shift_left3A_491 = arith.shli %and3A_489, %shift_left3A_490 : vector<16xi32>
          %add3A_492 = arith.constant 0 : i32
          %add3A_493 = arith.addi %add3A_492, %scan3A_157 : i32
          %mul3A_494 = arith.constant 16 : i32
          %mul3A_495 = arith.muli %add3A_493, %mul3A_494 : i32
          %swap3A_496 = arith.constant 0 : i32
          %swap3A_497 = arith.index_cast %swap3A_496 : i32 to index
          %swap3A_498 = arith.index_cast %mul3A_495 : i32 to index
          %swap3A_499 = tpu.vector_load %arg13[%swap3A_497, %swap3A_498] {strides = array<i32>} : memref<2x256xi32, #tpu.memory_space<vmem>>, vector<16xi32>,
          tpu.vector_store %arg13[%swap3A_497, %swap3A_498], %shift_left3A_491 {strides = array<i32>} : memref<2x256xi32, #tpu.memory_space<vmem>>, vector<16xi32>,
          %xor3A_500 = arith.xori %convert_element_type3A_446, %mul3A_477 : vector<16xi32>
          %xor3A_501 = arith.xori %xor3A_500, %mul3A_483 : vector<16xi32>
          %and3A_502 = arith.constant 524287 : i32
          %and3A_503 = vector.broadcast %and3A_502 : i32 to vector<16xi32>
          %and3A_504 = arith.andi %xor3A_501, %and3A_503 : vector<16xi32>
          %shift_right_logical3A = arith.constant 1 : i32
          %shift_right_logical3A_505 = vector.broadcast %shift_right_logical3A : i32 to vector<16xi32>
          %shift_right_logical3A_506 = arith.shrui %and3A_504, %shift_right_logical3A_505 : vector<16xi32>
          %add3A_507 = arith.constant 274688 : i32
          %add3A_508 = vector.broadcast %add3A_507 : i32 to vector<16xi32>
          %add3A_509 = arith.addi %shift_right_logical3A_506, %add3A_508 : vector<16xi32>
          %add3A_510 = arith.constant 8 : i32
          %add3A_511 = arith.addi %add3A_510, %scan3A_157 : i32
          %mul3A_512 = arith.constant 128 : i32
          %mul3A_513 = arith.muli %add3A_511, %mul3A_512 : i32
          %add3A_514 = arith.constant 0 : i32
          %add3A_515 = arith.addi %mul3A_513, %add3A_514 : i32
          %swap3A_516 = arith.index_cast %add3A_515 : i32 to index
          %swap3A_517 = tpu.vector_load %arg10[%swap3A_516] {strides = array<i32>} : memref<3072xi32, #tpu.memory_space<vmem>>, vector<16xi32>,
          tpu.vector_store %arg10[%swap3A_516], %add3A_509 {strides = array<i32>} : memref<3072xi32, #tpu.memory_space<vmem>>, vector<16xi32>,
          %add3A_518 = arith.constant 1 : i32
          %add3A_519 = vector.broadcast %add3A_518 : i32 to vector<16xi32>
          %add3A_520 = arith.addi %convert_element_type3A_446, %add3A_519 : vector<16xi32>
          %xor3A_521 = arith.xori %add3A_520, %mul3A_477 : vector<16xi32>
          %xor3A_522 = arith.xori %xor3A_521, %mul3A_483 : vector<16xi32>
          %and3A_523 = arith.constant 524287 : i32
          %and3A_524 = vector.broadcast %and3A_523 : i32 to vector<16xi32>
          %and3A_525 = arith.andi %xor3A_522, %and3A_524 : vector<16xi32>
          %shift_right_logical3A_526 = arith.constant 1 : i32
          %shift_right_logical3A_527 = vector.broadcast %shift_right_logical3A_526 : i32 to vector<16xi32>
          %shift_right_logical3A_528 = arith.shrui %and3A_525, %shift_right_logical3A_527 : vector<16xi32>
          %add3A_529 = arith.constant 274688 : i32
          %add3A_530 = vector.broadcast %add3A_529 : i32 to vector<16xi32>
          %add3A_531 = arith.addi %shift_right_logical3A_528, %add3A_530 : vector<16xi32>
          %add3A_532 = arith.constant 8 : i32
          %add3A_533 = arith.addi %add3A_532, %scan3A_157 : i32
          %mul3A_534 = arith.constant 128 : i32
          %mul3A_535 = arith.muli %add3A_533, %mul3A_534 : i32
          %add3A_536 = arith.constant 16 : i32
          %add3A_537 = arith.addi %mul3A_535, %add3A_536 : i32
          %swap3A_538 = arith.index_cast %add3A_537 : i32 to index
          %swap3A_539 = tpu.vector_load %arg10[%swap3A_538] {strides = array<i32>} : memref<3072xi32, #tpu.memory_space<vmem>>, vector<16xi32>,
          tpu.vector_store %arg10[%swap3A_538], %add3A_531 {strides = array<i32>} : memref<3072xi32, #tpu.memory_space<vmem>>, vector<16xi32>,
          %xor3A_540 = arith.xori %convert_element_type3A_446, %add3A_480 : vector<16xi32>
          %xor3A_541 = arith.xori %xor3A_540, %mul3A_483 : vector<16xi32>
          %and3A_542 = arith.constant 524287 : i32
          %and3A_543 = vector.broadcast %and3A_542 : i32 to vector<16xi32>
          %and3A_544 = arith.andi %xor3A_541, %and3A_543 : vector<16xi32>
          %shift_right_logical3A_545 = arith.constant 1 : i32
          %shift_right_logical3A_546 = vector.broadcast %shift_right_logical3A_545 : i32 to vector<16xi32>
          %shift_right_logical3A_547 = arith.shrui %and3A_544, %shift_right_logical3A_546 : vector<16xi32>
          %add3A_548 = arith.constant 274688 : i32
          %add3A_549 = vector.broadcast %add3A_548 : i32 to vector<16xi32>
          %add3A_550 = arith.addi %shift_right_logical3A_547, %add3A_549 : vector<16xi32>
          %add3A_551 = arith.constant 8 : i32
          %add3A_552 = arith.addi %add3A_551, %scan3A_157 : i32
          %mul3A_553 = arith.constant 128 : i32
          %mul3A_554 = arith.muli %add3A_552, %mul3A_553 : i32
          %add3A_555 = arith.constant 32 : i32
          %add3A_556 = arith.addi %mul3A_554, %add3A_555 : i32
          %swap3A_557 = arith.index_cast %add3A_556 : i32 to index
          %swap3A_558 = tpu.vector_load %arg10[%swap3A_557] {strides = array<i32>} : memref<3072xi32, #tpu.memory_space<vmem>>, vector<16xi32>,
          tpu.vector_store %arg10[%swap3A_557], %add3A_550 {strides = array<i32>} : memref<3072xi32, #tpu.memory_space<vmem>>, vector<16xi32>,
          %add3A_559 = arith.constant 1 : i32
          %add3A_560 = vector.broadcast %add3A_559 : i32 to vector<16xi32>
          %add3A_561 = arith.addi %convert_element_type3A_446, %add3A_560 : vector<16xi32>
          %xor3A_562 = arith.xori %add3A_561, %add3A_480 : vector<16xi32>
          %xor3A_563 = arith.xori %xor3A_562, %mul3A_483 : vector<16xi32>
          %and3A_564 = arith.constant 524287 : i32
          %and3A_565 = vector.broadcast %and3A_564 : i32 to vector<16xi32>
          %and3A_566 = arith.andi %xor3A_563, %and3A_565 : vector<16xi32>
          %shift_right_logical3A_567 = arith.constant 1 : i32
          %shift_right_logical3A_568 = vector.broadcast %shift_right_logical3A_567 : i32 to vector<16xi32>
          %shift_right_logical3A_569 = arith.shrui %and3A_566, %shift_right_logical3A_568 : vector<16xi32>
          %add3A_570 = arith.constant 274688 : i32
          %add3A_571 = vector.broadcast %add3A_570 : i32 to vector<16xi32>
          %add3A_572 = arith.addi %shift_right_logical3A_569, %add3A_571 : vector<16xi32>
          %add3A_573 = arith.constant 8 : i32
          %add3A_574 = arith.addi %add3A_573, %scan3A_157 : i32
          %mul3A_575 = arith.constant 128 : i32
          %mul3A_576 = arith.muli %add3A_574, %mul3A_575 : i32
          %add3A_577 = arith.constant 48 : i32
          %add3A_578 = arith.addi %mul3A_576, %add3A_577 : i32
          %swap3A_579 = arith.index_cast %add3A_578 : i32 to index
          %swap3A_580 = tpu.vector_load %arg10[%swap3A_579] {strides = array<i32>} : memref<3072xi32, #tpu.memory_space<vmem>>, vector<16xi32>,
          tpu.vector_store %arg10[%swap3A_579], %add3A_572 {strides = array<i32>} : memref<3072xi32, #tpu.memory_space<vmem>>, vector<16xi32>,
          %xor3A_581 = arith.xori %convert_element_type3A_446, %mul3A_477 : vector<16xi32>
          %xor3A_582 = arith.xori %xor3A_581, %add3A_486 : vector<16xi32>
          %and3A_583 = arith.constant 524287 : i32
          %and3A_584 = vector.broadcast %and3A_583 : i32 to vector<16xi32>
          %and3A_585 = arith.andi %xor3A_582, %and3A_584 : vector<16xi32>
          %shift_right_logical3A_586 = arith.constant 1 : i32
          %shift_right_logical3A_587 = vector.broadcast %shift_right_logical3A_586 : i32 to vector<16xi32>
          %shift_right_logical3A_588 = arith.shrui %and3A_585, %shift_right_logical3A_587 : vector<16xi32>
          %add3A_589 = arith.constant 274688 : i32
          %add3A_590 = vector.broadcast %add3A_589 : i32 to vector<16xi32>
          %add3A_591 = arith.addi %shift_right_logical3A_588, %add3A_590 : vector<16xi32>
          %add3A_592 = arith.constant 8 : i32
          %add3A_593 = arith.addi %add3A_592, %scan3A_157 : i32
          %mul3A_594 = arith.constant 128 : i32
          %mul3A_595 = arith.muli %add3A_593, %mul3A_594 : i32
          %add3A_596 = arith.constant 64 : i32
          %add3A_597 = arith.addi %mul3A_595, %add3A_596 : i32
          %swap3A_598 = arith.index_cast %add3A_597 : i32 to index
          %swap3A_599 = tpu.vector_load %arg10[%swap3A_598] {strides = array<i32>} : memref<3072xi32, #tpu.memory_space<vmem>>, vector<16xi32>,
          tpu.vector_store %arg10[%swap3A_598], %add3A_591 {strides = array<i32>} : memref<3072xi32, #tpu.memory_space<vmem>>, vector<16xi32>,
          %add3A_600 = arith.constant 1 : i32
          %add3A_601 = vector.broadcast %add3A_600 : i32 to vector<16xi32>
          %add3A_602 = arith.addi %convert_element_type3A_446, %add3A_601 : vector<16xi32>
          %xor3A_603 = arith.xori %add3A_602, %mul3A_477 : vector<16xi32>
          %xor3A_604 = arith.xori %xor3A_603, %add3A_486 : vector<16xi32>
          %and3A_605 = arith.constant 524287 : i32
          %and3A_606 = vector.broadcast %and3A_605 : i32 to vector<16xi32>
          %and3A_607 = arith.andi %xor3A_604, %and3A_606 : vector<16xi32>
          %shift_right_logical3A_608 = arith.constant 1 : i32
          %shift_right_logical3A_609 = vector.broadcast %shift_right_logical3A_608 : i32 to vector<16xi32>
          %shift_right_logical3A_610 = arith.shrui %and3A_607, %shift_right_logical3A_609 : vector<16xi32>
          %add3A_611 = arith.constant 274688 : i32
          %add3A_612 = vector.broadcast %add3A_611 : i32 to vector<16xi32>
          %add3A_613 = arith.addi %shift_right_logical3A_610, %add3A_612 : vector<16xi32>
          %add3A_614 = arith.constant 8 : i32
          %add3A_615 = arith.addi %add3A_614, %scan3A_157 : i32
          %mul3A_616 = arith.constant 128 : i32
          %mul3A_617 = arith.muli %add3A_615, %mul3A_616 : i32
          %add3A_618 = arith.constant 80 : i32
          %add3A_619 = arith.addi %mul3A_617, %add3A_618 : i32
          %swap3A_620 = arith.index_cast %add3A_619 : i32 to index
          %swap3A_621 = tpu.vector_load %arg10[%swap3A_620] {strides = array<i32>} : memref<3072xi32, #tpu.memory_space<vmem>>, vector<16xi32>,
          tpu.vector_store %arg10[%swap3A_620], %add3A_613 {strides = array<i32>} : memref<3072xi32, #tpu.memory_space<vmem>>, vector<16xi32>,
          %xor3A_622 = arith.xori %convert_element_type3A_446, %add3A_480 : vector<16xi32>
          %xor3A_623 = arith.xori %xor3A_622, %add3A_486 : vector<16xi32>
          %and3A_624 = arith.constant 524287 : i32
          %and3A_625 = vector.broadcast %and3A_624 : i32 to vector<16xi32>
          %and3A_626 = arith.andi %xor3A_623, %and3A_625 : vector<16xi32>
          %shift_right_logical3A_627 = arith.constant 1 : i32
          %shift_right_logical3A_628 = vector.broadcast %shift_right_logical3A_627 : i32 to vector<16xi32>
          %shift_right_logical3A_629 = arith.shrui %and3A_626, %shift_right_logical3A_628 : vector<16xi32>
          %add3A_630 = arith.constant 274688 : i32
          %add3A_631 = vector.broadcast %add3A_630 : i32 to vector<16xi32>
          %add3A_632 = arith.addi %shift_right_logical3A_629, %add3A_631 : vector<16xi32>
          %add3A_633 = arith.constant 8 : i32
          %add3A_634 = arith.addi %add3A_633, %scan3A_157 : i32
          %mul3A_635 = arith.constant 128 : i32
          %mul3A_636 = arith.muli %add3A_634, %mul3A_635 : i32
          %add3A_637 = arith.constant 96 : i32
          %add3A_638 = arith.addi %mul3A_636, %add3A_637 : i32
          %swap3A_639 = arith.index_cast %add3A_638 : i32 to index
          %swap3A_640 = tpu.vector_load %arg10[%swap3A_639] {strides = array<i32>} : memref<3072xi32, #tpu.memory_space<vmem>>, vector<16xi32>,
          tpu.vector_store %arg10[%swap3A_639], %add3A_632 {strides = array<i32>} : memref<3072xi32, #tpu.memory_space<vmem>>, vector<16xi32>,
          %add3A_641 = arith.constant 1 : i32
          %add3A_642 = vector.broadcast %add3A_641 : i32 to vector<16xi32>
          %add3A_643 = arith.addi %convert_element_type3A_446, %add3A_642 : vector<16xi32>
          %xor3A_644 = arith.xori %add3A_643, %add3A_480 : vector<16xi32>
          %xor3A_645 = arith.xori %xor3A_644, %add3A_486 : vector<16xi32>
          %and3A_646 = arith.constant 524287 : i32
          %and3A_647 = vector.broadcast %and3A_646 : i32 to vector<16xi32>
          %and3A_648 = arith.andi %xor3A_645, %and3A_647 : vector<16xi32>
          %shift_right_logical3A_649 = arith.constant 1 : i32
          %shift_right_logical3A_650 = vector.broadcast %shift_right_logical3A_649 : i32 to vector<16xi32>
          %shift_right_logical3A_651 = arith.shrui %and3A_648, %shift_right_logical3A_650 : vector<16xi32>
          %add3A_652 = arith.constant 274688 : i32
          %add3A_653 = vector.broadcast %add3A_652 : i32 to vector<16xi32>
          %add3A_654 = arith.addi %shift_right_logical3A_651, %add3A_653 : vector<16xi32>
          %add3A_655 = arith.constant 8 : i32
          %add3A_656 = arith.addi %add3A_655, %scan3A_157 : i32
          %mul3A_657 = arith.constant 128 : i32
          %mul3A_658 = arith.muli %add3A_656, %mul3A_657 : i32
          %add3A_659 = arith.constant 112 : i32
          %add3A_660 = arith.addi %mul3A_658, %add3A_659 : i32
          %swap3A_661 = arith.index_cast %add3A_660 : i32 to index
          %swap3A_662 = tpu.vector_load %arg10[%swap3A_661] {strides = array<i32>} : memref<3072xi32, #tpu.memory_space<vmem>>, vector<16xi32>,
          tpu.vector_store %arg10[%swap3A_661], %add3A_654 {strides = array<i32>} : memref<3072xi32, #tpu.memory_space<vmem>>, vector<16xi32>,
          %mul3A_663 = arith.constant 2.550000e+02 : f32
          %mul3A_664 = vector.broadcast %mul3A_663 : f32 to vector<16xf32>
          %mul3A_665 = arith.mulf %min3A_168, %mul3A_664 : vector<16xf32>
          %mul3A_666 = arith.constant 2.550000e+02 : f32
          %mul3A_667 = vector.broadcast %mul3A_666 : f32 to vector<16xf32>
          %mul3A_668 = arith.mulf %min3A_177, %mul3A_667 : vector<16xf32>
          %mul3A_669 = arith.constant 2.550000e+02 : f32
          %mul3A_670 = vector.broadcast %mul3A_669 : f32 to vector<16xf32>
          %mul3A_671 = arith.mulf %min3A_186, %mul3A_670 : vector<16xf32>
          %convert_element_type3A_672 = arith.fptosi %mul3A_665 : vector<16xf32> to vector<16xi32>
          %convert_element_type3A_673 = arith.fptosi %mul3A_668 : vector<16xf32> to vector<16xi32>
          %convert_element_type3A_674 = arith.fptosi %mul3A_671 : vector<16xf32> to vector<16xi32>
          %convert_element_type3A_675 = arith.sitofp %convert_element_type3A_672 : vector<16xi32> to vector<16xf32>
          %sub3A_676 = arith.subf %mul3A_665, %convert_element_type3A_675 : vector<16xf32>
          %convert_element_type3A_677 = arith.sitofp %convert_element_type3A_673 : vector<16xi32> to vector<16xf32>
          %sub3A_678 = arith.subf %mul3A_668, %convert_element_type3A_677 : vector<16xf32>
          %convert_element_type3A_679 = arith.sitofp %convert_element_type3A_674 : vector<16xi32> to vector<16xf32>
          %sub3A_680 = arith.subf %mul3A_671, %convert_element_type3A_679 : vector<16xf32>
          %add3A_681 = arith.constant 16 : i32
          %add3A_682 = arith.addi %add3A_681, %scan3A_157 : i32
          %mul3A_683 = arith.constant 48 : i32
          %mul3A_684 = arith.muli %add3A_682, %mul3A_683 : i32
          %swap3A_685 = arith.constant 0 : i32
          %swap3A_686 = arith.index_cast %swap3A_685 : i32 to index
          %swap3A_687 = arith.index_cast %mul3A_684 : i32 to index
          %swap3A_688 = tpu.vector_load %arg12[%swap3A_686, %swap3A_687] {strides = array<i32>} : memref<2x1152xf32, #tpu.memory_space<vmem>>, vector<16xf32>,
          tpu.vector_store %arg12[%swap3A_686, %swap3A_687], %sub3A_676 {strides = array<i32>} : memref<2x1152xf32, #tpu.memory_space<vmem>>, vector<16xf32>,
          %add3A_689 = arith.constant 16 : i32
          %add3A_690 = arith.addi %mul3A_684, %add3A_689 : i32
          %swap3A_691 = arith.constant 0 : i32
          %swap3A_692 = arith.index_cast %swap3A_691 : i32 to index
          %swap3A_693 = arith.index_cast %add3A_690 : i32 to index
          %swap3A_694 = tpu.vector_load %arg12[%swap3A_692, %swap3A_693] {strides = array<i32>} : memref<2x1152xf32, #tpu.memory_space<vmem>>, vector<16xf32>,
          tpu.vector_store %arg12[%swap3A_692, %swap3A_693], %sub3A_678 {strides = array<i32>} : memref<2x1152xf32, #tpu.memory_space<vmem>>, vector<16xf32>,
          %add3A_695 = arith.constant 32 : i32
          %add3A_696 = arith.addi %mul3A_684, %add3A_695 : i32
          %swap3A_697 = arith.constant 0 : i32
          %swap3A_698 = arith.index_cast %swap3A_697 : i32 to index
          %swap3A_699 = arith.index_cast %add3A_696 : i32 to index
          %swap3A_700 = tpu.vector_load %arg12[%swap3A_698, %swap3A_699] {strides = array<i32>} : memref<2x1152xf32, #tpu.memory_space<vmem>>, vector<16xf32>,
          tpu.vector_store %arg12[%swap3A_698, %swap3A_699], %sub3A_680 {strides = array<i32>} : memref<2x1152xf32, #tpu.memory_space<vmem>>, vector<16xf32>,
          %mul3A_701 = arith.constant -1640531535 : i32
          %mul3A_702 = vector.broadcast %mul3A_701 : i32 to vector<16xi32>
          %mul3A_703 = arith.muli %convert_element_type3A_673, %mul3A_702 : vector<16xi32>
          %add3A_704 = arith.constant -1640531535 : i32
          %add3A_705 = vector.broadcast %add3A_704 : i32 to vector<16xi32>
          %add3A_706 = arith.addi %mul3A_703, %add3A_705 : vector<16xi32>
          %mul3A_707 = arith.constant 805459861 : i32
          %mul3A_708 = vector.broadcast %mul3A_707 : i32 to vector<16xi32>
          %mul3A_709 = arith.muli %convert_element_type3A_674, %mul3A_708 : vector<16xi32>
          %add3A_710 = arith.constant 805459861 : i32
          %add3A_711 = vector.broadcast %add3A_710 : i32 to vector<16xi32>
          %add3A_712 = arith.addi %mul3A_709, %add3A_711 : vector<16xi32>
          %xor3A_713 = arith.xori %convert_element_type3A_672, %convert_element_type3A_673 : vector<16xi32>
          %xor3A_714 = arith.xori %xor3A_713, %convert_element_type3A_674 : vector<16xi32>
          %and3A_715 = arith.constant 1 : i32
          %and3A_716 = vector.broadcast %and3A_715 : i32 to vector<16xi32>
          %and3A_717 = arith.andi %xor3A_714, %and3A_716 : vector<16xi32>
          %shift_left3A_718 = arith.constant 4 : i32
          %shift_left3A_719 = vector.broadcast %shift_left3A_718 : i32 to vector<16xi32>
          %shift_left3A_720 = arith.shli %and3A_717, %shift_left3A_719 : vector<16xi32>
          %add3A_721 = arith.constant 8 : i32
          %add3A_722 = arith.addi %add3A_721, %scan3A_157 : i32
          %mul3A_723 = arith.constant 16 : i32
          %mul3A_724 = arith.muli %add3A_722, %mul3A_723 : i32
          %swap3A_725 = arith.constant 0 : i32
          %swap3A_726 = arith.index_cast %swap3A_725 : i32 to index
          %swap3A_727 = arith.index_cast %mul3A_724 : i32 to index
          %swap3A_728 = tpu.vector_load %arg13[%swap3A_726, %swap3A_727] {strides = array<i32>} : memref<2x256xi32, #tpu.memory_space<vmem>>, vector<16xi32>,
          tpu.vector_store %arg13[%swap3A_726, %swap3A_727], %shift_left3A_720 {strides = array<i32>} : memref<2x256xi32, #tpu.memory_space<vmem>>, vector<16xi32>,
          %xor3A_729 = arith.xori %convert_element_type3A_672, %mul3A_703 : vector<16xi32>
          %xor3A_730 = arith.xori %xor3A_729, %mul3A_709 : vector<16xi32>
          %and3A_731 = arith.constant 524287 : i32
          %and3A_732 = vector.broadcast %and3A_731 : i32 to vector<16xi32>
          %and3A_733 = arith.andi %xor3A_730, %and3A_732 : vector<16xi32>
          %shift_right_logical3A_734 = arith.constant 1 : i32
          %shift_right_logical3A_735 = vector.broadcast %shift_right_logical3A_734 : i32 to vector<16xi32>
          %shift_right_logical3A_736 = arith.shrui %and3A_733, %shift_right_logical3A_735 : vector<16xi32>
          %add3A_737 = arith.constant 536832 : i32
          %add3A_738 = vector.broadcast %add3A_737 : i32 to vector<16xi32>
          %add3A_739 = arith.addi %shift_right_logical3A_736, %add3A_738 : vector<16xi32>
          %add3A_740 = arith.constant 16 : i32
          %add3A_741 = arith.addi %add3A_740, %scan3A_157 : i32
          %mul3A_742 = arith.constant 128 : i32
          %mul3A_743 = arith.muli %add3A_741, %mul3A_742 : i32
          %add3A_744 = arith.constant 0 : i32
          %add3A_745 = arith.addi %mul3A_743, %add3A_744 : i32
          %swap3A_746 = arith.index_cast %add3A_745 : i32 to index
          %swap3A_747 = tpu.vector_load %arg10[%swap3A_746] {strides = array<i32>} : memref<3072xi32, #tpu.memory_space<vmem>>, vector<16xi32>,
          tpu.vector_store %arg10[%swap3A_746], %add3A_739 {strides = array<i32>} : memref<3072xi32, #tpu.memory_space<vmem>>, vector<16xi32>,
          %add3A_748 = arith.constant 1 : i32
          %add3A_749 = vector.broadcast %add3A_748 : i32 to vector<16xi32>
          %add3A_750 = arith.addi %convert_element_type3A_672, %add3A_749 : vector<16xi32>
          %xor3A_751 = arith.xori %add3A_750, %mul3A_703 : vector<16xi32>
          %xor3A_752 = arith.xori %xor3A_751, %mul3A_709 : vector<16xi32>
          %and3A_753 = arith.constant 524287 : i32
          %and3A_754 = vector.broadcast %and3A_753 : i32 to vector<16xi32>
          %and3A_755 = arith.andi %xor3A_752, %and3A_754 : vector<16xi32>
          %shift_right_logical3A_756 = arith.constant 1 : i32
          %shift_right_logical3A_757 = vector.broadcast %shift_right_logical3A_756 : i32 to vector<16xi32>
          %shift_right_logical3A_758 = arith.shrui %and3A_755, %shift_right_logical3A_757 : vector<16xi32>
          %add3A_759 = arith.constant 536832 : i32
          %add3A_760 = vector.broadcast %add3A_759 : i32 to vector<16xi32>
          %add3A_761 = arith.addi %shift_right_logical3A_758, %add3A_760 : vector<16xi32>
          %add3A_762 = arith.constant 16 : i32
          %add3A_763 = arith.addi %add3A_762, %scan3A_157 : i32
          %mul3A_764 = arith.constant 128 : i32
          %mul3A_765 = arith.muli %add3A_763, %mul3A_764 : i32
          %add3A_766 = arith.constant 16 : i32
          %add3A_767 = arith.addi %mul3A_765, %add3A_766 : i32
          %swap3A_768 = arith.index_cast %add3A_767 : i32 to index
          %swap3A_769 = tpu.vector_load %arg10[%swap3A_768] {strides = array<i32>} : memref<3072xi32, #tpu.memory_space<vmem>>, vector<16xi32>,
          tpu.vector_store %arg10[%swap3A_768], %add3A_761 {strides = array<i32>} : memref<3072xi32, #tpu.memory_space<vmem>>, vector<16xi32>,
          %xor3A_770 = arith.xori %convert_element_type3A_672, %add3A_706 : vector<16xi32>
          %xor3A_771 = arith.xori %xor3A_770, %mul3A_709 : vector<16xi32>
          %and3A_772 = arith.constant 524287 : i32
          %and3A_773 = vector.broadcast %and3A_772 : i32 to vector<16xi32>
          %and3A_774 = arith.andi %xor3A_771, %and3A_773 : vector<16xi32>
          %shift_right_logical3A_775 = arith.constant 1 : i32
          %shift_right_logical3A_776 = vector.broadcast %shift_right_logical3A_775 : i32 to vector<16xi32>
          %shift_right_logical3A_777 = arith.shrui %and3A_774, %shift_right_logical3A_776 : vector<16xi32>
          %add3A_778 = arith.constant 536832 : i32
          %add3A_779 = vector.broadcast %add3A_778 : i32 to vector<16xi32>
          %add3A_780 = arith.addi %shift_right_logical3A_777, %add3A_779 : vector<16xi32>
          %add3A_781 = arith.constant 16 : i32
          %add3A_782 = arith.addi %add3A_781, %scan3A_157 : i32
          %mul3A_783 = arith.constant 128 : i32
          %mul3A_784 = arith.muli %add3A_782, %mul3A_783 : i32
          %add3A_785 = arith.constant 32 : i32
          %add3A_786 = arith.addi %mul3A_784, %add3A_785 : i32
          %swap3A_787 = arith.index_cast %add3A_786 : i32 to index
          %swap3A_788 = tpu.vector_load %arg10[%swap3A_787] {strides = array<i32>} : memref<3072xi32, #tpu.memory_space<vmem>>, vector<16xi32>,
          tpu.vector_store %arg10[%swap3A_787], %add3A_780 {strides = array<i32>} : memref<3072xi32, #tpu.memory_space<vmem>>, vector<16xi32>,
          %add3A_789 = arith.constant 1 : i32
          %add3A_790 = vector.broadcast %add3A_789 : i32 to vector<16xi32>
          %add3A_791 = arith.addi %convert_element_type3A_672, %add3A_790 : vector<16xi32>
          %xor3A_792 = arith.xori %add3A_791, %add3A_706 : vector<16xi32>
          %xor3A_793 = arith.xori %xor3A_792, %mul3A_709 : vector<16xi32>
          %and3A_794 = arith.constant 524287 : i32
          %and3A_795 = vector.broadcast %and3A_794 : i32 to vector<16xi32>
          %and3A_796 = arith.andi %xor3A_793, %and3A_795 : vector<16xi32>
          %shift_right_logical3A_797 = arith.constant 1 : i32
          %shift_right_logical3A_798 = vector.broadcast %shift_right_logical3A_797 : i32 to vector<16xi32>
          %shift_right_logical3A_799 = arith.shrui %and3A_796, %shift_right_logical3A_798 : vector<16xi32>
          %add3A_800 = arith.constant 536832 : i32
          %add3A_801 = vector.broadcast %add3A_800 : i32 to vector<16xi32>
          %add3A_802 = arith.addi %shift_right_logical3A_799, %add3A_801 : vector<16xi32>
          %add3A_803 = arith.constant 16 : i32
          %add3A_804 = arith.addi %add3A_803, %scan3A_157 : i32
          %mul3A_805 = arith.constant 128 : i32
          %mul3A_806 = arith.muli %add3A_804, %mul3A_805 : i32
          %add3A_807 = arith.constant 48 : i32
          %add3A_808 = arith.addi %mul3A_806, %add3A_807 : i32
          %swap3A_809 = arith.index_cast %add3A_808 : i32 to index
          %swap3A_810 = tpu.vector_load %arg10[%swap3A_809] {strides = array<i32>} : memref<3072xi32, #tpu.memory_space<vmem>>, vector<16xi32>,
          tpu.vector_store %arg10[%swap3A_809], %add3A_802 {strides = array<i32>} : memref<3072xi32, #tpu.memory_space<vmem>>, vector<16xi32>,
          %xor3A_811 = arith.xori %convert_element_type3A_672, %mul3A_703 : vector<16xi32>
          %xor3A_812 = arith.xori %xor3A_811, %add3A_712 : vector<16xi32>
          %and3A_813 = arith.constant 524287 : i32
          %and3A_814 = vector.broadcast %and3A_813 : i32 to vector<16xi32>
          %and3A_815 = arith.andi %xor3A_812, %and3A_814 : vector<16xi32>
          %shift_right_logical3A_816 = arith.constant 1 : i32
          %shift_right_logical3A_817 = vector.broadcast %shift_right_logical3A_816 : i32 to vector<16xi32>
          %shift_right_logical3A_818 = arith.shrui %and3A_815, %shift_right_logical3A_817 : vector<16xi32>
          %add3A_819 = arith.constant 536832 : i32
          %add3A_820 = vector.broadcast %add3A_819 : i32 to vector<16xi32>
          %add3A_821 = arith.addi %shift_right_logical3A_818, %add3A_820 : vector<16xi32>
          %add3A_822 = arith.constant 16 : i32
          %add3A_823 = arith.addi %add3A_822, %scan3A_157 : i32
          %mul3A_824 = arith.constant 128 : i32
          %mul3A_825 = arith.muli %add3A_823, %mul3A_824 : i32
          %add3A_826 = arith.constant 64 : i32
          %add3A_827 = arith.addi %mul3A_825, %add3A_826 : i32
          %swap3A_828 = arith.index_cast %add3A_827 : i32 to index
          %swap3A_829 = tpu.vector_load %arg10[%swap3A_828] {strides = array<i32>} : memref<3072xi32, #tpu.memory_space<vmem>>, vector<16xi32>,
          tpu.vector_store %arg10[%swap3A_828], %add3A_821 {strides = array<i32>} : memref<3072xi32, #tpu.memory_space<vmem>>, vector<16xi32>,
          %add3A_830 = arith.constant 1 : i32
          %add3A_831 = vector.broadcast %add3A_830 : i32 to vector<16xi32>
          %add3A_832 = arith.addi %convert_element_type3A_672, %add3A_831 : vector<16xi32>
          %xor3A_833 = arith.xori %add3A_832, %mul3A_703 : vector<16xi32>
          %xor3A_834 = arith.xori %xor3A_833, %add3A_712 : vector<16xi32>
          %and3A_835 = arith.constant 524287 : i32
          %and3A_836 = vector.broadcast %and3A_835 : i32 to vector<16xi32>
          %and3A_837 = arith.andi %xor3A_834, %and3A_836 : vector<16xi32>
          %shift_right_logical3A_838 = arith.constant 1 : i32
          %shift_right_logical3A_839 = vector.broadcast %shift_right_logical3A_838 : i32 to vector<16xi32>
          %shift_right_logical3A_840 = arith.shrui %and3A_837, %shift_right_logical3A_839 : vector<16xi32>
          %add3A_841 = arith.constant 536832 : i32
          %add3A_842 = vector.broadcast %add3A_841 : i32 to vector<16xi32>
          %add3A_843 = arith.addi %shift_right_logical3A_840, %add3A_842 : vector<16xi32>
          %add3A_844 = arith.constant 16 : i32
          %add3A_845 = arith.addi %add3A_844, %scan3A_157 : i32
          %mul3A_846 = arith.constant 128 : i32
          %mul3A_847 = arith.muli %add3A_845, %mul3A_846 : i32
          %add3A_848 = arith.constant 80 : i32
          %add3A_849 = arith.addi %mul3A_847, %add3A_848 : i32
          %swap3A_850 = arith.index_cast %add3A_849 : i32 to index
          %swap3A_851 = tpu.vector_load %arg10[%swap3A_850] {strides = array<i32>} : memref<3072xi32, #tpu.memory_space<vmem>>, vector<16xi32>,
          tpu.vector_store %arg10[%swap3A_850], %add3A_843 {strides = array<i32>} : memref<3072xi32, #tpu.memory_space<vmem>>, vector<16xi32>,
          %xor3A_852 = arith.xori %convert_element_type3A_672, %add3A_706 : vector<16xi32>
          %xor3A_853 = arith.xori %xor3A_852, %add3A_712 : vector<16xi32>
          %and3A_854 = arith.constant 524287 : i32
          %and3A_855 = vector.broadcast %and3A_854 : i32 to vector<16xi32>
          %and3A_856 = arith.andi %xor3A_853, %and3A_855 : vector<16xi32>
          %shift_right_logical3A_857 = arith.constant 1 : i32
          %shift_right_logical3A_858 = vector.broadcast %shift_right_logical3A_857 : i32 to vector<16xi32>
          %shift_right_logical3A_859 = arith.shrui %and3A_856, %shift_right_logical3A_858 : vector<16xi32>
          %add3A_860 = arith.constant 536832 : i32
          %add3A_861 = vector.broadcast %add3A_860 : i32 to vector<16xi32>
          %add3A_862 = arith.addi %shift_right_logical3A_859, %add3A_861 : vector<16xi32>
          %add3A_863 = arith.constant 16 : i32
          %add3A_864 = arith.addi %add3A_863, %scan3A_157 : i32
          %mul3A_865 = arith.constant 128 : i32
          %mul3A_866 = arith.muli %add3A_864, %mul3A_865 : i32
          %add3A_867 = arith.constant 96 : i32
          %add3A_868 = arith.addi %mul3A_866, %add3A_867 : i32
          %swap3A_869 = arith.index_cast %add3A_868 : i32 to index
          %swap3A_870 = tpu.vector_load %arg10[%swap3A_869] {strides = array<i32>} : memref<3072xi32, #tpu.memory_space<vmem>>, vector<16xi32>,
          tpu.vector_store %arg10[%swap3A_869], %add3A_862 {strides = array<i32>} : memref<3072xi32, #tpu.memory_space<vmem>>, vector<16xi32>,
          %add3A_871 = arith.constant 1 : i32
          %add3A_872 = vector.broadcast %add3A_871 : i32 to vector<16xi32>
          %add3A_873 = arith.addi %convert_element_type3A_672, %add3A_872 : vector<16xi32>
          %xor3A_874 = arith.xori %add3A_873, %add3A_706 : vector<16xi32>
          %xor3A_875 = arith.xori %xor3A_874, %add3A_712 : vector<16xi32>
          %and3A_876 = arith.constant 524287 : i32
          %and3A_877 = vector.broadcast %and3A_876 : i32 to vector<16xi32>
          %and3A_878 = arith.andi %xor3A_875, %and3A_877 : vector<16xi32>
          %shift_right_logical3A_879 = arith.constant 1 : i32
          %shift_right_logical3A_880 = vector.broadcast %shift_right_logical3A_879 : i32 to vector<16xi32>
          %shift_right_logical3A_881 = arith.shrui %and3A_878, %shift_right_logical3A_880 : vector<16xi32>
          %add3A_882 = arith.constant 536832 : i32
          %add3A_883 = vector.broadcast %add3A_882 : i32 to vector<16xi32>
          %add3A_884 = arith.addi %shift_right_logical3A_881, %add3A_883 : vector<16xi32>
          %add3A_885 = arith.constant 16 : i32
          %add3A_886 = arith.addi %add3A_885, %scan3A_157 : i32
          %mul3A_887 = arith.constant 128 : i32
          %mul3A_888 = arith.muli %add3A_886, %mul3A_887 : i32
          %add3A_889 = arith.constant 112 : i32
          %add3A_890 = arith.addi %mul3A_888, %add3A_889 : i32
          %swap3A_891 = arith.index_cast %add3A_890 : i32 to index
          %swap3A_892 = tpu.vector_load %arg10[%swap3A_891] {strides = array<i32>} : memref<3072xi32, #tpu.memory_space<vmem>>, vector<16xi32>,
          tpu.vector_store %arg10[%swap3A_891], %add3A_884 {strides = array<i32>} : memref<3072xi32, #tpu.memory_space<vmem>>, vector<16xi32>,
        }
        %scan3A_146 = arith.constant 8 : i32
        %dma_start3A_147 = arith.constant 0 : i32
        %dma_start3A_148 = tpu.memref_slice %arg19[%dma_start3A_147] : memref<802816xi32, #tpu.memory_space<vmem_shared>> -> memref<802816xi32, #tpu.memory_space<vmem_shared>>
        tpu.enqueue_indirect_dma source(%dma_start3A_148 : memref<802816xi32, #tpu.memory_space<vmem_shared>>) target(%arg14 : memref<3072xi32, #tpu.memory_space<vmem>>) offsets(%arg10 : memref<3072xi32, #tpu.memory_space<vmem>>) semaphore(%arg20 : memref<!tpu.dma_semaphore, #tpu.memory_space<semaphore_mem>>)
        %dma_wait3A_149 = arith.constant 0 : i32
        %dma_wait3A_150 = tpu.memref_slice %arg19[%dma_wait3A_149] : memref<802816xi32, #tpu.memory_space<vmem_shared>> -> memref<802816xi32, #tpu.memory_space<vmem_shared>>
        tpu.wait_indirect_dma semaphore(%arg21 : memref<!tpu.dma_semaphore, #tpu.memory_space<semaphore_mem>>) src(%dma_wait3A_150 : memref<802816xi32, #tpu.memory_space<vmem_shared>>) dst(%arg15 : memref<3072xi32, #tpu.memory_space<vmem>>)
        %scan3A_151 = arith.constant 0 : i32
        %scan3A_152 = arith.constant 8 : i32
        %scan3A_153 = arith.addi %scan3A_151, %scan3A_152 : i32
        %scan3A_154 = arith.constant 1 : i32
        %scan3A_155 = scf.for %scan3A_157 = %scan3A_151 to %scan3A_153 step %scan3A_154 iter_args(%scan3A_158 = %scan3A_137) -> (vector<16xf32>)  : i32 {
          %mul3A_159 = arith.constant 16 : i32
          %mul3A_160 = arith.muli %scan3A_157, %mul3A_159 : i32
          %get3A_161 = arith.constant 1 : i32
          %get3A_162 = arith.index_cast %get3A_161 : i32 to index
          %get3A_163 = arith.index_cast %mul3A_160 : i32 to index
          %get3A_164 = tpu.vector_load %arg16[%get3A_162, %get3A_163] {strides = array<i32>} : memref<2x128xf32, #tpu.memory_space<vmem>>, vector<16xf32>,
          %mul3A_165 = arith.constant 48 : i32
          %mul3A_166 = arith.muli %scan3A_157, %mul3A_165 : i32
          %get3A_167 = arith.constant 1 : i32
          %get3A_168 = arith.index_cast %get3A_167 : i32 to index
          %get3A_169 = arith.index_cast %mul3A_166 : i32 to index
          %get3A_170 = tpu.vector_load %arg12[%get3A_168, %get3A_169] {strides = array<i32>} : memref<2x1152xf32, #tpu.memory_space<vmem>>, vector<16xf32>,
          %add3A_171 = arith.constant 16 : i32
          %add3A_172 = arith.addi %mul3A_166, %add3A_171 : i32
          %get3A_173 = arith.constant 1 : i32
          %get3A_174 = arith.index_cast %get3A_173 : i32 to index
          %get3A_175 = arith.index_cast %add3A_172 : i32 to index
          %get3A_176 = tpu.vector_load %arg12[%get3A_174, %get3A_175] {strides = array<i32>} : memref<2x1152xf32, #tpu.memory_space<vmem>>, vector<16xf32>,
          %add3A_177 = arith.constant 32 : i32
          %add3A_178 = arith.addi %mul3A_166, %add3A_177 : i32
          %get3A_179 = arith.constant 1 : i32
          %get3A_180 = arith.index_cast %get3A_179 : i32 to index
          %get3A_181 = arith.index_cast %add3A_178 : i32 to index
          %get3A_182 = tpu.vector_load %arg12[%get3A_180, %get3A_181] {strides = array<i32>} : memref<2x1152xf32, #tpu.memory_space<vmem>>, vector<16xf32>,
          %mul3A_183 = arith.constant 128 : i32
          %mul3A_184 = arith.muli %scan3A_157, %mul3A_183 : i32
          %add3A_185 = arith.constant 0 : i32
          %add3A_186 = arith.addi %mul3A_184, %add3A_185 : i32
          %get3A_187 = arith.index_cast %add3A_186 : i32 to index
          %get3A_188 = tpu.vector_load %arg15[%get3A_187] {strides = array<i32>} : memref<3072xi32, #tpu.memory_space<vmem>>, vector<16xi32>,
          %bitcast3A = vector.bitcast %get3A_188 : vector<16xi32> to vector<16xf32>
          %mul3A_189 = arith.constant 128 : i32
          %mul3A_190 = arith.muli %scan3A_157, %mul3A_189 : i32
          %add3A_191 = arith.constant 16 : i32
          %add3A_192 = arith.addi %mul3A_190, %add3A_191 : i32
          %get3A_193 = arith.index_cast %add3A_192 : i32 to index
          %get3A_194 = tpu.vector_load %arg15[%get3A_193] {strides = array<i32>} : memref<3072xi32, #tpu.memory_space<vmem>>, vector<16xi32>,
          %bitcast3A_195 = vector.bitcast %get3A_194 : vector<16xi32> to vector<16xf32>
          %mul3A_196 = arith.constant 128 : i32
          %mul3A_197 = arith.muli %scan3A_157, %mul3A_196 : i32
          %add3A_198 = arith.constant 32 : i32
          %add3A_199 = arith.addi %mul3A_197, %add3A_198 : i32
          %get3A_200 = arith.index_cast %add3A_199 : i32 to index
          %get3A_201 = tpu.vector_load %arg15[%get3A_200] {strides = array<i32>} : memref<3072xi32, #tpu.memory_space<vmem>>, vector<16xi32>,
          %bitcast3A_202 = vector.bitcast %get3A_201 : vector<16xi32> to vector<16xf32>
          %mul3A_203 = arith.constant 128 : i32
          %mul3A_204 = arith.muli %scan3A_157, %mul3A_203 : i32
          %add3A_205 = arith.constant 48 : i32
          %add3A_206 = arith.addi %mul3A_204, %add3A_205 : i32
          %get3A_207 = arith.index_cast %add3A_206 : i32 to index
          %get3A_208 = tpu.vector_load %arg15[%get3A_207] {strides = array<i32>} : memref<3072xi32, #tpu.memory_space<vmem>>, vector<16xi32>,
          %bitcast3A_209 = vector.bitcast %get3A_208 : vector<16xi32> to vector<16xf32>
          %mul3A_210 = arith.constant 128 : i32
          %mul3A_211 = arith.muli %scan3A_157, %mul3A_210 : i32
          %add3A_212 = arith.constant 64 : i32
          %add3A_213 = arith.addi %mul3A_211, %add3A_212 : i32
          %get3A_214 = arith.index_cast %add3A_213 : i32 to index
          %get3A_215 = tpu.vector_load %arg15[%get3A_214] {strides = array<i32>} : memref<3072xi32, #tpu.memory_space<vmem>>, vector<16xi32>,
          %bitcast3A_216 = vector.bitcast %get3A_215 : vector<16xi32> to vector<16xf32>
          %mul3A_217 = arith.constant 128 : i32
          %mul3A_218 = arith.muli %scan3A_157, %mul3A_217 : i32
          %add3A_219 = arith.constant 80 : i32
          %add3A_220 = arith.addi %mul3A_218, %add3A_219 : i32
          %get3A_221 = arith.index_cast %add3A_220 : i32 to index
          %get3A_222 = tpu.vector_load %arg15[%get3A_221] {strides = array<i32>} : memref<3072xi32, #tpu.memory_space<vmem>>, vector<16xi32>,
          %bitcast3A_223 = vector.bitcast %get3A_222 : vector<16xi32> to vector<16xf32>
          %mul3A_224 = arith.constant 128 : i32
          %mul3A_225 = arith.muli %scan3A_157, %mul3A_224 : i32
          %add3A_226 = arith.constant 96 : i32
          %add3A_227 = arith.addi %mul3A_225, %add3A_226 : i32
          %get3A_228 = arith.index_cast %add3A_227 : i32 to index
          %get3A_229 = tpu.vector_load %arg15[%get3A_228] {strides = array<i32>} : memref<3072xi32, #tpu.memory_space<vmem>>, vector<16xi32>,
          %bitcast3A_230 = vector.bitcast %get3A_229 : vector<16xi32> to vector<16xf32>
          %mul3A_231 = arith.constant 128 : i32
          %mul3A_232 = arith.muli %scan3A_157, %mul3A_231 : i32
          %add3A_233 = arith.constant 112 : i32
          %add3A_234 = arith.addi %mul3A_232, %add3A_233 : i32
          %get3A_235 = arith.index_cast %add3A_234 : i32 to index
          %get3A_236 = tpu.vector_load %arg15[%get3A_235] {strides = array<i32>} : memref<3072xi32, #tpu.memory_space<vmem>>, vector<16xi32>,
          %bitcast3A_237 = vector.bitcast %get3A_236 : vector<16xi32> to vector<16xf32>
          %sub3A = arith.subf %bitcast3A_195, %bitcast3A : vector<16xf32>
          %mul3A_238 = arith.mulf %get3A_170, %sub3A : vector<16xf32>
          %add3A_239 = arith.addf %bitcast3A, %mul3A_238 : vector<16xf32>
          %sub3A_240 = arith.subf %bitcast3A_209, %bitcast3A_202 : vector<16xf32>
          %mul3A_241 = arith.mulf %get3A_170, %sub3A_240 : vector<16xf32>
          %add3A_242 = arith.addf %bitcast3A_202, %mul3A_241 : vector<16xf32>
          %sub3A_243 = arith.subf %bitcast3A_223, %bitcast3A_216 : vector<16xf32>
          %mul3A_244 = arith.mulf %get3A_170, %sub3A_243 : vector<16xf32>
          %add3A_245 = arith.addf %bitcast3A_216, %mul3A_244 : vector<16xf32>
          %sub3A_246 = arith.subf %bitcast3A_237, %bitcast3A_230 : vector<16xf32>
          %mul3A_247 = arith.mulf %get3A_170, %sub3A_246 : vector<16xf32>
          %add3A_248 = arith.addf %bitcast3A_230, %mul3A_247 : vector<16xf32>
          %sub3A_249 = arith.subf %add3A_242, %add3A_239 : vector<16xf32>
          %mul3A_250 = arith.mulf %get3A_176, %sub3A_249 : vector<16xf32>
          %add3A_251 = arith.addf %add3A_239, %mul3A_250 : vector<16xf32>
          %sub3A_252 = arith.subf %add3A_248, %add3A_245 : vector<16xf32>
          %mul3A_253 = arith.mulf %get3A_176, %sub3A_252 : vector<16xf32>
          %add3A_254 = arith.addf %add3A_245, %mul3A_253 : vector<16xf32>
          %sub3A_255 = arith.subf %add3A_254, %add3A_251 : vector<16xf32>
          %mul3A_256 = arith.mulf %get3A_182, %sub3A_255 : vector<16xf32>
          %add3A_257 = arith.addf %add3A_251, %mul3A_256 : vector<16xf32>
          %add3A_258 = arith.addf %get3A_164, %add3A_257 : vector<16xf32>
          %add3A_259 = arith.constant 8 : i32
          %add3A_260 = arith.addi %add3A_259, %scan3A_157 : i32
          %mul3A_261 = arith.constant 48 : i32
          %mul3A_262 = arith.muli %add3A_260, %mul3A_261 : i32
          %get3A_263 = arith.constant 1 : i32
          %get3A_264 = arith.index_cast %get3A_263 : i32 to index
          %get3A_265 = arith.index_cast %mul3A_262 : i32 to index
          %get3A_266 = tpu.vector_load %arg12[%get3A_264, %get3A_265] {strides = array<i32>} : memref<2x1152xf32, #tpu.memory_space<vmem>>, vector<16xf32>,
          %add3A_267 = arith.constant 16 : i32
          %add3A_268 = arith.addi %mul3A_262, %add3A_267 : i32
          %get3A_269 = arith.constant 1 : i32
          %get3A_270 = arith.index_cast %get3A_269 : i32 to index
          %get3A_271 = arith.index_cast %add3A_268 : i32 to index
          %get3A_272 = tpu.vector_load %arg12[%get3A_270, %get3A_271] {strides = array<i32>} : memref<2x1152xf32, #tpu.memory_space<vmem>>, vector<16xf32>,
          %add3A_273 = arith.constant 32 : i32
          %add3A_274 = arith.addi %mul3A_262, %add3A_273 : i32
          %get3A_275 = arith.constant 1 : i32
          %get3A_276 = arith.index_cast %get3A_275 : i32 to index
          %get3A_277 = arith.index_cast %add3A_274 : i32 to index
          %get3A_278 = tpu.vector_load %arg12[%get3A_276, %get3A_277] {strides = array<i32>} : memref<2x1152xf32, #tpu.memory_space<vmem>>, vector<16xf32>,
          %add3A_279 = arith.constant 0 : i32
          %add3A_280 = arith.addi %add3A_279, %scan3A_157 : i32
          %mul3A_281 = arith.constant 16 : i32
          %mul3A_282 = arith.muli %add3A_280, %mul3A_281 : i32
          %get3A_283 = arith.constant 1 : i32
          %get3A_284 = arith.index_cast %get3A_283 : i32 to index
          %get3A_285 = arith.index_cast %mul3A_282 : i32 to index
          %get3A_286 = tpu.vector_load %arg13[%get3A_284, %get3A_285] {strides = array<i32>} : memref<2x256xi32, #tpu.memory_space<vmem>>, vector<16xi32>,
          %xor3A = arith.constant 16 : i32
          %xor3A_287 = vector.broadcast %xor3A : i32 to vector<16xi32>
          %xor3A_288 = arith.xori %get3A_286, %xor3A_287 : vector<16xi32>
          %add3A_289 = arith.constant 8 : i32
          %add3A_290 = arith.addi %add3A_289, %scan3A_157 : i32
          %mul3A_291 = arith.constant 128 : i32
          %mul3A_292 = arith.muli %add3A_290, %mul3A_291 : i32
          %add3A_293 = arith.constant 0 : i32
          %add3A_294 = arith.addi %mul3A_292, %add3A_293 : i32
          %get3A_295 = arith.index_cast %add3A_294 : i32 to index
          %get3A_296 = tpu.vector_load %arg15[%get3A_295] {strides = array<i32>} : memref<3072xi32, #tpu.memory_space<vmem>>, vector<16xi32>,
          %shift_left3A = arith.shli %get3A_296, %xor3A_288 : vector<16xi32>
          %and3A = arith.constant -65536 : i32
          %and3A_297 = vector.broadcast %and3A : i32 to vector<16xi32>
          %and3A_298 = arith.andi %shift_left3A, %and3A_297 : vector<16xi32>
          %bitcast3A_299 = vector.bitcast %and3A_298 : vector<16xi32> to vector<16xf32>
          %add3A_300 = arith.constant 8 : i32
          %add3A_301 = arith.addi %add3A_300, %scan3A_157 : i32
          %mul3A_302 = arith.constant 128 : i32
          %mul3A_303 = arith.muli %add3A_301, %mul3A_302 : i32
          %add3A_304 = arith.constant 16 : i32
          %add3A_305 = arith.addi %mul3A_303, %add3A_304 : i32
          %get3A_306 = arith.index_cast %add3A_305 : i32 to index
          %get3A_307 = tpu.vector_load %arg15[%get3A_306] {strides = array<i32>} : memref<3072xi32, #tpu.memory_space<vmem>>, vector<16xi32>,
          %shift_left3A_308 = arith.shli %get3A_307, %get3A_286 : vector<16xi32>
          %and3A_309 = arith.constant -65536 : i32
          %and3A_310 = vector.broadcast %and3A_309 : i32 to vector<16xi32>
          %and3A_311 = arith.andi %shift_left3A_308, %and3A_310 : vector<16xi32>
          %bitcast3A_312 = vector.bitcast %and3A_311 : vector<16xi32> to vector<16xf32>
          %add3A_313 = arith.constant 8 : i32
          %add3A_314 = arith.addi %add3A_313, %scan3A_157 : i32
          %mul3A_315 = arith.constant 128 : i32
          %mul3A_316 = arith.muli %add3A_314, %mul3A_315 : i32
          %add3A_317 = arith.constant 32 : i32
          %add3A_318 = arith.addi %mul3A_316, %add3A_317 : i32
          %get3A_319 = arith.index_cast %add3A_318 : i32 to index
          %get3A_320 = tpu.vector_load %arg15[%get3A_319] {strides = array<i32>} : memref<3072xi32, #tpu.memory_space<vmem>>, vector<16xi32>,
          %shift_left3A_321 = arith.shli %get3A_320, %get3A_286 : vector<16xi32>
          %and3A_322 = arith.constant -65536 : i32
          %and3A_323 = vector.broadcast %and3A_322 : i32 to vector<16xi32>
          %and3A_324 = arith.andi %shift_left3A_321, %and3A_323 : vector<16xi32>
          %bitcast3A_325 = vector.bitcast %and3A_324 : vector<16xi32> to vector<16xf32>
          %add3A_326 = arith.constant 8 : i32
          %add3A_327 = arith.addi %add3A_326, %scan3A_157 : i32
          %mul3A_328 = arith.constant 128 : i32
          %mul3A_329 = arith.muli %add3A_327, %mul3A_328 : i32
          %add3A_330 = arith.constant 48 : i32
          %add3A_331 = arith.addi %mul3A_329, %add3A_330 : i32
          %get3A_332 = arith.index_cast %add3A_331 : i32 to index
          %get3A_333 = tpu.vector_load %arg15[%get3A_332] {strides = array<i32>} : memref<3072xi32, #tpu.memory_space<vmem>>, vector<16xi32>,
          %shift_left3A_334 = arith.shli %get3A_333, %xor3A_288 : vector<16xi32>
          %and3A_335 = arith.constant -65536 : i32
          %and3A_336 = vector.broadcast %and3A_335 : i32 to vector<16xi32>
          %and3A_337 = arith.andi %shift_left3A_334, %and3A_336 : vector<16xi32>
          %bitcast3A_338 = vector.bitcast %and3A_337 : vector<16xi32> to vector<16xf32>
          %add3A_339 = arith.constant 8 : i32
          %add3A_340 = arith.addi %add3A_339, %scan3A_157 : i32
          %mul3A_341 = arith.constant 128 : i32
          %mul3A_342 = arith.muli %add3A_340, %mul3A_341 : i32
          %add3A_343 = arith.constant 64 : i32
          %add3A_344 = arith.addi %mul3A_342, %add3A_343 : i32
          %get3A_345 = arith.index_cast %add3A_344 : i32 to index
          %get3A_346 = tpu.vector_load %arg15[%get3A_345] {strides = array<i32>} : memref<3072xi32, #tpu.memory_space<vmem>>, vector<16xi32>,
          %shift_left3A_347 = arith.shli %get3A_346, %get3A_286 : vector<16xi32>
          %and3A_348 = arith.constant -65536 : i32
          %and3A_349 = vector.broadcast %and3A_348 : i32 to vector<16xi32>
          %and3A_350 = arith.andi %shift_left3A_347, %and3A_349 : vector<16xi32>
          %bitcast3A_351 = vector.bitcast %and3A_350 : vector<16xi32> to vector<16xf32>
          %add3A_352 = arith.constant 8 : i32
          %add3A_353 = arith.addi %add3A_352, %scan3A_157 : i32
          %mul3A_354 = arith.constant 128 : i32
          %mul3A_355 = arith.muli %add3A_353, %mul3A_354 : i32
          %add3A_356 = arith.constant 80 : i32
          %add3A_357 = arith.addi %mul3A_355, %add3A_356 : i32
          %get3A_358 = arith.index_cast %add3A_357 : i32 to index
          %get3A_359 = tpu.vector_load %arg15[%get3A_358] {strides = array<i32>} : memref<3072xi32, #tpu.memory_space<vmem>>, vector<16xi32>,
          %shift_left3A_360 = arith.shli %get3A_359, %xor3A_288 : vector<16xi32>
          %and3A_361 = arith.constant -65536 : i32
          %and3A_362 = vector.broadcast %and3A_361 : i32 to vector<16xi32>
          %and3A_363 = arith.andi %shift_left3A_360, %and3A_362 : vector<16xi32>
          %bitcast3A_364 = vector.bitcast %and3A_363 : vector<16xi32> to vector<16xf32>
          %add3A_365 = arith.constant 8 : i32
          %add3A_366 = arith.addi %add3A_365, %scan3A_157 : i32
          %mul3A_367 = arith.constant 128 : i32
          %mul3A_368 = arith.muli %add3A_366, %mul3A_367 : i32
          %add3A_369 = arith.constant 96 : i32
          %add3A_370 = arith.addi %mul3A_368, %add3A_369 : i32
          %get3A_371 = arith.index_cast %add3A_370 : i32 to index
          %get3A_372 = tpu.vector_load %arg15[%get3A_371] {strides = array<i32>} : memref<3072xi32, #tpu.memory_space<vmem>>, vector<16xi32>,
          %shift_left3A_373 = arith.shli %get3A_372, %xor3A_288 : vector<16xi32>
          %and3A_374 = arith.constant -65536 : i32
          %and3A_375 = vector.broadcast %and3A_374 : i32 to vector<16xi32>
          %and3A_376 = arith.andi %shift_left3A_373, %and3A_375 : vector<16xi32>
          %bitcast3A_377 = vector.bitcast %and3A_376 : vector<16xi32> to vector<16xf32>
          %add3A_378 = arith.constant 8 : i32
          %add3A_379 = arith.addi %add3A_378, %scan3A_157 : i32
          %mul3A_380 = arith.constant 128 : i32
          %mul3A_381 = arith.muli %add3A_379, %mul3A_380 : i32
          %add3A_382 = arith.constant 112 : i32
          %add3A_383 = arith.addi %mul3A_381, %add3A_382 : i32
          %get3A_384 = arith.index_cast %add3A_383 : i32 to index
          %get3A_385 = tpu.vector_load %arg15[%get3A_384] {strides = array<i32>} : memref<3072xi32, #tpu.memory_space<vmem>>, vector<16xi32>,
          %shift_left3A_386 = arith.shli %get3A_385, %get3A_286 : vector<16xi32>
          %and3A_387 = arith.constant -65536 : i32
          %and3A_388 = vector.broadcast %and3A_387 : i32 to vector<16xi32>
          %and3A_389 = arith.andi %shift_left3A_386, %and3A_388 : vector<16xi32>
          %bitcast3A_390 = vector.bitcast %and3A_389 : vector<16xi32> to vector<16xf32>
          %sub3A_391 = arith.subf %bitcast3A_312, %bitcast3A_299 : vector<16xf32>
          %mul3A_392 = arith.mulf %get3A_266, %sub3A_391 : vector<16xf32>
          %add3A_393 = arith.addf %bitcast3A_299, %mul3A_392 : vector<16xf32>
          %sub3A_394 = arith.subf %bitcast3A_338, %bitcast3A_325 : vector<16xf32>
          %mul3A_395 = arith.mulf %get3A_266, %sub3A_394 : vector<16xf32>
          %add3A_396 = arith.addf %bitcast3A_325, %mul3A_395 : vector<16xf32>
          %sub3A_397 = arith.subf %bitcast3A_364, %bitcast3A_351 : vector<16xf32>
          %mul3A_398 = arith.mulf %get3A_266, %sub3A_397 : vector<16xf32>
          %add3A_399 = arith.addf %bitcast3A_351, %mul3A_398 : vector<16xf32>
          %sub3A_400 = arith.subf %bitcast3A_390, %bitcast3A_377 : vector<16xf32>
          %mul3A_401 = arith.mulf %get3A_266, %sub3A_400 : vector<16xf32>
          %add3A_402 = arith.addf %bitcast3A_377, %mul3A_401 : vector<16xf32>
          %sub3A_403 = arith.subf %add3A_396, %add3A_393 : vector<16xf32>
          %mul3A_404 = arith.mulf %get3A_272, %sub3A_403 : vector<16xf32>
          %add3A_405 = arith.addf %add3A_393, %mul3A_404 : vector<16xf32>
          %sub3A_406 = arith.subf %add3A_402, %add3A_399 : vector<16xf32>
          %mul3A_407 = arith.mulf %get3A_272, %sub3A_406 : vector<16xf32>
          %add3A_408 = arith.addf %add3A_399, %mul3A_407 : vector<16xf32>
          %sub3A_409 = arith.subf %add3A_408, %add3A_405 : vector<16xf32>
          %mul3A_410 = arith.mulf %get3A_278, %sub3A_409 : vector<16xf32>
          %add3A_411 = arith.addf %add3A_405, %mul3A_410 : vector<16xf32>
          %add3A_412 = arith.addf %add3A_258, %add3A_411 : vector<16xf32>
          %add3A_413 = arith.constant 16 : i32
          %add3A_414 = arith.addi %add3A_413, %scan3A_157 : i32
          %mul3A_415 = arith.constant 48 : i32
          %mul3A_416 = arith.muli %add3A_414, %mul3A_415 : i32
          %get3A_417 = arith.constant 1 : i32
          %get3A_418 = arith.index_cast %get3A_417 : i32 to index
          %get3A_419 = arith.index_cast %mul3A_416 : i32 to index
          %get3A_420 = tpu.vector_load %arg12[%get3A_418, %get3A_419] {strides = array<i32>} : memref<2x1152xf32, #tpu.memory_space<vmem>>, vector<16xf32>,
          %add3A_421 = arith.constant 16 : i32
          %add3A_422 = arith.addi %mul3A_416, %add3A_421 : i32
          %get3A_423 = arith.constant 1 : i32
          %get3A_424 = arith.index_cast %get3A_423 : i32 to index
          %get3A_425 = arith.index_cast %add3A_422 : i32 to index
          %get3A_426 = tpu.vector_load %arg12[%get3A_424, %get3A_425] {strides = array<i32>} : memref<2x1152xf32, #tpu.memory_space<vmem>>, vector<16xf32>,
          %add3A_427 = arith.constant 32 : i32
          %add3A_428 = arith.addi %mul3A_416, %add3A_427 : i32
          %get3A_429 = arith.constant 1 : i32
          %get3A_430 = arith.index_cast %get3A_429 : i32 to index
          %get3A_431 = arith.index_cast %add3A_428 : i32 to index
          %get3A_432 = tpu.vector_load %arg12[%get3A_430, %get3A_431] {strides = array<i32>} : memref<2x1152xf32, #tpu.memory_space<vmem>>, vector<16xf32>,
          %add3A_433 = arith.constant 8 : i32
          %add3A_434 = arith.addi %add3A_433, %scan3A_157 : i32
          %mul3A_435 = arith.constant 16 : i32
          %mul3A_436 = arith.muli %add3A_434, %mul3A_435 : i32
          %get3A_437 = arith.constant 1 : i32
          %get3A_438 = arith.index_cast %get3A_437 : i32 to index
          %get3A_439 = arith.index_cast %mul3A_436 : i32 to index
          %get3A_440 = tpu.vector_load %arg13[%get3A_438, %get3A_439] {strides = array<i32>} : memref<2x256xi32, #tpu.memory_space<vmem>>, vector<16xi32>,
          %xor3A_441 = arith.constant 16 : i32
          %xor3A_442 = vector.broadcast %xor3A_441 : i32 to vector<16xi32>
          %xor3A_443 = arith.xori %get3A_440, %xor3A_442 : vector<16xi32>
          %add3A_444 = arith.constant 16 : i32
          %add3A_445 = arith.addi %add3A_444, %scan3A_157 : i32
          %mul3A_446 = arith.constant 128 : i32
          %mul3A_447 = arith.muli %add3A_445, %mul3A_446 : i32
          %add3A_448 = arith.constant 0 : i32
          %add3A_449 = arith.addi %mul3A_447, %add3A_448 : i32
          %get3A_450 = arith.index_cast %add3A_449 : i32 to index
          %get3A_451 = tpu.vector_load %arg15[%get3A_450] {strides = array<i32>} : memref<3072xi32, #tpu.memory_space<vmem>>, vector<16xi32>,
          %shift_left3A_452 = arith.shli %get3A_451, %xor3A_443 : vector<16xi32>
          %and3A_453 = arith.constant -65536 : i32
          %and3A_454 = vector.broadcast %and3A_453 : i32 to vector<16xi32>
          %and3A_455 = arith.andi %shift_left3A_452, %and3A_454 : vector<16xi32>
          %bitcast3A_456 = vector.bitcast %and3A_455 : vector<16xi32> to vector<16xf32>
          %add3A_457 = arith.constant 16 : i32
          %add3A_458 = arith.addi %add3A_457, %scan3A_157 : i32
          %mul3A_459 = arith.constant 128 : i32
          %mul3A_460 = arith.muli %add3A_458, %mul3A_459 : i32
          %add3A_461 = arith.constant 16 : i32
          %add3A_462 = arith.addi %mul3A_460, %add3A_461 : i32
          %get3A_463 = arith.index_cast %add3A_462 : i32 to index
          %get3A_464 = tpu.vector_load %arg15[%get3A_463] {strides = array<i32>} : memref<3072xi32, #tpu.memory_space<vmem>>, vector<16xi32>,
          %shift_left3A_465 = arith.shli %get3A_464, %get3A_440 : vector<16xi32>
          %and3A_466 = arith.constant -65536 : i32
          %and3A_467 = vector.broadcast %and3A_466 : i32 to vector<16xi32>
          %and3A_468 = arith.andi %shift_left3A_465, %and3A_467 : vector<16xi32>
          %bitcast3A_469 = vector.bitcast %and3A_468 : vector<16xi32> to vector<16xf32>
          %add3A_470 = arith.constant 16 : i32
          %add3A_471 = arith.addi %add3A_470, %scan3A_157 : i32
          %mul3A_472 = arith.constant 128 : i32
          %mul3A_473 = arith.muli %add3A_471, %mul3A_472 : i32
          %add3A_474 = arith.constant 32 : i32
          %add3A_475 = arith.addi %mul3A_473, %add3A_474 : i32
          %get3A_476 = arith.index_cast %add3A_475 : i32 to index
          %get3A_477 = tpu.vector_load %arg15[%get3A_476] {strides = array<i32>} : memref<3072xi32, #tpu.memory_space<vmem>>, vector<16xi32>,
          %shift_left3A_478 = arith.shli %get3A_477, %get3A_440 : vector<16xi32>
          %and3A_479 = arith.constant -65536 : i32
          %and3A_480 = vector.broadcast %and3A_479 : i32 to vector<16xi32>
          %and3A_481 = arith.andi %shift_left3A_478, %and3A_480 : vector<16xi32>
          %bitcast3A_482 = vector.bitcast %and3A_481 : vector<16xi32> to vector<16xf32>
          %add3A_483 = arith.constant 16 : i32
          %add3A_484 = arith.addi %add3A_483, %scan3A_157 : i32
          %mul3A_485 = arith.constant 128 : i32
          %mul3A_486 = arith.muli %add3A_484, %mul3A_485 : i32
          %add3A_487 = arith.constant 48 : i32
          %add3A_488 = arith.addi %mul3A_486, %add3A_487 : i32
          %get3A_489 = arith.index_cast %add3A_488 : i32 to index
          %get3A_490 = tpu.vector_load %arg15[%get3A_489] {strides = array<i32>} : memref<3072xi32, #tpu.memory_space<vmem>>, vector<16xi32>,
          %shift_left3A_491 = arith.shli %get3A_490, %xor3A_443 : vector<16xi32>
          %and3A_492 = arith.constant -65536 : i32
          %and3A_493 = vector.broadcast %and3A_492 : i32 to vector<16xi32>
          %and3A_494 = arith.andi %shift_left3A_491, %and3A_493 : vector<16xi32>
          %bitcast3A_495 = vector.bitcast %and3A_494 : vector<16xi32> to vector<16xf32>
          %add3A_496 = arith.constant 16 : i32
          %add3A_497 = arith.addi %add3A_496, %scan3A_157 : i32
          %mul3A_498 = arith.constant 128 : i32
          %mul3A_499 = arith.muli %add3A_497, %mul3A_498 : i32
          %add3A_500 = arith.constant 64 : i32
          %add3A_501 = arith.addi %mul3A_499, %add3A_500 : i32
          %get3A_502 = arith.index_cast %add3A_501 : i32 to index
          %get3A_503 = tpu.vector_load %arg15[%get3A_502] {strides = array<i32>} : memref<3072xi32, #tpu.memory_space<vmem>>, vector<16xi32>,
          %shift_left3A_504 = arith.shli %get3A_503, %get3A_440 : vector<16xi32>
          %and3A_505 = arith.constant -65536 : i32
          %and3A_506 = vector.broadcast %and3A_505 : i32 to vector<16xi32>
          %and3A_507 = arith.andi %shift_left3A_504, %and3A_506 : vector<16xi32>
          %bitcast3A_508 = vector.bitcast %and3A_507 : vector<16xi32> to vector<16xf32>
          %add3A_509 = arith.constant 16 : i32
          %add3A_510 = arith.addi %add3A_509, %scan3A_157 : i32
          %mul3A_511 = arith.constant 128 : i32
          %mul3A_512 = arith.muli %add3A_510, %mul3A_511 : i32
          %add3A_513 = arith.constant 80 : i32
          %add3A_514 = arith.addi %mul3A_512, %add3A_513 : i32
          %get3A_515 = arith.index_cast %add3A_514 : i32 to index
          %get3A_516 = tpu.vector_load %arg15[%get3A_515] {strides = array<i32>} : memref<3072xi32, #tpu.memory_space<vmem>>, vector<16xi32>,
          %shift_left3A_517 = arith.shli %get3A_516, %xor3A_443 : vector<16xi32>
          %and3A_518 = arith.constant -65536 : i32
          %and3A_519 = vector.broadcast %and3A_518 : i32 to vector<16xi32>
          %and3A_520 = arith.andi %shift_left3A_517, %and3A_519 : vector<16xi32>
          %bitcast3A_521 = vector.bitcast %and3A_520 : vector<16xi32> to vector<16xf32>
          %add3A_522 = arith.constant 16 : i32
          %add3A_523 = arith.addi %add3A_522, %scan3A_157 : i32
          %mul3A_524 = arith.constant 128 : i32
          %mul3A_525 = arith.muli %add3A_523, %mul3A_524 : i32
          %add3A_526 = arith.constant 96 : i32
          %add3A_527 = arith.addi %mul3A_525, %add3A_526 : i32
          %get3A_528 = arith.index_cast %add3A_527 : i32 to index
          %get3A_529 = tpu.vector_load %arg15[%get3A_528] {strides = array<i32>} : memref<3072xi32, #tpu.memory_space<vmem>>, vector<16xi32>,
          %shift_left3A_530 = arith.shli %get3A_529, %xor3A_443 : vector<16xi32>
          %and3A_531 = arith.constant -65536 : i32
          %and3A_532 = vector.broadcast %and3A_531 : i32 to vector<16xi32>
          %and3A_533 = arith.andi %shift_left3A_530, %and3A_532 : vector<16xi32>
          %bitcast3A_534 = vector.bitcast %and3A_533 : vector<16xi32> to vector<16xf32>
          %add3A_535 = arith.constant 16 : i32
          %add3A_536 = arith.addi %add3A_535, %scan3A_157 : i32
          %mul3A_537 = arith.constant 128 : i32
          %mul3A_538 = arith.muli %add3A_536, %mul3A_537 : i32
          %add3A_539 = arith.constant 112 : i32
          %add3A_540 = arith.addi %mul3A_538, %add3A_539 : i32
          %get3A_541 = arith.index_cast %add3A_540 : i32 to index
          %get3A_542 = tpu.vector_load %arg15[%get3A_541] {strides = array<i32>} : memref<3072xi32, #tpu.memory_space<vmem>>, vector<16xi32>,
          %shift_left3A_543 = arith.shli %get3A_542, %get3A_440 : vector<16xi32>
          %and3A_544 = arith.constant -65536 : i32
          %and3A_545 = vector.broadcast %and3A_544 : i32 to vector<16xi32>
          %and3A_546 = arith.andi %shift_left3A_543, %and3A_545 : vector<16xi32>
          %bitcast3A_547 = vector.bitcast %and3A_546 : vector<16xi32> to vector<16xf32>
          %sub3A_548 = arith.subf %bitcast3A_469, %bitcast3A_456 : vector<16xf32>
          %mul3A_549 = arith.mulf %get3A_420, %sub3A_548 : vector<16xf32>
          %add3A_550 = arith.addf %bitcast3A_456, %mul3A_549 : vector<16xf32>
          %sub3A_551 = arith.subf %bitcast3A_495, %bitcast3A_482 : vector<16xf32>
          %mul3A_552 = arith.mulf %get3A_420, %sub3A_551 : vector<16xf32>
          %add3A_553 = arith.addf %bitcast3A_482, %mul3A_552 : vector<16xf32>
          %sub3A_554 = arith.subf %bitcast3A_521, %bitcast3A_508 : vector<16xf32>
          %mul3A_555 = arith.mulf %get3A_420, %sub3A_554 : vector<16xf32>
          %add3A_556 = arith.addf %bitcast3A_508, %mul3A_555 : vector<16xf32>
          %sub3A_557 = arith.subf %bitcast3A_547, %bitcast3A_534 : vector<16xf32>
          %mul3A_558 = arith.mulf %get3A_420, %sub3A_557 : vector<16xf32>
          %add3A_559 = arith.addf %bitcast3A_534, %mul3A_558 : vector<16xf32>
          %sub3A_560 = arith.subf %add3A_553, %add3A_550 : vector<16xf32>
          %mul3A_561 = arith.mulf %get3A_426, %sub3A_560 : vector<16xf32>
          %add3A_562 = arith.addf %add3A_550, %mul3A_561 : vector<16xf32>
          %sub3A_563 = arith.subf %add3A_559, %add3A_556 : vector<16xf32>
          %mul3A_564 = arith.mulf %get3A_426, %sub3A_563 : vector<16xf32>
          %add3A_565 = arith.addf %add3A_556, %mul3A_564 : vector<16xf32>
          %sub3A_566 = arith.subf %add3A_565, %add3A_562 : vector<16xf32>
          %mul3A_567 = arith.mulf %get3A_432, %sub3A_566 : vector<16xf32>
          %add3A_568 = arith.addf %add3A_562, %mul3A_567 : vector<16xf32>
          %add3A_569 = arith.addf %add3A_412, %add3A_568 : vector<16xf32>
          %max3A = arith.maximumf %scan3A_158, %add3A_569 : vector<16xf32>
          scf.yield %max3A : vector<16xf32>
        }
        %scan3A_156 = arith.constant 8 : i32
        scf.yield %scan3A_155 : vector<16xf32>
      }
      %scan3A_97 = arith.constant 12 : i32
      %dma_wait3A = arith.constant 0 : i32
      %dma_wait3A_98 = tpu.memref_slice %arg19[%dma_wait3A] : memref<802816xi32, #tpu.memory_space<vmem_shared>> -> memref<802816xi32, #tpu.memory_space<vmem_shared>>
      tpu.wait_indirect_dma semaphore(%arg20 : memref<!tpu.dma_semaphore, #tpu.memory_space<semaphore_mem>>) src(%dma_wait3A_98 : memref<802816xi32, #tpu.memory_space<vmem_shared>>) dst(%arg14 : memref<3072xi32, #tpu.memory_space<vmem>>)
      %scan3A_99 = arith.constant 0 : i32
      %scan3A_100 = arith.constant 8 : i32
      %scan3A_101 = arith.addi %scan3A_99, %scan3A_100 : i32
      %scan3A_102 = arith.constant 1 : i32
      %scan3A_103 = scf.for %scan3A_117 = %scan3A_99 to %scan3A_101 step %scan3A_102 iter_args(%scan3A_118 = %scan3A_96) -> (vector<16xf32>)  : i32 {
        %mul3A_119 = arith.constant 16 : i32
        %mul3A_120 = arith.muli %scan3A_117, %mul3A_119 : i32
        %get3A_121 = arith.constant 0 : i32
        %get3A_122 = arith.index_cast %get3A_121 : i32 to index
        %get3A_123 = arith.index_cast %mul3A_120 : i32 to index
        %get3A_124 = tpu.vector_load %arg16[%get3A_122, %get3A_123] {strides = array<i32>} : memref<2x128xf32, #tpu.memory_space<vmem>>, vector<16xf32>,
        %mul3A_125 = arith.constant 48 : i32
        %mul3A_126 = arith.muli %scan3A_117, %mul3A_125 : i32
        %get3A_127 = arith.constant 0 : i32
        %get3A_128 = arith.index_cast %get3A_127 : i32 to index
        %get3A_129 = arith.index_cast %mul3A_126 : i32 to index
        %get3A_130 = tpu.vector_load %arg12[%get3A_128, %get3A_129] {strides = array<i32>} : memref<2x1152xf32, #tpu.memory_space<vmem>>, vector<16xf32>,
        %add3A_131 = arith.constant 16 : i32
        %add3A_132 = arith.addi %mul3A_126, %add3A_131 : i32
        %get3A_133 = arith.constant 0 : i32
        %get3A_134 = arith.index_cast %get3A_133 : i32 to index
        %get3A_135 = arith.index_cast %add3A_132 : i32 to index
        %get3A_136 = tpu.vector_load %arg12[%get3A_134, %get3A_135] {strides = array<i32>} : memref<2x1152xf32, #tpu.memory_space<vmem>>, vector<16xf32>,
        %add3A_137 = arith.constant 32 : i32
        %add3A_138 = arith.addi %mul3A_126, %add3A_137 : i32
        %get3A_139 = arith.constant 0 : i32
        %get3A_140 = arith.index_cast %get3A_139 : i32 to index
        %get3A_141 = arith.index_cast %add3A_138 : i32 to index
        %get3A_142 = tpu.vector_load %arg12[%get3A_140, %get3A_141] {strides = array<i32>} : memref<2x1152xf32, #tpu.memory_space<vmem>>, vector<16xf32>,
        %mul3A_143 = arith.constant 128 : i32
        %mul3A_144 = arith.muli %scan3A_117, %mul3A_143 : i32
        %add3A_145 = arith.constant 0 : i32
        %add3A_146 = arith.addi %mul3A_144, %add3A_145 : i32
        %get3A_147 = arith.index_cast %add3A_146 : i32 to index
        %get3A_148 = tpu.vector_load %arg14[%get3A_147] {strides = array<i32>} : memref<3072xi32, #tpu.memory_space<vmem>>, vector<16xi32>,
        %bitcast3A = vector.bitcast %get3A_148 : vector<16xi32> to vector<16xf32>
        %mul3A_149 = arith.constant 128 : i32
        %mul3A_150 = arith.muli %scan3A_117, %mul3A_149 : i32
        %add3A_151 = arith.constant 16 : i32
        %add3A_152 = arith.addi %mul3A_150, %add3A_151 : i32
        %get3A_153 = arith.index_cast %add3A_152 : i32 to index
        %get3A_154 = tpu.vector_load %arg14[%get3A_153] {strides = array<i32>} : memref<3072xi32, #tpu.memory_space<vmem>>, vector<16xi32>,
        %bitcast3A_155 = vector.bitcast %get3A_154 : vector<16xi32> to vector<16xf32>
        %mul3A_156 = arith.constant 128 : i32
        %mul3A_157 = arith.muli %scan3A_117, %mul3A_156 : i32
        %add3A_158 = arith.constant 32 : i32
        %add3A_159 = arith.addi %mul3A_157, %add3A_158 : i32
        %get3A_160 = arith.index_cast %add3A_159 : i32 to index
        %get3A_161 = tpu.vector_load %arg14[%get3A_160] {strides = array<i32>} : memref<3072xi32, #tpu.memory_space<vmem>>, vector<16xi32>,
        %bitcast3A_162 = vector.bitcast %get3A_161 : vector<16xi32> to vector<16xf32>
        %mul3A_163 = arith.constant 128 : i32
        %mul3A_164 = arith.muli %scan3A_117, %mul3A_163 : i32
        %add3A_165 = arith.constant 48 : i32
        %add3A_166 = arith.addi %mul3A_164, %add3A_165 : i32
        %get3A_167 = arith.index_cast %add3A_166 : i32 to index
        %get3A_168 = tpu.vector_load %arg14[%get3A_167] {strides = array<i32>} : memref<3072xi32, #tpu.memory_space<vmem>>, vector<16xi32>,
        %bitcast3A_169 = vector.bitcast %get3A_168 : vector<16xi32> to vector<16xf32>
        %mul3A_170 = arith.constant 128 : i32
        %mul3A_171 = arith.muli %scan3A_117, %mul3A_170 : i32
        %add3A_172 = arith.constant 64 : i32
        %add3A_173 = arith.addi %mul3A_171, %add3A_172 : i32
        %get3A_174 = arith.index_cast %add3A_173 : i32 to index
        %get3A_175 = tpu.vector_load %arg14[%get3A_174] {strides = array<i32>} : memref<3072xi32, #tpu.memory_space<vmem>>, vector<16xi32>,
        %bitcast3A_176 = vector.bitcast %get3A_175 : vector<16xi32> to vector<16xf32>
        %mul3A_177 = arith.constant 128 : i32
        %mul3A_178 = arith.muli %scan3A_117, %mul3A_177 : i32
        %add3A_179 = arith.constant 80 : i32
        %add3A_180 = arith.addi %mul3A_178, %add3A_179 : i32
        %get3A_181 = arith.index_cast %add3A_180 : i32 to index
        %get3A_182 = tpu.vector_load %arg14[%get3A_181] {strides = array<i32>} : memref<3072xi32, #tpu.memory_space<vmem>>, vector<16xi32>,
        %bitcast3A_183 = vector.bitcast %get3A_182 : vector<16xi32> to vector<16xf32>
        %mul3A_184 = arith.constant 128 : i32
        %mul3A_185 = arith.muli %scan3A_117, %mul3A_184 : i32
        %add3A_186 = arith.constant 96 : i32
        %add3A_187 = arith.addi %mul3A_185, %add3A_186 : i32
        %get3A_188 = arith.index_cast %add3A_187 : i32 to index
        %get3A_189 = tpu.vector_load %arg14[%get3A_188] {strides = array<i32>} : memref<3072xi32, #tpu.memory_space<vmem>>, vector<16xi32>,
        %bitcast3A_190 = vector.bitcast %get3A_189 : vector<16xi32> to vector<16xf32>
        %mul3A_191 = arith.constant 128 : i32
        %mul3A_192 = arith.muli %scan3A_117, %mul3A_191 : i32
        %add3A_193 = arith.constant 112 : i32
        %add3A_194 = arith.addi %mul3A_192, %add3A_193 : i32
        %get3A_195 = arith.index_cast %add3A_194 : i32 to index
        %get3A_196 = tpu.vector_load %arg14[%get3A_195] {strides = array<i32>} : memref<3072xi32, #tpu.memory_space<vmem>>, vector<16xi32>,
        %bitcast3A_197 = vector.bitcast %get3A_196 : vector<16xi32> to vector<16xf32>
        %sub3A = arith.subf %bitcast3A_155, %bitcast3A : vector<16xf32>
        %mul3A_198 = arith.mulf %get3A_130, %sub3A : vector<16xf32>
        %add3A_199 = arith.addf %bitcast3A, %mul3A_198 : vector<16xf32>
        %sub3A_200 = arith.subf %bitcast3A_169, %bitcast3A_162 : vector<16xf32>
        %mul3A_201 = arith.mulf %get3A_130, %sub3A_200 : vector<16xf32>
        %add3A_202 = arith.addf %bitcast3A_162, %mul3A_201 : vector<16xf32>
        %sub3A_203 = arith.subf %bitcast3A_183, %bitcast3A_176 : vector<16xf32>
        %mul3A_204 = arith.mulf %get3A_130, %sub3A_203 : vector<16xf32>
        %add3A_205 = arith.addf %bitcast3A_176, %mul3A_204 : vector<16xf32>
        %sub3A_206 = arith.subf %bitcast3A_197, %bitcast3A_190 : vector<16xf32>
        %mul3A_207 = arith.mulf %get3A_130, %sub3A_206 : vector<16xf32>
        %add3A_208 = arith.addf %bitcast3A_190, %mul3A_207 : vector<16xf32>
        %sub3A_209 = arith.subf %add3A_202, %add3A_199 : vector<16xf32>
        %mul3A_210 = arith.mulf %get3A_136, %sub3A_209 : vector<16xf32>
        %add3A_211 = arith.addf %add3A_199, %mul3A_210 : vector<16xf32>
        %sub3A_212 = arith.subf %add3A_208, %add3A_205 : vector<16xf32>
        %mul3A_213 = arith.mulf %get3A_136, %sub3A_212 : vector<16xf32>
        %add3A_214 = arith.addf %add3A_205, %mul3A_213 : vector<16xf32>
        %sub3A_215 = arith.subf %add3A_214, %add3A_211 : vector<16xf32>
        %mul3A_216 = arith.mulf %get3A_142, %sub3A_215 : vector<16xf32>
        %add3A_217 = arith.addf %add3A_211, %mul3A_216 : vector<16xf32>
        %add3A_218 = arith.addf %get3A_124, %add3A_217 : vector<16xf32>
        %add3A_219 = arith.constant 8 : i32
        %add3A_220 = arith.addi %add3A_219, %scan3A_117 : i32
        %mul3A_221 = arith.constant 48 : i32
        %mul3A_222 = arith.muli %add3A_220, %mul3A_221 : i32
        %get3A_223 = arith.constant 0 : i32
        %get3A_224 = arith.index_cast %get3A_223 : i32 to index
        %get3A_225 = arith.index_cast %mul3A_222 : i32 to index
        %get3A_226 = tpu.vector_load %arg12[%get3A_224, %get3A_225] {strides = array<i32>} : memref<2x1152xf32, #tpu.memory_space<vmem>>, vector<16xf32>,
        %add3A_227 = arith.constant 16 : i32
        %add3A_228 = arith.addi %mul3A_222, %add3A_227 : i32
        %get3A_229 = arith.constant 0 : i32
        %get3A_230 = arith.index_cast %get3A_229 : i32 to index
        %get3A_231 = arith.index_cast %add3A_228 : i32 to index
        %get3A_232 = tpu.vector_load %arg12[%get3A_230, %get3A_231] {strides = array<i32>} : memref<2x1152xf32, #tpu.memory_space<vmem>>, vector<16xf32>,
        %add3A_233 = arith.constant 32 : i32
        %add3A_234 = arith.addi %mul3A_222, %add3A_233 : i32
        %get3A_235 = arith.constant 0 : i32
        %get3A_236 = arith.index_cast %get3A_235 : i32 to index
        %get3A_237 = arith.index_cast %add3A_234 : i32 to index
        %get3A_238 = tpu.vector_load %arg12[%get3A_236, %get3A_237] {strides = array<i32>} : memref<2x1152xf32, #tpu.memory_space<vmem>>, vector<16xf32>,
        %add3A_239 = arith.constant 0 : i32
        %add3A_240 = arith.addi %add3A_239, %scan3A_117 : i32
        %mul3A_241 = arith.constant 16 : i32
        %mul3A_242 = arith.muli %add3A_240, %mul3A_241 : i32
        %get3A_243 = arith.constant 0 : i32
        %get3A_244 = arith.index_cast %get3A_243 : i32 to index
        %get3A_245 = arith.index_cast %mul3A_242 : i32 to index
        %get3A_246 = tpu.vector_load %arg13[%get3A_244, %get3A_245] {strides = array<i32>} : memref<2x256xi32, #tpu.memory_space<vmem>>, vector<16xi32>,
        %xor3A = arith.constant 16 : i32
        %xor3A_247 = vector.broadcast %xor3A : i32 to vector<16xi32>
        %xor3A_248 = arith.xori %get3A_246, %xor3A_247 : vector<16xi32>
        %add3A_249 = arith.constant 8 : i32
        %add3A_250 = arith.addi %add3A_249, %scan3A_117 : i32
        %mul3A_251 = arith.constant 128 : i32
        %mul3A_252 = arith.muli %add3A_250, %mul3A_251 : i32
        %add3A_253 = arith.constant 0 : i32
        %add3A_254 = arith.addi %mul3A_252, %add3A_253 : i32
        %get3A_255 = arith.index_cast %add3A_254 : i32 to index
        %get3A_256 = tpu.vector_load %arg14[%get3A_255] {strides = array<i32>} : memref<3072xi32, #tpu.memory_space<vmem>>, vector<16xi32>,
        %shift_left3A = arith.shli %get3A_256, %xor3A_248 : vector<16xi32>
        %and3A = arith.constant -65536 : i32
        %and3A_257 = vector.broadcast %and3A : i32 to vector<16xi32>
        %and3A_258 = arith.andi %shift_left3A, %and3A_257 : vector<16xi32>
        %bitcast3A_259 = vector.bitcast %and3A_258 : vector<16xi32> to vector<16xf32>
        %add3A_260 = arith.constant 8 : i32
        %add3A_261 = arith.addi %add3A_260, %scan3A_117 : i32
        %mul3A_262 = arith.constant 128 : i32
        %mul3A_263 = arith.muli %add3A_261, %mul3A_262 : i32
        %add3A_264 = arith.constant 16 : i32
        %add3A_265 = arith.addi %mul3A_263, %add3A_264 : i32
        %get3A_266 = arith.index_cast %add3A_265 : i32 to index
        %get3A_267 = tpu.vector_load %arg14[%get3A_266] {strides = array<i32>} : memref<3072xi32, #tpu.memory_space<vmem>>, vector<16xi32>,
        %shift_left3A_268 = arith.shli %get3A_267, %get3A_246 : vector<16xi32>
        %and3A_269 = arith.constant -65536 : i32
        %and3A_270 = vector.broadcast %and3A_269 : i32 to vector<16xi32>
        %and3A_271 = arith.andi %shift_left3A_268, %and3A_270 : vector<16xi32>
        %bitcast3A_272 = vector.bitcast %and3A_271 : vector<16xi32> to vector<16xf32>
        %add3A_273 = arith.constant 8 : i32
        %add3A_274 = arith.addi %add3A_273, %scan3A_117 : i32
        %mul3A_275 = arith.constant 128 : i32
        %mul3A_276 = arith.muli %add3A_274, %mul3A_275 : i32
        %add3A_277 = arith.constant 32 : i32
        %add3A_278 = arith.addi %mul3A_276, %add3A_277 : i32
        %get3A_279 = arith.index_cast %add3A_278 : i32 to index
        %get3A_280 = tpu.vector_load %arg14[%get3A_279] {strides = array<i32>} : memref<3072xi32, #tpu.memory_space<vmem>>, vector<16xi32>,
        %shift_left3A_281 = arith.shli %get3A_280, %get3A_246 : vector<16xi32>
        %and3A_282 = arith.constant -65536 : i32
        %and3A_283 = vector.broadcast %and3A_282 : i32 to vector<16xi32>
        %and3A_284 = arith.andi %shift_left3A_281, %and3A_283 : vector<16xi32>
        %bitcast3A_285 = vector.bitcast %and3A_284 : vector<16xi32> to vector<16xf32>
        %add3A_286 = arith.constant 8 : i32
        %add3A_287 = arith.addi %add3A_286, %scan3A_117 : i32
        %mul3A_288 = arith.constant 128 : i32
        %mul3A_289 = arith.muli %add3A_287, %mul3A_288 : i32
        %add3A_290 = arith.constant 48 : i32
        %add3A_291 = arith.addi %mul3A_289, %add3A_290 : i32
        %get3A_292 = arith.index_cast %add3A_291 : i32 to index
        %get3A_293 = tpu.vector_load %arg14[%get3A_292] {strides = array<i32>} : memref<3072xi32, #tpu.memory_space<vmem>>, vector<16xi32>,
        %shift_left3A_294 = arith.shli %get3A_293, %xor3A_248 : vector<16xi32>
        %and3A_295 = arith.constant -65536 : i32
        %and3A_296 = vector.broadcast %and3A_295 : i32 to vector<16xi32>
        %and3A_297 = arith.andi %shift_left3A_294, %and3A_296 : vector<16xi32>
        %bitcast3A_298 = vector.bitcast %and3A_297 : vector<16xi32> to vector<16xf32>
        %add3A_299 = arith.constant 8 : i32
        %add3A_300 = arith.addi %add3A_299, %scan3A_117 : i32
        %mul3A_301 = arith.constant 128 : i32
        %mul3A_302 = arith.muli %add3A_300, %mul3A_301 : i32
        %add3A_303 = arith.constant 64 : i32
        %add3A_304 = arith.addi %mul3A_302, %add3A_303 : i32
        %get3A_305 = arith.index_cast %add3A_304 : i32 to index
        %get3A_306 = tpu.vector_load %arg14[%get3A_305] {strides = array<i32>} : memref<3072xi32, #tpu.memory_space<vmem>>, vector<16xi32>,
        %shift_left3A_307 = arith.shli %get3A_306, %get3A_246 : vector<16xi32>
        %and3A_308 = arith.constant -65536 : i32
        %and3A_309 = vector.broadcast %and3A_308 : i32 to vector<16xi32>
        %and3A_310 = arith.andi %shift_left3A_307, %and3A_309 : vector<16xi32>
        %bitcast3A_311 = vector.bitcast %and3A_310 : vector<16xi32> to vector<16xf32>
        %add3A_312 = arith.constant 8 : i32
        %add3A_313 = arith.addi %add3A_312, %scan3A_117 : i32
        %mul3A_314 = arith.constant 128 : i32
        %mul3A_315 = arith.muli %add3A_313, %mul3A_314 : i32
        %add3A_316 = arith.constant 80 : i32
        %add3A_317 = arith.addi %mul3A_315, %add3A_316 : i32
        %get3A_318 = arith.index_cast %add3A_317 : i32 to index
        %get3A_319 = tpu.vector_load %arg14[%get3A_318] {strides = array<i32>} : memref<3072xi32, #tpu.memory_space<vmem>>, vector<16xi32>,
        %shift_left3A_320 = arith.shli %get3A_319, %xor3A_248 : vector<16xi32>
        %and3A_321 = arith.constant -65536 : i32
        %and3A_322 = vector.broadcast %and3A_321 : i32 to vector<16xi32>
        %and3A_323 = arith.andi %shift_left3A_320, %and3A_322 : vector<16xi32>
        %bitcast3A_324 = vector.bitcast %and3A_323 : vector<16xi32> to vector<16xf32>
        %add3A_325 = arith.constant 8 : i32
        %add3A_326 = arith.addi %add3A_325, %scan3A_117 : i32
        %mul3A_327 = arith.constant 128 : i32
        %mul3A_328 = arith.muli %add3A_326, %mul3A_327 : i32
        %add3A_329 = arith.constant 96 : i32
        %add3A_330 = arith.addi %mul3A_328, %add3A_329 : i32
        %get3A_331 = arith.index_cast %add3A_330 : i32 to index
        %get3A_332 = tpu.vector_load %arg14[%get3A_331] {strides = array<i32>} : memref<3072xi32, #tpu.memory_space<vmem>>, vector<16xi32>,
        %shift_left3A_333 = arith.shli %get3A_332, %xor3A_248 : vector<16xi32>
        %and3A_334 = arith.constant -65536 : i32
        %and3A_335 = vector.broadcast %and3A_334 : i32 to vector<16xi32>
        %and3A_336 = arith.andi %shift_left3A_333, %and3A_335 : vector<16xi32>
        %bitcast3A_337 = vector.bitcast %and3A_336 : vector<16xi32> to vector<16xf32>
        %add3A_338 = arith.constant 8 : i32
        %add3A_339 = arith.addi %add3A_338, %scan3A_117 : i32
        %mul3A_340 = arith.constant 128 : i32
        %mul3A_341 = arith.muli %add3A_339, %mul3A_340 : i32
        %add3A_342 = arith.constant 112 : i32
        %add3A_343 = arith.addi %mul3A_341, %add3A_342 : i32
        %get3A_344 = arith.index_cast %add3A_343 : i32 to index
        %get3A_345 = tpu.vector_load %arg14[%get3A_344] {strides = array<i32>} : memref<3072xi32, #tpu.memory_space<vmem>>, vector<16xi32>,
        %shift_left3A_346 = arith.shli %get3A_345, %get3A_246 : vector<16xi32>
        %and3A_347 = arith.constant -65536 : i32
        %and3A_348 = vector.broadcast %and3A_347 : i32 to vector<16xi32>
        %and3A_349 = arith.andi %shift_left3A_346, %and3A_348 : vector<16xi32>
        %bitcast3A_350 = vector.bitcast %and3A_349 : vector<16xi32> to vector<16xf32>
        %sub3A_351 = arith.subf %bitcast3A_272, %bitcast3A_259 : vector<16xf32>
        %mul3A_352 = arith.mulf %get3A_226, %sub3A_351 : vector<16xf32>
        %add3A_353 = arith.addf %bitcast3A_259, %mul3A_352 : vector<16xf32>
        %sub3A_354 = arith.subf %bitcast3A_298, %bitcast3A_285 : vector<16xf32>
        %mul3A_355 = arith.mulf %get3A_226, %sub3A_354 : vector<16xf32>
        %add3A_356 = arith.addf %bitcast3A_285, %mul3A_355 : vector<16xf32>
        %sub3A_357 = arith.subf %bitcast3A_324, %bitcast3A_311 : vector<16xf32>
        %mul3A_358 = arith.mulf %get3A_226, %sub3A_357 : vector<16xf32>
        %add3A_359 = arith.addf %bitcast3A_311, %mul3A_358 : vector<16xf32>
        %sub3A_360 = arith.subf %bitcast3A_350, %bitcast3A_337 : vector<16xf32>
        %mul3A_361 = arith.mulf %get3A_226, %sub3A_360 : vector<16xf32>
        %add3A_362 = arith.addf %bitcast3A_337, %mul3A_361 : vector<16xf32>
        %sub3A_363 = arith.subf %add3A_356, %add3A_353 : vector<16xf32>
        %mul3A_364 = arith.mulf %get3A_232, %sub3A_363 : vector<16xf32>
        %add3A_365 = arith.addf %add3A_353, %mul3A_364 : vector<16xf32>
        %sub3A_366 = arith.subf %add3A_362, %add3A_359 : vector<16xf32>
        %mul3A_367 = arith.mulf %get3A_232, %sub3A_366 : vector<16xf32>
        %add3A_368 = arith.addf %add3A_359, %mul3A_367 : vector<16xf32>
        %sub3A_369 = arith.subf %add3A_368, %add3A_365 : vector<16xf32>
        %mul3A_370 = arith.mulf %get3A_238, %sub3A_369 : vector<16xf32>
        %add3A_371 = arith.addf %add3A_365, %mul3A_370 : vector<16xf32>
        %add3A_372 = arith.addf %add3A_218, %add3A_371 : vector<16xf32>
        %add3A_373 = arith.constant 16 : i32
        %add3A_374 = arith.addi %add3A_373, %scan3A_117 : i32
        %mul3A_375 = arith.constant 48 : i32
        %mul3A_376 = arith.muli %add3A_374, %mul3A_375 : i32
        %get3A_377 = arith.constant 0 : i32
        %get3A_378 = arith.index_cast %get3A_377 : i32 to index
        %get3A_379 = arith.index_cast %mul3A_376 : i32 to index
        %get3A_380 = tpu.vector_load %arg12[%get3A_378, %get3A_379] {strides = array<i32>} : memref<2x1152xf32, #tpu.memory_space<vmem>>, vector<16xf32>,
        %add3A_381 = arith.constant 16 : i32
        %add3A_382 = arith.addi %mul3A_376, %add3A_381 : i32
        %get3A_383 = arith.constant 0 : i32
        %get3A_384 = arith.index_cast %get3A_383 : i32 to index
        %get3A_385 = arith.index_cast %add3A_382 : i32 to index
        %get3A_386 = tpu.vector_load %arg12[%get3A_384, %get3A_385] {strides = array<i32>} : memref<2x1152xf32, #tpu.memory_space<vmem>>, vector<16xf32>,
        %add3A_387 = arith.constant 32 : i32
        %add3A_388 = arith.addi %mul3A_376, %add3A_387 : i32
        %get3A_389 = arith.constant 0 : i32
        %get3A_390 = arith.index_cast %get3A_389 : i32 to index
        %get3A_391 = arith.index_cast %add3A_388 : i32 to index
        %get3A_392 = tpu.vector_load %arg12[%get3A_390, %get3A_391] {strides = array<i32>} : memref<2x1152xf32, #tpu.memory_space<vmem>>, vector<16xf32>,
        %add3A_393 = arith.constant 8 : i32
        %add3A_394 = arith.addi %add3A_393, %scan3A_117 : i32
        %mul3A_395 = arith.constant 16 : i32
        %mul3A_396 = arith.muli %add3A_394, %mul3A_395 : i32
        %get3A_397 = arith.constant 0 : i32
        %get3A_398 = arith.index_cast %get3A_397 : i32 to index
        %get3A_399 = arith.index_cast %mul3A_396 : i32 to index
        %get3A_400 = tpu.vector_load %arg13[%get3A_398, %get3A_399] {strides = array<i32>} : memref<2x256xi32, #tpu.memory_space<vmem>>, vector<16xi32>,
        %xor3A_401 = arith.constant 16 : i32
        %xor3A_402 = vector.broadcast %xor3A_401 : i32 to vector<16xi32>
        %xor3A_403 = arith.xori %get3A_400, %xor3A_402 : vector<16xi32>
        %add3A_404 = arith.constant 16 : i32
        %add3A_405 = arith.addi %add3A_404, %scan3A_117 : i32
        %mul3A_406 = arith.constant 128 : i32
        %mul3A_407 = arith.muli %add3A_405, %mul3A_406 : i32
        %add3A_408 = arith.constant 0 : i32
        %add3A_409 = arith.addi %mul3A_407, %add3A_408 : i32
        %get3A_410 = arith.index_cast %add3A_409 : i32 to index
        %get3A_411 = tpu.vector_load %arg14[%get3A_410] {strides = array<i32>} : memref<3072xi32, #tpu.memory_space<vmem>>, vector<16xi32>,
        %shift_left3A_412 = arith.shli %get3A_411, %xor3A_403 : vector<16xi32>
        %and3A_413 = arith.constant -65536 : i32
        %and3A_414 = vector.broadcast %and3A_413 : i32 to vector<16xi32>
        %and3A_415 = arith.andi %shift_left3A_412, %and3A_414 : vector<16xi32>
        %bitcast3A_416 = vector.bitcast %and3A_415 : vector<16xi32> to vector<16xf32>
        %add3A_417 = arith.constant 16 : i32
        %add3A_418 = arith.addi %add3A_417, %scan3A_117 : i32
        %mul3A_419 = arith.constant 128 : i32
        %mul3A_420 = arith.muli %add3A_418, %mul3A_419 : i32
        %add3A_421 = arith.constant 16 : i32
        %add3A_422 = arith.addi %mul3A_420, %add3A_421 : i32
        %get3A_423 = arith.index_cast %add3A_422 : i32 to index
        %get3A_424 = tpu.vector_load %arg14[%get3A_423] {strides = array<i32>} : memref<3072xi32, #tpu.memory_space<vmem>>, vector<16xi32>,
        %shift_left3A_425 = arith.shli %get3A_424, %get3A_400 : vector<16xi32>
        %and3A_426 = arith.constant -65536 : i32
        %and3A_427 = vector.broadcast %and3A_426 : i32 to vector<16xi32>
        %and3A_428 = arith.andi %shift_left3A_425, %and3A_427 : vector<16xi32>
        %bitcast3A_429 = vector.bitcast %and3A_428 : vector<16xi32> to vector<16xf32>
        %add3A_430 = arith.constant 16 : i32
        %add3A_431 = arith.addi %add3A_430, %scan3A_117 : i32
        %mul3A_432 = arith.constant 128 : i32
        %mul3A_433 = arith.muli %add3A_431, %mul3A_432 : i32
        %add3A_434 = arith.constant 32 : i32
        %add3A_435 = arith.addi %mul3A_433, %add3A_434 : i32
        %get3A_436 = arith.index_cast %add3A_435 : i32 to index
        %get3A_437 = tpu.vector_load %arg14[%get3A_436] {strides = array<i32>} : memref<3072xi32, #tpu.memory_space<vmem>>, vector<16xi32>,
        %shift_left3A_438 = arith.shli %get3A_437, %get3A_400 : vector<16xi32>
        %and3A_439 = arith.constant -65536 : i32
        %and3A_440 = vector.broadcast %and3A_439 : i32 to vector<16xi32>
        %and3A_441 = arith.andi %shift_left3A_438, %and3A_440 : vector<16xi32>
        %bitcast3A_442 = vector.bitcast %and3A_441 : vector<16xi32> to vector<16xf32>
        %add3A_443 = arith.constant 16 : i32
        %add3A_444 = arith.addi %add3A_443, %scan3A_117 : i32
        %mul3A_445 = arith.constant 128 : i32
        %mul3A_446 = arith.muli %add3A_444, %mul3A_445 : i32
        %add3A_447 = arith.constant 48 : i32
        %add3A_448 = arith.addi %mul3A_446, %add3A_447 : i32
        %get3A_449 = arith.index_cast %add3A_448 : i32 to index
        %get3A_450 = tpu.vector_load %arg14[%get3A_449] {strides = array<i32>} : memref<3072xi32, #tpu.memory_space<vmem>>, vector<16xi32>,
        %shift_left3A_451 = arith.shli %get3A_450, %xor3A_403 : vector<16xi32>
        %and3A_452 = arith.constant -65536 : i32
        %and3A_453 = vector.broadcast %and3A_452 : i32 to vector<16xi32>
        %and3A_454 = arith.andi %shift_left3A_451, %and3A_453 : vector<16xi32>
        %bitcast3A_455 = vector.bitcast %and3A_454 : vector<16xi32> to vector<16xf32>
        %add3A_456 = arith.constant 16 : i32
        %add3A_457 = arith.addi %add3A_456, %scan3A_117 : i32
        %mul3A_458 = arith.constant 128 : i32
        %mul3A_459 = arith.muli %add3A_457, %mul3A_458 : i32
        %add3A_460 = arith.constant 64 : i32
        %add3A_461 = arith.addi %mul3A_459, %add3A_460 : i32
        %get3A_462 = arith.index_cast %add3A_461 : i32 to index
        %get3A_463 = tpu.vector_load %arg14[%get3A_462] {strides = array<i32>} : memref<3072xi32, #tpu.memory_space<vmem>>, vector<16xi32>,
        %shift_left3A_464 = arith.shli %get3A_463, %get3A_400 : vector<16xi32>
        %and3A_465 = arith.constant -65536 : i32
        %and3A_466 = vector.broadcast %and3A_465 : i32 to vector<16xi32>
        %and3A_467 = arith.andi %shift_left3A_464, %and3A_466 : vector<16xi32>
        %bitcast3A_468 = vector.bitcast %and3A_467 : vector<16xi32> to vector<16xf32>
        %add3A_469 = arith.constant 16 : i32
        %add3A_470 = arith.addi %add3A_469, %scan3A_117 : i32
        %mul3A_471 = arith.constant 128 : i32
        %mul3A_472 = arith.muli %add3A_470, %mul3A_471 : i32
        %add3A_473 = arith.constant 80 : i32
        %add3A_474 = arith.addi %mul3A_472, %add3A_473 : i32
        %get3A_475 = arith.index_cast %add3A_474 : i32 to index
        %get3A_476 = tpu.vector_load %arg14[%get3A_475] {strides = array<i32>} : memref<3072xi32, #tpu.memory_space<vmem>>, vector<16xi32>,
        %shift_left3A_477 = arith.shli %get3A_476, %xor3A_403 : vector<16xi32>
        %and3A_478 = arith.constant -65536 : i32
        %and3A_479 = vector.broadcast %and3A_478 : i32 to vector<16xi32>
        %and3A_480 = arith.andi %shift_left3A_477, %and3A_479 : vector<16xi32>
        %bitcast3A_481 = vector.bitcast %and3A_480 : vector<16xi32> to vector<16xf32>
        %add3A_482 = arith.constant 16 : i32
        %add3A_483 = arith.addi %add3A_482, %scan3A_117 : i32
        %mul3A_484 = arith.constant 128 : i32
        %mul3A_485 = arith.muli %add3A_483, %mul3A_484 : i32
        %add3A_486 = arith.constant 96 : i32
        %add3A_487 = arith.addi %mul3A_485, %add3A_486 : i32
        %get3A_488 = arith.index_cast %add3A_487 : i32 to index
        %get3A_489 = tpu.vector_load %arg14[%get3A_488] {strides = array<i32>} : memref<3072xi32, #tpu.memory_space<vmem>>, vector<16xi32>,
        %shift_left3A_490 = arith.shli %get3A_489, %xor3A_403 : vector<16xi32>
        %and3A_491 = arith.constant -65536 : i32
        %and3A_492 = vector.broadcast %and3A_491 : i32 to vector<16xi32>
        %and3A_493 = arith.andi %shift_left3A_490, %and3A_492 : vector<16xi32>
        %bitcast3A_494 = vector.bitcast %and3A_493 : vector<16xi32> to vector<16xf32>
        %add3A_495 = arith.constant 16 : i32
        %add3A_496 = arith.addi %add3A_495, %scan3A_117 : i32
        %mul3A_497 = arith.constant 128 : i32
        %mul3A_498 = arith.muli %add3A_496, %mul3A_497 : i32
        %add3A_499 = arith.constant 112 : i32
        %add3A_500 = arith.addi %mul3A_498, %add3A_499 : i32
        %get3A_501 = arith.index_cast %add3A_500 : i32 to index
        %get3A_502 = tpu.vector_load %arg14[%get3A_501] {strides = array<i32>} : memref<3072xi32, #tpu.memory_space<vmem>>, vector<16xi32>,
        %shift_left3A_503 = arith.shli %get3A_502, %get3A_400 : vector<16xi32>
        %and3A_504 = arith.constant -65536 : i32
        %and3A_505 = vector.broadcast %and3A_504 : i32 to vector<16xi32>
        %and3A_506 = arith.andi %shift_left3A_503, %and3A_505 : vector<16xi32>
        %bitcast3A_507 = vector.bitcast %and3A_506 : vector<16xi32> to vector<16xf32>
        %sub3A_508 = arith.subf %bitcast3A_429, %bitcast3A_416 : vector<16xf32>
        %mul3A_509 = arith.mulf %get3A_380, %sub3A_508 : vector<16xf32>
        %add3A_510 = arith.addf %bitcast3A_416, %mul3A_509 : vector<16xf32>
        %sub3A_511 = arith.subf %bitcast3A_455, %bitcast3A_442 : vector<16xf32>
        %mul3A_512 = arith.mulf %get3A_380, %sub3A_511 : vector<16xf32>
        %add3A_513 = arith.addf %bitcast3A_442, %mul3A_512 : vector<16xf32>
        %sub3A_514 = arith.subf %bitcast3A_481, %bitcast3A_468 : vector<16xf32>
        %mul3A_515 = arith.mulf %get3A_380, %sub3A_514 : vector<16xf32>
        %add3A_516 = arith.addf %bitcast3A_468, %mul3A_515 : vector<16xf32>
        %sub3A_517 = arith.subf %bitcast3A_507, %bitcast3A_494 : vector<16xf32>
        %mul3A_518 = arith.mulf %get3A_380, %sub3A_517 : vector<16xf32>
        %add3A_519 = arith.addf %bitcast3A_494, %mul3A_518 : vector<16xf32>
        %sub3A_520 = arith.subf %add3A_513, %add3A_510 : vector<16xf32>
        %mul3A_521 = arith.mulf %get3A_386, %sub3A_520 : vector<16xf32>
        %add3A_522 = arith.addf %add3A_510, %mul3A_521 : vector<16xf32>
        %sub3A_523 = arith.subf %add3A_519, %add3A_516 : vector<16xf32>
        %mul3A_524 = arith.mulf %get3A_386, %sub3A_523 : vector<16xf32>
        %add3A_525 = arith.addf %add3A_516, %mul3A_524 : vector<16xf32>
        %sub3A_526 = arith.subf %add3A_525, %add3A_522 : vector<16xf32>
        %mul3A_527 = arith.mulf %get3A_392, %sub3A_526 : vector<16xf32>
        %add3A_528 = arith.addf %add3A_522, %mul3A_527 : vector<16xf32>
        %add3A_529 = arith.addf %add3A_372, %add3A_528 : vector<16xf32>
        %max3A = arith.maximumf %scan3A_118, %add3A_529 : vector<16xf32>
        scf.yield %max3A : vector<16xf32>
      }
      %scan3A_104 = arith.constant 8 : i32
      %mul3A_105 = arith.constant 16 : i32
      %mul3A_106 = arith.muli %scan3A_52, %mul3A_105 : i32
      %multiple_of3A_107 = tpu.assume_multiple %mul3A_106, 16 : i32
      %add3A_108 = arith.addf %scan3A_103, %get3A_46 : vector<16xf32>
      %neg3A = arith.constant 0.000000e+00 : f32
      %neg3A_109 = vector.broadcast %neg3A : f32 to vector<16xf32>
      %neg3A_110 = arith.subf %neg3A_109, %add3A_108 : vector<16xf32>
      %exp3A = math.exp %neg3A_110 : vector<16xf32>
      %add3A_111 = arith.constant 1.000000e+00 : f32
      %add3A_112 = vector.broadcast %add3A_111 : f32 to vector<16xf32>
      %add3A_113 = arith.addf %add3A_112, %exp3A : vector<16xf32>
      %div3A = arith.constant 1.000000e+00 : f32
      %div3A_114 = vector.broadcast %div3A : f32 to vector<16xf32>
      %div3A_115 = arith.divf %div3A_114, %add3A_113 : vector<16xf32>
      %swap3A = arith.index_cast %multiple_of3A_107 : i32 to index
      %swap3A_116 = tpu.vector_load %arg17[%swap3A] {strides = array<i32>} : memref<128xf32, #tpu.memory_space<vmem>>, vector<16xf32>,
      tpu.vector_store %arg17[%swap3A], %div3A_115 {strides = array<i32>} : memref<128xf32, #tpu.memory_space<vmem>>, vector<16xf32>,
    }
    %scan3A_51 = arith.constant 8 : i32
    "tpu.region"() ({
      %run_scoped3A = tpu.sem_alloc : memref<!tpu.dma_semaphore, #tpu.memory_space<semaphore_mem>>
      %dma_start3A = tpu.memref_slice %arg6[%multiple_of3A] : memref<4096xf32, #tpu.memory_space<hbm>> -> memref<128xf32, #tpu.memory_space<hbm>>
      %dma_start3A_52 = tpu.memref_slice %arg6[%multiple_of3A] : memref<4096xf32, #tpu.memory_space<hbm>> -> memref<128xf32, #tpu.memory_space<hbm>>
      tpu.enqueue_dma source(%arg17 : memref<128xf32, #tpu.memory_space<vmem>>) target(%dma_start3A_52 : memref<128xf32, #tpu.memory_space<hbm>>) target_semaphore(%run_scoped3A : memref<!tpu.dma_semaphore, #tpu.memory_space<semaphore_mem>>)
      %dma_wait3A = tpu.memref_slice %arg6[%multiple_of3A] : memref<4096xf32, #tpu.memory_space<hbm>> -> memref<128xf32, #tpu.memory_space<hbm>>
      %dma_wait3A_53 = tpu.memref_slice %arg6[%multiple_of3A] : memref<4096xf32, #tpu.memory_space<hbm>> -> memref<128xf32, #tpu.memory_space<hbm>>
      tpu.wait_dma2 semaphore(%run_scoped3A : memref<!tpu.dma_semaphore, #tpu.memory_space<semaphore_mem>>) src(%arg17 : memref<128xf32, #tpu.memory_space<vmem>>) dst(%dma_wait3A_53 : memref<128xf32, #tpu.memory_space<hbm>>)
      tpu.yield
    }) : () -> ()
    return
  }
}

module attributes {stable_mosaic.version = 14 : i64} {
  func.func @_proj_body(%arg0: i32, %arg1: memref<1024x128xf32, #tpu.memory_space<vmem>>, %arg2: memref<128x16xf32, #tpu.memory_space<vmem>>, %arg3: memref<1024x16xf32, #tpu.memory_space<vmem>>) attributes {dimension_semantics = [#tpu.dimension_semantics<arbitrary>], iteration_bounds = array<i64: 32>, scalar_prefetch = 0 : i64, scratch_operands = 0 : i64, tpu.core_type = #tpu.core_type<tc>, window_params = [{transform_indices = @transform_0, window_bounds = array<i64: 1024, 128>}, {pipeline_mode = #tpu.pipeline_mode<synchronous>, transform_indices = @transform_1, window_bounds = array<i64: 128, 16>}, {transform_indices = @transform_2, window_bounds = array<i64: 1024, 16>}]} {
    %get3A = arith.constant 0 : index
    %get3A_0 = arith.constant 0 : index
    %get3A_1 = vector.load %arg1[%get3A, %get3A_0] : memref<1024x128xf32, #tpu.memory_space<vmem>>, vector<1024x128xf32>
    %get3A_2 = arith.constant 0 : index
    %get3A_3 = arith.constant 0 : index
    %get3A_4 = vector.load %arg2[%get3A_2, %get3A_3] : memref<128x16xf32, #tpu.memory_space<vmem>>, vector<128x16xf32>
    %dot_general3A = arith.constant dense<0.000000e+00> : vector<1024x16xf32>
    %dot_general3A_5 = tpu.matmul %get3A_1, %get3A_4, %dot_general3A {dimension_numbers = #tpu.dot_dimension_numbers<[1], [0], [0], [1], [0, 0, 1, 1], [], []>, transpose_lhs_hint = false} : vector<1024x128xf32>, vector<128x16xf32>, vector<1024x16xf32> -> vector<1024x16xf32>
    %swap3A = arith.constant 0 : index
    %swap3A_6 = arith.constant 0 : index
    %swap3A_7 = vector.load %arg3[%swap3A, %swap3A_6] : memref<1024x16xf32, #tpu.memory_space<vmem>>, vector<1024x16xf32>
    tpu.vector_store %arg3[%swap3A, %swap3A_6], %dot_general3A_5 {strides = array<i32>} : memref<1024x16xf32, #tpu.memory_space<vmem>>, vector<1024x16xf32>,
    return
  }
  func.func @transform_0(%arg0: i32) -> (i32, i32) {
    %c0_i32 = arith.constant 0 : i32
    %c0_i32_0 = arith.constant 0 : i32
    return %arg0, %c0_i32 : i32, i32
  }
  func.func @transform_1(%arg0: i32) -> (i32, i32) {
    %c0_i32 = arith.constant 0 : i32
    %c0_i32_0 = arith.constant 0 : i32
    %c0_i32_1 = arith.constant 0 : i32
    return %c0_i32, %c0_i32_0 : i32, i32
  }
  func.func @transform_2(%arg0: i32) -> (i32, i32) {
    %c0_i32 = arith.constant 0 : i32
    %c0_i32_0 = arith.constant 0 : i32
    return %arg0, %c0_i32 : i32, i32
  }
}

module attributes {stable_mosaic.version = 14 : i64} {
  func.func @_proj_body(%arg0: i32, %arg1: memref<1024x128xf32, #tpu.memory_space<vmem>>, %arg2: memref<128x16xf32, #tpu.memory_space<vmem>>, %arg3: memref<1024x16xf32, #tpu.memory_space<vmem>>) attributes {dimension_semantics = [#tpu.dimension_semantics<arbitrary>], iteration_bounds = array<i64: 17>, scalar_prefetch = 0 : i64, scratch_operands = 0 : i64, tpu.core_type = #tpu.core_type<tc>, window_params = [{transform_indices = @transform_0, window_bounds = array<i64: 1024, 128>}, {pipeline_mode = #tpu.pipeline_mode<synchronous>, transform_indices = @transform_1, window_bounds = array<i64: 128, 16>}, {transform_indices = @transform_2, window_bounds = array<i64: 1024, 16>}]} {
    %get3A = arith.constant 0 : index
    %get3A_0 = arith.constant 0 : index
    %get3A_1 = vector.load %arg1[%get3A, %get3A_0] : memref<1024x128xf32, #tpu.memory_space<vmem>>, vector<1024x128xf32>
    %get3A_2 = arith.constant 0 : index
    %get3A_3 = arith.constant 0 : index
    %get3A_4 = vector.load %arg2[%get3A_2, %get3A_3] : memref<128x16xf32, #tpu.memory_space<vmem>>, vector<128x16xf32>
    %dot_general3A = arith.constant dense<0.000000e+00> : vector<1024x16xf32>
    %dot_general3A_5 = tpu.matmul %get3A_1, %get3A_4, %dot_general3A {dimension_numbers = #tpu.dot_dimension_numbers<[1], [0], [0], [1], [0, 0, 1, 1], [], []>, transpose_lhs_hint = false} : vector<1024x128xf32>, vector<128x16xf32>, vector<1024x16xf32> -> vector<1024x16xf32>
    %swap3A = arith.constant 0 : index
    %swap3A_6 = arith.constant 0 : index
    %swap3A_7 = vector.load %arg3[%swap3A, %swap3A_6] : memref<1024x16xf32, #tpu.memory_space<vmem>>, vector<1024x16xf32>
    tpu.vector_store %arg3[%swap3A, %swap3A_6], %dot_general3A_5 {strides = array<i32>} : memref<1024x16xf32, #tpu.memory_space<vmem>>, vector<1024x16xf32>,
    return
  }
  func.func @transform_0(%arg0: i32) -> (i32, i32) {
    %c0_i32 = arith.constant 0 : i32
    %c0_i32_0 = arith.constant 0 : i32
    return %arg0, %c0_i32 : i32, i32
  }
  func.func @transform_1(%arg0: i32) -> (i32, i32) {
    %c0_i32 = arith.constant 0 : i32
    %c0_i32_0 = arith.constant 0 : i32
    %c0_i32_1 = arith.constant 0 : i32
    return %c0_i32, %c0_i32_0 : i32, i32
  }
  func.func @transform_2(%arg0: i32) -> (i32, i32) {
    %c0_i32 = arith.constant 0 : i32
    %c0_i32_0 = arith.constant 0 : i32
    return %arg0, %c0_i32 : i32, i32
  }
}

module attributes {stable_mosaic.version = 14 : i64} {
  func.func @_proj_body(%arg0: i32, %arg1: memref<1024x128xf32, #tpu.memory_space<vmem>>, %arg2: memref<128x16xf32, #tpu.memory_space<vmem>>, %arg3: memref<1024x16xf32, #tpu.memory_space<vmem>>) attributes {dimension_semantics = [#tpu.dimension_semantics<arbitrary>], iteration_bounds = array<i64: 3>, scalar_prefetch = 0 : i64, scratch_operands = 0 : i64, tpu.core_type = #tpu.core_type<tc>, window_params = [{transform_indices = @transform_0, window_bounds = array<i64: 1024, 128>}, {pipeline_mode = #tpu.pipeline_mode<synchronous>, transform_indices = @transform_1, window_bounds = array<i64: 128, 16>}, {transform_indices = @transform_2, window_bounds = array<i64: 1024, 16>}]} {
    %get3A = arith.constant 0 : index
    %get3A_0 = arith.constant 0 : index
    %get3A_1 = vector.load %arg1[%get3A, %get3A_0] : memref<1024x128xf32, #tpu.memory_space<vmem>>, vector<1024x128xf32>
    %get3A_2 = arith.constant 0 : index
    %get3A_3 = arith.constant 0 : index
    %get3A_4 = vector.load %arg2[%get3A_2, %get3A_3] : memref<128x16xf32, #tpu.memory_space<vmem>>, vector<128x16xf32>
    %dot_general3A = arith.constant dense<0.000000e+00> : vector<1024x16xf32>
    %dot_general3A_5 = tpu.matmul %get3A_1, %get3A_4, %dot_general3A {dimension_numbers = #tpu.dot_dimension_numbers<[1], [0], [0], [1], [0, 0, 1, 1], [], []>, transpose_lhs_hint = false} : vector<1024x128xf32>, vector<128x16xf32>, vector<1024x16xf32> -> vector<1024x16xf32>
    %swap3A = arith.constant 0 : index
    %swap3A_6 = arith.constant 0 : index
    %swap3A_7 = vector.load %arg3[%swap3A, %swap3A_6] : memref<1024x16xf32, #tpu.memory_space<vmem>>, vector<1024x16xf32>
    tpu.vector_store %arg3[%swap3A, %swap3A_6], %dot_general3A_5 {strides = array<i32>} : memref<1024x16xf32, #tpu.memory_space<vmem>>, vector<1024x16xf32>,
    return
  }
  func.func @transform_0(%arg0: i32) -> (i32, i32) {
    %c0_i32 = arith.constant 0 : i32
    %c0_i32_0 = arith.constant 0 : i32
    return %arg0, %c0_i32 : i32, i32
  }
  func.func @transform_1(%arg0: i32) -> (i32, i32) {
    %c0_i32 = arith.constant 0 : i32
    %c0_i32_0 = arith.constant 0 : i32
    %c0_i32_1 = arith.constant 0 : i32
    return %c0_i32, %c0_i32_0 : i32, i32
  }
  func.func @transform_2(%arg0: i32) -> (i32, i32) {
    %c0_i32 = arith.constant 0 : i32
    %c0_i32_0 = arith.constant 0 : i32
    return %arg0, %c0_i32 : i32, i32
  }
}

module attributes {stable_mosaic.version = 14 : i64} {
  func.func @_rays_body(%arg0: memref<4096x4xf32, #tpu.memory_space<vmem>>, %arg1: memref<4096x8xf32, #tpu.memory_space<vmem>>) attributes {dimension_semantics = [], scalar_prefetch = 0 : i64, scratch_operands = 0 : i64, tpu.core_type = #tpu.core_type<tc>} {
    %get3A = arith.constant 0 : index
    %get3A_0 = arith.constant 0 : index
    %get3A_1 = vector.load %arg0[%get3A, %get3A_0] : memref<4096x4xf32, #tpu.memory_space<vmem>>, vector<4096x4xf32>
    %slice3A = vector.extract_strided_slice %get3A_1 {offsets = [0, 0], sizes = [4096, 1], strides = [1, 1]} : vector<4096x4xf32> to vector<4096x1xf32>
    %slice3A_2 = vector.extract_strided_slice %get3A_1 {offsets = [0, 1], sizes = [4096, 1], strides = [1, 1]} : vector<4096x4xf32> to vector<4096x1xf32>
    %slice3A_3 = vector.extract_strided_slice %get3A_1 {offsets = [0, 2], sizes = [4096, 1], strides = [1, 1]} : vector<4096x4xf32> to vector<4096x1xf32>
    %slice3A_4 = vector.extract_strided_slice %get3A_1 {offsets = [0, 3], sizes = [4096, 1], strides = [1, 1]} : vector<4096x4xf32> to vector<4096x1xf32>
    %sin3A = math.sin %slice3A : vector<4096x1xf32>
    %cos3A = math.cos %slice3A : vector<4096x1xf32>
    %sin3A_5 = math.sin %slice3A_3 : vector<4096x1xf32>
    %cos3A_6 = math.cos %slice3A_3 : vector<4096x1xf32>
    %cos3A_7 = math.cos %slice3A_2 : vector<4096x1xf32>
    %mul3A = arith.mulf %sin3A, %cos3A_7 : vector<4096x1xf32>
    %sin3A_8 = math.sin %slice3A_2 : vector<4096x1xf32>
    %mul3A_9 = arith.mulf %sin3A, %sin3A_8 : vector<4096x1xf32>
    %cos3A_10 = math.cos %slice3A_4 : vector<4096x1xf32>
    %mul3A_11 = arith.mulf %sin3A_5, %cos3A_10 : vector<4096x1xf32>
    %sin3A_12 = math.sin %slice3A_4 : vector<4096x1xf32>
    %mul3A_13 = arith.mulf %sin3A_5, %sin3A_12 : vector<4096x1xf32>
    %add3A = arith.constant 1.000000e+00 : f32
    %add3A_14 = vector.broadcast %add3A : f32 to vector<4096x1xf32>
    %add3A_15 = arith.addf %mul3A, %add3A_14 : vector<4096x1xf32>
    %mul3A_16 = arith.constant 5.000000e-01 : f32
    %mul3A_17 = vector.broadcast %mul3A_16 : f32 to vector<4096x1xf32>
    %mul3A_18 = arith.mulf %add3A_15, %mul3A_17 : vector<4096x1xf32>
    %add3A_19 = arith.constant 1.000000e+00 : f32
    %add3A_20 = vector.broadcast %add3A_19 : f32 to vector<4096x1xf32>
    %add3A_21 = arith.addf %mul3A_9, %add3A_20 : vector<4096x1xf32>
    %mul3A_22 = arith.constant 5.000000e-01 : f32
    %mul3A_23 = vector.broadcast %mul3A_22 : f32 to vector<4096x1xf32>
    %mul3A_24 = arith.mulf %add3A_21, %mul3A_23 : vector<4096x1xf32>
    %add3A_25 = arith.constant 1.000000e+00 : f32
    %add3A_26 = vector.broadcast %add3A_25 : f32 to vector<4096x1xf32>
    %add3A_27 = arith.addf %cos3A, %add3A_26 : vector<4096x1xf32>
    %mul3A_28 = arith.constant 5.000000e-01 : f32
    %mul3A_29 = vector.broadcast %mul3A_28 : f32 to vector<4096x1xf32>
    %mul3A_30 = arith.mulf %add3A_27, %mul3A_29 : vector<4096x1xf32>
    %sub3A = arith.subf %mul3A_11, %mul3A : vector<4096x1xf32>
    %mul3A_31 = arith.constant 5.000000e-01 : f32
    %mul3A_32 = vector.broadcast %mul3A_31 : f32 to vector<4096x1xf32>
    %mul3A_33 = arith.mulf %sub3A, %mul3A_32 : vector<4096x1xf32>
    %sub3A_34 = arith.subf %mul3A_13, %mul3A_9 : vector<4096x1xf32>
    %mul3A_35 = arith.constant 5.000000e-01 : f32
    %mul3A_36 = vector.broadcast %mul3A_35 : f32 to vector<4096x1xf32>
    %mul3A_37 = arith.mulf %sub3A_34, %mul3A_36 : vector<4096x1xf32>
    %sub3A_38 = arith.subf %cos3A_6, %cos3A : vector<4096x1xf32>
    %mul3A_39 = arith.constant 5.000000e-01 : f32
    %mul3A_40 = vector.broadcast %mul3A_39 : f32 to vector<4096x1xf32>
    %mul3A_41 = arith.mulf %sub3A_38, %mul3A_40 : vector<4096x1xf32>
    %broadcast_in_dim3A = arith.constant 0.000000e+00 : f32
    %broadcast_in_dim3A_42 = vector.broadcast %broadcast_in_dim3A : f32 to vector<4096x1xf32>
    %concatenate3A = tpu.concatenate %mul3A_18, %mul3A_24, %mul3A_30, %mul3A_33, %mul3A_37, %mul3A_41, %broadcast_in_dim3A_42, %broadcast_in_dim3A_42 in 1 : vector<4096x1xf32>, vector<4096x1xf32>, vector<4096x1xf32>, vector<4096x1xf32>, vector<4096x1xf32>, vector<4096x1xf32>, vector<4096x1xf32>, vector<4096x1xf32> -> vector<4096x8xf32>
    %swap3A = arith.constant 0 : index
    %swap3A_43 = arith.constant 0 : index
    %swap3A_44 = vector.load %arg1[%swap3A, %swap3A_43] : memref<4096x8xf32, #tpu.memory_space<vmem>>, vector<4096x8xf32>
    tpu.vector_store %arg1[%swap3A, %swap3A_43], %concatenate3A {strides = array<i32>} : memref<4096x8xf32, #tpu.memory_space<vmem>>, vector<4096x8xf32>,
    return
  }
}

</mosaic_0001>

<sc_bundles>
// kernel: kernel.8.cloned.1.call-start
scs
__scs_entry_jumppad:
0x0: {  	(pc) =	sbr.rel $0x88, $3  }
0x1: {  	(tag) =	ssettag $0x0;
	lr =	simm.s32 $0x1  }
0x2: {  	[smem:$0x3F9A] =	sst lr;
	_ =	strace $0xD0000000  }
0x3: {  	_ = 	snop  }
0x4: {  	_ = 	snop  }
0x5: {  	_ = 	snop  }
0x6: {  	_ = 	snop  }
0x7: {  	_ = 	snop  }
__scs_overlays_trampoline_lowered:
0x8: {  	[smem:$0x3FA9] =	sst s0  }
0x9: {  	[smem:$0x3FAA] =	sst s1  }
0xa: {  	[smem:$0x3FAB] =	sst s2  }
0xb: {  	[smem:$0x3FAC] =	sst s3  }
0xc: {  	[smem:$0x3FAD] =	sst s4  }
0xd: {  	[smem:$0x3FAE] =	sst s5  }
0xe: {  	[smem:$0x3FAF] =	sst s6  }
0xf: {  	[smem:$0x3FB0] =	sst s7  }
0x10: {  	[smem:$0x3FB1] =	sst s8  }
0x11: {  	[smem:$0x3FB2] =	sst s9;
	s0 =	simm.s32 @!p0 $0x0  }
0x12: {  	s1 =	sld [smem:$0x3F98];
	s0 =	simm.s32 @p0 $0x1  }
0x13: {  	[smem:$0x3FB3] =	sst s0;
	s0 =	simm.s32 @!p1 $0x0  }
0x14: {  	s2 =	sld [smem:$0x3F97];
	s0 =	simm.s32 @p1 $0x1  }
0x15: {  	[smem:$0x3FB4] =	sst s0;
	s0 =	simm.s32 @!p2 $0x0  }
0x16: {  	s3 =	sld [smem:$0x3FDB];
	s0 =	simm.s32 @p2 $0x1  }
0x17: {  	s4 =	simm.s32 $0x1BF5;
	[smem:$0x3FB6] =	sst s0  }
0x18: {  	s0 =	sld [smem:$0x3F99];
	_ =	swait.ge [sflag:s4], $0x0  }
0x19: {  	s7 =	sld [smem:$0x3F9A]  }
0x1a: {  	s8 =	sadd.s32 $0xFFFFE003, lr  }
0x1b: {  	s9 =	sadd.s32 $0xFFFFFEF7, lr;
	s5 =	simm.s32 $0xFFFFFFFF;
	p2 =	slt.u32 s8, $0xFFFFF086  }
0x1c: {  	p1 =	slt.u32 s9, $0xF7A;
	s5 =	simm.s32 @!p2 $0x0  }
0x1d: {  	s5 =	simm.s32 @p1 $0x1;
	p0 =	seq.s32 s7, s2  }
0x1e: {  	s7 =	smul.u32 @!p0 $0xF7A, s2;
	p2 =	seq.s32 @!p0 s5, $0x0  }
0x1f: {  	s9 =	smul.u32 $0xF7A, s1;
	s8 =	simm.s32 @!p0 $0x1BF5;
	p2 =	por !p2, p0  }
0x20: {  	[sflag:s8] =	ssyncset.s32 @!p0 $0xFFFFF086;
	s6 =	sadd.s32 @!p0 s3, s7;
	s7 =	simm.s32 @!p0 $0x108  }
0x21: {  	s3 =	sadd.s32 s3, s9;
	s6 =	sadd.s32 @!p0 $0x88, s6;
	s7 =	simm.s32 @p2 $0x1082  }
0x22: {  	[simem:s7], [sflag:s8] =	dma.local @!p0 [hbm:s6], $0xF7A  }
0x23: {  	s9 =	sor.u32 $0xD0000000, s2;
	s6 =	simm.s32 $0x108;
	_ =	swait.ge @!p0 [sflag:s8], $0x0  }
0x24: {  	s3 =	sadd.s32 $0x88, s3;
	s6 =	simm.s32 @!p1 $0x1082;
	[sflag:s4] =	ssyncset.s32 $0xFFFFF086  }
0x25: {  	[simem:s6], [sflag:s4] =	dma.local [hbm:s3], $0xF7A  }
0x26: {  	[smem:$0x3F9A] =	sst s1;
	(tag) =	ssettag s2;
	_ =	strace s9  }
0x27: {  	s1 =	sld [smem:$0x3FAA]  }
0x28: {  	s2 =	sld [smem:$0x3FAB]  }
0x29: {  	s4 =	sld [smem:$0x3FAD]  }
0x2a: {  	p0 =	seq.s32 s5, $0x0;
	s5 =	sld [smem:$0x3FAE]  }
0x2b: {  	s6 =	sld [smem:$0x3FAF]  }
0x2c: {  	s7 =	sld [smem:$0x3FB0]  }
0x2d: {  	s3 =	simm.s32 $0x108;
	s8 =	sld [smem:$0x3FB1]  }
0x2e: {  	s3 =	simm.s32 @!p0 $0x1082;
	s9 =	sld [smem:$0x3FB2]  }
0x2f: {  	lr =	sadd.s32 s0, s3;
	s0 =	sld [smem:$0x3FA9]  }
0x30: {  	s3 =	sld [smem:$0x3FAC]  }
0x31: {  	[smem:$0x3FB5] =	sst s10  }
0x32: {  	s10 =	sld [smem:$0x3FB3];
	_ =	sdelay $0x3  }
0x33: {  	p0 =	seq.s32 s10, $0x1;
	s10 =	sld [smem:$0x3FB5];
	_ =	sdelay $0x3  }
0x34: {  	[smem:$0x3FB5] =	sst s10  }
0x35: {  	s10 =	sld [smem:$0x3FB4];
	_ =	sdelay $0x3  }
0x36: {  	p1 =	seq.s32 s10, $0x1;
	s10 =	sld [smem:$0x3FB5];
	_ =	sdelay $0x3  }
0x37: {  	[smem:$0x3FB5] =	sst s10  }
0x38: {  	s10 =	sld [smem:$0x3FB6]  }
0x39: {  	_ = 	snop;
	(pc) =	sbr.ind lr, $3  }
0x3a: {  	_ = 	snop  }
0x3b: {  	_ = 	snop  }
0x3c: {  	p2 =	seq.s32 s10, $0x1;
	s10 =	sld [smem:$0x3FB5]  }
0x3d: {  	_ =	shalt  }
0x3e: {  	_ =	shalt  }
0x3f: {  	_ =	shalt  }
0x40: {  	_ =	shalt  }
0x41: {  	_ =	shalt  }
0x42: {  	_ =	shalt  }
0x43: {  	_ =	shalt  }
0x44: {  	_ =	shalt  }
0x45: {  	_ =	shalt  }
0x46: {  	_ =	shalt  }
0x47: {  	_ =	shalt  }
0x48: {  	_ =	shalt  }
0x49: {  	_ =	shalt  }
0x4a: {  	_ =	shalt  }
0x4b: {  	_ =	shalt  }
0x4c: {  	_ =	shalt  }
0x4d: {  	_ =	shalt  }
0x4e: {  	_ =	shalt  }
0x4f: {  	_ =	shalt  }
0x50: {  	_ =	shalt  }
0x51: {  	_ =	shalt  }
0x52: {  	_ =	shalt  }
0x53: {  	_ =	shalt  }
0x54: {  	_ =	shalt  }
0x55: {  	_ =	shalt  }
0x56: {  	_ =	shalt  }
0x57: {  	_ =	shalt  }
0x58: {  	_ =	shalt  }
0x59: {  	_ =	shalt  }
0x5a: {  	_ =	shalt  }
0x5b: {  	_ =	shalt  }
0x5c: {  	_ =	shalt  }
0x5d: {  	_ =	shalt  }
0x5e: {  	_ =	shalt  }
0x5f: {  	_ =	shalt  }
0x60: {  	_ =	shalt  }
0x61: {  	_ =	shalt  }
0x62: {  	_ =	shalt  }
0x63: {  	_ =	shalt  }
0x64: {  	_ =	shalt  }
0x65: {  	_ =	shalt  }
0x66: {  	_ =	shalt  }
0x67: {  	_ =	shalt  }
0x68: {  	_ =	shalt  }
0x69: {  	_ =	shalt  }
0x6a: {  	_ =	shalt  }
0x6b: {  	_ =	shalt  }
0x6c: {  	_ =	shalt  }
0x6d: {  	_ =	shalt  }
0x6e: {  	_ =	shalt  }
0x6f: {  	_ =	shalt  }
0x70: {  	_ =	shalt  }
0x71: {  	_ =	shalt  }
0x72: {  	_ =	shalt  }
0x73: {  	_ =	shalt  }
0x74: {  	_ =	shalt  }
0x75: {  	_ =	shalt  }
0x76: {  	_ =	shalt  }
0x77: {  	_ =	shalt  }
0x78: {  	_ =	shalt  }
0x79: {  	_ =	shalt  }
0x7a: {  	_ =	shalt  }
0x7b: {  	_ =	shalt  }
0x7c: {  	_ =	shalt  }
0x7d: {  	_ =	shalt  }
0x7e: {  	_ =	shalt  }
0x7f: {  	_ =	shalt  }
0x80: {  	_ =	shalt  }
0x81: {  	_ =	shalt  }
0x82: {  	_ =	shalt  }
0x83: {  	_ =	shalt  }
0x84: {  	_ =	shalt  }
0x85: {  	_ =	shalt  }
0x86: {  	_ =	shalt  }
0x87: {  	_ =	shalt  }
.Lfunc_end0:
.L_simem_size_0:
called_computation_lowered:
.L_overlay_start_0:
0x88: {  	s2 =	sld [smem:$0x3FD9]  }
0x89: {  	s3 =	sld [smem:$0x3FFE];
	_ =	sdelay $0x1  }
0x8a: {  	s1 =	srdreg.scid  }
0x8b: {  	s0 =	sand.u32 $0x1, s1  }
0x8c: {  	s17 =	sshll.u32 s0, $0xA;
	s2 =	sadd.s32 s3, s2  }
0x8d: {  	s2 =	sadd.s32 s2, s17  }
0x8e: {  	[smem:$0x3FC1] =	sst s2  }
0x8f: {  	_ = 	snop  }
0x90: {  	s2 =	sld [smem:$0x3FD0];
	(tm) =	ssettm $0x1  }
0x91: {  	s18 =	sld [smem:$0x3FFB];
	_ =	sdelay $0x3  }
0x92: {  	_ =	strace s18  }
0x93: {  	s3 =	sld [smem:$0x3FFC];
	_ =	sdelay $0x3  }
0x94: {  	_ =	strace s3  }
0x95: {  	s3 =	sld [smem:$0x3FFD];
	_ =	sdelay $0x3  }
0x96: {  	_ =	strace s3  }
0x97: {  	_ =	strace $0x8FFFFFFF  }
0x98: {  	s19 =	sld [smem:$0x3FDB];
	_ =	sdelay $0x1  }
0x99: {  	s4 =	simm.s32 $_scs_section_size  }
0x9a: {  	s5 =	simm.s32 $_size__tile_overlayer_lowered;
	s6 =	simm.s32 $_tile_overlayer_lowered  }
0x9b: {  	s22 =	simm.s32 $0x1BFF;
	s21 =	sshll.u32 s6, $0x1;
	s3 =	sadd.s32 s4, s19  }
0x9c: {  	s7 =	simm.s32 $0x0;
	s20 =	sshll.u32 s5, $0x1;
	s5 =	sadd.s32 s21, s3  }
0x9d: {  	[timem:s7], [sflag:s22] =	dma.local [hbm:s5], s20  }
0x9e: {  	_ =	swait.ge [sflag:s22], s20  }
0x9f: {  	s4 =	ssub.s32 $0x0, s20;
	[sflag:s22] =	ssyncset.done $0x0  }
0xa0: {  	[sflag:s22] =	ssyncadd.s32 s4;
	_ =	sdelay $0x1  }
0xa1: {  	s23 =	simm.s32 $0x1B8B  }
0xa2: {  	_ =	swait.ge [sflag:s23], $0x1  }
0xa3: {  	[sflag:s23] =	ssyncset.done $0x0  }
0xa4: {  	s25 =	simm.s32 $0x1B8E;
	s24 =	sld [smem:$0x3FFE];
	[sflag:s23] =	ssyncadd.s32 $0xFFFFFFFF  }
0xa5: {  	s26 =	simm.s32 $execute0_lowered;
	[smem:$0x3FD2] =	sst s25  }
0xa6: {  	s5 =	sshll.u32 s26, $0x1;
	_ =	strace $0x80000046;
	[dreg:$0x1] =	wrdreg $0xFFFFFFFF  }
0xa7: {  	s28 =	simm.s32 $_size_execute0_lowered;
	s3 =	sadd.s32 s3, s5;
	[dreg:$0x0] =	wrdreg $0x0  }
0xa8: {  	s5 =	sshll.u32 s28, $0x1;
	[dreg:$0x2] =	wrdreg s3  }
0xa9: {  	[dreg:$0x3] =	wrdreg s5  }
0xaa: {  	[dreg:$0x4] =	wrdreg $0xC0  }
0xab: {  	_ =	task [dreg:s7], $0x5FFFF  }
0xac: {  	[dreg:$0x1] =	wrdreg $0xFFFFFFFF  }
0xad: {  	[dreg:$0x0] =	wrdreg $0x60  }
0xae: {  	[dreg:$0x2] =	wrdreg s24  }
0xaf: {  	[dreg:$0x3] =	wrdreg s2  }
0xb0: {  	[dreg:$0x4] =	wrdreg $0xE6000  }
0xb1: {  	[dreg:$0x5] =	wrdreg $0x9  }
0xb2: {  	_ =	task.clear_ibuf [dreg:s7], $0x6FFFF;
	_ =	strace $0x90000046  }
0xb3: {  	s29 =	simm.s32 $0x9;
	_ =	strace $0x80000048  }
0xb4: {  	_ =	swait.ge [sflag:s29], $0x1  }
0xb5: {  	[sflag:s29] =	ssyncadd.s32 $0xFFFFFFFF  }
0xb6: {  	_ =	strace $0x90000048  }
0xb7: {  	_ =	sfence  }
0xb8: {  	s30 =	sld [smem:$0x0];
	_ =	sdelay $0x2  }
0xb9: {  	s31 =	sshll.u32 s1, $0xD;
	s1 =	sshrl.u32 s1, $0x2  }
0xba: {  	s3 =	sand.u32 $0x4000, s31;
	s1 =	sadd.s32 s1, s30  }
0xbb: {  	s0 =	sor.u32 s3, s0;
	s1 =	sshll.u32 s1, $0x11  }
0xbc: {  	s0 =	sor.u32 s1, s0  }
0xbd: {  	s0 =	sadd.s32 $0x8F2B, s0  }
0xbe: {  	[sflag:s0] =	ssyncadd.remote.s32 $0x1  }
0xbf: {  	_ =	sfence.sel $0xFFFF  }
0xc0: {  	[dreg:$0x0] =	wrdreg $0xFFFFFFFF;
	(pc) =	sbr.abs _section_cstart, $3  }
0xc1: {  	[dreg:$0x1] =	wrdreg $0xFFFFFFFF  }
0xc2: {  	_ =	task.clear_ibuf [dreg:s7], $0x2FFFF;
	_ =	strace $0x9FFFFFFF  }
0xc3: {  	(tm) =	ssettm $0x7FFFFFFF  }
tec
execute0_lowered:
.L_overlay_start_1:
0x0: {  	(tag) =	ssettag $0x1  }
0x1: {  	s0 =	rddreg [dreg:$0x0]  }
0x2: {  	s2 =	rddreg [dreg:$0x1]  }
0x3: {  	s1 =	rddreg [dreg:$0x2]  }
0x4: {  	s3 =	simm.s32 $0x0;
	s4 =	srdreg.scid;
	s7 =	stileid.u32  }
0x5: {  	[smem:$0x7FF] =	sst s3;
	s5 =	sadd.s32 $0x14C00, s0;
	s4 =	sand.u32 $0x1, s4  }
0x6: {  	_ =	strace $0x80000047;
	[dreg:$0x4] =	wrdreg s5;
	s5 =	smul.u32 $0xC400, s7  }
0x7: {  	s6 =	sadd.s32 $0x15E00, s0;
	s7 =	sshll.u32 s7, $0x1;
	s8 =	ssub.s32 $0x2, s4  }
0x8: {  	s4 =	sor.u32 s4, s7;
	s17 =	sshrl.u32 s8, $0x1;
	s9 =	sadd.s32 $0x1880, s5  }
0x9: {  	s7 =	ssub.s32 s8, s17;
	s18 =	sshrl.u32 s5, $0x3;
	s20 =	sadd.s32 $0x3100, s5  }
0xa: {  	s11 =	sadd.s32 $0x4980, s5;
	s12 =	sadd.s32 $0x6200, s5;
	s8 =	sadd.s32 s6, s18  }
0xb: {  	s24 =	sadd.s32 $0x7A80, s5;
	s17 =	sadd.s32 s9, s1;
	[dreg:$0x5] =	wrdreg s8  }
0xc: {  	s10 =	sshrl.u32 s9, $0x3;
	s18 =	sadd.s32 s20, s1;
	[dreg:$0xf] =	wrdreg s17  }
0xd: {  	s21 =	sshrl.u32 s20, $0x3;
	s20 =	sadd.s32 s12, s1;
	[dreg:$0x10] =	wrdreg s18  }
0xe: {  	s14 =	sadd.s32 $0x9300, s5;
	s19 =	sadd.s32 s6, s10;
	[dreg:$0x12] =	wrdreg s20  }
0xf: {  	s13 =	sshrl.u32 s12, $0x3;
	s10 =	sadd.s32 s6, s21;
	[dreg:$0x6] =	wrdreg s19  }
0x10: {  	s25 =	sshrl.u32 s24, $0x3;
	s23 =	sadd.s32 s6, s13;
	[dreg:$0x7] =	wrdreg s10  }
0x11: {  	s15 =	sadd.s32 $0xAB80, s5;
	s13 =	sadd.s32 s6, s25;
	[dreg:$0x9] =	wrdreg s23  }
0x12: {  	s22 =	sshrl.u32 s11, $0x3;
	s21 =	sadd.s32 s24, s1;
	[dreg:$0xa] =	wrdreg s13  }
0x13: {  	s26 =	sshrl.u32 s14, $0x3;
	s10 =	sadd.s32 s6, s22;
	[dreg:$0x13] =	wrdreg s21  }
0x14: {  	s16 =	sshrl.u32 s15, $0x3;
	s13 =	sadd.s32 s6, s26;
	[dreg:$0x8] =	wrdreg s10  }
0x15: {  	s28 =	simm.s32 $0x8C80;
	s6 =	sadd.s32 s6, s16;
	[dreg:$0xb] =	wrdreg s13  }
0x16: {  	s30 =	simm.s32 $0xC00;
	s16 =	sadd.s32 s5, s1;
	[dreg:$0xc] =	wrdreg s6  }
0x17: {  	s31 =	simm.s32 $0x9100;
	s19 =	sadd.s32 s11, s1;
	[dreg:$0xe] =	wrdreg s16  }
0x18: {  	s29 =	simm.s32 $0xC000;
	s22 =	sadd.s32 s14, s1;
	[dreg:$0x11] =	wrdreg s19  }
0x19: {  	s25 =	sshll.u32 s4, $0x4;
	s23 =	sadd.s32 s15, s1;
	[dreg:$0x14] =	wrdreg s22  }
0x1a: {  	s26 =	smax.u32 s7, $0x1;
	s5 =	simm.s32 $0x2;
	[dreg:$0x15] =	wrdreg s23  }
0x1b: {  	s13 =	sshll.u32 s4, $0x7;
	[dreg:$0x18] =	wrdreg s26;
	s26 =	simm.s32 $0xCD80  }
0x1c: {  	s4 =	simm.s32 $0x1;
	s6 =	sadd.s32 s13, s0;
	s0 =	sadd.s32 $0x4400, s0  }
0x1d: {  	[dreg:$0xd] =	wrdreg s0;
	s24 =	sadd.s32 $0x3400, s6;
	s0 =	sadd.s32 s2, s25  }
0x1e: {  	v0 =	vlaneseq.u32;
	s25 =	simm.s32 $0x3;
	s2 =	simm.s32 $0x9D00;
	[dreg:$0x16] =	wrdreg s24  }
0x1f: {  	v0 =	vmul.u32 $0x8, v0;
	s6 =	simm.s32 $0x0;
	[dreg:$0x17] =	wrdreg s0;
	s0 =	simm.s32 $0xB400  }
.LBB2_1:
0x20: {  	s7 =	rddreg [dreg:$0x4]  }
0x21: {  	[tilespmem:s3], [sflag:$0x3] =	stream.linear.gather [hbm4b:s7+s3], $0x8C80, $0x38;
	[tilespmem:$0x1AA00] =	vst v63  }
0x22: {  	_ =	swait.ge [sflag:s25], $0x8C80  }
0x23: {  	[sflag:s25] =	ssyncset.done $0x0  }
0x24: {  	s24 =	rddreg [dreg:$0x5];
	[sflag:s25] =	ssyncadd.s32 $0xFFFF7380  }
0x25: {  	[tilespmem:s26], [sflag:$0x3] =	stream.linear.gather [hbm4b:s24+s3], $0x1880, $0x38;
	[tilespmem:$0x1AA00] =	vst v63  }
0x26: {  	_ =	swait.ge [sflag:s25], $0x1880  }
0x27: {  	[sflag:s25] =	ssyncset.done $0x0  }
0x28: {  	s8 =	rddreg [dreg:$0xe];
	[sflag:s25] =	ssyncadd.s32 $0xFFFFE780  }
0x29: {  	[spmem:s8] =	stream.linear.scatter [tilespmem:s26], [sflag:$0x3], $0x1880, $0x38;
	[tilespmem:$0x1AA00] =	vst v63  }
0x2a: {  	_ =	swait.ge [sflag:s25], $0x1880  }
0x2b: {  	[sflag:s25] =	ssyncset.done $0x0  }
0x2c: {  	s9 =	rddreg [dreg:$0x6];
	[sflag:s25] =	ssyncadd.s32 $0xFFFFE780  }
0x2d: {  	[tilespmem:s26], [sflag:$0x3] =	stream.linear.gather [hbm4b:s9+s3], $0x1880, $0x38;
	[tilespmem:$0x1AA00] =	vst v63  }
0x2e: {  	_ =	swait.ge [sflag:s25], $0x1880  }
0x2f: {  	[sflag:s25] =	ssyncset.done $0x0  }
0x30: {  	s10 =	rddreg [dreg:$0xf];
	[sflag:s25] =	ssyncadd.s32 $0xFFFFE780  }
0x31: {  	[spmem:s10] =	stream.linear.scatter [tilespmem:s26], [sflag:$0x3], $0x1880, $0x38;
	[tilespmem:$0x1AA00] =	vst v63  }
0x32: {  	_ =	swait.ge [sflag:s25], $0x1880  }
0x33: {  	[sflag:s25] =	ssyncset.done $0x0  }
0x34: {  	s11 =	rddreg [dreg:$0x7];
	[sflag:s25] =	ssyncadd.s32 $0xFFFFE780  }
0x35: {  	[tilespmem:s26], [sflag:$0x3] =	stream.linear.gather [hbm4b:s11+s3], $0x1880, $0x38;
	[tilespmem:$0x1AA00] =	vst v63  }
0x36: {  	_ =	swait.ge [sflag:s25], $0x1880  }
0x37: {  	[sflag:s25] =	ssyncset.done $0x0  }
0x38: {  	s12 =	rddreg [dreg:$0x10];
	[sflag:s25] =	ssyncadd.s32 $0xFFFFE780  }
0x39: {  	[spmem:s12] =	stream.linear.scatter [tilespmem:s26], [sflag:$0x3], $0x1880, $0x38;
	[tilespmem:$0x1AA00] =	vst v63  }
0x3a: {  	_ =	swait.ge [sflag:s25], $0x1880  }
0x3b: {  	[sflag:s25] =	ssyncset.done $0x0  }
0x3c: {  	s13 =	rddreg [dreg:$0x8];
	[sflag:s25] =	ssyncadd.s32 $0xFFFFE780  }
0x3d: {  	[tilespmem:s26], [sflag:$0x3] =	stream.linear.gather [hbm4b:s13+s3], $0x1880, $0x38;
	[tilespmem:$0x1AA00] =	vst v63  }
0x3e: {  	_ =	swait.ge [sflag:s25], $0x1880  }
0x3f: {  	[sflag:s25] =	ssyncset.done $0x0  }
0x40: {  	s14 =	rddreg [dreg:$0x11];
	[sflag:s25] =	ssyncadd.s32 $0xFFFFE780  }
0x41: {  	[spmem:s14] =	stream.linear.scatter [tilespmem:s26], [sflag:$0x3], $0x1880, $0x38;
	[tilespmem:$0x1AA00] =	vst v63  }
0x42: {  	_ =	swait.ge [sflag:s25], $0x1880  }
0x43: {  	[sflag:s25] =	ssyncset.done $0x0  }
0x44: {  	s15 =	rddreg [dreg:$0x9];
	[sflag:s25] =	ssyncadd.s32 $0xFFFFE780  }
0x45: {  	[tilespmem:s26], [sflag:$0x3] =	stream.linear.gather [hbm4b:s15+s3], $0x1880, $0x38;
	[tilespmem:$0x1AA00] =	vst v63  }
0x46: {  	_ =	swait.ge [sflag:s25], $0x1880  }
0x47: {  	[sflag:s25] =	ssyncset.done $0x0  }
0x48: {  	s16 =	rddreg [dreg:$0x12];
	[sflag:s25] =	ssyncadd.s32 $0xFFFFE780  }
0x49: {  	[spmem:s16] =	stream.linear.scatter [tilespmem:s26], [sflag:$0x3], $0x1880, $0x38;
	[tilespmem:$0x1AA00] =	vst v63  }
0x4a: {  	_ =	swait.ge [sflag:s25], $0x1880  }
0x4b: {  	[sflag:s25] =	ssyncset.done $0x0  }
0x4c: {  	s17 =	rddreg [dreg:$0xa];
	[sflag:s25] =	ssyncadd.s32 $0xFFFFE780  }
0x4d: {  	[tilespmem:s26], [sflag:$0x3] =	stream.linear.gather [hbm4b:s17+s3], $0x1880, $0x38;
	[tilespmem:$0x1AA00] =	vst v63  }
0x4e: {  	_ =	swait.ge [sflag:s25], $0x1880  }
0x4f: {  	[sflag:s25] =	ssyncset.done $0x0  }
0x50: {  	s18 =	rddreg [dreg:$0x13];
	[sflag:s25] =	ssyncadd.s32 $0xFFFFE780  }
0x51: {  	[spmem:s18] =	stream.linear.scatter [tilespmem:s26], [sflag:$0x3], $0x1880, $0x38;
	[tilespmem:$0x1AA00] =	vst v63  }
0x52: {  	_ =	swait.ge [sflag:s25], $0x1880  }
0x53: {  	[sflag:s25] =	ssyncset.done $0x0  }
0x54: {  	s19 =	rddreg [dreg:$0xb];
	[sflag:s25] =	ssyncadd.s32 $0xFFFFE780  }
0x55: {  	[tilespmem:s26], [sflag:$0x3] =	stream.linear.gather [hbm4b:s19+s3], $0x1880, $0x38;
	[tilespmem:$0x1AA00] =	vst v63  }
0x56: {  	_ =	swait.ge [sflag:s25], $0x1880  }
0x57: {  	[sflag:s25] =	ssyncset.done $0x0  }
0x58: {  	s20 =	rddreg [dreg:$0x14];
	[sflag:s25] =	ssyncadd.s32 $0xFFFFE780  }
0x59: {  	[spmem:s20] =	stream.linear.scatter [tilespmem:s26], [sflag:$0x3], $0x1880, $0x38;
	[tilespmem:$0x1AA00] =	vst v63  }
0x5a: {  	_ =	swait.ge [sflag:s25], $0x1880  }
0x5b: {  	[sflag:s25] =	ssyncset.done $0x0  }
0x5c: {  	s21 =	rddreg [dreg:$0xc];
	[sflag:s25] =	ssyncadd.s32 $0xFFFFE780  }
0x5d: {  	[tilespmem:s26], [sflag:$0x3] =	stream.linear.gather [hbm4b:s21+s3], $0x1880, $0x38;
	[tilespmem:$0x1AA00] =	vst v63  }
0x5e: {  	_ =	swait.ge [sflag:s25], $0x1880  }
0x5f: {  	[sflag:s25] =	ssyncset.done $0x0  }
0x60: {  	s22 =	rddreg [dreg:$0x15];
	[sflag:s25] =	ssyncadd.s32 $0xFFFFE780  }
0x61: {  	[spmem:s22] =	stream.linear.scatter [tilespmem:s26], [sflag:$0x3], $0x1880, $0x38;
	[tilespmem:$0x1AA00] =	vst v63  }
0x62: {  	_ =	swait.ge [sflag:s25], $0x1880  }
0x63: {  	[sflag:s25] =	ssyncset.done $0x0  }
0x64: {  	s23 =	rddreg [dreg:$0x16];
	[sflag:s25] =	ssyncadd.s32 $0xFFFFE780  }
0x65: {  	[tilespmem:s28], [sflag:$0x3] =	stream.linear.gather [hbm4b:s23+s3], $0x400, $0x38;
	[tilespmem:$0x1AA00] =	vst v63  }
0x66: {  	_ =	swait.ge [sflag:s25], $0x400  }
0x67: {  	[sflag:s25] =	ssyncset.done $0x0  }
0x68: {  	s8 =	simm.s32 $0x9080;
	s24 =	rddreg [dreg:$0xd];
	[sflag:s25] =	ssyncadd.s32 $0xFFFFFC00  }
0x69: {  	[tilespmem:s8], [sflag:$0x3] =	stream.linear.gather [hbm4b:s24+s3], $0x80, $0x38;
	[tilespmem:$0x1AA00] =	vst v63  }
0x6a: {  	_ =	swait.ge [sflag:s25], $0x80  }
0x6b: {  	[sflag:s25] =	ssyncset.done $0x0  }
0x6c: {  	[sflag:s25] =	ssyncadd.s32 $0xFFFFFF80  }
0x6d: {  	s7 =	simm.s32 $0x0;
	v1 =	vld [tilespmem:$0x9080];
	[bflag:$0x0] =	sbarrier.arrive $0xFFFF  }
.LBB2_2:
0x6e: {  	s8 =	sshll.u32 s7, $0x4  }
0x6f: {  	v2 =	vmov s8  }
0x70: {  	v2 =	vshll.u32 v2, $0x3  }
0x71: {  	v3 =	vor.u32 v0, v2  }
0x72: {  	v4 =	vor.u32 $0x1, v3  }
0x73: {  	v5 =	vor.u32 $0x2, v3  }
0x74: {  	v6 =	vor.u32 $0x3, v3  }
0x75: {  	v7 =	vor.u32 $0x4, v3  }
0x76: {  	v8 =	vor.u32 $0x5, v3;
	v2 =	vld.idx.msk [tilespmem:v3+s28+$0x0], $0xffff  }
0x77: {  	v3 =	vld.idx.msk [tilespmem:v4+s28+$0x0], $0xffff  }
0x78: {  	v4 =	vld.idx.msk [tilespmem:v5+s28+$0x0], $0xffff  }
0x79: {  	v5 =	vld.idx.msk [tilespmem:v6+s28+$0x0], $0xffff  }
0x7a: {  	s9 =	simm.s32 $0x0;
	s10 =	simm.s32 $0x9540;
	s11 =	simm.s32 $0xB300;
	v6 =	vld.idx.msk [tilespmem:v7+s28+$0x0], $0xffff  }
0x7b: {  	s12 =	simm.s32 $0xCC00;
	s13 =	simm.s32 $0x0;
	s14 =	simm.s32 $0x0;
	v7 =	vld.idx.msk [tilespmem:v8+s28+$0x0], $0xffff  }
.LBB2_3:
0x7c: {  	s15 =	scvt.s32.f32 s14;
	_ =	sdelay $0x1  }
0x7d: {  	s15 =	smul.f32 $5.025125570e-03, s15;
	_ =	sdelay $0x1  }
0x7e: {  	v8 =	vmul.f32 s15, v6  }
0x7f: {  	v9 =	vmul.f32 s15, v7  }
0x80: {  	v10 =	vmul.f32 s15, v5;
	v8 =	vadd.f32 v8, v3  }
0x81: {  	v11 =	vadd.f32 v9, v4  }
0x82: {  	v10 =	vadd.f32 v10, v2;
	v8 =	vmax.f32 v8, $0.0e+00  }
0x83: {  	v9 =	vmin.f32 v8, $1.000000000e+00;
	v8 =	vmax.f32 v11, $0.0e+00  }
0x84: {  	v10 =	vmax.f32 v10, $0.0e+00;
	v8 =	vmin.f32 v8, $1.000000000e+00;
	v60 =	vmul.f32 $3.100000000e+01, v9  }
0x85: {  	v10 =	vmin.f32 v10, $1.000000000e+00;
	v12 =	vmul.f32 $3.100000000e+01, v8  }
0x86: {  	v13 =	vmul.f32 $3.100000000e+01, v10;
	v14 =	vtrunc.f32 v60  }
0x87: {  	v14 =	vcvt.f32.s32 v14;
	v15 =	vtrunc.f32 v12  }
0x88: {  	v16 =	vtrunc.f32 v13;
	v15 =	vcvt.f32.s32 v15  }
0x89: {  	v16 =	vcvt.f32.s32 v16;
	v17 =	vmul.u32 $0x21, v14  }
0x8a: {  	v18 =	vmul.u32 $0x441, v15  }
0x8b: {  	v17 =	vadd.s32 v16, v17  }
0x8c: {  	v17 =	vadd.s32 v18, v17  }
0x8d: {  	v18 =	vadd.s32 $0x1, v17  }
0x8e: {  	v19 =	vadd.s32 $0x21, v17  }
0x8f: {  	v20 =	vadd.s32 $0x22, v17  }
0x90: {  	v21 =	vadd.s32 $0x441, v17  }
0x91: {  	v23 =	vadd.s32 $0x442, v17;
	v22 =	vld.idx.msk [tilespmem:v17+s3+$0x0], $0xffff  }
0x92: {  	v24 =	vadd.s32 $0x462, v17;
	v18 =	vld.idx.msk [tilespmem:v18+s3+$0x0], $0xffff  }
0x93: {  	v17 =	vadd.s32 $0x463, v17;
	v19 =	vld.idx.msk [tilespmem:v19+s3+$0x0], $0xffff  }
0x94: {  	v20 =	vld.idx.msk [tilespmem:v20+s3+$0x0], $0xffff  }
0x95: {  	v26 =	vmul.f32 $6.300000000e+01, v10;
	v27 =	vmul.f32 $6.300000000e+01, v9;
	v21 =	vld.idx.msk [tilespmem:v21+s3+$0x0], $0xffff  }
0x96: {  	v36 =	vmul.f32 $1.270000000e+02, v10;
	v37 =	vmul.f32 $1.270000000e+02, v9;
	v23 =	vld.idx.msk [tilespmem:v23+s3+$0x0], $0xffff  }
0x97: {  	v10 =	vmul.f32 $2.550000000e+02, v10;
	v9 =	vmul.f32 $2.550000000e+02, v9;
	v24 =	vld.idx.msk [tilespmem:v24+s3+$0x0], $0xffff  }
0x98: {  	v28 =	vmul.f32 $6.300000000e+01, v8;
	v38 =	vmul.f32 $1.270000000e+02, v8;
	v17 =	vld.idx.msk [tilespmem:v17+s3+$0x0], $0xffff  }
0x99: {  	v8 =	vmul.f32 $2.550000000e+02, v8;
	v16 =	vcvt.s32.f32 v16  }
0x9a: {  	v29 =	vtrunc.f32 v26;
	v30 =	vtrunc.f32 v27  }
0x9b: {  	v39 =	vtrunc.f32 v36;
	v43 =	vtrunc.f32 v37;
	v13 =	vsub.f32 v13, v16  }
0x9c: {  	v31 =	vtrunc.f32 v28;
	v61 =	vsub.f32 v18, v22;
	v62 =	vsub.f32 v20, v19  }
0x9d: {  	v14 =	vcvt.s32.f32 v14;
	v63 =	vsub.f32 v23, v21;
	v17 =	vsub.f32 v17, v24  }
0x9e: {  	v16 =	vmul.f32 v61, v13;
	v18 =	vmul.f32 v62, v13  }
0x9f: {  	v11 =	vsub.f32 v60, v14;
	v20 =	vmul.f32 v63, v13;
	v13 =	vmul.f32 v17, v13  }
0xa0: {  	v25 =	vcvt.s32.f32 v15;
	v16 =	vadd.f32 v16, v22;
	v22 =	vadd.f32 v18, v19  }
0xa1: {  	v44 =	vtrunc.f32 v38;
	v23 =	vadd.f32 v20, v21;
	v13 =	vadd.f32 v13, v24  }
0xa2: {  	v12 =	vsub.f32 v12, v25;
	v62 =	vtrunc.f32 v10;
	v18 =	vcvt.f32.s32 v31  }
0xa3: {  	v19 =	vcvt.f32.s32 v39;
	v24 =	vsub.f32 v22, v16;
	v13 =	vsub.f32 v13, v23  }
0xa4: {  	v17 =	vcvt.f32.s32 v30;
	v34 =	vcvt.s32.f32 v18;
	v35 =	vmul.u32 $0x1081, v18  }
0xa5: {  	v51 =	vadd.s32 $0x1, v19;
	v14 =	vmul.f32 v24, v11;
	v11 =	vmul.f32 v13, v11  }
0xa6: {  	v15 =	vsub.f32 v28, v34;
	v28 =	vcvt.s32.f32 v19;
	v24 =	vcvt.f32.s32 v44  }
0xa7: {  	v14 =	vadd.f32 v14, v16;
	v16 =	vcvt.f32.s32 v29;
	v11 =	vadd.f32 v11, v23  }
0xa8: {  	v33 =	vcvt.s32.f32 v17;
	v17 =	vmul.u32 $0x41, v17;
	v18 =	vsub.f32 v36, v28  }
0xa9: {  	v45 =	vmul.u32 $0x30025795, v24;
	v32 =	vcvt.s32.f32 v16;
	v11 =	vsub.f32 v11, v14  }
0xaa: {  	v30 =	vcvt.s32.f32 v24;
	v16 =	vadd.s32 v16, v17;
	v23 =	vcvt.f32.s32 v43  }
0xab: {  	v47 =	vadd.s32 $0x30025795, v45;
	v13 =	vsub.f32 v26, v32;
	v11 =	vmul.f32 v11, v12  }
0xac: {  	v29 =	vcvt.s32.f32 v23;
	v31 =	vmul.u32 $0x9E3779B1, v23;
	v23 =	vxor.u32 v23, v19  }
0xad: {  	s19 =	sand.u32 $0x70, s9;
	s16 =	sand.u32 $0x300, s13;
	s17 =	sadd.s32 $0x10, s9;
	v49 =	vxor.u32 v24, v23;
	v24 =	vtrunc.f32 v9;
	v11 =	vadd.f32 v11, v14  }
0xae: {  	s21 =	sadd.s32 $0x20, s13;
	s18 =	sadd.s32 $0x20, s9;
	s20 =	sand.u32 $0x70, s17;
	v12 =	vsub.f32 v27, v33;
	v17 =	vsub.f32 v37, v29;
	v46 =	vadd.s32 $0x9E3779B1, v31  }
0xaf: {  	s17 =	sand.u32 $0x700, s21;
	s15 =	sor.u32 s19, s16;
	s19 =	sadd.s32 $0x40, s13;
	v48 =	vxor.u32 v19, v31;
	v52 =	vshll.u32 v49, $0x4;
	v54 =	vxor.u32 v31, v51;
	[tilespmem:s12+$0x0] =	vst v11  }
0xb0: {  	s23 =	sand.u32 $0x70, s18;
	s22 =	sor.u32 s20, s17;
	s24 =	sand.u32 $0x700, s19;
	v50 =	vxor.u32 v45, v48;
	v55 =	vxor.u32 v45, v54;
	v57 =	vxor.u32 v19, v46;
	[tilespmem:s15+$0xA900] =	vst v13  }
0xb1: {  	s17 =	sor.u32 s23, s24;
	v58 =	vxor.u32 v51, v46;
	v61 =	vxor.u32 v47, v48;
	v23 =	vxor.u32 v47, v54;
	[tilespmem:s22+$0xA900] =	vst v12  }
0xb2: {  	v14 =	vadd.s32 v35, v16;
	v16 =	vsub.f32 v38, v30;
	v53 =	vshrl.u32 v50, $0x1;
	[tilespmem:s17+$0xA900] =	vst v15  }
0xb3: {  	v56 =	vshrl.u32 v55, $0x1;
	v59 =	vxor.u32 v45, v57;
	v40 =	vadd.s32 $0x1, v14;
	[tilespmem:s10+$0xFFFFFBC0] =	vst v14  }
0xb4: {  	v60 =	vxor.u32 v45, v58;
	v22 =	vshrl.u32 v61, $0x1;
	v41 =	vadd.s32 $0x41, v14;
	[tilespmem:s10+$0xFFFFFBD0] =	vst v40  }
0xb5: {  	v23 =	vshrl.u32 v23, $0x1;
	v42 =	vadd.s32 $0x42, v14;
	v25 =	vadd.s32 $0x1081, v14;
	[tilespmem:s10+$0xFFFFFBE0] =	vst v41  }
0xb6: {  	v26 =	vadd.s32 $0x1082, v14;
	v27 =	vadd.s32 $0x10C2, v14;
	v32 =	vadd.s32 $0x10C3, v14;
	[tilespmem:s10+$0xFFFFFBF0] =	vst v42  }
0xb7: {  	s20 =	sadd.s32 $0x190, s9;
	s19 =	sadd.s32 $0x300, s13;
	v20 =	vshrl.u32 v59, $0x1;
	v21 =	vshrl.u32 v60, $0x1;
	v22 =	vand.u32 $0x3FFFF, v22;
	[tilespmem:s10+$0xFFFFFC00] =	vst v25  }
0xb8: {  	s18 =	sadd.s32 $0x180, s9;
	s21 =	sand.u32 $0x70, s20;
	s16 =	sand.u32 $0x700, s19;
	v23 =	vand.u32 $0x3FFFF, v23;
	v20 =	vand.u32 $0x3FFFF, v20;
	v21 =	vand.u32 $0x3FFFF, v21;
	[tilespmem:s10+$0xFFFFFC10] =	vst v26  }
0xb9: {  	s23 =	sadd.s32 $0x1A0, s9;
	v22 =	vadd.s32 $0x43100, v22;
	v63 =	vadd.s32 $0x43100, v23;
	v11 =	vxor.u32 v47, v58;
	s15 =	sand.u32 $0x70, s18;
	s22 =	sadd.s32 $0x320, s13;
	[tilespmem:s10+$0xFFFFFC20] =	vst v27  }
0xba: {  	s24 =	sadd.s32 $0x340, s13;
	v13 =	vand.u32 $0x3FFFF, v53;
	v20 =	vadd.s32 $0x43100, v20;
	v11 =	vshrl.u32 v11, $0x1;
	s15 =	sor.u32 s15, s16;
	s17 =	sand.u32 $0xF00, s22;
	[tilespmem:s10+$0xFFFFFC30] =	vst v32  }
0xbb: {  	s19 =	sand.u32 $0xF00, s24;
	v21 =	vadd.s32 $0x43100, v21;
	s18 =	sand.u32 $0x70, s23;
	v12 =	vand.u32 $0x10, v52;
	v11 =	vand.u32 $0x3FFFF, v11;
	s17 =	sor.u32 s21, s17;
	[tilespmem:s15+$0xA900] =	vst v18  }
0xbc: {  	v13 =	vadd.s32 $0x43100, v13;
	s20 =	sor.u32 s18, s19;
	v15 =	vxor.u32 v47, v57;
	v11 =	vadd.s32 $0x43100, v11;
	[tilespmem:s17+$0xA900] =	vst v17  }
0xbd: {  	v14 =	vand.u32 $0x3FFFF, v56;
	v15 =	vshrl.u32 v15, $0x1;
	v25 =	vtrunc.f32 v8;
	[tilespmem:s20+$0xA900] =	vst v16  }
0xbe: {  	v26 =	vcvt.f32.s32 v24;
	v15 =	vand.u32 $0x3FFFF, v15;
	v18 =	vcvt.f32.s32 v62;
	[tilespmem:s11+$0xFFFFFF00] =	vst v12  }
0xbf: {  	v14 =	vadd.s32 $0x43100, v14;
	v27 =	vcvt.f32.s32 v25;
	v28 =	vadd.s32 $0x43100, v15;
	[tilespmem:s10+$0xFFFFFFC0] =	vst v13  }
0xc0: {  	v30 =	vcvt.s32.f32 v26;
	v31 =	vmul.u32 $0x9E3779B1, v26;
	v29 =	vcvt.s32.f32 v18;
	[tilespmem:s10+$0xFFFFFFD0] =	vst v14  }
0xc1: {  	v19 =	vcvt.s32.f32 v27;
	v32 =	vmul.u32 $0x30025795, v27;
	v37 =	vadd.s32 $0x1, v18;
	[tilespmem:s10+$0xFFFFFFE0] =	vst v20  }
0xc2: {  	s23 =	sadd.s32 $0x310, s9;
	v9 =	vsub.f32 v9, v30;
	v33 =	vadd.s32 $0x9E3779B1, v31;
	v12 =	vxor.u32 v26, v18;
	[tilespmem:s10+$0xFFFFFFF0] =	vst v21  }
0xc3: {  	s24 =	sand.u32 $0x70, s23;
	s18 =	sadd.s32 $0x620, s13;
	v35 =	vxor.u32 v18, v31;
	v39 =	vxor.u32 v31, v37;
	v10 =	vsub.f32 v10, v29;
	[tilespmem:s10+$0x0] =	vst v22  }
0xc4: {  	s22 =	sadd.s32 $0x600, s13;
	s21 =	sadd.s32 $0x300, s9;
	v8 =	vsub.f32 v8, v19;
	v34 =	vadd.s32 $0x30025795, v32;
	[tilespmem:s10+$0x10] =	vst v63;
	v12 =	vxor.u32 v27, v12  }
0xc5: {  	s19 =	sadd.s32 $0x320, s9;
	s16 =	sand.u32 $0xF00, s22;
	s15 =	sand.u32 $0x70, s21;
	v36 =	vxor.u32 v32, v35;
	[tilespmem:s10+$0x20] =	vst v28;
	v42 =	vxor.u32 v32, v39;
	v45 =	vxor.u32 v18, v33  }
0xc6: {  	s15 =	sor.u32 s15, s16;
	s17 =	sand.u32 $0x1F00, s18;
	s20 =	sadd.s32 $0x640, s13;
	[tilespmem:s10+$0x30] =	vst v11;
	v14 =	vxor.u32 v37, v33;
	v12 =	vshll.u32 v12, $0x4;
	v38 =	vshrl.u32 v36, $0x1  }
0xc7: {  	s22 =	sand.u32 $0x70, s19;
	s21 =	sor.u32 s24, s17;
	s23 =	sand.u32 $0x1F00, s20;
	v44 =	vshrl.u32 v42, $0x1;
	v47 =	vxor.u32 v32, v45;
	v49 =	vxor.u32 v32, v14;
	[tilespmem:s15+$0xA900] =	vst v10  }
0xc8: {  	s24 =	sor.u32 s22, s23;
	v51 =	vxor.u32 v34, v35;
	v55 =	vxor.u32 v34, v39;
	v58 =	vxor.u32 v34, v45;
	[tilespmem:s21+$0xA900] =	vst v9  }
0xc9: {  	v60 =	vxor.u32 v34, v14;
	v40 =	vand.u32 $0x10, v12;
	v41 =	vand.u32 $0x3FFFF, v38;
	[tilespmem:s24+$0xA900] =	vst v8  }
0xca: {  	v46 =	vand.u32 $0x3FFFF, v44;
	v48 =	vshrl.u32 v47, $0x1;
	v43 =	vadd.s32 $0x83100, v41;
	[tilespmem:s11+$0x0] =	vst v40  }
0xcb: {  	v50 =	vshrl.u32 v49, $0x1;
	v9 =	vand.u32 $0x3FFFF, v48;
	v8 =	vadd.s32 $0x83100, v46;
	[tilespmem:s10+$0x3C0] =	vst v43  }
0xcc: {  	v53 =	vshrl.u32 v51, $0x1;
	v52 =	vand.u32 $0x3FFFF, v50;
	v9 =	vadd.s32 $0x83100, v9;
	[tilespmem:s10+$0x3D0] =	vst v8  }
0xcd: {  	p0 =	sne.s32 s13, $0x2A0;
	v57 =	vshrl.u32 v55, $0x1;
	v54 =	vand.u32 $0x3FFFF, v53;
	v8 =	vadd.s32 $0x83100, v52;
	[tilespmem:s10+$0x3E0] =	vst v9  }
.Ltmp0:
0xce: {  	v59 =	vshrl.u32 v58, $0x1;
	v56 =	vadd.s32 $0x83100, v54;
	[tilespmem:s10+$0x3F0] =	vst v8;
	v8 =	vand.u32 $0x3FFFF, v57;
	(pc) =	sbr.rel @p0 .LBB2_3-.Ltmp0, $4  }
0xcf: {  	v62 =	vshrl.u32 v60, $0x1;
	v61 =	vand.u32 $0x3FFFF, v59;
	[tilespmem:s10+$0x400] =	vst v56;
	v8 =	vadd.s32 $0x83100, v8  }
0xd0: {  	v63 =	vand.u32 $0x3FFFF, v62;
	[tilespmem:s10+$0x410] =	vst v8;
	v8 =	vadd.s32 $0x83100, v61  }
0xd1: {  	s14 =	sadd.s32 $0x1, s14;
	s12 =	sadd.s32 $0x10, s12;
	s9 =	sadd.s32 $0x30, s9;
	[tilespmem:s10+$0x420] =	vst v8;
	v8 =	vadd.s32 $0x83100, v63  }
0xd2: {  	s13 =	sadd.s32 $0x60, s13;
	s11 =	sadd.s32 $0x10, s11;
	[tilespmem:s10+$0x430] =	vst v8;
	s10 =	sadd.s32 $0x80, s10  }
0xd3: {  	[tilespmem:s0], [sflag:$0x1] =	stream.indirect.gather [spmem:s1], $0x1, s31, s30, $0xb8;
	[tilespmem:$0x1AA00] =	vst v63  }
0xd4: {  	s9 =	simm.s32 $0x0;
	v8 =	vimm.f32 $-3.000000010e+38;
	s17 =	simm.s32 $0x8;
	s11 =	simm.s32 $0x10  }
.LBB2_5:
0xd5: {  	s12 =	simm.s32 $0xB380;
	s13 =	simm.s32 $0xA140;
	s14 =	simm.s32 $0xCC80  }
0xd6: {  	s15 =	simm.s32 $0x0;
	s16 =	simm.s32 $0x0;
	s10 =	smov.u32 s17  }
.LBB2_6:
0xd7: {  	s18 =	scvt.s32.f32 s10;
	_ =	sdelay $0x1  }
0xd8: {  	s18 =	smul.f32 $5.025125570e-03, s18;
	_ =	sdelay $0x1  }
0xd9: {  	v9 =	vmul.f32 s18, v6  }
0xda: {  	v10 =	vmul.f32 s18, v7  }
0xdb: {  	v11 =	vmul.f32 s18, v5;
	v9 =	vadd.f32 v9, v3  }
0xdc: {  	v12 =	vadd.f32 v10, v4  }
0xdd: {  	v11 =	vadd.f32 v11, v2;
	v9 =	vmax.f32 v9, $0.0e+00  }
0xde: {  	v10 =	vmin.f32 v9, $1.000000000e+00;
	v9 =	vmax.f32 v12, $0.0e+00  }
0xdf: {  	v11 =	vmax.f32 v11, $0.0e+00;
	v9 =	vmin.f32 v9, $1.000000000e+00;
	v61 =	vmul.f32 $3.100000000e+01, v10  }
0xe0: {  	v11 =	vmin.f32 v11, $1.000000000e+00;
	v13 =	vmul.f32 $3.100000000e+01, v9  }
0xe1: {  	v14 =	vmul.f32 $3.100000000e+01, v11;
	v15 =	vtrunc.f32 v61  }
0xe2: {  	v15 =	vcvt.f32.s32 v15;
	v16 =	vtrunc.f32 v13  }
0xe3: {  	v17 =	vtrunc.f32 v14;
	v16 =	vcvt.f32.s32 v16  }
0xe4: {  	v17 =	vcvt.f32.s32 v17;
	v18 =	vmul.u32 $0x21, v15  }
0xe5: {  	v19 =	vmul.u32 $0x441, v16  }
0xe6: {  	v18 =	vadd.s32 v17, v18  }
0xe7: {  	v18 =	vadd.s32 v19, v18  }
0xe8: {  	v19 =	vadd.s32 $0x1, v18  }
0xe9: {  	v20 =	vadd.s32 $0x21, v18  }
0xea: {  	v21 =	vadd.s32 $0x22, v18  }
0xeb: {  	v22 =	vadd.s32 $0x441, v18  }
0xec: {  	v24 =	vadd.s32 $0x442, v18;
	v23 =	vld.idx.msk [tilespmem:v18+s3+$0x0], $0xffff  }
0xed: {  	v25 =	vadd.s32 $0x462, v18;
	v19 =	vld.idx.msk [tilespmem:v19+s3+$0x0], $0xffff  }
0xee: {  	v18 =	vadd.s32 $0x463, v18;
	v20 =	vld.idx.msk [tilespmem:v20+s3+$0x0], $0xffff  }
0xef: {  	v31 =	vmul.f32 $6.300000000e+01, v11;
	v32 =	vmul.f32 $6.300000000e+01, v10;
	v21 =	vld.idx.msk [tilespmem:v21+s3+$0x0], $0xffff  }
0xf0: {  	v41 =	vmul.f32 $1.270000000e+02, v11;
	v42 =	vmul.f32 $1.270000000e+02, v10;
	v22 =	vld.idx.msk [tilespmem:v22+s3+$0x0], $0xffff  }
0xf1: {  	v11 =	vmul.f32 $2.550000000e+02, v11;
	v10 =	vmul.f32 $2.550000000e+02, v10;
	v24 =	vld.idx.msk [tilespmem:v24+s3+$0x0], $0xffff  }
0xf2: {  	v33 =	vmul.f32 $6.300000000e+01, v9;
	v43 =	vmul.f32 $1.270000000e+02, v9;
	v25 =	vld.idx.msk [tilespmem:v25+s3+$0x0], $0xffff  }
0xf3: {  	v9 =	vmul.f32 $2.550000000e+02, v9;
	v34 =	vtrunc.f32 v31;
	v18 =	vld.idx.msk [tilespmem:v18+s3+$0x0], $0xffff  }
0xf4: {  	v35 =	vtrunc.f32 v32;
	v17 =	vcvt.s32.f32 v17  }
0xf5: {  	v44 =	vtrunc.f32 v41;
	v48 =	vtrunc.f32 v42  }
0xf6: {  	v36 =	vtrunc.f32 v33;
	v49 =	vtrunc.f32 v43;
	v14 =	vsub.f32 v14, v17  }
0xf7: {  	v30 =	vcvt.s32.f32 v16;
	v62 =	vsub.f32 v19, v23;
	v63 =	vsub.f32 v21, v20  }
0xf8: {  	v26 =	vsub.f32 v24, v22;
	v24 =	vcvt.f32.s32 v48;
	v18 =	vsub.f32 v18, v25  }
0xf9: {  	v17 =	vmul.f32 v62, v14;
	v19 =	vmul.f32 v63, v14  }
0xfa: {  	v13 =	vsub.f32 v13, v30;
	v21 =	vmul.f32 v26, v14;
	v14 =	vmul.f32 v18, v14  }
0xfb: {  	v15 =	vcvt.s32.f32 v15;
	v17 =	vadd.f32 v17, v23;
	v27 =	vadd.f32 v19, v20  }
0xfc: {  	v30 =	vcvt.s32.f32 v24;
	v28 =	vadd.f32 v21, v22;
	v14 =	vadd.f32 v14, v25  }
0xfd: {  	v12 =	vsub.f32 v61, v15;
	v19 =	vcvt.f32.s32 v36;
	v20 =	vcvt.f32.s32 v44  }
0xfe: {  	v36 =	vtrunc.f32 v9;
	v29 =	vsub.f32 v27, v17;
	v14 =	vsub.f32 v14, v28  }
0xff: {  	v18 =	vcvt.f32.s32 v35;
	v39 =	vcvt.s32.f32 v19  }
0x100: {  	v15 =	vmul.f32 v29, v12;
	v12 =	vmul.f32 v14, v12  }
0x101: {  	v40 =	vmul.u32 $0x1081, v19;
	v35 =	vtrunc.f32 v10;
	v38 =	vcvt.s32.f32 v18  }
0x102: {  	v15 =	vadd.f32 v15, v17;
	v17 =	vcvt.f32.s32 v34;
	v12 =	vadd.f32 v12, v28  }
0x103: {  	v56 =	vadd.s32 $0x1, v20;
	v25 =	vcvt.f32.s32 v49;
	v29 =	vcvt.s32.f32 v20  }
0x104: {  	v18 =	vmul.u32 $0x41, v18;
	v37 =	vcvt.s32.f32 v17;
	v12 =	vsub.f32 v12, v15  }
0x105: {  	v16 =	vsub.f32 v33, v39;
	v19 =	vsub.f32 v41, v29;
	v50 =	vmul.u32 $0x30025795, v25  }
0x106: {  	v14 =	vsub.f32 v31, v37;
	v37 =	vcvt.f32.s32 v35;
	v12 =	vmul.f32 v12, v13  }
0x107: {  	v17 =	vadd.s32 v17, v18;
	v18 =	vsub.f32 v42, v30;
	v52 =	vadd.s32 $0x30025795, v50  }
0x108: {  	s22 =	sand.u32 $0x70, s15;
	s19 =	sand.u32 $0x300, s16;
	s20 =	sadd.s32 $0x10, s15;
	v31 =	vcvt.s32.f32 v25;
	v41 =	vcvt.s32.f32 v37;
	v12 =	vadd.f32 v12, v15  }
0x109: {  	s24 =	sadd.s32 $0x20, s16;
	s21 =	sadd.s32 $0x20, s15;
	s23 =	sand.u32 $0x70, s20;
	v42 =	vmul.u32 $0x9E3779B1, v37;
	v13 =	vsub.f32 v32, v38;
	v32 =	vmul.u32 $0x9E3779B1, v24  }
0x10a: {  	s20 =	sand.u32 $0x700, s24;
	s18 =	sor.u32 s22, s19;
	s22 =	sadd.s32 $0x40, s16;
	v24 =	vxor.u32 v24, v20;
	v38 =	vcvt.f32.s32 v36;
	v10 =	vsub.f32 v10, v41;
	[tilespmem:s14+$0x0] =	vst v12  }
0x10b: {  	s20 =	sor.u32 s23, s20;
	s23 =	sand.u32 $0x70, s21;
	s24 =	sand.u32 $0x700, s22;
	v44 =	vadd.s32 $0x9E3779B1, v42;
	v54 =	vxor.u32 v25, v24;
	v15 =	vadd.s32 v40, v17;
	[tilespmem:s18+$0xA980] =	vst v14  }
0x10c: {  	s21 =	sor.u32 s23, s24;
	v17 =	vsub.f32 v43, v31;
	v51 =	vadd.s32 $0x9E3779B1, v32;
	v53 =	vxor.u32 v20, v32;
	[tilespmem:s20+$0xA980] =	vst v13  }
0x10d: {  	v57 =	vshll.u32 v54, $0x4;
	v59 =	vxor.u32 v32, v56;
	v43 =	vmul.u32 $0x30025795, v38;
	[tilespmem:s21+$0xA980] =	vst v16  }
0x10e: {  	v45 =	vadd.s32 $0x1, v15;
	v46 =	vadd.s32 $0x41, v15;
	v47 =	vadd.s32 $0x42, v15;
	[tilespmem:s13+$0xFFFFFBC0] =	vst v15  }
0x10f: {  	v26 =	vadd.s32 $0x1081, v15;
	v27 =	vadd.s32 $0x1082, v15;
	v28 =	vadd.s32 $0x10C2, v15;
	[tilespmem:s13+$0xFFFFFBD0] =	vst v45  }
0x110: {  	v33 =	vadd.s32 $0x10C3, v15;
	v55 =	vxor.u32 v50, v53;
	v60 =	vxor.u32 v50, v59;
	[tilespmem:s13+$0xFFFFFBE0] =	vst v46  }
0x111: {  	v62 =	vxor.u32 v20, v51;
	v63 =	vxor.u32 v56, v51;
	v32 =	vxor.u32 v52, v53;
	[tilespmem:s13+$0xFFFFFBF0] =	vst v47  }
0x112: {  	s22 =	sadd.s32 $0x180, s15;
	s23 =	sadd.s32 $0x300, s16;
	v24 =	vxor.u32 v52, v59;
	v20 =	vcvt.s32.f32 v38;
	v58 =	vshrl.u32 v55, $0x1;
	[tilespmem:s13+$0xFFFFFC00] =	vst v26  }
0x113: {  	s24 =	sadd.s32 $0x190, s15;
	s19 =	sand.u32 $0x700, s23;
	v61 =	vshrl.u32 v60, $0x1;
	v25 =	vxor.u32 v50, v62;
	v30 =	vxor.u32 v50, v63;
	s18 =	sand.u32 $0x70, s22;
	[tilespmem:s13+$0xFFFFFC10] =	vst v27  }
0x114: {  	s23 =	sadd.s32 $0x1A0, s15;
	v23 =	vshrl.u32 v32, $0x1;
	v24 =	vshrl.u32 v24, $0x1;
	v12 =	vxor.u32 v52, v63;
	s22 =	sadd.s32 $0x320, s16;
	s18 =	sor.u32 s18, s19;
	[tilespmem:s13+$0xFFFFFC20] =	vst v28  }
0x115: {  	v14 =	vand.u32 $0x3FFFF, v58;
	v21 =	vshrl.u32 v25, $0x1;
	v22 =	vshrl.u32 v30, $0x1;
	s20 =	sand.u32 $0xF00, s22;
	s21 =	sand.u32 $0x70, s24;
	s24 =	sadd.s32 $0x340, s16;
	[tilespmem:s13+$0xFFFFFC30] =	vst v33  }
0x116: {  	s23 =	sand.u32 $0x70, s23;
	v23 =	vand.u32 $0x3FFFF, v23;
	v24 =	vand.u32 $0x3FFFF, v24;
	v12 =	vshrl.u32 v12, $0x1;
	s20 =	sor.u32 s21, s20;
	s24 =	sand.u32 $0xF00, s24;
	[tilespmem:s18+$0xA980] =	vst v19  }
0x117: {  	v9 =	vsub.f32 v9, v20;
	v13 =	vand.u32 $0x10, v57;
	v14 =	vadd.s32 $0x43100, v14;
	s21 =	sor.u32 s23, s24;
	[tilespmem:s20+$0xA980] =	vst v18  }
0x118: {  	v21 =	vand.u32 $0x3FFFF, v21;
	v22 =	vand.u32 $0x3FFFF, v22;
	v23 =	vadd.s32 $0x43100, v23;
	[tilespmem:s21+$0xA980] =	vst v17  }
0x119: {  	v34 =	vadd.s32 $0x43100, v24;
	v12 =	vand.u32 $0x3FFFF, v12;
	v15 =	vand.u32 $0x3FFFF, v61;
	[tilespmem:s12+$0xFFFFFF00] =	vst v13  }
0x11a: {  	v16 =	vxor.u32 v52, v62;
	v33 =	vtrunc.f32 v11;
	v15 =	vadd.s32 $0x43100, v15;
	[tilespmem:s13+$0xFFFFFFC0] =	vst v14  }
0x11b: {  	v21 =	vadd.s32 $0x43100, v21;
	v16 =	vshrl.u32 v16, $0x1;
	v19 =	vcvt.f32.s32 v33;
	[tilespmem:s13+$0xFFFFFFD0] =	vst v15  }
0x11c: {  	v22 =	vadd.s32 $0x43100, v22;
	v12 =	vadd.s32 $0x43100, v12;
	v16 =	vand.u32 $0x3FFFF, v16;
	[tilespmem:s13+$0xFFFFFFE0] =	vst v21  }
0x11d: {  	v45 =	vadd.s32 $0x30025795, v43;
	v39 =	vadd.s32 $0x43100, v16;
	v40 =	vcvt.s32.f32 v19;
	[tilespmem:s13+$0xFFFFFFF0] =	vst v22  }
0x11e: {  	s22 =	sadd.s32 $0x300, s15;
	s23 =	sadd.s32 $0x600, s16;
	v46 =	vxor.u32 v19, v42;
	v48 =	vadd.s32 $0x1, v19;
	v55 =	vxor.u32 v19, v44;
	[tilespmem:s13+$0x0] =	vst v23  }
0x11f: {  	s18 =	sand.u32 $0x70, s22;
	s24 =	sadd.s32 $0x310, s15;
	s22 =	sadd.s32 $0x620, s16;
	v13 =	vxor.u32 v37, v19;
	v47 =	vxor.u32 v43, v46;
	v50 =	vxor.u32 v42, v48;
	[tilespmem:s13+$0x10] =	vst v34  }
0x120: {  	s19 =	sand.u32 $0xF00, s23;
	s20 =	sand.u32 $0x1F00, s22;
	s23 =	sadd.s32 $0x320, s15;
	v56 =	vxor.u32 v43, v55;
	v59 =	vxor.u32 v45, v46;
	v11 =	vsub.f32 v11, v40;
	[tilespmem:s13+$0x20] =	vst v39  }
0x121: {  	s18 =	sor.u32 s18, s19;
	s21 =	sand.u32 $0x70, s24;
	s24 =	sadd.s32 $0x640, s16;
	v13 =	vxor.u32 v38, v13;
	v49 =	vshrl.u32 v47, $0x1;
	[tilespmem:s13+$0x30] =	vst v12;
	v53 =	vxor.u32 v43, v50  }
0x122: {  	s20 =	sor.u32 s21, s20;
	s21 =	sand.u32 $0x70, s23;
	s23 =	sand.u32 $0x1F00, s24;
	v15 =	vxor.u32 v48, v44;
	v60 =	vshrl.u32 v59, $0x1;
	v13 =	vshll.u32 v13, $0x4;
	[tilespmem:s18+$0xA980] =	vst v11  }
0x123: {  	s24 =	sor.u32 s21, s23;
	v52 =	vand.u32 $0x3FFFF, v49;
	v54 =	vshrl.u32 v53, $0x1;
	v57 =	vxor.u32 v43, v15;
	[tilespmem:s20+$0xA980] =	vst v10  }
0x124: {  	v51 =	vand.u32 $0x10, v13;
	v11 =	vadd.s32 $0x83100, v52;
	v10 =	vand.u32 $0x3FFFF, v54;
	[tilespmem:s24+$0xA980] =	vst v9  }
0x125: {  	v58 =	vshrl.u32 v57, $0x1;
	v9 =	vadd.s32 $0x83100, v10;
	v10 =	vshrl.u32 v56, $0x1;
	[tilespmem:s12+$0x0] =	vst v51  }
0x126: {  	v61 =	vxor.u32 v45, v50;
	v10 =	vand.u32 $0x3FFFF, v10;
	[tilespmem:s13+$0x3C0] =	vst v11;
	v11 =	vand.u32 $0x3FFFF, v58  }
0x127: {  	v10 =	vadd.s32 $0x83100, v10;
	[tilespmem:s13+$0x3D0] =	vst v9;
	v9 =	vadd.s32 $0x83100, v11;
	v11 =	vand.u32 $0x3FFFF, v60  }
0x128: {  	p0 =	sne.s32 s16, $0x2A0;
	v62 =	vxor.u32 v45, v55;
	[tilespmem:s13+$0x3E0] =	vst v10;
	v10 =	vadd.s32 $0x83100, v11;
	v11 =	vshrl.u32 v61, $0x1  }
.Ltmp1:
0x129: {  	v63 =	vxor.u32 v45, v15;
	[tilespmem:s13+$0x3F0] =	vst v9;
	v9 =	vand.u32 $0x3FFFF, v11;
	v11 =	vshrl.u32 v62, $0x1;
	(pc) =	sbr.rel @p0 .LBB2_6-.Ltmp1, $4  }
0x12a: {  	[tilespmem:s13+$0x400] =	vst v10;
	v9 =	vadd.s32 $0x83100, v9;
	v10 =	vand.u32 $0x3FFFF, v11;
	v11 =	vshrl.u32 v63, $0x1  }
0x12b: {  	[tilespmem:s13+$0x410] =	vst v9;
	v9 =	vadd.s32 $0x83100, v10;
	v10 =	vand.u32 $0x3FFFF, v11  }
0x12c: {  	s10 =	sadd.s32 $0x1, s10;
	s14 =	sadd.s32 $0x10, s14;
	s15 =	sadd.s32 $0x30, s15;
	[tilespmem:s13+$0x420] =	vst v9;
	v9 =	vadd.s32 $0x83100, v10  }
0x12d: {  	s16 =	sadd.s32 $0x60, s16;
	s12 =	sadd.s32 $0x10, s12;
	[tilespmem:s13+$0x430] =	vst v9;
	s13 =	sadd.s32 $0x80, s13  }
0x12e: {  	[tilespmem:s29], [sflag:$0x2] =	stream.indirect.gather [spmem:s1], $0x1, s2, s30, $0xb8;
	[tilespmem:$0x1AA00] =	vst v63  }
0x12f: {  	_ =	swait.ge [sflag:s4], $0xC00  }
0x130: {  	[sflag:s4] =	ssyncset.done $0x0  }
0x131: {  	s10 =	simm.s32 $0xB840;
	[sflag:s4] =	ssyncadd.s32 $0xFFFFF400  }
0x132: {  	v10 =	vld [tilespmem:s10+$0xFFFFFBF0]  }
0x133: {  	v13 =	vld [tilespmem:s10+$0xFFFFFC20]  }
0x134: {  	v11 =	vld [tilespmem:s10+$0xFFFFFBD0]  }
0x135: {  	s12 =	simm.s32 $0x0;
	v14 =	vld [tilespmem:s10+$0xFFFFFBE0]  }
0x136: {  	s13 =	sand.u32 $0x70, s12;
	s14 =	sand.u32 $0x300, s12;
	v12 =	vld [tilespmem:s10+$0xFFFFFC30]  }
0x137: {  	s13 =	sor.u32 s13, s14;
	v9 =	vld [tilespmem:s10+$0xFFFFFFE0]  }
0x138: {  	v15 =	vld [tilespmem:s13+$0xA900]  }
0x139: {  	v16 =	vld [tilespmem:s10+$0xFFFFFFC0]  }
0x13a: {  	v18 =	vld [tilespmem:s10+$0x10]  }
0x13b: {  	v19 =	vld [tilespmem:s10+$0xFFFFFFD0]  }
0x13c: {  	v21 =	vld [tilespmem:s10+$0xFFFFFC00]  }
0x13d: {  	v23 =	vld [tilespmem:s10+$0xFFFFFC10]  }
0x13e: {  	s13 =	simm.s32 $0xB300;
	v25 =	vld [tilespmem:s10+$0xFFFFFBC0]  }
0x13f: {  	v17 =	vld [tilespmem:s13+$0xFFFFFF00]  }
0x140: {  	v20 =	vld [tilespmem:s10+$0x30]  }
0x141: {  	v22 =	vld [tilespmem:s10+$0x20]  }
0x142: {  	v24 =	vld [tilespmem:s10+$0xFFFFFFF0];
	v10 =	vsub.f32 v10, v14  }
0x143: {  	s21 =	simm.s32 $0x300;
	v29 =	vld [tilespmem:s10+$0x430];
	v12 =	vsub.f32 v12, v13;
	v23 =	vsub.f32 v23, v21  }
0x144: {  	s15 =	simm.s32 $0x600;
	s22 =	simm.s32 $0x180;
	s23 =	simm.s32 $0x300;
	v30 =	vld [tilespmem:s10+$0x400];
	v32 =	vsub.f32 v11, v25;
	v26 =	vshll.u32 v9, v17;
	v9 =	vshll.u32 v19, v17  }
0x145: {  	s24 =	simm.s32 $0x10;
	s15 =	sand.u32 $0xF00, s15;
	s14 =	sand.u32 $0x70, s21;
	v19 =	vld [tilespmem:s10+$0x0];
	v20 =	vshll.u32 v20, v17;
	v27 =	vxor.u32 $0x10, v17;
	v28 =	vand.u32 $0xFFFF0000, v9  }
0x146: {  	s16 =	simm.s32 $0x20;
	s20 =	simm.s32 $0x320;
	s14 =	sor.u32 s14, s15;
	v31 =	vld [tilespmem:s13+$0x0];
	v20 =	vand.u32 $0xFFFF0000, v20;
	v26 =	vand.u32 $0xFFFF0000, v26;
	v22 =	vshll.u32 v22, v27  }
0x147: {  	s18 =	sand.u32 $0x70, s24;
	s15 =	sand.u32 $0x700, s23;
	v9 =	vld [tilespmem:s14+$0xA900];
	s14 =	sand.u32 $0x70, s22;
	v24 =	vshll.u32 v24, v27;
	v33 =	vmul.f32 v12, v15;
	v10 =	vmul.f32 v10, v15  }
0x148: {  	s21 =	simm.s32 $0x640;
	v16 =	vshll.u32 v16, v27;
	v18 =	vshll.u32 v18, v27;
	s22 =	simm.s32 $0x20;
	s14 =	sor.u32 s14, s15;
	v12 =	vand.u32 $0xFFFF0000, v22;
	v22 =	vld [tilespmem:s10+$0x3D0]  }
0x149: {  	s19 =	sand.u32 $0x700, s16;
	v24 =	vand.u32 $0xFFFF0000, v24;
	s15 =	sand.u32 $0x1F00, s21;
	s23 =	sand.u32 $0x70, s22;
	v11 =	vld [tilespmem:s14+$0xA900];
	v13 =	vadd.f32 v33, v13;
	v10 =	vadd.f32 v10, v14  }
0x14a: {  	s21 =	simm.s32 $0x320;
	s14 =	sor.u32 s18, s19;
	v62 =	vsub.f32 v20, v12;
	v20 =	vld [tilespmem:s10+$0x3E0];
	s18 =	simm.s32 $0x40;
	v17 =	vshll.u32 v19, v17;
	v19 =	vmul.f32 v32, v15  }
0x14b: {  	v14 =	vmul.f32 v23, v15;
	v24 =	vsub.f32 v24, v26;
	s19 =	simm.s32 $0x1A0;
	v27 =	vld [tilespmem:s14+$0xA900];
	s14 =	sand.u32 $0x70, s20;
	s24 =	sand.u32 $0x700, s18;
	v15 =	vand.u32 $0xFFFF0000, v16  }
0x14c: {  	v63 =	vld [tilespmem:s10+$0x3C0];
	s20 =	simm.s32 $0x340;
	s14 =	sor.u32 s14, s15;
	v16 =	vshll.u32 v30, v31;
	s18 =	sor.u32 s23, s24;
	v23 =	vand.u32 $0xFFFF0000, v17;
	v19 =	vadd.f32 v19, v25  }
0x14d: {  	v34 =	vld [tilespmem:s10+$0x3F0];
	s15 =	sand.u32 $0x70, s19;
	s16 =	sand.u32 $0xF00, s20;
	s19 =	simm.s32 $0x190;
	v25 =	vadd.f32 v14, v21;
	v14 =	vand.u32 $0xFFFF0000, v18;
	v21 =	vshll.u32 v22, v31  }
0x14e: {  	v36 =	vld [tilespmem:s10+$0x410];
	s15 =	sor.u32 s15, s16;
	s24 =	sand.u32 $0x70, s19;
	s16 =	sand.u32 $0xF00, s21;
	v30 =	vsub.f32 v14, v23;
	v14 =	vand.u32 $0xFFFF0000, v16;
	v16 =	vshll.u32 v29, v31  }
0x14f: {  	v17 =	vld [tilespmem:s18+$0xA900];
	s16 =	sor.u32 s24, s16;
	v37 =	vmul.f32 v24, v11;
	v18 =	vsub.f32 v10, v19;
	v13 =	vsub.f32 v13, v25  }
0x150: {  	v35 =	vshll.u32 v20, v31;
	v24 =	vld [tilespmem:s16+$0xA900];
	v22 =	vand.u32 $0xFFFF0000, v16;
	v29 =	vmul.f32 v30, v11  }
0x151: {  	v10 =	vld [tilespmem:s14+$0xA900];
	v26 =	vadd.f32 v26, v37;
	v18 =	vmul.f32 v18, v27;
	v27 =	vmul.f32 v13, v27  }
0x152: {  	s22 =	simm.s32 $0x310;
	s23 =	simm.s32 $0x620;
	v30 =	vmul.f32 v62, v11;
	v13 =	vld [tilespmem:s15+$0xA900];
	v16 =	vadd.f32 v23, v29;
	v29 =	vsub.f32 v28, v15  }
0x153: {  	s18 =	sand.u32 $0x1F00, s23;
	s14 =	simm.s32 $0xCC00;
	s15 =	sand.u32 $0x70, s22;
	v18 =	vadd.f32 v18, v19;
	v19 =	vadd.f32 v27, v25;
	v25 =	vxor.u32 $0x10, v31;
	v27 =	vld [tilespmem:s10+$0x420]  }
0x154: {  	s21 =	simm.s32 $0x60;
	s16 =	simm.s32 $0xB8C0;
	v20 =	vld [tilespmem:s14+$0x0];
	s15 =	sor.u32 s15, s18;
	v23 =	vand.u32 $0xFFFF0000, v35;
	v32 =	vshll.u32 v63, v25;
	v31 =	vshll.u32 v34, v25  }
0x155: {  	s18 =	simm.s32 $0xB310;
	s10 =	simm.s32 $0xCC10;
	v33 =	vshll.u32 v36, v25;
	v28 =	vsub.f32 v19, v18;
	v19 =	vld [tilespmem:s15+$0xA900];
	v31 =	vand.u32 $0xFFFF0000, v31;
	s15 =	simm.s32 $0x30  }
.LBB2_8:
0x156: {  	s19 =	sand.u32 $0x70, s15  }
0x157: {  	s22 =	sand.u32 $0x300, s21;
	v34 =	vld [tilespmem:s16+$0xFFFFFBF0];
	s23 =	sadd.s32 $0x180, s15;
	v17 =	vmul.f32 v28, v17;
	v12 =	vadd.f32 v12, v30;
	v21 =	vand.u32 $0xFFFF0000, v21;
	s20 =	smov.u32 s21  }
0x158: {  	v11 =	vmul.f32 v29, v11;
	v29 =	vand.u32 $0xFFFF0000, v32;
	s22 =	sor.u32 s19, s22;
	v28 =	vld [tilespmem:s16+$0xFFFFFC20];
	s24 =	sadd.s32 $0x300, s20;
	s19 =	sadd.s32 $0x60, s21;
	v25 =	vshll.u32 v27, v25  }
0x159: {  	p0 =	sne.s32 s21, $0x2A0;
	v30 =	vsub.f32 v31, v23;
	s23 =	sand.u32 $0x70, s23;
	v27 =	vld [tilespmem:s16+$0xFFFFFBD0];
	s24 =	sand.u32 $0x700, s24;
	v17 =	vadd.f32 v17, v18;
	v18 =	vand.u32 $0xFFFF0000, v33  }
0x15a: {  	v21 =	vsub.f32 v21, v29;
	v11 =	vadd.f32 v15, v11;
	v15 =	vand.u32 $0xFFFF0000, v25;
	v31 =	vld [tilespmem:s16+$0xFFFFFBE0];
	s21 =	sor.u32 s23, s24  }
0x15b: {  	v25 =	vld [tilespmem:s16+$0xFFFFFC30];
	v17 =	vadd.f32 v17, v20;
	v20 =	vsub.f32 v22, v15  }
0x15c: {  	v30 =	vmul.f32 v30, v9;
	v21 =	vmul.f32 v21, v9;
	v18 =	vsub.f32 v18, v14;
	v22 =	vld [tilespmem:s16+$0xFFFFFFE0]  }
0x15d: {  	v12 =	vsub.f32 v12, v16;
	v26 =	vsub.f32 v26, v11;
	v32 =	vld [tilespmem:s22+$0xA900];
	v20 =	vmul.f32 v20, v9  }
0x15e: {  	v23 =	vadd.f32 v23, v30;
	v21 =	vadd.f32 v29, v21;
	v9 =	vmul.f32 v18, v9;
	v33 =	vld [tilespmem:s16+$0xFFFFFFC0]  }
0x15f: {  	v12 =	vmul.f32 v12, v24;
	v26 =	vmul.f32 v26, v24;
	v18 =	vld [tilespmem:s18+$0xFFFFFF00];
	v15 =	vadd.f32 v15, v20  }
0x160: {  	v9 =	vadd.f32 v14, v9;
	v14 =	vsub.f32 v23, v21;
	v20 =	vld [tilespmem:s16+$0x10]  }
0x161: {  	v12 =	vadd.f32 v12, v16;
	v11 =	vadd.f32 v26, v11;
	v23 =	vld [tilespmem:s16+$0xFFFFFFD0]  }
0x162: {  	v14 =	vmul.f32 v14, v19;
	v15 =	vsub.f32 v15, v9;
	v16 =	vld [tilespmem:s16+$0x30]  }
0x163: {  	v12 =	vsub.f32 v12, v11;
	v24 =	vld [tilespmem:s16+$0xFFFFFC00]  }
0x164: {  	v14 =	vadd.f32 v14, v21;
	v15 =	vmul.f32 v15, v19;
	v22 =	vshll.u32 v22, v18;
	v26 =	vld [tilespmem:s16+$0x20]  }
0x165: {  	v12 =	vmul.f32 v12, v13;
	v19 =	vld [tilespmem:s16+$0xFFFFFC10]  }
0x166: {  	s23 =	sadd.s32 $0x600, s20;
	s22 =	sadd.s32 $0x300, s15;
	v9 =	vadd.f32 v15, v9;
	v13 =	vshll.u32 v23, v18;
	v21 =	vld [tilespmem:s16+$0xFFFFFFF0]  }
0x167: {  	s23 =	sand.u32 $0xF00, s23;
	s22 =	sand.u32 $0x70, s22;
	v11 =	vadd.f32 v12, v11;
	v15 =	vld [tilespmem:s16+$0x0];
	v16 =	vshll.u32 v16, v18  }
0x168: {  	s22 =	sor.u32 s22, s23;
	v29 =	vand.u32 $0xFFFF0000, v13;
	v12 =	vsub.f32 v9, v14;
	v23 =	vld [tilespmem:s16+$0xFFFFFBC0];
	v13 =	vand.u32 $0xFFFF0000, v16  }
0x169: {  	v35 =	vand.u32 $0xFFFF0000, v22;
	v17 =	vadd.f32 v11, v17;
	v16 =	vxor.u32 $0x10, v18;
	v9 =	vld [tilespmem:s22+$0xA900]  }
0x16a: {  	v22 =	vsub.f32 v34, v31;
	v26 =	vshll.u32 v26, v16;
	v10 =	vmul.f32 v12, v10;
	v30 =	vld [tilespmem:s16+$0x430]  }
0x16b: {  	v11 =	vsub.f32 v25, v28;
	v19 =	vsub.f32 v19, v24;
	v21 =	vshll.u32 v21, v16;
	v25 =	vld [tilespmem:s16+$0x400]  }
0x16c: {  	v33 =	vshll.u32 v33, v16;
	v10 =	vadd.f32 v10, v14;
	v15 =	vshll.u32 v15, v18;
	v34 =	vld [tilespmem:s18+$0x0]  }
0x16d: {  	s23 =	sadd.s32 $0x20, s20;
	s22 =	sadd.s32 $0x10, s15;
	v16 =	vshll.u32 v20, v16;
	v18 =	vmul.f32 v11, v32;
	v14 =	vsub.f32 v27, v23;
	v11 =	vld [tilespmem:s21+$0xA900]  }
0x16e: {  	v12 =	vand.u32 $0xFFFF0000, v26;
	v20 =	vmul.f32 v22, v32;
	s21 =	sand.u32 $0x70, s22;
	s22 =	sand.u32 $0x700, s23;
	v10 =	vadd.f32 v10, v17;
	v26 =	vld [tilespmem:s16+$0x3C0]  }
0x16f: {  	s21 =	sor.u32 s21, s22;
	v17 =	vadd.f32 v18, v28;
	v18 =	vand.u32 $0xFFFF0000, v21;
	v14 =	vmul.f32 v14, v32;
	v21 =	vld [tilespmem:s16+$0x3D0]  }
0x170: {  	v19 =	vmul.f32 v19, v32;
	v20 =	vadd.f32 v20, v31;
	s22 =	sadd.s32 $0x640, s20;
	v8 =	vmax.f32 v8, v10;
	v22 =	vld [tilespmem:s21+$0xA900];
	s21 =	sadd.s32 $0x320, s15  }
0x171: {  	v27 =	vand.u32 $0xFFFF0000, v15;
	v28 =	vsub.f32 v13, v12;
	s22 =	sand.u32 $0x1F00, s22;
	v23 =	vadd.f32 v14, v23;
	s21 =	sand.u32 $0x70, s21;
	v13 =	vld [tilespmem:s16+$0x3E0]  }
0x172: {  	s24 =	sadd.s32 $0x40, s20;
	s23 =	sadd.s32 $0x20, s15;
	v19 =	vadd.f32 v19, v24;
	v14 =	vand.u32 $0xFFFF0000, v16;
	v16 =	vsub.f32 v18, v35;
	s21 =	sor.u32 s21, s22  }
0x173: {  	v15 =	vand.u32 $0xFFFF0000, v33;
	s22 =	sand.u32 $0x70, s23;
	s23 =	sand.u32 $0x700, s24;
	v18 =	vsub.f32 v20, v23;
	v10 =	vld [tilespmem:s21+$0xA900];
	v20 =	vshll.u32 v25, v34  }
0x174: {  	v24 =	vsub.f32 v17, v19;
	s21 =	sor.u32 s22, s23;
	s22 =	sadd.s32 $0x1A0, s15;
	s23 =	sadd.s32 $0x340, s20;
	v25 =	vsub.f32 v14, v27;
	v21 =	vshll.u32 v21, v34;
	v31 =	vld [tilespmem:s16+$0x3F0]  }
0x175: {  	v14 =	vand.u32 $0xFFFF0000, v20;
	v20 =	vshll.u32 v30, v34;
	v17 =	vld [tilespmem:s21+$0xA900];
	v18 =	vmul.f32 v18, v22;
	s21 =	sand.u32 $0x70, s22;
	s22 =	sand.u32 $0xF00, s23  }
0x176: {  	v24 =	vmul.f32 v24, v22;
	v25 =	vmul.f32 v25, v11;
	s21 =	sor.u32 s21, s22;
	v32 =	vshll.u32 v13, v34;
	v33 =	vld [tilespmem:s16+$0x410];
	s22 =	sadd.s32 $0x320, s20  }
.Ltmp2:
0x177: {  	v36 =	vmul.f32 v16, v11;
	v22 =	vand.u32 $0xFFFF0000, v20;
	s20 =	sadd.s32 $0x620, s20;
	v18 =	vadd.f32 v18, v23;
	v13 =	vld [tilespmem:s21+$0xA900];
	s21 =	sadd.s32 $0x310, s15;
	(pc) =	sbr.rel @p0 .LBB2_8-.Ltmp2, $4  }
0x178: {  	s23 =	sadd.s32 $0x190, s15;
	v19 =	vadd.f32 v24, v19;
	v16 =	vadd.f32 v27, v25;
	s20 =	sand.u32 $0x1F00, s20;
	v25 =	vxor.u32 $0x10, v34;
	s21 =	sand.u32 $0x70, s21;
	v27 =	vld [tilespmem:s16+$0x420]  }
0x179: {  	v29 =	vsub.f32 v29, v15;
	v30 =	vmul.f32 v28, v11;
	s23 =	sand.u32 $0x70, s23;
	s22 =	sand.u32 $0xF00, s22;
	v23 =	vand.u32 $0xFFFF0000, v32;
	v20 =	vld [tilespmem:s10+$0x0];
	s20 =	sor.u32 s21, s20  }
0x17a: {  	s18 =	sadd.s32 $0x10, s18;
	v32 =	vshll.u32 v26, v25;
	v28 =	vsub.f32 v19, v18;
	s21 =	sor.u32 s23, s22;
	v31 =	vshll.u32 v31, v25;
	s10 =	sadd.s32 $0x10, s10;
	v19 =	vld [tilespmem:s20+$0xA900]  }
0x17b: {  	s15 =	sadd.s32 $0x30, s15;
	v26 =	vadd.f32 v35, v36;
	s16 =	sadd.s32 $0x80, s16;
	v31 =	vand.u32 $0xFFFF0000, v31;
	v24 =	vld [tilespmem:s21+$0xA900];
	v33 =	vshll.u32 v33, v25;
	s21 =	smov.u32 s19  }
0x17c: {  	v12 =	vadd.f32 v12, v30  }
0x17d: {  	v21 =	vand.u32 $0xFFFF0000, v21;
	v11 =	vmul.f32 v29, v11;
	v51 =	vand.u32 $0xFFFF0000, v32  }
0x17e: {  	v52 =	vand.u32 $0xFFFF0000, v33;
	v53 =	vsub.f32 v31, v23;
	v25 =	vshll.u32 v27, v25  }
0x17f: {  	v21 =	vsub.f32 v21, v51;
	v55 =	vsub.f32 v52, v14;
	v54 =	vand.u32 $0xFFFF0000, v25  }
0x180: {  	v11 =	vadd.f32 v15, v11;
	v22 =	vsub.f32 v22, v54  }
0x181: {  	v56 =	vmul.f32 v53, v9;
	v12 =	vsub.f32 v12, v16;
	v21 =	vmul.f32 v21, v9  }
0x182: {  	v26 =	vsub.f32 v26, v11;
	v22 =	vmul.f32 v22, v9;
	v9 =	vmul.f32 v55, v9  }
0x183: {  	v57 =	vadd.f32 v23, v56;
	v21 =	vadd.f32 v51, v21  }
0x184: {  	v15 =	vadd.f32 v54, v22;
	v9 =	vadd.f32 v14, v9  }
0x185: {  	v12 =	vmul.f32 v12, v24;
	v58 =	vmul.f32 v26, v24  }
0x186: {  	v59 =	vsub.f32 v57, v21;
	v15 =	vsub.f32 v15, v9  }
0x187: {  	v12 =	vadd.f32 v12, v16;
	v11 =	vadd.f32 v58, v11  }
0x188: {  	v60 =	vmul.f32 v59, v19;
	v15 =	vmul.f32 v15, v19  }
0x189: {  	v12 =	vsub.f32 v12, v11  }
0x18a: {  	v61 =	vmul.f32 v28, v17;
	v14 =	vadd.f32 v60, v21;
	v9 =	vadd.f32 v15, v9;
	_ =	sdelay $0x1  }
0x18b: {  	v62 =	vadd.f32 v61, v18;
	v12 =	vmul.f32 v12, v13;
	v9 =	vsub.f32 v9, v14;
	_ =	sdelay $0x1  }
0x18c: {  	v63 =	vadd.f32 v62, v20;
	v11 =	vadd.f32 v12, v11;
	v9 =	vmul.f32 v9, v10;
	_ =	sdelay $0x1  }
0x18d: {  	v10 =	vadd.f32 v11, v63;
	v9 =	vadd.f32 v9, v14;
	_ =	sdelay $0x1  }
0x18e: {  	v9 =	vadd.f32 v9, v10;
	_ =	sdelay $0x1  }
0x18f: {  	s15 =	simm.s32 $0x9540;
	s16 =	smov.u32 s11;
	s10 =	simm.s32 $0x0;
	v8 =	vmax.f32 v8, v9  }
.LBB2_10:
0x190: {  	s18 =	scvt.s32.f32 s16;
	_ =	sdelay $0x1  }
0x191: {  	s18 =	smul.f32 $5.025125570e-03, s18;
	_ =	sdelay $0x1  }
0x192: {  	v9 =	vmul.f32 s18, v6  }
0x193: {  	v10 =	vmul.f32 s18, v7  }
0x194: {  	v11 =	vmul.f32 s18, v5;
	v9 =	vadd.f32 v9, v3  }
0x195: {  	v12 =	vadd.f32 v10, v4  }
0x196: {  	v11 =	vadd.f32 v11, v2;
	v9 =	vmax.f32 v9, $0.0e+00  }
0x197: {  	v10 =	vmin.f32 v9, $1.000000000e+00;
	v9 =	vmax.f32 v12, $0.0e+00  }
0x198: {  	v11 =	vmax.f32 v11, $0.0e+00;
	v9 =	vmin.f32 v9, $1.000000000e+00;
	v61 =	vmul.f32 $3.100000000e+01, v10  }
0x199: {  	v11 =	vmin.f32 v11, $1.000000000e+00;
	v13 =	vmul.f32 $3.100000000e+01, v9  }
0x19a: {  	v14 =	vmul.f32 $3.100000000e+01, v11;
	v15 =	vtrunc.f32 v61  }
0x19b: {  	v15 =	vcvt.f32.s32 v15;
	v16 =	vtrunc.f32 v13  }
0x19c: {  	v17 =	vtrunc.f32 v14;
	v16 =	vcvt.f32.s32 v16  }
0x19d: {  	v17 =	vcvt.f32.s32 v17;
	v18 =	vmul.u32 $0x21, v15  }
0x19e: {  	v19 =	vmul.u32 $0x441, v16  }
0x19f: {  	v18 =	vadd.s32 v17, v18  }
0x1a0: {  	v18 =	vadd.s32 v19, v18  }
0x1a1: {  	v19 =	vadd.s32 $0x1, v18  }
0x1a2: {  	v20 =	vadd.s32 $0x21, v18  }
0x1a3: {  	v21 =	vadd.s32 $0x22, v18  }
0x1a4: {  	v22 =	vadd.s32 $0x441, v18  }
0x1a5: {  	v24 =	vadd.s32 $0x442, v18;
	v23 =	vld.idx.msk [tilespmem:v18+s3+$0x0], $0xffff  }
0x1a6: {  	v25 =	vadd.s32 $0x462, v18;
	v19 =	vld.idx.msk [tilespmem:v19+s3+$0x0], $0xffff  }
0x1a7: {  	v18 =	vadd.s32 $0x463, v18;
	v20 =	vld.idx.msk [tilespmem:v20+s3+$0x0], $0xffff  }
0x1a8: {  	v31 =	vmul.f32 $6.300000000e+01, v11;
	v32 =	vmul.f32 $6.300000000e+01, v10;
	v21 =	vld.idx.msk [tilespmem:v21+s3+$0x0], $0xffff  }
0x1a9: {  	v41 =	vmul.f32 $1.270000000e+02, v11;
	v42 =	vmul.f32 $1.270000000e+02, v10;
	v22 =	vld.idx.msk [tilespmem:v22+s3+$0x0], $0xffff  }
0x1aa: {  	v11 =	vmul.f32 $2.550000000e+02, v11;
	v10 =	vmul.f32 $2.550000000e+02, v10;
	v24 =	vld.idx.msk [tilespmem:v24+s3+$0x0], $0xffff  }
0x1ab: {  	v33 =	vmul.f32 $6.300000000e+01, v9;
	v43 =	vmul.f32 $1.270000000e+02, v9;
	v25 =	vld.idx.msk [tilespmem:v25+s3+$0x0], $0xffff  }
0x1ac: {  	v9 =	vmul.f32 $2.550000000e+02, v9;
	v34 =	vtrunc.f32 v31;
	v18 =	vld.idx.msk [tilespmem:v18+s3+$0x0], $0xffff  }
0x1ad: {  	v35 =	vtrunc.f32 v32;
	v17 =	vcvt.s32.f32 v17  }
0x1ae: {  	v44 =	vtrunc.f32 v41;
	v48 =	vtrunc.f32 v42  }
0x1af: {  	v36 =	vtrunc.f32 v33;
	v49 =	vtrunc.f32 v43;
	v14 =	vsub.f32 v14, v17  }
0x1b0: {  	v30 =	vcvt.s32.f32 v16;
	v62 =	vsub.f32 v19, v23;
	v63 =	vsub.f32 v21, v20  }
0x1b1: {  	v26 =	vsub.f32 v24, v22;
	v24 =	vcvt.f32.s32 v48;
	v18 =	vsub.f32 v18, v25  }
0x1b2: {  	v17 =	vmul.f32 v62, v14;
	v19 =	vmul.f32 v63, v14  }
0x1b3: {  	v13 =	vsub.f32 v13, v30;
	v21 =	vmul.f32 v26, v14;
	v14 =	vmul.f32 v18, v14  }
0x1b4: {  	v15 =	vcvt.s32.f32 v15;
	v17 =	vadd.f32 v17, v23;
	v27 =	vadd.f32 v19, v20  }
0x1b5: {  	v30 =	vcvt.s32.f32 v24;
	v28 =	vadd.f32 v21, v22;
	v14 =	vadd.f32 v14, v25  }
0x1b6: {  	v12 =	vsub.f32 v61, v15;
	v19 =	vcvt.f32.s32 v36;
	v20 =	vcvt.f32.s32 v44  }
0x1b7: {  	v36 =	vtrunc.f32 v9;
	v29 =	vsub.f32 v27, v17;
	v14 =	vsub.f32 v14, v28  }
0x1b8: {  	v18 =	vcvt.f32.s32 v35;
	v39 =	vcvt.s32.f32 v19  }
0x1b9: {  	v15 =	vmul.f32 v29, v12;
	v12 =	vmul.f32 v14, v12  }
0x1ba: {  	v40 =	vmul.u32 $0x1081, v19;
	v35 =	vtrunc.f32 v10;
	v38 =	vcvt.s32.f32 v18  }
0x1bb: {  	v15 =	vadd.f32 v15, v17;
	v17 =	vcvt.f32.s32 v34;
	v12 =	vadd.f32 v12, v28  }
0x1bc: {  	v56 =	vadd.s32 $0x1, v20;
	v25 =	vcvt.f32.s32 v49;
	v29 =	vcvt.s32.f32 v20  }
0x1bd: {  	v18 =	vmul.u32 $0x41, v18;
	v37 =	vcvt.s32.f32 v17;
	v12 =	vsub.f32 v12, v15  }
0x1be: {  	v16 =	vsub.f32 v33, v39;
	v19 =	vsub.f32 v41, v29;
	v50 =	vmul.u32 $0x30025795, v25  }
0x1bf: {  	v14 =	vsub.f32 v31, v37;
	v37 =	vcvt.f32.s32 v35;
	v12 =	vmul.f32 v12, v13  }
0x1c0: {  	v17 =	vadd.s32 v17, v18;
	v18 =	vsub.f32 v42, v30;
	v52 =	vadd.s32 $0x30025795, v50  }
0x1c1: {  	s22 =	sand.u32 $0x70, s12;
	s19 =	sand.u32 $0x300, s10;
	s20 =	sadd.s32 $0x10, s12;
	v31 =	vcvt.s32.f32 v25;
	v41 =	vcvt.s32.f32 v37;
	v12 =	vadd.f32 v12, v15  }
0x1c2: {  	s24 =	sadd.s32 $0x20, s10;
	s21 =	sadd.s32 $0x20, s12;
	s23 =	sand.u32 $0x70, s20;
	v42 =	vmul.u32 $0x9E3779B1, v37;
	v13 =	vsub.f32 v32, v38;
	v32 =	vmul.u32 $0x9E3779B1, v24  }
0x1c3: {  	s20 =	sand.u32 $0x700, s24;
	s18 =	sor.u32 s22, s19;
	s22 =	sadd.s32 $0x40, s10;
	v24 =	vxor.u32 v24, v20;
	v38 =	vcvt.f32.s32 v36;
	v10 =	vsub.f32 v10, v41;
	[tilespmem:s14+$0x0] =	vst v12  }
0x1c4: {  	s20 =	sor.u32 s23, s20;
	s23 =	sand.u32 $0x70, s21;
	s24 =	sand.u32 $0x700, s22;
	v44 =	vadd.s32 $0x9E3779B1, v42;
	v54 =	vxor.u32 v25, v24;
	v15 =	vadd.s32 v40, v17;
	[tilespmem:s18+$0xA900] =	vst v14  }
0x1c5: {  	s21 =	sor.u32 s23, s24;
	v17 =	vsub.f32 v43, v31;
	v51 =	vadd.s32 $0x9E3779B1, v32;
	v53 =	vxor.u32 v20, v32;
	[tilespmem:s20+$0xA900] =	vst v13  }
0x1c6: {  	v57 =	vshll.u32 v54, $0x4;
	v59 =	vxor.u32 v32, v56;
	v43 =	vmul.u32 $0x30025795, v38;
	[tilespmem:s21+$0xA900] =	vst v16  }
0x1c7: {  	v45 =	vadd.s32 $0x1, v15;
	v46 =	vadd.s32 $0x41, v15;
	v47 =	vadd.s32 $0x42, v15;
	[tilespmem:s15+$0xFFFFFBC0] =	vst v15  }
0x1c8: {  	v26 =	vadd.s32 $0x1081, v15;
	v27 =	vadd.s32 $0x1082, v15;
	v28 =	vadd.s32 $0x10C2, v15;
	[tilespmem:s15+$0xFFFFFBD0] =	vst v45  }
0x1c9: {  	v33 =	vadd.s32 $0x10C3, v15;
	v55 =	vxor.u32 v50, v53;
	v60 =	vxor.u32 v50, v59;
	[tilespmem:s15+$0xFFFFFBE0] =	vst v46  }
0x1ca: {  	v62 =	vxor.u32 v20, v51;
	v63 =	vxor.u32 v56, v51;
	v32 =	vxor.u32 v52, v53;
	[tilespmem:s15+$0xFFFFFBF0] =	vst v47  }
0x1cb: {  	s22 =	sadd.s32 $0x180, s12;
	s23 =	sadd.s32 $0x300, s10;
	v24 =	vxor.u32 v52, v59;
	v20 =	vcvt.s32.f32 v38;
	v58 =	vshrl.u32 v55, $0x1;
	[tilespmem:s15+$0xFFFFFC00] =	vst v26  }
0x1cc: {  	s24 =	sadd.s32 $0x190, s12;
	s19 =	sand.u32 $0x700, s23;
	v61 =	vshrl.u32 v60, $0x1;
	v25 =	vxor.u32 v50, v62;
	v30 =	vxor.u32 v50, v63;
	s18 =	sand.u32 $0x70, s22;
	[tilespmem:s15+$0xFFFFFC10] =	vst v27  }
0x1cd: {  	s23 =	sadd.s32 $0x1A0, s12;
	v23 =	vshrl.u32 v32, $0x1;
	v24 =	vshrl.u32 v24, $0x1;
	v12 =	vxor.u32 v52, v63;
	s22 =	sadd.s32 $0x320, s10;
	s18 =	sor.u32 s18, s19;
	[tilespmem:s15+$0xFFFFFC20] =	vst v28  }
0x1ce: {  	v14 =	vand.u32 $0x3FFFF, v58;
	v21 =	vshrl.u32 v25, $0x1;
	v22 =	vshrl.u32 v30, $0x1;
	s20 =	sand.u32 $0xF00, s22;
	s21 =	sand.u32 $0x70, s24;
	s24 =	sadd.s32 $0x340, s10;
	[tilespmem:s15+$0xFFFFFC30] =	vst v33  }
0x1cf: {  	s23 =	sand.u32 $0x70, s23;
	v23 =	vand.u32 $0x3FFFF, v23;
	v24 =	vand.u32 $0x3FFFF, v24;
	v12 =	vshrl.u32 v12, $0x1;
	s20 =	sor.u32 s21, s20;
	s24 =	sand.u32 $0xF00, s24;
	[tilespmem:s18+$0xA900] =	vst v19  }
0x1d0: {  	v9 =	vsub.f32 v9, v20;
	v13 =	vand.u32 $0x10, v57;
	v14 =	vadd.s32 $0x43100, v14;
	s21 =	sor.u32 s23, s24;
	[tilespmem:s20+$0xA900] =	vst v18  }
0x1d1: {  	v21 =	vand.u32 $0x3FFFF, v21;
	v22 =	vand.u32 $0x3FFFF, v22;
	v23 =	vadd.s32 $0x43100, v23;
	[tilespmem:s21+$0xA900] =	vst v17  }
0x1d2: {  	v34 =	vadd.s32 $0x43100, v24;
	v12 =	vand.u32 $0x3FFFF, v12;
	v15 =	vand.u32 $0x3FFFF, v61;
	[tilespmem:s13+$0xFFFFFF00] =	vst v13  }
0x1d3: {  	v16 =	vxor.u32 v52, v62;
	v33 =	vtrunc.f32 v11;
	v15 =	vadd.s32 $0x43100, v15;
	[tilespmem:s15+$0xFFFFFFC0] =	vst v14  }
0x1d4: {  	v21 =	vadd.s32 $0x43100, v21;
	v16 =	vshrl.u32 v16, $0x1;
	v19 =	vcvt.f32.s32 v33;
	[tilespmem:s15+$0xFFFFFFD0] =	vst v15  }
0x1d5: {  	v22 =	vadd.s32 $0x43100, v22;
	v12 =	vadd.s32 $0x43100, v12;
	v16 =	vand.u32 $0x3FFFF, v16;
	[tilespmem:s15+$0xFFFFFFE0] =	vst v21  }
0x1d6: {  	v45 =	vadd.s32 $0x30025795, v43;
	v39 =	vadd.s32 $0x43100, v16;
	v40 =	vcvt.s32.f32 v19;
	[tilespmem:s15+$0xFFFFFFF0] =	vst v22  }
0x1d7: {  	s22 =	sadd.s32 $0x300, s12;
	s23 =	sadd.s32 $0x600, s10;
	v46 =	vxor.u32 v19, v42;
	v48 =	vadd.s32 $0x1, v19;
	v55 =	vxor.u32 v19, v44;
	[tilespmem:s15+$0x0] =	vst v23  }
0x1d8: {  	s18 =	sand.u32 $0x70, s22;
	s24 =	sadd.s32 $0x310, s12;
	s22 =	sadd.s32 $0x620, s10;
	v13 =	vxor.u32 v37, v19;
	v47 =	vxor.u32 v43, v46;
	v50 =	vxor.u32 v42, v48;
	[tilespmem:s15+$0x10] =	vst v34  }
0x1d9: {  	s19 =	sand.u32 $0xF00, s23;
	s20 =	sand.u32 $0x1F00, s22;
	s23 =	sadd.s32 $0x320, s12;
	v56 =	vxor.u32 v43, v55;
	v59 =	vxor.u32 v45, v46;
	v11 =	vsub.f32 v11, v40;
	[tilespmem:s15+$0x20] =	vst v39  }
0x1da: {  	s18 =	sor.u32 s18, s19;
	s21 =	sand.u32 $0x70, s24;
	s24 =	sadd.s32 $0x640, s10;
	v13 =	vxor.u32 v38, v13;
	v49 =	vshrl.u32 v47, $0x1;
	[tilespmem:s15+$0x30] =	vst v12;
	v53 =	vxor.u32 v43, v50  }
0x1db: {  	s20 =	sor.u32 s21, s20;
	s21 =	sand.u32 $0x70, s23;
	s23 =	sand.u32 $0x1F00, s24;
	v15 =	vxor.u32 v48, v44;
	v60 =	vshrl.u32 v59, $0x1;
	v13 =	vshll.u32 v13, $0x4;
	[tilespmem:s18+$0xA900] =	vst v11  }
0x1dc: {  	s24 =	sor.u32 s21, s23;
	v52 =	vand.u32 $0x3FFFF, v49;
	v54 =	vshrl.u32 v53, $0x1;
	v57 =	vxor.u32 v43, v15;
	[tilespmem:s20+$0xA900] =	vst v10  }
0x1dd: {  	v51 =	vand.u32 $0x10, v13;
	v11 =	vadd.s32 $0x83100, v52;
	v10 =	vand.u32 $0x3FFFF, v54;
	[tilespmem:s24+$0xA900] =	vst v9  }
0x1de: {  	v58 =	vshrl.u32 v57, $0x1;
	v9 =	vadd.s32 $0x83100, v10;
	v10 =	vshrl.u32 v56, $0x1;
	[tilespmem:s13+$0x0] =	vst v51  }
0x1df: {  	v61 =	vxor.u32 v45, v50;
	v10 =	vand.u32 $0x3FFFF, v10;
	[tilespmem:s15+$0x3C0] =	vst v11;
	v11 =	vand.u32 $0x3FFFF, v58  }
0x1e0: {  	v10 =	vadd.s32 $0x83100, v10;
	[tilespmem:s15+$0x3D0] =	vst v9;
	v9 =	vadd.s32 $0x83100, v11;
	v11 =	vand.u32 $0x3FFFF, v60  }
0x1e1: {  	p0 =	sne.s32 s10, $0x2A0;
	v62 =	vxor.u32 v45, v55;
	[tilespmem:s15+$0x3E0] =	vst v10;
	v10 =	vadd.s32 $0x83100, v11;
	v11 =	vshrl.u32 v61, $0x1  }
.Ltmp3:
0x1e2: {  	v63 =	vxor.u32 v45, v15;
	[tilespmem:s15+$0x3F0] =	vst v9;
	v9 =	vand.u32 $0x3FFFF, v11;
	v11 =	vshrl.u32 v62, $0x1;
	(pc) =	sbr.rel @p0 .LBB2_10-.Ltmp3, $4  }
0x1e3: {  	[tilespmem:s15+$0x400] =	vst v10;
	v9 =	vadd.s32 $0x83100, v9;
	v10 =	vand.u32 $0x3FFFF, v11;
	v11 =	vshrl.u32 v63, $0x1  }
0x1e4: {  	[tilespmem:s15+$0x410] =	vst v9;
	v9 =	vadd.s32 $0x83100, v10;
	v10 =	vand.u32 $0x3FFFF, v11  }
0x1e5: {  	s16 =	sadd.s32 $0x1, s16;
	s14 =	sadd.s32 $0x10, s14;
	s12 =	sadd.s32 $0x30, s12;
	[tilespmem:s15+$0x420] =	vst v9;
	v9 =	vadd.s32 $0x83100, v10  }
0x1e6: {  	s10 =	sadd.s32 $0x60, s10;
	s13 =	sadd.s32 $0x10, s13;
	[tilespmem:s15+$0x430] =	vst v9;
	s15 =	sadd.s32 $0x80, s15  }
0x1e7: {  	[tilespmem:s0], [sflag:$0x1] =	stream.indirect.gather [spmem:s1], $0x1, s31, s30, $0xb8;
	[tilespmem:$0x1AA00] =	vst v63  }
0x1e8: {  	_ =	swait.ge [sflag:s5], $0xC00  }
0x1e9: {  	[sflag:s5] =	ssyncset.done $0x0  }
0x1ea: {  	s10 =	simm.s32 $0xC440;
	[sflag:s5] =	ssyncadd.s32 $0xFFFFF400  }
0x1eb: {  	v10 =	vld [tilespmem:s10+$0xFFFFFBF0]  }
0x1ec: {  	v13 =	vld [tilespmem:s10+$0xFFFFFC20]  }
0x1ed: {  	v11 =	vld [tilespmem:s10+$0xFFFFFBD0]  }
0x1ee: {  	s12 =	simm.s32 $0x0;
	v14 =	vld [tilespmem:s10+$0xFFFFFBE0]  }
0x1ef: {  	s13 =	sand.u32 $0x70, s12;
	s12 =	sand.u32 $0x300, s12;
	v12 =	vld [tilespmem:s10+$0xFFFFFC30]  }
0x1f0: {  	s12 =	sor.u32 s13, s12;
	v9 =	vld [tilespmem:s10+$0xFFFFFFE0]  }
0x1f1: {  	v15 =	vld [tilespmem:s12+$0xA980]  }
0x1f2: {  	s23 =	simm.s32 $0xB380;
	v16 =	vld [tilespmem:s10+$0xFFFFFFC0]  }
0x1f3: {  	v17 =	vld [tilespmem:s23+$0xFFFFFF00]  }
0x1f4: {  	v18 =	vld [tilespmem:s10+$0x10]  }
0x1f5: {  	v19 =	vld [tilespmem:s10+$0xFFFFFFD0]  }
0x1f6: {  	v20 =	vld [tilespmem:s10+$0x30]  }
0x1f7: {  	v21 =	vld [tilespmem:s10+$0xFFFFFC00]  }
0x1f8: {  	v23 =	vld [tilespmem:s10+$0xFFFFFC10]  }
0x1f9: {  	v25 =	vld [tilespmem:s10+$0xFFFFFBC0]  }
0x1fa: {  	v22 =	vld [tilespmem:s10+$0x20]  }
0x1fb: {  	v24 =	vld [tilespmem:s10+$0xFFFFFFF0]  }
0x1fc: {  	v29 =	vld [tilespmem:s10+$0x430];
	v26 =	vshll.u32 v9, v17;
	v9 =	vshll.u32 v19, v17;
	v20 =	vshll.u32 v20, v17  }
0x1fd: {  	s24 =	simm.s32 $0x300;
	s14 =	simm.s32 $0x600;
	v30 =	vld [tilespmem:s10+$0x400];
	v27 =	vxor.u32 $0x10, v17;
	v10 =	vsub.f32 v10, v14;
	v12 =	vsub.f32 v12, v13  }
0x1fe: {  	s14 =	sand.u32 $0xF00, s14;
	s13 =	sand.u32 $0x70, s24;
	v19 =	vld [tilespmem:s10+$0x0];
	v23 =	vsub.f32 v23, v21;
	v32 =	vsub.f32 v11, v25;
	v28 =	vand.u32 $0xFFFF0000, v9  }
0x1ff: {  	s13 =	sor.u32 s13, s14;
	v31 =	vld [tilespmem:s23+$0x0];
	v20 =	vand.u32 $0xFFFF0000, v20;
	v26 =	vand.u32 $0xFFFF0000, v26;
	v22 =	vshll.u32 v22, v27  }
0x200: {  	s15 =	simm.s32 $0x300;
	s14 =	simm.s32 $0x180;
	v9 =	vld [tilespmem:s13+$0xA980];
	v24 =	vshll.u32 v24, v27;
	v16 =	vshll.u32 v16, v27;
	v18 =	vshll.u32 v18, v27  }
0x201: {  	s13 =	sand.u32 $0x70, s14;
	s14 =	sand.u32 $0x700, s15;
	v33 =	vmul.f32 v12, v15;
	v12 =	vand.u32 $0xFFFF0000, v22;
	v22 =	vld [tilespmem:s10+$0x3D0];
	v24 =	vand.u32 $0xFFFF0000, v24  }
0x202: {  	s16 =	simm.s32 $0x10;
	s18 =	simm.s32 $0x20;
	v63 =	vld [tilespmem:s10+$0x3C0];
	s13 =	sor.u32 s13, s14;
	v10 =	vmul.f32 v10, v15;
	v62 =	vsub.f32 v20, v12;
	v24 =	vsub.f32 v24, v26  }
0x203: {  	s19 =	sand.u32 $0x700, s18;
	s12 =	sand.u32 $0x70, s16;
	v11 =	vld [tilespmem:s13+$0xA980];
	v13 =	vadd.f32 v33, v13;
	v17 =	vshll.u32 v19, v17;
	v19 =	vmul.f32 v32, v15  }
0x204: {  	s20 =	simm.s32 $0x320;
	s12 =	sor.u32 s12, s19;
	v20 =	vld [tilespmem:s10+$0x3E0];
	v10 =	vadd.f32 v10, v14;
	v14 =	vmul.f32 v23, v15;
	v15 =	vand.u32 $0xFFFF0000, v16  }
0x205: {  	s21 =	simm.s32 $0x640;
	s22 =	simm.s32 $0x20;
	v27 =	vld [tilespmem:s12+$0xA980];
	s15 =	simm.s32 $0x40;
	v16 =	vshll.u32 v30, v31;
	v23 =	vand.u32 $0xFFFF0000, v17;
	v19 =	vadd.f32 v19, v25  }
0x206: {  	s23 =	sand.u32 $0x70, s22;
	s16 =	simm.s32 $0x340;
	v34 =	vld [tilespmem:s10+$0x3F0];
	s24 =	sand.u32 $0x700, s15;
	v25 =	vadd.f32 v14, v21;
	v14 =	vand.u32 $0xFFFF0000, v18;
	v21 =	vshll.u32 v22, v31  }
0x207: {  	v36 =	vld [tilespmem:s10+$0x410];
	s22 =	simm.s32 $0x310;
	s12 =	sand.u32 $0x70, s20;
	s14 =	sor.u32 s23, s24;
	v30 =	vsub.f32 v14, v23;
	v14 =	vand.u32 $0xFFFF0000, v16;
	v16 =	vshll.u32 v29, v31  }
0x208: {  	s20 =	simm.s32 $0xCC80;
	s15 =	simm.s32 $0x1A0;
	s13 =	sand.u32 $0x1F00, s21;
	v17 =	vld [tilespmem:s14+$0xA980];
	v37 =	vmul.f32 v24, v11;
	v18 =	vsub.f32 v10, v19;
	v13 =	vsub.f32 v13, v25  }
0x209: {  	s19 =	sand.u32 $0xF00, s16;
	s18 =	sand.u32 $0x70, s15;
	s12 =	sor.u32 s12, s13;
	v35 =	vshll.u32 v20, v31;
	v20 =	vld [tilespmem:s20+$0x0];
	v22 =	vand.u32 $0xFFFF0000, v16;
	v29 =	vmul.f32 v30, v11  }
0x20a: {  	s16 =	simm.s32 $0x190;
	s21 =	simm.s32 $0x320;
	v10 =	vld [tilespmem:s12+$0xA980];
	s12 =	sor.u32 s18, s19;
	v26 =	vadd.f32 v26, v37;
	v18 =	vmul.f32 v18, v27;
	v27 =	vmul.f32 v13, v27  }
0x20b: {  	s23 =	simm.s32 $0x620;
	s24 =	sand.u32 $0x70, s16;
	s13 =	sand.u32 $0xF00, s21;
	v30 =	vmul.f32 v62, v11;
	v13 =	vld [tilespmem:s12+$0xA980];
	v16 =	vadd.f32 v23, v29;
	v29 =	vsub.f32 v28, v15  }
0x20c: {  	s15 =	sand.u32 $0x1F00, s23;
	s13 =	sor.u32 s24, s13;
	s12 =	sand.u32 $0x70, s22;
	v18 =	vadd.f32 v18, v19;
	v19 =	vadd.f32 v27, v25;
	v25 =	vxor.u32 $0x10, v31;
	v27 =	vld [tilespmem:s10+$0x420]  }
0x20d: {  	s14 =	simm.s32 $0xC4C0;
	v24 =	vld [tilespmem:s13+$0xA980];
	s13 =	simm.s32 $0x30;
	s12 =	sor.u32 s12, s15;
	v23 =	vand.u32 $0xFFFF0000, v35;
	v32 =	vshll.u32 v63, v25;
	v31 =	vshll.u32 v34, v25  }
0x20e: {  	s18 =	simm.s32 $0x60;
	s10 =	simm.s32 $0xCC90;
	v33 =	vshll.u32 v36, v25;
	v28 =	vsub.f32 v19, v18;
	v19 =	vld [tilespmem:s12+$0xA980];
	v31 =	vand.u32 $0xFFFF0000, v31;
	s12 =	simm.s32 $0xB390  }
.LBB2_12:
0x20f: {  	s15 =	sand.u32 $0x70, s13  }
0x210: {  	s19 =	sand.u32 $0x300, s18;
	v34 =	vld [tilespmem:s14+$0xFFFFFBF0];
	s20 =	sadd.s32 $0x180, s13;
	v17 =	vmul.f32 v28, v17;
	v12 =	vadd.f32 v12, v30;
	v21 =	vand.u32 $0xFFFF0000, v21;
	s16 =	smov.u32 s18  }
0x211: {  	v11 =	vmul.f32 v29, v11;
	v29 =	vand.u32 $0xFFFF0000, v32;
	s19 =	sor.u32 s15, s19;
	v28 =	vld [tilespmem:s14+$0xFFFFFC20];
	s21 =	sadd.s32 $0x300, s16;
	s15 =	sadd.s32 $0x60, s18;
	v25 =	vshll.u32 v27, v25  }
0x212: {  	p0 =	sne.s32 s18, $0x2A0;
	v30 =	vsub.f32 v31, v23;
	s20 =	sand.u32 $0x70, s20;
	v27 =	vld [tilespmem:s14+$0xFFFFFBD0];
	s21 =	sand.u32 $0x700, s21;
	v17 =	vadd.f32 v17, v18;
	v18 =	vand.u32 $0xFFFF0000, v33  }
0x213: {  	v21 =	vsub.f32 v21, v29;
	v11 =	vadd.f32 v15, v11;
	v15 =	vand.u32 $0xFFFF0000, v25;
	v31 =	vld [tilespmem:s14+$0xFFFFFBE0];
	s18 =	sor.u32 s20, s21  }
0x214: {  	v25 =	vld [tilespmem:s14+$0xFFFFFC30];
	v17 =	vadd.f32 v17, v20;
	v20 =	vsub.f32 v22, v15  }
0x215: {  	v30 =	vmul.f32 v30, v9;
	v21 =	vmul.f32 v21, v9;
	v18 =	vsub.f32 v18, v14;
	v22 =	vld [tilespmem:s14+$0xFFFFFFE0]  }
0x216: {  	v12 =	vsub.f32 v12, v16;
	v26 =	vsub.f32 v26, v11;
	v32 =	vld [tilespmem:s19+$0xA980];
	v20 =	vmul.f32 v20, v9  }
0x217: {  	v23 =	vadd.f32 v23, v30;
	v21 =	vadd.f32 v29, v21;
	v9 =	vmul.f32 v18, v9;
	v33 =	vld [tilespmem:s14+$0xFFFFFFC0]  }
0x218: {  	v12 =	vmul.f32 v12, v24;
	v26 =	vmul.f32 v26, v24;
	v18 =	vld [tilespmem:s12+$0xFFFFFF00];
	v15 =	vadd.f32 v15, v20  }
0x219: {  	v9 =	vadd.f32 v14, v9;
	v14 =	vsub.f32 v23, v21;
	v20 =	vld [tilespmem:s14+$0x10]  }
0x21a: {  	v12 =	vadd.f32 v12, v16;
	v11 =	vadd.f32 v26, v11;
	v23 =	vld [tilespmem:s14+$0xFFFFFFD0]  }
0x21b: {  	v14 =	vmul.f32 v14, v19;
	v15 =	vsub.f32 v15, v9;
	v16 =	vld [tilespmem:s14+$0x30]  }
0x21c: {  	v12 =	vsub.f32 v12, v11;
	v24 =	vld [tilespmem:s14+$0xFFFFFC00]  }
0x21d: {  	v14 =	vadd.f32 v14, v21;
	v15 =	vmul.f32 v15, v19;
	v22 =	vshll.u32 v22, v18;
	v26 =	vld [tilespmem:s14+$0x20]  }
0x21e: {  	v12 =	vmul.f32 v12, v13;
	v19 =	vld [tilespmem:s14+$0xFFFFFC10]  }
0x21f: {  	s20 =	sadd.s32 $0x600, s16;
	s19 =	sadd.s32 $0x300, s13;
	v9 =	vadd.f32 v15, v9;
	v13 =	vshll.u32 v23, v18;
	v21 =	vld [tilespmem:s14+$0xFFFFFFF0]  }
0x220: {  	s20 =	sand.u32 $0xF00, s20;
	s19 =	sand.u32 $0x70, s19;
	v11 =	vadd.f32 v12, v11;
	v15 =	vld [tilespmem:s14+$0x0];
	v16 =	vshll.u32 v16, v18  }
0x221: {  	s19 =	sor.u32 s19, s20;
	v29 =	vand.u32 $0xFFFF0000, v13;
	v12 =	vsub.f32 v9, v14;
	v23 =	vld [tilespmem:s14+$0xFFFFFBC0];
	v13 =	vand.u32 $0xFFFF0000, v16  }
0x222: {  	v35 =	vand.u32 $0xFFFF0000, v22;
	v17 =	vadd.f32 v11, v17;
	v16 =	vxor.u32 $0x10, v18;
	v9 =	vld [tilespmem:s19+$0xA980]  }
0x223: {  	v22 =	vsub.f32 v34, v31;
	v26 =	vshll.u32 v26, v16;
	v10 =	vmul.f32 v12, v10;
	v30 =	vld [tilespmem:s14+$0x430]  }
0x224: {  	v11 =	vsub.f32 v25, v28;
	v19 =	vsub.f32 v19, v24;
	v21 =	vshll.u32 v21, v16;
	v25 =	vld [tilespmem:s14+$0x400]  }
0x225: {  	v33 =	vshll.u32 v33, v16;
	v10 =	vadd.f32 v10, v14;
	v15 =	vshll.u32 v15, v18;
	v34 =	vld [tilespmem:s12+$0x0]  }
0x226: {  	s20 =	sadd.s32 $0x20, s16;
	s19 =	sadd.s32 $0x10, s13;
	v16 =	vshll.u32 v20, v16;
	v18 =	vmul.f32 v11, v32;
	v14 =	vsub.f32 v27, v23;
	v11 =	vld [tilespmem:s18+$0xA980]  }
0x227: {  	v12 =	vand.u32 $0xFFFF0000, v26;
	v20 =	vmul.f32 v22, v32;
	s18 =	sand.u32 $0x70, s19;
	s19 =	sand.u32 $0x700, s20;
	v10 =	vadd.f32 v10, v17;
	v26 =	vld [tilespmem:s14+$0x3C0]  }
0x228: {  	s18 =	sor.u32 s18, s19;
	v17 =	vadd.f32 v18, v28;
	v18 =	vand.u32 $0xFFFF0000, v21;
	v14 =	vmul.f32 v14, v32;
	v21 =	vld [tilespmem:s14+$0x3D0]  }
0x229: {  	v19 =	vmul.f32 v19, v32;
	v20 =	vadd.f32 v20, v31;
	s19 =	sadd.s32 $0x640, s16;
	v8 =	vmax.f32 v8, v10;
	v22 =	vld [tilespmem:s18+$0xA980];
	s18 =	sadd.s32 $0x320, s13  }
0x22a: {  	v27 =	vand.u32 $0xFFFF0000, v15;
	v28 =	vsub.f32 v13, v12;
	s19 =	sand.u32 $0x1F00, s19;
	v23 =	vadd.f32 v14, v23;
	s18 =	sand.u32 $0x70, s18;
	v13 =	vld [tilespmem:s14+$0x3E0]  }
0x22b: {  	s21 =	sadd.s32 $0x40, s16;
	s20 =	sadd.s32 $0x20, s13;
	v19 =	vadd.f32 v19, v24;
	v14 =	vand.u32 $0xFFFF0000, v16;
	v16 =	vsub.f32 v18, v35;
	s18 =	sor.u32 s18, s19  }
0x22c: {  	v15 =	vand.u32 $0xFFFF0000, v33;
	s19 =	sand.u32 $0x70, s20;
	s20 =	sand.u32 $0x700, s21;
	v18 =	vsub.f32 v20, v23;
	v10 =	vld [tilespmem:s18+$0xA980];
	v20 =	vshll.u32 v25, v34  }
0x22d: {  	v24 =	vsub.f32 v17, v19;
	s18 =	sor.u32 s19, s20;
	s19 =	sadd.s32 $0x1A0, s13;
	s20 =	sadd.s32 $0x340, s16;
	v25 =	vsub.f32 v14, v27;
	v21 =	vshll.u32 v21, v34;
	v31 =	vld [tilespmem:s14+$0x3F0]  }
0x22e: {  	v14 =	vand.u32 $0xFFFF0000, v20;
	v20 =	vshll.u32 v30, v34;
	v17 =	vld [tilespmem:s18+$0xA980];
	v18 =	vmul.f32 v18, v22;
	s18 =	sand.u32 $0x70, s19;
	s19 =	sand.u32 $0xF00, s20  }
0x22f: {  	v24 =	vmul.f32 v24, v22;
	v25 =	vmul.f32 v25, v11;
	s18 =	sor.u32 s18, s19;
	v32 =	vshll.u32 v13, v34;
	v33 =	vld [tilespmem:s14+$0x410];
	s19 =	sadd.s32 $0x320, s16  }
.Ltmp4:
0x230: {  	v36 =	vmul.f32 v16, v11;
	v22 =	vand.u32 $0xFFFF0000, v20;
	s16 =	sadd.s32 $0x620, s16;
	v18 =	vadd.f32 v18, v23;
	v13 =	vld [tilespmem:s18+$0xA980];
	s18 =	sadd.s32 $0x310, s13;
	(pc) =	sbr.rel @p0 .LBB2_12-.Ltmp4, $4  }
0x231: {  	s20 =	sadd.s32 $0x190, s13;
	v19 =	vadd.f32 v24, v19;
	v16 =	vadd.f32 v27, v25;
	s16 =	sand.u32 $0x1F00, s16;
	v25 =	vxor.u32 $0x10, v34;
	s18 =	sand.u32 $0x70, s18;
	v27 =	vld [tilespmem:s14+$0x420]  }
0x232: {  	v29 =	vsub.f32 v29, v15;
	v30 =	vmul.f32 v28, v11;
	s20 =	sand.u32 $0x70, s20;
	s19 =	sand.u32 $0xF00, s19;
	v23 =	vand.u32 $0xFFFF0000, v32;
	v20 =	vld [tilespmem:s10+$0x0];
	s16 =	sor.u32 s18, s16  }
0x233: {  	s12 =	sadd.s32 $0x10, s12;
	v32 =	vshll.u32 v26, v25;
	v28 =	vsub.f32 v19, v18;
	s18 =	sor.u32 s20, s19;
	v31 =	vshll.u32 v31, v25;
	s10 =	sadd.s32 $0x10, s10;
	v19 =	vld [tilespmem:s16+$0xA980]  }
0x234: {  	s13 =	sadd.s32 $0x30, s13;
	v26 =	vadd.f32 v35, v36;
	s14 =	sadd.s32 $0x80, s14;
	v31 =	vand.u32 $0xFFFF0000, v31;
	v24 =	vld [tilespmem:s18+$0xA980];
	v33 =	vshll.u32 v33, v25;
	s18 =	smov.u32 s15  }
0x235: {  	v12 =	vadd.f32 v12, v30  }
0x236: {  	v21 =	vand.u32 $0xFFFF0000, v21;
	v11 =	vmul.f32 v29, v11;
	v51 =	vand.u32 $0xFFFF0000, v32  }
0x237: {  	v52 =	vand.u32 $0xFFFF0000, v33;
	v53 =	vsub.f32 v31, v23;
	v25 =	vshll.u32 v27, v25  }
0x238: {  	v21 =	vsub.f32 v21, v51;
	v55 =	vsub.f32 v52, v14;
	v54 =	vand.u32 $0xFFFF0000, v25  }
0x239: {  	v11 =	vadd.f32 v15, v11;
	v22 =	vsub.f32 v22, v54  }
0x23a: {  	v56 =	vmul.f32 v53, v9;
	v12 =	vsub.f32 v12, v16;
	v21 =	vmul.f32 v21, v9  }
0x23b: {  	v26 =	vsub.f32 v26, v11;
	v22 =	vmul.f32 v22, v9;
	v9 =	vmul.f32 v55, v9  }
0x23c: {  	v57 =	vadd.f32 v23, v56;
	v21 =	vadd.f32 v51, v21  }
0x23d: {  	v15 =	vadd.f32 v54, v22;
	v9 =	vadd.f32 v14, v9  }
0x23e: {  	v12 =	vmul.f32 v12, v24;
	v58 =	vmul.f32 v26, v24  }
0x23f: {  	v59 =	vsub.f32 v57, v21;
	v15 =	vsub.f32 v15, v9  }
0x240: {  	v12 =	vadd.f32 v12, v16;
	v11 =	vadd.f32 v58, v11  }
0x241: {  	v60 =	vmul.f32 v59, v19;
	v15 =	vmul.f32 v15, v19  }
0x242: {  	v12 =	vsub.f32 v12, v11  }
0x243: {  	v61 =	vmul.f32 v28, v17;
	v14 =	vadd.f32 v60, v21;
	v9 =	vadd.f32 v15, v9;
	_ =	sdelay $0x1  }
0x244: {  	v62 =	vadd.f32 v61, v18;
	v12 =	vmul.f32 v12, v13;
	v9 =	vsub.f32 v9, v14;
	_ =	sdelay $0x1  }
0x245: {  	s9 =	sadd.s32 $0x1, s9;
	v63 =	vadd.f32 v62, v20;
	v11 =	vadd.f32 v12, v11;
	v9 =	vmul.f32 v9, v10  }
0x246: {  	p0 =	sne.s32 s9, $0xC  }
.Ltmp5:
0x247: {  	v10 =	vadd.f32 v11, v63;
	v9 =	vadd.f32 v9, v14;
	(pc) =	sbr.rel @p0 .LBB2_5-.Ltmp5, $3  }
0x248: {  	_ = 	snop  }
0x249: {  	v9 =	vadd.f32 v9, v10;
	_ =	sdelay $0x1  }
0x24a: {  	s17 =	sadd.s32 $0x10, s17;
	s11 =	sadd.s32 $0x10, s11;
	v8 =	vmax.f32 v8, v9  }
0x24b: {  	_ =	swait.ge [sflag:s4], $0xC00  }
0x24c: {  	[sflag:s4] =	ssyncset.done $0x0  }
0x24d: {  	s9 =	simm.s32 $0xB840;
	[sflag:s4] =	ssyncadd.s32 $0xFFFFF400  }
0x24e: {  	v3 =	vld [tilespmem:s9+$0xFFFFFBF0]  }
0x24f: {  	v6 =	vld [tilespmem:s9+$0xFFFFFC20]  }
0x250: {  	v4 =	vld [tilespmem:s9+$0xFFFFFBD0]  }
0x251: {  	s10 =	simm.s32 $0x0;
	v7 =	vld [tilespmem:s9+$0xFFFFFBE0]  }
0x252: {  	s11 =	sand.u32 $0x70, s10;
	s10 =	sand.u32 $0x300, s10;
	v5 =	vld [tilespmem:s9+$0xFFFFFC30]  }
0x253: {  	s10 =	sor.u32 s11, s10;
	v2 =	vld [tilespmem:s9+$0xFFFFFFE0]  }
0x254: {  	v9 =	vld [tilespmem:s10+$0xA900]  }
0x255: {  	s15 =	simm.s32 $0xB300;
	v10 =	vld [tilespmem:s9+$0xFFFFFFC0]  }
0x256: {  	v11 =	vld [tilespmem:s15+$0xFFFFFF00]  }
0x257: {  	v12 =	vld [tilespmem:s9+$0x10]  }
0x258: {  	v13 =	vld [tilespmem:s9+$0xFFFFFFD0]  }
0x259: {  	v14 =	vld [tilespmem:s9+$0x30]  }
0x25a: {  	v15 =	vld [tilespmem:s9+$0xFFFFFC00]  }
0x25b: {  	v17 =	vld [tilespmem:s9+$0xFFFFFC10]  }
0x25c: {  	v19 =	vld [tilespmem:s9+$0xFFFFFBC0]  }
0x25d: {  	v16 =	vld [tilespmem:s9+$0x20]  }
0x25e: {  	v18 =	vld [tilespmem:s9+$0xFFFFFFF0]  }
0x25f: {  	v23 =	vld [tilespmem:s9+$0x430];
	v20 =	vshll.u32 v2, v11;
	v2 =	vshll.u32 v13, v11;
	v14 =	vshll.u32 v14, v11  }
0x260: {  	s16 =	simm.s32 $0x300;
	s12 =	simm.s32 $0x600;
	v24 =	vld [tilespmem:s9+$0x400];
	v21 =	vxor.u32 $0x10, v11;
	v3 =	vsub.f32 v3, v7;
	v5 =	vsub.f32 v5, v6  }
0x261: {  	s12 =	sand.u32 $0xF00, s12;
	s11 =	sand.u32 $0x70, s16;
	v13 =	vld [tilespmem:s9+$0x0];
	v17 =	vsub.f32 v17, v15;
	v26 =	vsub.f32 v4, v19;
	v22 =	vand.u32 $0xFFFF0000, v2  }
0x262: {  	s11 =	sor.u32 s11, s12;
	v25 =	vld [tilespmem:s15+$0x0];
	v14 =	vand.u32 $0xFFFF0000, v14;
	v20 =	vand.u32 $0xFFFF0000, v20;
	v16 =	vshll.u32 v16, v21  }
0x263: {  	s17 =	simm.s32 $0x180;
	s18 =	simm.s32 $0x300;
	s19 =	simm.s32 $0x10;
	v2 =	vld [tilespmem:s11+$0xA900];
	v18 =	vshll.u32 v18, v21;
	v10 =	vshll.u32 v10, v21;
	v27 =	vmul.f32 v5, v9  }
0x264: {  	s20 =	simm.s32 $0x20;
	s12 =	sand.u32 $0x700, s18;
	s11 =	sand.u32 $0x70, s17;
	v3 =	vmul.f32 v3, v9;
	v5 =	vand.u32 $0xFFFF0000, v16;
	v16 =	vld [tilespmem:s9+$0x3D0];
	v18 =	vand.u32 $0xFFFF0000, v18  }
0x265: {  	s22 =	simm.s32 $0x320;
	s23 =	simm.s32 $0x640;
	v28 =	vld [tilespmem:s9+$0x3F0];
	v12 =	vshll.u32 v12, v21;
	s11 =	sor.u32 s11, s12;
	v18 =	vsub.f32 v18, v20;
	v6 =	vadd.f32 v27, v6  }
0x266: {  	s13 =	simm.s32 $0x40;
	s21 =	sand.u32 $0x700, s20;
	s10 =	sand.u32 $0x70, s19;
	v4 =	vld [tilespmem:s11+$0xA900];
	v3 =	vadd.f32 v3, v7;
	v11 =	vshll.u32 v13, v11;
	v13 =	vmul.f32 v26, v9  }
0x267: {  	s24 =	simm.s32 $0x20;
	s14 =	sand.u32 $0x700, s13;
	s10 =	sor.u32 s10, s21;
	v7 =	vmul.f32 v17, v9;
	v26 =	vsub.f32 v14, v5;
	v14 =	vld [tilespmem:s9+$0x3E0];
	v9 =	vand.u32 $0xFFFF0000, v10  }
0x268: {  	s21 =	simm.s32 $0x320;
	v21 =	vld [tilespmem:s10+$0xA900];
	s10 =	sand.u32 $0x70, s22;
	s12 =	sand.u32 $0x70, s24;
	v10 =	vshll.u32 v24, v25;
	v17 =	vand.u32 $0xFFFF0000, v11;
	v13 =	vadd.f32 v13, v19  }
0x269: {  	v30 =	vld [tilespmem:s9+$0x410];
	s11 =	sand.u32 $0x1F00, s23;
	s15 =	sor.u32 s12, s14;
	s14 =	simm.s32 $0x190;
	v19 =	vadd.f32 v7, v15;
	v7 =	vand.u32 $0xFFFF0000, v12;
	v15 =	vshll.u32 v16, v25  }
0x26a: {  	v27 =	vld [tilespmem:s9+$0x3C0];
	s10 =	sor.u32 s10, s11;
	s24 =	sand.u32 $0x70, s14;
	s11 =	sand.u32 $0xF00, s21;
	v24 =	vsub.f32 v7, v17;
	v7 =	vand.u32 $0xFFFF0000, v10;
	v10 =	vshll.u32 v23, v25  }
0x26b: {  	s16 =	simm.s32 $0x1A0;
	s17 =	simm.s32 $0x340;
	s11 =	sor.u32 s24, s11;
	v11 =	vld [tilespmem:s15+$0xA900];
	v31 =	vmul.f32 v18, v4;
	v12 =	vsub.f32 v3, v13;
	v6 =	vsub.f32 v6, v19  }
0x26c: {  	s18 =	sand.u32 $0x70, s16;
	s19 =	sand.u32 $0xF00, s17;
	v18 =	vld [tilespmem:s11+$0xA900];
	v16 =	vand.u32 $0xFFFF0000, v10;
	v23 =	vmul.f32 v24, v4;
	v29 =	vshll.u32 v14, v25  }
0x26d: {  	v3 =	vld [tilespmem:s10+$0xA900];
	s10 =	sor.u32 s18, s19;
	v20 =	vadd.f32 v20, v31;
	v12 =	vmul.f32 v12, v21;
	v21 =	vmul.f32 v6, v21  }
0x26e: {  	s22 =	simm.s32 $0x310;
	s23 =	simm.s32 $0x620;
	v24 =	vmul.f32 v26, v4;
	v6 =	vld [tilespmem:s10+$0xA900];
	v10 =	vadd.f32 v17, v23;
	v23 =	vsub.f32 v22, v9  }
0x26f: {  	s20 =	simm.s32 $0xCC00;
	s13 =	sand.u32 $0x1F00, s23;
	s10 =	sand.u32 $0x70, s22;
	v12 =	vadd.f32 v12, v13;
	v13 =	vadd.f32 v21, v19;
	v19 =	vxor.u32 $0x10, v25;
	v21 =	vld [tilespmem:s9+$0x420]  }
0x270: {  	s12 =	simm.s32 $0xB310;
	s15 =	simm.s32 $0x60;
	v14 =	vld [tilespmem:s20+$0x0];
	s10 =	sor.u32 s10, s13;
	v17 =	vand.u32 $0xFFFF0000, v29;
	v26 =	vshll.u32 v27, v19;
	v25 =	vshll.u32 v28, v19  }
0x271: {  	s11 =	simm.s32 $0xB8C0;
	s9 =	simm.s32 $0xCC10;
	v27 =	vshll.u32 v30, v19;
	v22 =	vsub.f32 v13, v12;
	v13 =	vld [tilespmem:s10+$0xA900];
	v25 =	vand.u32 $0xFFFF0000, v25;
	s10 =	simm.s32 $0x30  }
.LBB2_15:
0x272: {  	s13 =	sand.u32 $0x70, s10  }
0x273: {  	s16 =	sand.u32 $0x300, s15;
	v28 =	vld [tilespmem:s11+$0xFFFFFBF0];
	s17 =	sadd.s32 $0x180, s10;
	v11 =	vmul.f32 v22, v11;
	v5 =	vadd.f32 v5, v24;
	v15 =	vand.u32 $0xFFFF0000, v15;
	s14 =	smov.u32 s15  }
0x274: {  	v4 =	vmul.f32 v23, v4;
	v23 =	vand.u32 $0xFFFF0000, v26;
	s16 =	sor.u32 s13, s16;
	v22 =	vld [tilespmem:s11+$0xFFFFFC20];
	s18 =	sadd.s32 $0x300, s14;
	s13 =	sadd.s32 $0x60, s15;
	v19 =	vshll.u32 v21, v19  }
0x275: {  	p0 =	sne.s32 s15, $0x2A0;
	v24 =	vsub.f32 v25, v17;
	s17 =	sand.u32 $0x70, s17;
	v21 =	vld [tilespmem:s11+$0xFFFFFBD0];
	s18 =	sand.u32 $0x700, s18;
	v11 =	vadd.f32 v11, v12;
	v12 =	vand.u32 $0xFFFF0000, v27  }
0x276: {  	v15 =	vsub.f32 v15, v23;
	v4 =	vadd.f32 v9, v4;
	v9 =	vand.u32 $0xFFFF0000, v19;
	v25 =	vld [tilespmem:s11+$0xFFFFFBE0];
	s15 =	sor.u32 s17, s18  }
0x277: {  	v19 =	vld [tilespmem:s11+$0xFFFFFC30];
	v11 =	vadd.f32 v11, v14;
	v14 =	vsub.f32 v16, v9  }
0x278: {  	v24 =	vmul.f32 v24, v2;
	v15 =	vmul.f32 v15, v2;
	v12 =	vsub.f32 v12, v7;
	v16 =	vld [tilespmem:s11+$0xFFFFFFE0]  }
0x279: {  	v5 =	vsub.f32 v5, v10;
	v20 =	vsub.f32 v20, v4;
	v26 =	vld [tilespmem:s16+$0xA900];
	v14 =	vmul.f32 v14, v2  }
0x27a: {  	v17 =	vadd.f32 v17, v24;
	v15 =	vadd.f32 v23, v15;
	v2 =	vmul.f32 v12, v2;
	v27 =	vld [tilespmem:s11+$0xFFFFFFC0]  }
0x27b: {  	v5 =	vmul.f32 v5, v18;
	v20 =	vmul.f32 v20, v18;
	v12 =	vld [tilespmem:s12+$0xFFFFFF00];
	v9 =	vadd.f32 v9, v14  }
0x27c: {  	v2 =	vadd.f32 v7, v2;
	v7 =	vsub.f32 v17, v15;
	v14 =	vld [tilespmem:s11+$0x10]  }
0x27d: {  	v5 =	vadd.f32 v5, v10;
	v4 =	vadd.f32 v20, v4;
	v17 =	vld [tilespmem:s11+$0xFFFFFFD0]  }
0x27e: {  	v7 =	vmul.f32 v7, v13;
	v9 =	vsub.f32 v9, v2;
	v10 =	vld [tilespmem:s11+$0x30]  }
0x27f: {  	v5 =	vsub.f32 v5, v4;
	v18 =	vld [tilespmem:s11+$0xFFFFFC00]  }
0x280: {  	v7 =	vadd.f32 v7, v15;
	v9 =	vmul.f32 v9, v13;
	v16 =	vshll.u32 v16, v12;
	v20 =	vld [tilespmem:s11+$0x20]  }
0x281: {  	v5 =	vmul.f32 v5, v6;
	v13 =	vld [tilespmem:s11+$0xFFFFFC10]  }
0x282: {  	s17 =	sadd.s32 $0x600, s14;
	s16 =	sadd.s32 $0x300, s10;
	v2 =	vadd.f32 v9, v2;
	v6 =	vshll.u32 v17, v12;
	v15 =	vld [tilespmem:s11+$0xFFFFFFF0]  }
0x283: {  	s17 =	sand.u32 $0xF00, s17;
	s16 =	sand.u32 $0x70, s16;
	v4 =	vadd.f32 v5, v4;
	v9 =	vld [tilespmem:s11+$0x0];
	v10 =	vshll.u32 v10, v12  }
0x284: {  	s16 =	sor.u32 s16, s17;
	v23 =	vand.u32 $0xFFFF0000, v6;
	v5 =	vsub.f32 v2, v7;
	v17 =	vld [tilespmem:s11+$0xFFFFFBC0];
	v6 =	vand.u32 $0xFFFF0000, v10  }
0x285: {  	v29 =	vand.u32 $0xFFFF0000, v16;
	v11 =	vadd.f32 v4, v11;
	v10 =	vxor.u32 $0x10, v12;
	v2 =	vld [tilespmem:s16+$0xA900]  }
0x286: {  	v16 =	vsub.f32 v28, v25;
	v20 =	vshll.u32 v20, v10;
	v3 =	vmul.f32 v5, v3;
	v24 =	vld [tilespmem:s11+$0x430]  }
0x287: {  	v4 =	vsub.f32 v19, v22;
	v13 =	vsub.f32 v13, v18;
	v15 =	vshll.u32 v15, v10;
	v19 =	vld [tilespmem:s11+$0x400]  }
0x288: {  	v27 =	vshll.u32 v27, v10;
	v3 =	vadd.f32 v3, v7;
	v9 =	vshll.u32 v9, v12;
	v28 =	vld [tilespmem:s12+$0x0]  }
0x289: {  	s17 =	sadd.s32 $0x20, s14;
	s16 =	sadd.s32 $0x10, s10;
	v10 =	vshll.u32 v14, v10;
	v12 =	vmul.f32 v4, v26;
	v7 =	vsub.f32 v21, v17;
	v4 =	vld [tilespmem:s15+$0xA900]  }
0x28a: {  	v5 =	vand.u32 $0xFFFF0000, v20;
	v14 =	vmul.f32 v16, v26;
	s15 =	sand.u32 $0x70, s16;
	s16 =	sand.u32 $0x700, s17;
	v3 =	vadd.f32 v3, v11;
	v20 =	vld [tilespmem:s11+$0x3C0]  }
0x28b: {  	s15 =	sor.u32 s15, s16;
	v11 =	vadd.f32 v12, v22;
	v12 =	vand.u32 $0xFFFF0000, v15;
	v7 =	vmul.f32 v7, v26;
	v15 =	vld [tilespmem:s11+$0x3D0]  }
0x28c: {  	v13 =	vmul.f32 v13, v26;
	v14 =	vadd.f32 v14, v25;
	s16 =	sadd.s32 $0x640, s14;
	v8 =	vmax.f32 v8, v3;
	v16 =	vld [tilespmem:s15+$0xA900];
	s15 =	sadd.s32 $0x320, s10  }
0x28d: {  	v21 =	vand.u32 $0xFFFF0000, v9;
	v22 =	vsub.f32 v6, v5;
	s16 =	sand.u32 $0x1F00, s16;
	v17 =	vadd.f32 v7, v17;
	s15 =	sand.u32 $0x70, s15;
	v6 =	vld [tilespmem:s11+$0x3E0]  }
0x28e: {  	s18 =	sadd.s32 $0x40, s14;
	s17 =	sadd.s32 $0x20, s10;
	v13 =	vadd.f32 v13, v18;
	v7 =	vand.u32 $0xFFFF0000, v10;
	v10 =	vsub.f32 v12, v29;
	s15 =	sor.u32 s15, s16  }
0x28f: {  	v9 =	vand.u32 $0xFFFF0000, v27;
	s16 =	sand.u32 $0x70, s17;
	s17 =	sand.u32 $0x700, s18;
	v12 =	vsub.f32 v14, v17;
	v3 =	vld [tilespmem:s15+$0xA900];
	v14 =	vshll.u32 v19, v28  }
0x290: {  	v18 =	vsub.f32 v11, v13;
	s15 =	sor.u32 s16, s17;
	s16 =	sadd.s32 $0x1A0, s10;
	s17 =	sadd.s32 $0x340, s14;
	v19 =	vsub.f32 v7, v21;
	v15 =	vshll.u32 v15, v28;
	v25 =	vld [tilespmem:s11+$0x3F0]  }
0x291: {  	v7 =	vand.u32 $0xFFFF0000, v14;
	v14 =	vshll.u32 v24, v28;
	v11 =	vld [tilespmem:s15+$0xA900];
	v12 =	vmul.f32 v12, v16;
	s15 =	sand.u32 $0x70, s16;
	s16 =	sand.u32 $0xF00, s17  }
0x292: {  	v18 =	vmul.f32 v18, v16;
	v19 =	vmul.f32 v19, v4;
	s15 =	sor.u32 s15, s16;
	v26 =	vshll.u32 v6, v28;
	v27 =	vld [tilespmem:s11+$0x410];
	s16 =	sadd.s32 $0x320, s14  }
.Ltmp6:
0x293: {  	v30 =	vmul.f32 v10, v4;
	v16 =	vand.u32 $0xFFFF0000, v14;
	s14 =	sadd.s32 $0x620, s14;
	v12 =	vadd.f32 v12, v17;
	v6 =	vld [tilespmem:s15+$0xA900];
	s15 =	sadd.s32 $0x310, s10;
	(pc) =	sbr.rel @p0 .LBB2_15-.Ltmp6, $4  }
0x294: {  	s17 =	sadd.s32 $0x190, s10;
	v13 =	vadd.f32 v18, v13;
	v10 =	vadd.f32 v21, v19;
	s14 =	sand.u32 $0x1F00, s14;
	v19 =	vxor.u32 $0x10, v28;
	s15 =	sand.u32 $0x70, s15;
	v21 =	vld [tilespmem:s11+$0x420]  }
0x295: {  	v23 =	vsub.f32 v23, v9;
	v24 =	vmul.f32 v22, v4;
	s17 =	sand.u32 $0x70, s17;
	s16 =	sand.u32 $0xF00, s16;
	v17 =	vand.u32 $0xFFFF0000, v26;
	v14 =	vld [tilespmem:s9+$0x0];
	s14 =	sor.u32 s15, s14  }
0x296: {  	s12 =	sadd.s32 $0x10, s12;
	v26 =	vshll.u32 v20, v19;
	v22 =	vsub.f32 v13, v12;
	s15 =	sor.u32 s17, s16;
	v25 =	vshll.u32 v25, v19;
	s9 =	sadd.s32 $0x10, s9;
	v13 =	vld [tilespmem:s14+$0xA900]  }
0x297: {  	s10 =	sadd.s32 $0x30, s10;
	v20 =	vadd.f32 v29, v30;
	s11 =	sadd.s32 $0x80, s11;
	v25 =	vand.u32 $0xFFFF0000, v25;
	v18 =	vld [tilespmem:s15+$0xA900];
	v27 =	vshll.u32 v27, v19;
	s15 =	smov.u32 s13  }
0x298: {  	v5 =	vadd.f32 v5, v24  }
0x299: {  	v15 =	vand.u32 $0xFFFF0000, v15;
	v4 =	vmul.f32 v23, v4;
	v51 =	vand.u32 $0xFFFF0000, v26  }
0x29a: {  	v52 =	vand.u32 $0xFFFF0000, v27;
	v53 =	vsub.f32 v25, v17;
	v19 =	vshll.u32 v21, v19  }
0x29b: {  	v15 =	vsub.f32 v15, v51;
	v55 =	vsub.f32 v52, v7;
	v54 =	vand.u32 $0xFFFF0000, v19  }
0x29c: {  	v4 =	vadd.f32 v9, v4;
	v16 =	vsub.f32 v16, v54  }
0x29d: {  	v56 =	vmul.f32 v53, v2;
	v5 =	vsub.f32 v5, v10;
	v15 =	vmul.f32 v15, v2  }
0x29e: {  	v20 =	vsub.f32 v20, v4;
	v16 =	vmul.f32 v16, v2;
	v2 =	vmul.f32 v55, v2  }
0x29f: {  	v57 =	vadd.f32 v17, v56;
	v15 =	vadd.f32 v51, v15  }
0x2a0: {  	v9 =	vadd.f32 v54, v16;
	v2 =	vadd.f32 v7, v2  }
0x2a1: {  	v5 =	vmul.f32 v5, v18;
	v58 =	vmul.f32 v20, v18  }
0x2a2: {  	v59 =	vsub.f32 v57, v15;
	v9 =	vsub.f32 v9, v2  }
0x2a3: {  	v5 =	vadd.f32 v5, v10;
	v4 =	vadd.f32 v58, v4  }
0x2a4: {  	v60 =	vmul.f32 v59, v13;
	v9 =	vmul.f32 v9, v13  }
0x2a5: {  	v5 =	vsub.f32 v5, v4  }
0x2a6: {  	v61 =	vmul.f32 v22, v11;
	v7 =	vadd.f32 v60, v15;
	v2 =	vadd.f32 v9, v2;
	_ =	sdelay $0x1  }
0x2a7: {  	v62 =	vadd.f32 v61, v12;
	v5 =	vmul.f32 v5, v6;
	v2 =	vsub.f32 v2, v7;
	_ =	sdelay $0x1  }
0x2a8: {  	v63 =	vadd.f32 v62, v14;
	v4 =	vadd.f32 v5, v4;
	v2 =	vmul.f32 v2, v3;
	_ =	sdelay $0x1  }
0x2a9: {  	v3 =	vadd.f32 v4, v63;
	v2 =	vadd.f32 v2, v7;
	_ =	sdelay $0x1  }
0x2aa: {  	v2 =	vadd.f32 v2, v3;
	_ =	sdelay $0x1  }
0x2ab: {  	v2 =	vmax.f32 v8, v2  }
0x2ac: {  	v2 =	vadd.f32 v2, v1;
	_ =	sdelay $0x1  }
0x2ad: {  	v2 =	vsub.f32 $0.0e+00, v2;
	_ =	sdelay $0x1  }
0x2ae: {  	v2 =	vmul.f32 $1.442695020e+00, v2;
	_ =	sdelay $0x1  }
0x2af: {  	(erf) = vpow2.f32 v2;
	_ =	sdelay $0x8  }
0x2b0: {  	v2 =	vpop (erf)  }
0x2b1: {  	v2 =	vadd.f32 $1.000000000e+00, v2;
	_ =	sdelay $0x1  }
0x2b2: {  	(erf) = vrcp.f32 v2;
	_ =	sdelay $0x3  }
0x2b3: {  	s7 =	sadd.s32 $0x1, s7  }
0x2b4: {  	p0 =	sne.s32 s7, $0x8  }
.Ltmp7:
0x2b5: {  	_ = 	snop;
	(pc) =	sbr.rel @p0 .LBB2_2-.Ltmp7, $3  }
0x2b6: {  	_ =	sdelay $0x1  }
0x2b7: {  	v2 =	vpop (erf)  }
0x2b8: {  	[tilespmem:s8+$0xCD00] =	vst v2  }
0x2b9: {  	s7 =	rddreg [dreg:$0x17];
	s8 =	simm.s32 $0xCD00  }
0x2ba: {  	[hbm4b:s7+s3] =	stream.linear.scatter [tilespmem:s8], [sflag:$0x3], $0x80, $0x38;
	[tilespmem:$0x1AA00] =	vst v63  }
0x2bb: {  	_ =	swait.ge [sflag:s25], $0x80  }
0x2bc: {  	s6 =	sadd.s32 $0x1, s6;
	s24 =	rddreg [dreg:$0x18]  }
0x2bd: {  	p0 =	sne.s32 s6, s24  }
.Ltmp8:
0x2be: {  	_ = 	snop;
	(pc) =	sbr.rel @p0 .LBB2_1-.Ltmp8, $3  }
0x2bf: {  	_ =	sdelay $0x1  }
0x2c0: {  	[sflag:s25] =	ssyncset.done $0x0  }
0x2c1: {  	[sflag:s25] =	ssyncadd.s32 $0xFFFFFF80  }
0x2c2: {  	_ =	sfence.sel $0x180000  }
0x2c3: {  	[bflag:$0x0] =	sbarrier.arrive $0xFFFF  }
0x2c4: {  	_ =	strace $0x90000047  }
0x2c5: {  	s0 =	stileid.u32;
	[bflag:$0x2] =	sbarrier.arrive $0xFFFF  }
0x2c6: {  	p0 =	sne.s32 s0, $0x0;
	s0 =	rddreg [dreg:$0x3]  }
0x2c7: {  	s0 =	sadd.s32 @!p0 $0x100000, s0  }
0x2c8: {  	[sflag:s0] =	ssyncadd.tile.s32 @!p0 $0x1;
	_ =	shalt  }
.Lfunc_end2:
_tile_overlayer_lowered:
.L_overlay_start_2:
0x2c9: {  	(tag) =	ssettag $0x2  }
0x2ca: {  	s0 =	rddreg [dreg:$0x0];
	s2 =	stileid.u32  }
0x2cb: {  	s1 =	rddreg [dreg:$0x1];
	p0 =	sne.s32 s2, $0x0  }
0x2cc: {  	s3 =	rddreg [dreg:$0x2];
	[bflag:$0x3] =	sbarrier.arrive $0xFFFF;
	s2 =	simm.s32 @!p0 $0x1C03  }
0x2cd: {  	[timem:s3], [sflag:s2] =	dma.local @!p0 [hbm:s0], s1  }
0x2ce: {  	s0 =	simm.s32 @!p0 $0x3  }
0x2cf: {  	_ =	swait.ge @!p0 [sflag:s0], s1  }
0x2d0: {  	s1 =	ssub.s32 @!p0 $0x0, s1;
	[sflag:s0] =	ssyncset.done @!p0 $0x0  }
0x2d1: {  	[sflag:s0] =	ssyncadd.s32 @!p0 s1  }
0x2d2: {  	[bflag:$0x3] =	sbarrier.arrive $0xFFFF  }
0x2d3: {  	_ =	shalt  }

</sc_bundles>
